<compile_context>
chip_gen: v7x
topology: tpu7x:2x2x1
jax: 0.10.2.dev20260603
libtpu: 0.0.44.dev20260713+nightly
codegen_flags: <defaults>
</compile_context>

<pallas_src>
import functools
import math

import jax
import jax.numpy as jnp
from jax import lax
from jax.experimental import pallas as pl
from jax.experimental.pallas import tpu as pltpu
from jax.experimental.pallas import tpu_sc as plsc

VOCAB = 100000
EMBED_DIM = 64
LANES = 16

IBLK = 128
NBUF = 5


def _position_encoding(max_len, d_model):
    position = jnp.arange(max_len, dtype=jnp.float32)[:, None]
    div_term = jnp.exp(
        jnp.arange(0, d_model, 2, dtype=jnp.float32) * (-math.log(10000.0) / d_model)
    )
    pe = jnp.zeros((max_len, d_model), dtype=jnp.float32)
    pe = pe.at[:, 0::2].set(jnp.sin(position * div_term))
    pe = pe.at[:, 1::2].set(jnp.cos(position * div_term))
    return pe


def kernel(x, table):
    B, S = x.shape
    V, D = table.shape
    assert D == EMBED_DIM and B % IBLK == 0

    info = plsc.get_sparse_core_info()
    NC, NS = info.num_cores, info.num_subcores
    NW = NC * NS

    IT = B // IBLK
    n_units = S * IT
    assert n_units % (NW * NBUF) == 0
    per_worker_units = n_units // NW
    n_groups = per_worker_units // NBUF
    per_worker_tok = per_worker_units * IBLK

    UNIT = D * IBLK
    RUN = 8 * IBLK

    xT_flat = jnp.swapaxes(x, 0, 1).reshape(S * B).astype(jnp.int32)
    pe = _position_encoding(S, D)

    mesh = plsc.VectorSubcoreMesh(core_axis_name="c", subcore_axis_name="s")

    @functools.partial(
        pl.kernel,
        mesh=mesh,
        compiler_params=pltpu.CompilerParams(
            use_tc_tiling_on_sc=False, needs_layout_passes=False),
        out_type=jax.ShapeDtypeStruct((S * B * D,), jnp.float32),
        scratch_types=[
            pltpu.VMEM((per_worker_tok,), jnp.int32),
            pltpu.VMEM((S, D), jnp.float32),
            pltpu.VMEM((NBUF, IBLK, D), jnp.float32),
            pltpu.VMEM((NBUF, UNIT), jnp.float32),
            pltpu.SemaphoreType.DMA((NBUF,)),
            pltpu.SemaphoreType.DMA((NBUF,)),
        ],
    )
    def _sc_kernel(x_hbm, pe_hbm, table_hbm, out_hbm,
                   idx_v, pe_v, buf_g, buf_t, gsem, osem):
        wid = lax.axis_index("s") * NC + lax.axis_index("c")
        unit0 = wid * per_worker_units

        pltpu.sync_copy(pe_hbm, pe_v)
        pltpu.sync_copy(x_hbm.at[pl.ds(unit0 * IBLK, per_worker_tok)], idx_v)

        iota = lax.iota(jnp.int32, LANES)
        st_off = [(iota + c4 * LANES) * IBLK for c4 in range(D // LANES)]

        def start_gather(lu, b):
            pltpu.async_copy(
                table_hbm.at[idx_v.at[pl.ds(lu * IBLK, IBLK)]],
                buf_g.at[b], gsem.at[b])

        def store_dmas(b, u):
            j = u // IT
            it = lax.rem(u, IT)
            base = (j * 8 * IT + it) * RUN
            return [
                pltpu.make_async_copy(
                    buf_t.at[b, pl.ds(dh * RUN, RUN)],
                    out_hbm.at[pl.ds(base + dh * IT * RUN, RUN)],
                    osem.at[b])
                for dh in range(8)
            ]

        for b in range(NBUF):
            start_gather(b, b)

        def group_body(g, _):
            for b in range(NBUF):
                lu = g * NBUF + b
                u = unit0 + lu
                j = u // IT
                pltpu.make_async_copy(
                    table_hbm.at[idx_v.at[pl.ds(lu * IBLK, IBLK)]],
                    buf_g.at[b], gsem.at[b]).wait()

                @pl.when(g > 0)
                def _():
                    for dma in store_dmas(b, unit0 + (g - 1) * NBUF + b):
                        dma.wait()

                pe_vecs = [pe_v[j, pl.ds(c4 * LANES, LANES)]
                           for c4 in range(D // LANES)]

                @plsc.parallel_loop(0, IBLK, unroll=8)
                def _(i):
                    for c4 in range(D // LANES):
                        v = buf_g.at[b][i, pl.ds(c4 * LANES, LANES)] + pe_vecs[c4]
                        plsc.store_scatter(buf_t.at[b], [st_off[c4] + i], v)

                @pl.when(lu + NBUF < per_worker_units)
                def _():
                    start_gather(lu + NBUF, b)

                for dma in store_dmas(b, u):
                    dma.start()
            return 0

        lax.fori_loop(0, n_groups, group_body, 0)
        for b in range(NBUF):
            for dma in store_dmas(b, unit0 + (n_groups - 1) * NBUF + b):
                dma.wait()

    out_flat = _sc_kernel(xT_flat, pe, table)
    out5 = out_flat.reshape(S, D // 8, IT, 8, IBLK)
    return out5.transpose(2, 4, 0, 1, 3).reshape(B, S, D)

# --- scband reference (transcript-rebuilt; emitter-appended) ---
"""Pipeline reference for scband-statement-encoder-83159156785740 (READ-ONLY COPY).

The authoritative reference and input builder live on the scoring server;
editing this copy changes nothing except your own understanding.
"""

import jax, jax.numpy as jnp
import numpy as np

VOCAB = 100000
EMBED_DIM = 64
MAX_LEN = 1000


def _position_encoding(max_len, d_model):
    position = jnp.arange(max_len, dtype=jnp.float32)[:, None]
    div_term = jnp.exp(jnp.arange(0, d_model, 2, dtype=jnp.float32) * (-np.log(10000.0) / d_model))
    pe = jnp.zeros((max_len, d_model), dtype=jnp.float32)
    pe = pe.at[:, 0::2].set(jnp.sin(position * div_term))
    pe = pe.at[:, 1::2].set(jnp.cos(position * div_term))
    return pe


def setup_inputs(seed: int = 0) -> dict:
    key = jax.random.key(seed)
    k1, k2 = jax.random.split(key)
    x = jax.random.randint(k1, (4096, 200), 0, VOCAB, dtype=jnp.int64 if jax.config.jax_enable_x64 else jnp.int32)
    table = jax.random.normal(k2, (VOCAB, EMBED_DIM), dtype=jnp.float32)
    return {"x": x, "table": table}


def reference(x, table):
    pe = _position_encoding(MAX_LEN, EMBED_DIM)
    embeddings = jnp.take(table, x, axis=0)
    positions = pe[: x.shape[1]]
    return embeddings + positions

if __name__ == "__main__":
    import jax
    _d = setup_inputs()
    print(jax.jit(kernel)(*tuple(_d.values())))

</pallas_src>

<mosaic_0001>
#map = affine_map<(d0, d1) -> (0)>
#map1 = affine_map<(d0, d1) -> (0, 0)>
module attributes {stable_mosaic.version = 14 : i64} {
  func.func @_sc_kernel(%arg0: i32, %arg1: i32, %arg2: memref<819200xi32, #tpu.memory_space<hbm>>, %arg3: memref<200x64xf32, #tpu.memory_space<hbm>>, %arg4: memref<100000x64xf32, #tpu.memory_space<hbm>>, %arg5: memref<52428800xf32, #tpu.memory_space<hbm>>, %arg6: memref<25600xi32, #tpu.memory_space<vmem>>, %arg7: memref<200x64xf32, #tpu.memory_space<vmem>>, %arg8: memref<5x128x64xf32, #tpu.memory_space<vmem>>, %arg9: memref<5x8192xf32, #tpu.memory_space<vmem>>, %arg10: memref<5x!tpu.dma_semaphore, #tpu.memory_space<semaphore_mem>>, %arg11: memref<5x!tpu.dma_semaphore, #tpu.memory_space<semaphore_mem>>) attributes {dimension_semantics = [#tpu.dimension_semantics<core_parallel>, #tpu.dimension_semantics<subcore_parallel>], iteration_bounds = array<i64: 2, 16>, scalar_prefetch = 0 : i64, scratch_operands = 6 : i64, tpu.core_type = #tpu.core_type<sc_vector_subcore>, window_params = [{transform_indices = #map}, {transform_indices = #map1}, {transform_indices = #map1}, {transform_indices = #map}]} {
    %mul3A = arith.constant 2 : i32
    %mul3A_0 = arith.muli %arg1, %mul3A : i32
    %add3A = arith.addi %mul3A_0, %arg0 : i32
    %mul3A_1 = arith.constant 200 : i32
    %mul3A_2 = arith.muli %add3A, %mul3A_1 : i32
    "tpu.region"() ({
      %run_scoped3A = tpu.sem_alloc : memref<!tpu.dma_semaphore, #tpu.memory_space<semaphore_mem>>
      tpu.enqueue_dma source(%arg3 : memref<200x64xf32, #tpu.memory_space<hbm>>) target(%arg7 : memref<200x64xf32, #tpu.memory_space<vmem>>) target_semaphore(%run_scoped3A : memref<!tpu.dma_semaphore, #tpu.memory_space<semaphore_mem>>)
      tpu.wait_dma2 semaphore(%run_scoped3A : memref<!tpu.dma_semaphore, #tpu.memory_space<semaphore_mem>>) src(%arg3 : memref<200x64xf32, #tpu.memory_space<hbm>>) dst(%arg7 : memref<200x64xf32, #tpu.memory_space<vmem>>)
      tpu.yield
    }) : () -> ()
    %mul3A_3 = arith.constant 128 : i32
    %mul3A_4 = arith.muli %mul3A_2, %mul3A_3 : i32
    "tpu.region"() ({
      %run_scoped3A = tpu.sem_alloc : memref<!tpu.dma_semaphore, #tpu.memory_space<semaphore_mem>>
      %dma_start3A_835 = tpu.memref_slice %arg2[%mul3A_4] : memref<819200xi32, #tpu.memory_space<hbm>> -> memref<25600xi32, #tpu.memory_space<hbm>>
      %dma_start3A_836 = tpu.memref_slice %arg2[%mul3A_4] : memref<819200xi32, #tpu.memory_space<hbm>> -> memref<25600xi32, #tpu.memory_space<hbm>>
      tpu.enqueue_dma source(%dma_start3A_836 : memref<25600xi32, #tpu.memory_space<hbm>>) target(%arg6 : memref<25600xi32, #tpu.memory_space<vmem>>) target_semaphore(%run_scoped3A : memref<!tpu.dma_semaphore, #tpu.memory_space<semaphore_mem>>)
      %dma_wait3A_837 = tpu.memref_slice %arg2[%mul3A_4] : memref<819200xi32, #tpu.memory_space<hbm>> -> memref<25600xi32, #tpu.memory_space<hbm>>
      %dma_wait3A_838 = tpu.memref_slice %arg2[%mul3A_4] : memref<819200xi32, #tpu.memory_space<hbm>> -> memref<25600xi32, #tpu.memory_space<hbm>>
      tpu.wait_dma2 semaphore(%run_scoped3A : memref<!tpu.dma_semaphore, #tpu.memory_space<semaphore_mem>>) src(%dma_wait3A_838 : memref<25600xi32, #tpu.memory_space<hbm>>) dst(%arg6 : memref<25600xi32, #tpu.memory_space<vmem>>)
      tpu.yield
    }) : () -> ()
    %iota3A = tpu.iota {dimensions = array<i32: 0>} : vector<16xi32>
    %add3A_5 = arith.constant 0 : i32
    %add3A_6 = vector.broadcast %add3A_5 : i32 to vector<16xi32>
    %add3A_7 = arith.addi %iota3A, %add3A_6 : vector<16xi32>
    %mul3A_8 = arith.constant 128 : i32
    %mul3A_9 = vector.broadcast %mul3A_8 : i32 to vector<16xi32>
    %mul3A_10 = arith.muli %add3A_7, %mul3A_9 : vector<16xi32>
    %add3A_11 = arith.constant 16 : i32
    %add3A_12 = vector.broadcast %add3A_11 : i32 to vector<16xi32>
    %add3A_13 = arith.addi %iota3A, %add3A_12 : vector<16xi32>
    %mul3A_14 = arith.constant 128 : i32
    %mul3A_15 = vector.broadcast %mul3A_14 : i32 to vector<16xi32>
    %mul3A_16 = arith.muli %add3A_13, %mul3A_15 : vector<16xi32>
    %add3A_17 = arith.constant 32 : i32
    %add3A_18 = vector.broadcast %add3A_17 : i32 to vector<16xi32>
    %add3A_19 = arith.addi %iota3A, %add3A_18 : vector<16xi32>
    %mul3A_20 = arith.constant 128 : i32
    %mul3A_21 = vector.broadcast %mul3A_20 : i32 to vector<16xi32>
    %mul3A_22 = arith.muli %add3A_19, %mul3A_21 : vector<16xi32>
    %add3A_23 = arith.constant 48 : i32
    %add3A_24 = vector.broadcast %add3A_23 : i32 to vector<16xi32>
    %add3A_25 = arith.addi %iota3A, %add3A_24 : vector<16xi32>
    %mul3A_26 = arith.constant 128 : i32
    %mul3A_27 = vector.broadcast %mul3A_26 : i32 to vector<16xi32>
    %mul3A_28 = arith.muli %add3A_25, %mul3A_27 : vector<16xi32>
    %dma_start3A = arith.constant 0 : i32
    %dma_start3A_29 = arith.constant 0 : i32
    %dma_start3A_30 = arith.constant 0 : i32
    %dma_start3A_31 = arith.constant 0 : i32
    %dma_start3A_32 = tpu.memref_slice %arg8[%dma_start3A, %dma_start3A_30, %dma_start3A_31] : memref<5x128x64xf32, #tpu.memory_space<vmem>> -> memref<1x128x64xf32, #tpu.memory_space<vmem>>
    %dma_start3A_33 = tpu.memref_squeeze %dma_start3A_32 : memref<1x128x64xf32, #tpu.memory_space<vmem>> -> memref<128x64xf32, #tpu.memory_space<vmem>>
    %dma_start3A_34 = arith.constant 0 : i32
    %dma_start3A_35 = tpu.memref_slice %arg6[%dma_start3A_34] : memref<25600xi32, #tpu.memory_space<vmem>> -> memref<128xi32, #tpu.memory_space<vmem>>
    %dma_start3A_36 = arith.constant 0 : i32
    %dma_start3A_37 = arith.constant 0 : i32
    %dma_start3A_38 = tpu.memref_slice %arg4[%dma_start3A_36, %dma_start3A_37] : memref<100000x64xf32, #tpu.memory_space<hbm>> -> memref<100000x64xf32, #tpu.memory_space<hbm>>
    %dma_start3A_39 = tpu.memref_slice %arg10[%dma_start3A_29] : memref<5x!tpu.dma_semaphore, #tpu.memory_space<semaphore_mem>> -> memref<1x!tpu.dma_semaphore, #tpu.memory_space<semaphore_mem>>
    %dma_start3A_40 = tpu.memref_squeeze %dma_start3A_39 : memref<1x!tpu.dma_semaphore, #tpu.memory_space<semaphore_mem>> -> memref<!tpu.dma_semaphore, #tpu.memory_space<semaphore_mem>>
    tpu.enqueue_indirect_dma source(%dma_start3A_38 : memref<100000x64xf32, #tpu.memory_space<hbm>>) target(%dma_start3A_33 : memref<128x64xf32, #tpu.memory_space<vmem>>) offsets(%dma_start3A_35 : memref<128xi32, #tpu.memory_space<vmem>>) semaphore(%dma_start3A_40 : memref<!tpu.dma_semaphore, #tpu.memory_space<semaphore_mem>>)
    %dma_start3A_41 = arith.constant 1 : i32
    %dma_start3A_42 = arith.constant 1 : i32
    %dma_start3A_43 = arith.constant 0 : i32
    %dma_start3A_44 = arith.constant 0 : i32
    %dma_start3A_45 = tpu.memref_slice %arg8[%dma_start3A_41, %dma_start3A_43, %dma_start3A_44] : memref<5x128x64xf32, #tpu.memory_space<vmem>> -> memref<1x128x64xf32, #tpu.memory_space<vmem>>
    %dma_start3A_46 = tpu.memref_squeeze %dma_start3A_45 : memref<1x128x64xf32, #tpu.memory_space<vmem>> -> memref<128x64xf32, #tpu.memory_space<vmem>>
    %dma_start3A_47 = arith.constant 128 : i32
    %dma_start3A_48 = tpu.memref_slice %arg6[%dma_start3A_47] : memref<25600xi32, #tpu.memory_space<vmem>> -> memref<128xi32, #tpu.memory_space<vmem>>
    %dma_start3A_49 = arith.constant 0 : i32
    %dma_start3A_50 = arith.constant 0 : i32
    %dma_start3A_51 = tpu.memref_slice %arg4[%dma_start3A_49, %dma_start3A_50] : memref<100000x64xf32, #tpu.memory_space<hbm>> -> memref<100000x64xf32, #tpu.memory_space<hbm>>
    %dma_start3A_52 = tpu.memref_slice %arg10[%dma_start3A_42] : memref<5x!tpu.dma_semaphore, #tpu.memory_space<semaphore_mem>> -> memref<1x!tpu.dma_semaphore, #tpu.memory_space<semaphore_mem>>
    %dma_start3A_53 = tpu.memref_squeeze %dma_start3A_52 : memref<1x!tpu.dma_semaphore, #tpu.memory_space<semaphore_mem>> -> memref<!tpu.dma_semaphore, #tpu.memory_space<semaphore_mem>>
    tpu.enqueue_indirect_dma source(%dma_start3A_51 : memref<100000x64xf32, #tpu.memory_space<hbm>>) target(%dma_start3A_46 : memref<128x64xf32, #tpu.memory_space<vmem>>) offsets(%dma_start3A_48 : memref<128xi32, #tpu.memory_space<vmem>>) semaphore(%dma_start3A_53 : memref<!tpu.dma_semaphore, #tpu.memory_space<semaphore_mem>>)
    %dma_start3A_54 = arith.constant 2 : i32
    %dma_start3A_55 = arith.constant 2 : i32
    %dma_start3A_56 = arith.constant 0 : i32
    %dma_start3A_57 = arith.constant 0 : i32
    %dma_start3A_58 = tpu.memref_slice %arg8[%dma_start3A_54, %dma_start3A_56, %dma_start3A_57] : memref<5x128x64xf32, #tpu.memory_space<vmem>> -> memref<1x128x64xf32, #tpu.memory_space<vmem>>
    %dma_start3A_59 = tpu.memref_squeeze %dma_start3A_58 : memref<1x128x64xf32, #tpu.memory_space<vmem>> -> memref<128x64xf32, #tpu.memory_space<vmem>>
    %dma_start3A_60 = arith.constant 256 : i32
    %dma_start3A_61 = tpu.memref_slice %arg6[%dma_start3A_60] : memref<25600xi32, #tpu.memory_space<vmem>> -> memref<128xi32, #tpu.memory_space<vmem>>
    %dma_start3A_62 = arith.constant 0 : i32
    %dma_start3A_63 = arith.constant 0 : i32
    %dma_start3A_64 = tpu.memref_slice %arg4[%dma_start3A_62, %dma_start3A_63] : memref<100000x64xf32, #tpu.memory_space<hbm>> -> memref<100000x64xf32, #tpu.memory_space<hbm>>
    %dma_start3A_65 = tpu.memref_slice %arg10[%dma_start3A_55] : memref<5x!tpu.dma_semaphore, #tpu.memory_space<semaphore_mem>> -> memref<1x!tpu.dma_semaphore, #tpu.memory_space<semaphore_mem>>
    %dma_start3A_66 = tpu.memref_squeeze %dma_start3A_65 : memref<1x!tpu.dma_semaphore, #tpu.memory_space<semaphore_mem>> -> memref<!tpu.dma_semaphore, #tpu.memory_space<semaphore_mem>>
    tpu.enqueue_indirect_dma source(%dma_start3A_64 : memref<100000x64xf32, #tpu.memory_space<hbm>>) target(%dma_start3A_59 : memref<128x64xf32, #tpu.memory_space<vmem>>) offsets(%dma_start3A_61 : memref<128xi32, #tpu.memory_space<vmem>>) semaphore(%dma_start3A_66 : memref<!tpu.dma_semaphore, #tpu.memory_space<semaphore_mem>>)
    %dma_start3A_67 = arith.constant 3 : i32
    %dma_start3A_68 = arith.constant 3 : i32
    %dma_start3A_69 = arith.constant 0 : i32
    %dma_start3A_70 = arith.constant 0 : i32
    %dma_start3A_71 = tpu.memref_slice %arg8[%dma_start3A_67, %dma_start3A_69, %dma_start3A_70] : memref<5x128x64xf32, #tpu.memory_space<vmem>> -> memref<1x128x64xf32, #tpu.memory_space<vmem>>
    %dma_start3A_72 = tpu.memref_squeeze %dma_start3A_71 : memref<1x128x64xf32, #tpu.memory_space<vmem>> -> memref<128x64xf32, #tpu.memory_space<vmem>>
    %dma_start3A_73 = arith.constant 384 : i32
    %dma_start3A_74 = tpu.memref_slice %arg6[%dma_start3A_73] : memref<25600xi32, #tpu.memory_space<vmem>> -> memref<128xi32, #tpu.memory_space<vmem>>
    %dma_start3A_75 = arith.constant 0 : i32
    %dma_start3A_76 = arith.constant 0 : i32
    %dma_start3A_77 = tpu.memref_slice %arg4[%dma_start3A_75, %dma_start3A_76] : memref<100000x64xf32, #tpu.memory_space<hbm>> -> memref<100000x64xf32, #tpu.memory_space<hbm>>
    %dma_start3A_78 = tpu.memref_slice %arg10[%dma_start3A_68] : memref<5x!tpu.dma_semaphore, #tpu.memory_space<semaphore_mem>> -> memref<1x!tpu.dma_semaphore, #tpu.memory_space<semaphore_mem>>
    %dma_start3A_79 = tpu.memref_squeeze %dma_start3A_78 : memref<1x!tpu.dma_semaphore, #tpu.memory_space<semaphore_mem>> -> memref<!tpu.dma_semaphore, #tpu.memory_space<semaphore_mem>>
    tpu.enqueue_indirect_dma source(%dma_start3A_77 : memref<100000x64xf32, #tpu.memory_space<hbm>>) target(%dma_start3A_72 : memref<128x64xf32, #tpu.memory_space<vmem>>) offsets(%dma_start3A_74 : memref<128xi32, #tpu.memory_space<vmem>>) semaphore(%dma_start3A_79 : memref<!tpu.dma_semaphore, #tpu.memory_space<semaphore_mem>>)
    %dma_start3A_80 = arith.constant 4 : i32
    %dma_start3A_81 = arith.constant 4 : i32
    %dma_start3A_82 = arith.constant 0 : i32
    %dma_start3A_83 = arith.constant 0 : i32
    %dma_start3A_84 = tpu.memref_slice %arg8[%dma_start3A_80, %dma_start3A_82, %dma_start3A_83] : memref<5x128x64xf32, #tpu.memory_space<vmem>> -> memref<1x128x64xf32, #tpu.memory_space<vmem>>
    %dma_start3A_85 = tpu.memref_squeeze %dma_start3A_84 : memref<1x128x64xf32, #tpu.memory_space<vmem>> -> memref<128x64xf32, #tpu.memory_space<vmem>>
    %dma_start3A_86 = arith.constant 512 : i32
    %dma_start3A_87 = tpu.memref_slice %arg6[%dma_start3A_86] : memref<25600xi32, #tpu.memory_space<vmem>> -> memref<128xi32, #tpu.memory_space<vmem>>
    %dma_start3A_88 = arith.constant 0 : i32
    %dma_start3A_89 = arith.constant 0 : i32
    %dma_start3A_90 = tpu.memref_slice %arg4[%dma_start3A_88, %dma_start3A_89] : memref<100000x64xf32, #tpu.memory_space<hbm>> -> memref<100000x64xf32, #tpu.memory_space<hbm>>
    %dma_start3A_91 = tpu.memref_slice %arg10[%dma_start3A_81] : memref<5x!tpu.dma_semaphore, #tpu.memory_space<semaphore_mem>> -> memref<1x!tpu.dma_semaphore, #tpu.memory_space<semaphore_mem>>
    %dma_start3A_92 = tpu.memref_squeeze %dma_start3A_91 : memref<1x!tpu.dma_semaphore, #tpu.memory_space<semaphore_mem>> -> memref<!tpu.dma_semaphore, #tpu.memory_space<semaphore_mem>>
    tpu.enqueue_indirect_dma source(%dma_start3A_90 : memref<100000x64xf32, #tpu.memory_space<hbm>>) target(%dma_start3A_85 : memref<128x64xf32, #tpu.memory_space<vmem>>) offsets(%dma_start3A_87 : memref<128xi32, #tpu.memory_space<vmem>>) semaphore(%dma_start3A_92 : memref<!tpu.dma_semaphore, #tpu.memory_space<semaphore_mem>>)
    %scan3A = arith.constant 0 : i32
    %scan3A_93 = arith.constant 0 : i32
    %scan3A_94 = arith.constant 40 : i32
    %scan3A_95 = arith.addi %scan3A_93, %scan3A_94 : i32
    %scan3A_96 = arith.constant 1 : i32
    %scan3A_97 = scf.for %scan3A_835 = %scan3A_93 to %scan3A_95 step %scan3A_96 iter_args(%scan3A_836 = %scan3A) -> (i32)  : i32 {
      %mul3A_837 = arith.constant 5 : i32
      %mul3A_838 = arith.muli %scan3A_835, %mul3A_837 : i32
      %add3A_839 = arith.constant 0 : i32
      %add3A_840 = arith.addi %mul3A_838, %add3A_839 : i32
      %add3A_841 = arith.addi %mul3A_2, %add3A_840 : i32
      %jit3A_842 = arith.constant 32 : i32
      %div3A_843 = arith.divsi %add3A_841, %jit3A_842 : i32
      %sign3A_844 = arith.constant 0 : i32
      %sign3A_845 = arith.cmpi sgt, %add3A_841, %sign3A_844 : i32
      %sign3A_846 = arith.extui %sign3A_845 : i1 to i32
      %sign3A_847 = arith.constant 0 : i32
      %sign3A_848 = arith.cmpi slt, %add3A_841, %sign3A_847 : i32
      %sign3A_849 = arith.extui %sign3A_848 : i1 to i32
      %sign3A_850 = arith.subi %sign3A_846, %sign3A_849 : i32
      %sign3A_851 = arith.constant 0 : i32
      %sign3A_852 = arith.cmpi sgt, %jit3A_842, %sign3A_851 : i32
      %sign3A_853 = arith.extui %sign3A_852 : i1 to i32
      %sign3A_854 = arith.constant 0 : i32
      %sign3A_855 = arith.cmpi slt, %jit3A_842, %sign3A_854 : i32
      %sign3A_856 = arith.extui %sign3A_855 : i1 to i32
      %sign3A_857 = arith.subi %sign3A_853, %sign3A_856 : i32
      %ne3A_858 = arith.cmpi ne, %sign3A_850, %sign3A_857 : i32
      %rem3A_859 = arith.remsi %add3A_841, %jit3A_842 : i32
      %ne3A_860 = arith.constant 0 : i32
      %ne3A_861 = arith.cmpi ne, %rem3A_859, %ne3A_860 : i32
      %and3A_862 = arith.andi %ne3A_858, %ne3A_861 : i1
      %sub3A_863 = arith.constant 1 : i32
      %sub3A_864 = arith.subi %div3A_843, %sub3A_863 : i32
      %select_n3A_865 = arith.select %and3A_862, %sub3A_864, %div3A_843 : i32
      %mul3A_866 = arith.constant 128 : i32
      %mul3A_867 = arith.muli %add3A_840, %mul3A_866 : i32
      %dma_wait3A_868 = arith.constant 0 : i32
      %dma_wait3A_869 = arith.constant 0 : i32
      %dma_wait3A_870 = arith.constant 0 : i32
      %dma_wait3A_871 = arith.constant 0 : i32
      %dma_wait3A_872 = tpu.memref_slice %arg8[%dma_wait3A_868, %dma_wait3A_870, %dma_wait3A_871] : memref<5x128x64xf32, #tpu.memory_space<vmem>> -> memref<1x128x64xf32, #tpu.memory_space<vmem>>
      %dma_wait3A_873 = tpu.memref_squeeze %dma_wait3A_872 : memref<1x128x64xf32, #tpu.memory_space<vmem>> -> memref<128x64xf32, #tpu.memory_space<vmem>>
      %dma_wait3A_874 = tpu.memref_slice %arg6[%mul3A_867] : memref<25600xi32, #tpu.memory_space<vmem>> -> memref<128xi32, #tpu.memory_space<vmem>>
      %dma_wait3A_875 = arith.constant 0 : i32
      %dma_wait3A_876 = arith.constant 0 : i32
      %dma_wait3A_877 = tpu.memref_slice %arg4[%dma_wait3A_875, %dma_wait3A_876] : memref<100000x64xf32, #tpu.memory_space<hbm>> -> memref<100000x64xf32, #tpu.memory_space<hbm>>
      %dma_wait3A_878 = tpu.memref_slice %arg10[%dma_wait3A_869] : memref<5x!tpu.dma_semaphore, #tpu.memory_space<semaphore_mem>> -> memref<1x!tpu.dma_semaphore, #tpu.memory_space<semaphore_mem>>
      %dma_wait3A_879 = tpu.memref_squeeze %dma_wait3A_878 : memref<1x!tpu.dma_semaphore, #tpu.memory_space<semaphore_mem>> -> memref<!tpu.dma_semaphore, #tpu.memory_space<semaphore_mem>>
      tpu.wait_indirect_dma semaphore(%dma_wait3A_879 : memref<!tpu.dma_semaphore, #tpu.memory_space<semaphore_mem>>) src(%dma_wait3A_877 : memref<100000x64xf32, #tpu.memory_space<hbm>>) dst(%dma_wait3A_873 : memref<128x64xf32, #tpu.memory_space<vmem>>)
      %gt3A = arith.constant 0 : i32
      %gt3A_880 = arith.cmpi sgt, %scan3A_835, %gt3A : i32
      %convert_element_type3A = arith.extui %gt3A_880 : i1 to i32
      %cond3A = arith.constant 0 : i32
      %cond3A_881 = arith.cmpi ne, %convert_element_type3A, %cond3A : i32
      scf.if %cond3A_881 {
        %sub3A_1907 = arith.constant 1 : i32
        %sub3A_1908 = arith.subi %scan3A_835, %sub3A_1907 : i32
        %mul3A_1909 = arith.constant 5 : i32
        %mul3A_1910 = arith.muli %sub3A_1908, %mul3A_1909 : i32
        %add3A_1911 = arith.addi %mul3A_2, %mul3A_1910 : i32
        %add3A_1912 = arith.constant 0 : i32
        %add3A_1913 = arith.addi %add3A_1911, %add3A_1912 : i32
        %jit3A_1914 = arith.constant 32 : i32
        %div3A_1915 = arith.divsi %add3A_1913, %jit3A_1914 : i32
        %sign3A_1916 = arith.constant 0 : i32
        %sign3A_1917 = arith.cmpi sgt, %add3A_1913, %sign3A_1916 : i32
        %sign3A_1918 = arith.extui %sign3A_1917 : i1 to i32
        %sign3A_1919 = arith.constant 0 : i32
        %sign3A_1920 = arith.cmpi slt, %add3A_1913, %sign3A_1919 : i32
        %sign3A_1921 = arith.extui %sign3A_1920 : i1 to i32
        %sign3A_1922 = arith.subi %sign3A_1918, %sign3A_1921 : i32
        %sign3A_1923 = arith.constant 0 : i32
        %sign3A_1924 = arith.cmpi sgt, %jit3A_1914, %sign3A_1923 : i32
        %sign3A_1925 = arith.extui %sign3A_1924 : i1 to i32
        %sign3A_1926 = arith.constant 0 : i32
        %sign3A_1927 = arith.cmpi slt, %jit3A_1914, %sign3A_1926 : i32
        %sign3A_1928 = arith.extui %sign3A_1927 : i1 to i32
        %sign3A_1929 = arith.subi %sign3A_1925, %sign3A_1928 : i32
        %ne3A_1930 = arith.cmpi ne, %sign3A_1922, %sign3A_1929 : i32
        %rem3A_1931 = arith.remsi %add3A_1913, %jit3A_1914 : i32
        %ne3A_1932 = arith.constant 0 : i32
        %ne3A_1933 = arith.cmpi ne, %rem3A_1931, %ne3A_1932 : i32
        %and3A_1934 = arith.andi %ne3A_1930, %ne3A_1933 : i1
        %sub3A_1935 = arith.constant 1 : i32
        %sub3A_1936 = arith.subi %div3A_1915, %sub3A_1935 : i32
        %select_n3A_1937 = arith.select %and3A_1934, %sub3A_1936, %div3A_1915 : i32
        %rem3A_1938 = arith.constant 32 : i32
        %rem3A_1939 = arith.remsi %add3A_1913, %rem3A_1938 : i32
        %mul3A_1940 = arith.constant 8 : i32
        %mul3A_1941 = arith.muli %select_n3A_1937, %mul3A_1940 : i32
        %mul3A_1942 = arith.constant 32 : i32
        %mul3A_1943 = arith.muli %mul3A_1941, %mul3A_1942 : i32
        %add3A_1944 = arith.addi %mul3A_1943, %rem3A_1939 : i32
        %mul3A_1945 = arith.constant 1024 : i32
        %mul3A_1946 = arith.muli %add3A_1944, %mul3A_1945 : i32
        %add3A_1947 = arith.constant 0 : i32
        %add3A_1948 = arith.addi %mul3A_1946, %add3A_1947 : i32
        %add3A_1949 = arith.constant 32768 : i32
        %add3A_1950 = arith.addi %mul3A_1946, %add3A_1949 : i32
        %add3A_1951 = arith.constant 65536 : i32
        %add3A_1952 = arith.addi %mul3A_1946, %add3A_1951 : i32
        %add3A_1953 = arith.constant 98304 : i32
        %add3A_1954 = arith.addi %mul3A_1946, %add3A_1953 : i32
        %add3A_1955 = arith.constant 131072 : i32
        %add3A_1956 = arith.addi %mul3A_1946, %add3A_1955 : i32
        %add3A_1957 = arith.constant 163840 : i32
        %add3A_1958 = arith.addi %mul3A_1946, %add3A_1957 : i32
        %add3A_1959 = arith.constant 196608 : i32
        %add3A_1960 = arith.addi %mul3A_1946, %add3A_1959 : i32
        %add3A_1961 = arith.constant 229376 : i32
        %add3A_1962 = arith.addi %mul3A_1946, %add3A_1961 : i32
        %dma_wait3A_1963 = arith.constant 0 : i32
        %dma_wait3A_1964 = arith.constant 0 : i32
        %dma_wait3A_1965 = arith.constant 0 : i32
        %dma_wait3A_1966 = tpu.memref_slice %arg9[%dma_wait3A_1963, %dma_wait3A_1965] : memref<5x8192xf32, #tpu.memory_space<vmem>> -> memref<1x1024xf32, #tpu.memory_space<vmem>>
        %dma_wait3A_1967 = tpu.memref_squeeze %dma_wait3A_1966 : memref<1x1024xf32, #tpu.memory_space<vmem>> -> memref<1024xf32, #tpu.memory_space<vmem>>
        %dma_wait3A_1968 = tpu.memref_slice %arg5[%add3A_1948] : memref<52428800xf32, #tpu.memory_space<hbm>> -> memref<1024xf32, #tpu.memory_space<hbm>>
        %dma_wait3A_1969 = tpu.memref_slice %arg11[%dma_wait3A_1964] : memref<5x!tpu.dma_semaphore, #tpu.memory_space<semaphore_mem>> -> memref<1x!tpu.dma_semaphore, #tpu.memory_space<semaphore_mem>>
        %dma_wait3A_1970 = tpu.memref_squeeze %dma_wait3A_1969 : memref<1x!tpu.dma_semaphore, #tpu.memory_space<semaphore_mem>> -> memref<!tpu.dma_semaphore, #tpu.memory_space<semaphore_mem>>
        %dma_wait3A_1971 = tpu.memref_slice %arg5[%add3A_1948] : memref<52428800xf32, #tpu.memory_space<hbm>> -> memref<1024xf32, #tpu.memory_space<hbm>>
        %dma_wait3A_1972 = arith.constant 0 : i32
        %dma_wait3A_1973 = tpu.memref_slice %arg9[%dma_wait3A_1963, %dma_wait3A_1972] : memref<5x8192xf32, #tpu.memory_space<vmem>> -> memref<1x1024xf32, #tpu.memory_space<vmem>>
        %dma_wait3A_1974 = tpu.memref_squeeze %dma_wait3A_1973 : memref<1x1024xf32, #tpu.memory_space<vmem>> -> memref<1024xf32, #tpu.memory_space<vmem>>
        tpu.wait_dma2 semaphore(%dma_wait3A_1970 : memref<!tpu.dma_semaphore, #tpu.memory_space<semaphore_mem>>) src(%dma_wait3A_1974 : memref<1024xf32, #tpu.memory_space<vmem>>) dst(%dma_wait3A_1971 : memref<1024xf32, #tpu.memory_space<hbm>>)
        %dma_wait3A_1975 = arith.constant 0 : i32
        %dma_wait3A_1976 = arith.constant 0 : i32
        %dma_wait3A_1977 = arith.constant 1024 : i32
        %dma_wait3A_1978 = tpu.memref_slice %arg9[%dma_wait3A_1975, %dma_wait3A_1977] : memref<5x8192xf32, #tpu.memory_space<vmem>> -> memref<1x1024xf32, #tpu.memory_space<vmem>>
        %dma_wait3A_1979 = tpu.memref_squeeze %dma_wait3A_1978 : memref<1x1024xf32, #tpu.memory_space<vmem>> -> memref<1024xf32, #tpu.memory_space<vmem>>
        %dma_wait3A_1980 = tpu.memref_slice %arg5[%add3A_1950] : memref<52428800xf32, #tpu.memory_space<hbm>> -> memref<1024xf32, #tpu.memory_space<hbm>>
        %dma_wait3A_1981 = tpu.memref_slice %arg11[%dma_wait3A_1976] : memref<5x!tpu.dma_semaphore, #tpu.memory_space<semaphore_mem>> -> memref<1x!tpu.dma_semaphore, #tpu.memory_space<semaphore_mem>>
        %dma_wait3A_1982 = tpu.memref_squeeze %dma_wait3A_1981 : memref<1x!tpu.dma_semaphore, #tpu.memory_space<semaphore_mem>> -> memref<!tpu.dma_semaphore, #tpu.memory_space<semaphore_mem>>
        %dma_wait3A_1983 = tpu.memref_slice %arg5[%add3A_1950] : memref<52428800xf32, #tpu.memory_space<hbm>> -> memref<1024xf32, #tpu.memory_space<hbm>>
        %dma_wait3A_1984 = arith.constant 1024 : i32
        %dma_wait3A_1985 = tpu.memref_slice %arg9[%dma_wait3A_1975, %dma_wait3A_1984] : memref<5x8192xf32, #tpu.memory_space<vmem>> -> memref<1x1024xf32, #tpu.memory_space<vmem>>
        %dma_wait3A_1986 = tpu.memref_squeeze %dma_wait3A_1985 : memref<1x1024xf32, #tpu.memory_space<vmem>> -> memref<1024xf32, #tpu.memory_space<vmem>>
        tpu.wait_dma2 semaphore(%dma_wait3A_1982 : memref<!tpu.dma_semaphore, #tpu.memory_space<semaphore_mem>>) src(%dma_wait3A_1986 : memref<1024xf32, #tpu.memory_space<vmem>>) dst(%dma_wait3A_1983 : memref<1024xf32, #tpu.memory_space<hbm>>)
        %dma_wait3A_1987 = arith.constant 0 : i32
        %dma_wait3A_1988 = arith.constant 0 : i32
        %dma_wait3A_1989 = arith.constant 2048 : i32
        %dma_wait3A_1990 = tpu.memref_slice %arg9[%dma_wait3A_1987, %dma_wait3A_1989] : memref<5x8192xf32, #tpu.memory_space<vmem>> -> memref<1x1024xf32, #tpu.memory_space<vmem>>
        %dma_wait3A_1991 = tpu.memref_squeeze %dma_wait3A_1990 : memref<1x1024xf32, #tpu.memory_space<vmem>> -> memref<1024xf32, #tpu.memory_space<vmem>>
        %dma_wait3A_1992 = tpu.memref_slice %arg5[%add3A_1952] : memref<52428800xf32, #tpu.memory_space<hbm>> -> memref<1024xf32, #tpu.memory_space<hbm>>
        %dma_wait3A_1993 = tpu.memref_slice %arg11[%dma_wait3A_1988] : memref<5x!tpu.dma_semaphore, #tpu.memory_space<semaphore_mem>> -> memref<1x!tpu.dma_semaphore, #tpu.memory_space<semaphore_mem>>
        %dma_wait3A_1994 = tpu.memref_squeeze %dma_wait3A_1993 : memref<1x!tpu.dma_semaphore, #tpu.memory_space<semaphore_mem>> -> memref<!tpu.dma_semaphore, #tpu.memory_space<semaphore_mem>>
        %dma_wait3A_1995 = tpu.memref_slice %arg5[%add3A_1952] : memref<52428800xf32, #tpu.memory_space<hbm>> -> memref<1024xf32, #tpu.memory_space<hbm>>
        %dma_wait3A_1996 = arith.constant 2048 : i32
        %dma_wait3A_1997 = tpu.memref_slice %arg9[%dma_wait3A_1987, %dma_wait3A_1996] : memref<5x8192xf32, #tpu.memory_space<vmem>> -> memref<1x1024xf32, #tpu.memory_space<vmem>>
        %dma_wait3A_1998 = tpu.memref_squeeze %dma_wait3A_1997 : memref<1x1024xf32, #tpu.memory_space<vmem>> -> memref<1024xf32, #tpu.memory_space<vmem>>
        tpu.wait_dma2 semaphore(%dma_wait3A_1994 : memref<!tpu.dma_semaphore, #tpu.memory_space<semaphore_mem>>) src(%dma_wait3A_1998 : memref<1024xf32, #tpu.memory_space<vmem>>) dst(%dma_wait3A_1995 : memref<1024xf32, #tpu.memory_space<hbm>>)
        %dma_wait3A_1999 = arith.constant 0 : i32
        %dma_wait3A_2000 = arith.constant 0 : i32
        %dma_wait3A_2001 = arith.constant 3072 : i32
        %dma_wait3A_2002 = tpu.memref_slice %arg9[%dma_wait3A_1999, %dma_wait3A_2001] : memref<5x8192xf32, #tpu.memory_space<vmem>> -> memref<1x1024xf32, #tpu.memory_space<vmem>>
        %dma_wait3A_2003 = tpu.memref_squeeze %dma_wait3A_2002 : memref<1x1024xf32, #tpu.memory_space<vmem>> -> memref<1024xf32, #tpu.memory_space<vmem>>
        %dma_wait3A_2004 = tpu.memref_slice %arg5[%add3A_1954] : memref<52428800xf32, #tpu.memory_space<hbm>> -> memref<1024xf32, #tpu.memory_space<hbm>>
        %dma_wait3A_2005 = tpu.memref_slice %arg11[%dma_wait3A_2000] : memref<5x!tpu.dma_semaphore, #tpu.memory_space<semaphore_mem>> -> memref<1x!tpu.dma_semaphore, #tpu.memory_space<semaphore_mem>>
        %dma_wait3A_2006 = tpu.memref_squeeze %dma_wait3A_2005 : memref<1x!tpu.dma_semaphore, #tpu.memory_space<semaphore_mem>> -> memref<!tpu.dma_semaphore, #tpu.memory_space<semaphore_mem>>
        %dma_wait3A_2007 = tpu.memref_slice %arg5[%add3A_1954] : memref<52428800xf32, #tpu.memory_space<hbm>> -> memref<1024xf32, #tpu.memory_space<hbm>>
        %dma_wait3A_2008 = arith.constant 3072 : i32
        %dma_wait3A_2009 = tpu.memref_slice %arg9[%dma_wait3A_1999, %dma_wait3A_2008] : memref<5x8192xf32, #tpu.memory_space<vmem>> -> memref<1x1024xf32, #tpu.memory_space<vmem>>
        %dma_wait3A_2010 = tpu.memref_squeeze %dma_wait3A_2009 : memref<1x1024xf32, #tpu.memory_space<vmem>> -> memref<1024xf32, #tpu.memory_space<vmem>>
        tpu.wait_dma2 semaphore(%dma_wait3A_2006 : memref<!tpu.dma_semaphore, #tpu.memory_space<semaphore_mem>>) src(%dma_wait3A_2010 : memref<1024xf32, #tpu.memory_space<vmem>>) dst(%dma_wait3A_2007 : memref<1024xf32, #tpu.memory_space<hbm>>)
        %dma_wait3A_2011 = arith.constant 0 : i32
        %dma_wait3A_2012 = arith.constant 0 : i32
        %dma_wait3A_2013 = arith.constant 4096 : i32
        %dma_wait3A_2014 = tpu.memref_slice %arg9[%dma_wait3A_2011, %dma_wait3A_2013] : memref<5x8192xf32, #tpu.memory_space<vmem>> -> memref<1x1024xf32, #tpu.memory_space<vmem>>
        %dma_wait3A_2015 = tpu.memref_squeeze %dma_wait3A_2014 : memref<1x1024xf32, #tpu.memory_space<vmem>> -> memref<1024xf32, #tpu.memory_space<vmem>>
        %dma_wait3A_2016 = tpu.memref_slice %arg5[%add3A_1956] : memref<52428800xf32, #tpu.memory_space<hbm>> -> memref<1024xf32, #tpu.memory_space<hbm>>
        %dma_wait3A_2017 = tpu.memref_slice %arg11[%dma_wait3A_2012] : memref<5x!tpu.dma_semaphore, #tpu.memory_space<semaphore_mem>> -> memref<1x!tpu.dma_semaphore, #tpu.memory_space<semaphore_mem>>
        %dma_wait3A_2018 = tpu.memref_squeeze %dma_wait3A_2017 : memref<1x!tpu.dma_semaphore, #tpu.memory_space<semaphore_mem>> -> memref<!tpu.dma_semaphore, #tpu.memory_space<semaphore_mem>>
        %dma_wait3A_2019 = tpu.memref_slice %arg5[%add3A_1956] : memref<52428800xf32, #tpu.memory_space<hbm>> -> memref<1024xf32, #tpu.memory_space<hbm>>
        %dma_wait3A_2020 = arith.constant 4096 : i32
        %dma_wait3A_2021 = tpu.memref_slice %arg9[%dma_wait3A_2011, %dma_wait3A_2020] : memref<5x8192xf32, #tpu.memory_space<vmem>> -> memref<1x1024xf32, #tpu.memory_space<vmem>>
        %dma_wait3A_2022 = tpu.memref_squeeze %dma_wait3A_2021 : memref<1x1024xf32, #tpu.memory_space<vmem>> -> memref<1024xf32, #tpu.memory_space<vmem>>
        tpu.wait_dma2 semaphore(%dma_wait3A_2018 : memref<!tpu.dma_semaphore, #tpu.memory_space<semaphore_mem>>) src(%dma_wait3A_2022 : memref<1024xf32, #tpu.memory_space<vmem>>) dst(%dma_wait3A_2019 : memref<1024xf32, #tpu.memory_space<hbm>>)
        %dma_wait3A_2023 = arith.constant 0 : i32
        %dma_wait3A_2024 = arith.constant 0 : i32
        %dma_wait3A_2025 = arith.constant 5120 : i32
        %dma_wait3A_2026 = tpu.memref_slice %arg9[%dma_wait3A_2023, %dma_wait3A_2025] : memref<5x8192xf32, #tpu.memory_space<vmem>> -> memref<1x1024xf32, #tpu.memory_space<vmem>>
        %dma_wait3A_2027 = tpu.memref_squeeze %dma_wait3A_2026 : memref<1x1024xf32, #tpu.memory_space<vmem>> -> memref<1024xf32, #tpu.memory_space<vmem>>
        %dma_wait3A_2028 = tpu.memref_slice %arg5[%add3A_1958] : memref<52428800xf32, #tpu.memory_space<hbm>> -> memref<1024xf32, #tpu.memory_space<hbm>>
        %dma_wait3A_2029 = tpu.memref_slice %arg11[%dma_wait3A_2024] : memref<5x!tpu.dma_semaphore, #tpu.memory_space<semaphore_mem>> -> memref<1x!tpu.dma_semaphore, #tpu.memory_space<semaphore_mem>>
        %dma_wait3A_2030 = tpu.memref_squeeze %dma_wait3A_2029 : memref<1x!tpu.dma_semaphore, #tpu.memory_space<semaphore_mem>> -> memref<!tpu.dma_semaphore, #tpu.memory_space<semaphore_mem>>
        %dma_wait3A_2031 = tpu.memref_slice %arg5[%add3A_1958] : memref<52428800xf32, #tpu.memory_space<hbm>> -> memref<1024xf32, #tpu.memory_space<hbm>>
        %dma_wait3A_2032 = arith.constant 5120 : i32
        %dma_wait3A_2033 = tpu.memref_slice %arg9[%dma_wait3A_2023, %dma_wait3A_2032] : memref<5x8192xf32, #tpu.memory_space<vmem>> -> memref<1x1024xf32, #tpu.memory_space<vmem>>
        %dma_wait3A_2034 = tpu.memref_squeeze %dma_wait3A_2033 : memref<1x1024xf32, #tpu.memory_space<vmem>> -> memref<1024xf32, #tpu.memory_space<vmem>>
        tpu.wait_dma2 semaphore(%dma_wait3A_2030 : memref<!tpu.dma_semaphore, #tpu.memory_space<semaphore_mem>>) src(%dma_wait3A_2034 : memref<1024xf32, #tpu.memory_space<vmem>>) dst(%dma_wait3A_2031 : memref<1024xf32, #tpu.memory_space<hbm>>)
        %dma_wait3A_2035 = arith.constant 0 : i32
        %dma_wait3A_2036 = arith.constant 0 : i32
        %dma_wait3A_2037 = arith.constant 6144 : i32
        %dma_wait3A_2038 = tpu.memref_slice %arg9[%dma_wait3A_2035, %dma_wait3A_2037] : memref<5x8192xf32, #tpu.memory_space<vmem>> -> memref<1x1024xf32, #tpu.memory_space<vmem>>
        %dma_wait3A_2039 = tpu.memref_squeeze %dma_wait3A_2038 : memref<1x1024xf32, #tpu.memory_space<vmem>> -> memref<1024xf32, #tpu.memory_space<vmem>>
        %dma_wait3A_2040 = tpu.memref_slice %arg5[%add3A_1960] : memref<52428800xf32, #tpu.memory_space<hbm>> -> memref<1024xf32, #tpu.memory_space<hbm>>
        %dma_wait3A_2041 = tpu.memref_slice %arg11[%dma_wait3A_2036] : memref<5x!tpu.dma_semaphore, #tpu.memory_space<semaphore_mem>> -> memref<1x!tpu.dma_semaphore, #tpu.memory_space<semaphore_mem>>
        %dma_wait3A_2042 = tpu.memref_squeeze %dma_wait3A_2041 : memref<1x!tpu.dma_semaphore, #tpu.memory_space<semaphore_mem>> -> memref<!tpu.dma_semaphore, #tpu.memory_space<semaphore_mem>>
        %dma_wait3A_2043 = tpu.memref_slice %arg5[%add3A_1960] : memref<52428800xf32, #tpu.memory_space<hbm>> -> memref<1024xf32, #tpu.memory_space<hbm>>
        %dma_wait3A_2044 = arith.constant 6144 : i32
        %dma_wait3A_2045 = tpu.memref_slice %arg9[%dma_wait3A_2035, %dma_wait3A_2044] : memref<5x8192xf32, #tpu.memory_space<vmem>> -> memref<1x1024xf32, #tpu.memory_space<vmem>>
        %dma_wait3A_2046 = tpu.memref_squeeze %dma_wait3A_2045 : memref<1x1024xf32, #tpu.memory_space<vmem>> -> memref<1024xf32, #tpu.memory_space<vmem>>
        tpu.wait_dma2 semaphore(%dma_wait3A_2042 : memref<!tpu.dma_semaphore, #tpu.memory_space<semaphore_mem>>) src(%dma_wait3A_2046 : memref<1024xf32, #tpu.memory_space<vmem>>) dst(%dma_wait3A_2043 : memref<1024xf32, #tpu.memory_space<hbm>>)
        %dma_wait3A_2047 = arith.constant 0 : i32
        %dma_wait3A_2048 = arith.constant 0 : i32
        %dma_wait3A_2049 = arith.constant 7168 : i32
        %dma_wait3A_2050 = tpu.memref_slice %arg9[%dma_wait3A_2047, %dma_wait3A_2049] : memref<5x8192xf32, #tpu.memory_space<vmem>> -> memref<1x1024xf32, #tpu.memory_space<vmem>>
        %dma_wait3A_2051 = tpu.memref_squeeze %dma_wait3A_2050 : memref<1x1024xf32, #tpu.memory_space<vmem>> -> memref<1024xf32, #tpu.memory_space<vmem>>
        %dma_wait3A_2052 = tpu.memref_slice %arg5[%add3A_1962] : memref<52428800xf32, #tpu.memory_space<hbm>> -> memref<1024xf32, #tpu.memory_space<hbm>>
        %dma_wait3A_2053 = tpu.memref_slice %arg11[%dma_wait3A_2048] : memref<5x!tpu.dma_semaphore, #tpu.memory_space<semaphore_mem>> -> memref<1x!tpu.dma_semaphore, #tpu.memory_space<semaphore_mem>>
        %dma_wait3A_2054 = tpu.memref_squeeze %dma_wait3A_2053 : memref<1x!tpu.dma_semaphore, #tpu.memory_space<semaphore_mem>> -> memref<!tpu.dma_semaphore, #tpu.memory_space<semaphore_mem>>
        %dma_wait3A_2055 = tpu.memref_slice %arg5[%add3A_1962] : memref<52428800xf32, #tpu.memory_space<hbm>> -> memref<1024xf32, #tpu.memory_space<hbm>>
        %dma_wait3A_2056 = arith.constant 7168 : i32
        %dma_wait3A_2057 = tpu.memref_slice %arg9[%dma_wait3A_2047, %dma_wait3A_2056] : memref<5x8192xf32, #tpu.memory_space<vmem>> -> memref<1x1024xf32, #tpu.memory_space<vmem>>
        %dma_wait3A_2058 = tpu.memref_squeeze %dma_wait3A_2057 : memref<1x1024xf32, #tpu.memory_space<vmem>> -> memref<1024xf32, #tpu.memory_space<vmem>>
        tpu.wait_dma2 semaphore(%dma_wait3A_2054 : memref<!tpu.dma_semaphore, #tpu.memory_space<semaphore_mem>>) src(%dma_wait3A_2058 : memref<1024xf32, #tpu.memory_space<vmem>>) dst(%dma_wait3A_2055 : memref<1024xf32, #tpu.memory_space<hbm>>)
      } else {
      }
      %get3A = arith.index_cast %select_n3A_865 : i32 to index
      %get3A_882 = arith.constant 0 : index
      %get3A_883 = tpu.vector_load %arg7[%get3A, %get3A_882] {strides = array<i32>} : memref<200x64xf32, #tpu.memory_space<vmem>>, vector<16xf32>,
      %get3A_884 = arith.index_cast %select_n3A_865 : i32 to index
      %get3A_885 = arith.constant 16 : index
      %get3A_886 = tpu.vector_load %arg7[%get3A_884, %get3A_885] {strides = array<i32>} : memref<200x64xf32, #tpu.memory_space<vmem>>, vector<16xf32>,
      %get3A_887 = arith.index_cast %select_n3A_865 : i32 to index
      %get3A_888 = arith.constant 32 : index
      %get3A_889 = tpu.vector_load %arg7[%get3A_887, %get3A_888] {strides = array<i32>} : memref<200x64xf32, #tpu.memory_space<vmem>>, vector<16xf32>,
      %get3A_890 = arith.index_cast %select_n3A_865 : i32 to index
      %get3A_891 = arith.constant 48 : index
      %get3A_892 = tpu.vector_load %arg7[%get3A_890, %get3A_891] {strides = array<i32>} : memref<200x64xf32, #tpu.memory_space<vmem>>, vector<16xf32>,
      %parallel_loop3A = arith.constant 0 : i32
      %parallel_loop3A_893 = arith.constant 128 : i32
      %parallel_loop3A_894 = arith.constant 1 : i32
      scf.for %parallel_loop3A_1907 = %parallel_loop3A to %parallel_loop3A_893 step %parallel_loop3A_894  : i32 {
        %parallel_loop3A_1908 = arith.constant 0 : i32
        %parallel_loop3A_1909 = arith.constant 0 : i32
        %parallel_loop3A_1910 = arith.constant 0 : i32
        %parallel_loop3A_1911 = tpu.memref_slice %arg8[%parallel_loop3A_1908, %parallel_loop3A_1909, %parallel_loop3A_1910] : memref<5x128x64xf32, #tpu.memory_space<vmem>> -> memref<1x128x64xf32, #tpu.memory_space<vmem>>
        %parallel_loop3A_1912 = tpu.memref_squeeze %parallel_loop3A_1911 : memref<1x128x64xf32, #tpu.memory_space<vmem>> -> memref<128x64xf32, #tpu.memory_space<vmem>>
        %parallel_loop3A_1913 = arith.index_cast %parallel_loop3A_1907 : i32 to index
        %parallel_loop3A_1914 = arith.constant 0 : index
        %parallel_loop3A_1915 = tpu.vector_load %parallel_loop3A_1912[%parallel_loop3A_1913, %parallel_loop3A_1914] {strides = array<i32>} : memref<128x64xf32, #tpu.memory_space<vmem>>, vector<16xf32>,
        %parallel_loop3A_1916 = arith.addf %parallel_loop3A_1915, %get3A_883 : vector<16xf32>
        %parallel_loop3A_1917 = vector.broadcast %parallel_loop3A_1907 : i32 to vector<16xi32>
        %parallel_loop3A_1918 = arith.addi %mul3A_10, %parallel_loop3A_1917 : vector<16xi32>
        %parallel_loop3A_1919 = arith.constant 0 : i32
        %parallel_loop3A_1920 = arith.constant 0 : i32
        %parallel_loop3A_1921 = tpu.memref_slice %arg9[%parallel_loop3A_1919, %parallel_loop3A_1920] : memref<5x8192xf32, #tpu.memory_space<vmem>> -> memref<1x8192xf32, #tpu.memory_space<vmem>>
        %parallel_loop3A_1922 = tpu.memref_squeeze %parallel_loop3A_1921 : memref<1x8192xf32, #tpu.memory_space<vmem>> -> memref<8192xf32, #tpu.memory_space<vmem>>
        tpu.vector_store_idx %parallel_loop3A_1922[%parallel_loop3A_1918], %parallel_loop3A_1916 : memref<8192xf32, #tpu.memory_space<vmem>>[vector<16xi32>], vector<16xf32>,
        %parallel_loop3A_1923 = arith.constant 0 : i32
        %parallel_loop3A_1924 = arith.constant 0 : i32
        %parallel_loop3A_1925 = arith.constant 0 : i32
        %parallel_loop3A_1926 = tpu.memref_slice %arg8[%parallel_loop3A_1923, %parallel_loop3A_1924, %parallel_loop3A_1925] : memref<5x128x64xf32, #tpu.memory_space<vmem>> -> memref<1x128x64xf32, #tpu.memory_space<vmem>>
        %parallel_loop3A_1927 = tpu.memref_squeeze %parallel_loop3A_1926 : memref<1x128x64xf32, #tpu.memory_space<vmem>> -> memref<128x64xf32, #tpu.memory_space<vmem>>
        %parallel_loop3A_1928 = arith.index_cast %parallel_loop3A_1907 : i32 to index
        %parallel_loop3A_1929 = arith.constant 16 : index
        %parallel_loop3A_1930 = tpu.vector_load %parallel_loop3A_1927[%parallel_loop3A_1928, %parallel_loop3A_1929] {strides = array<i32>} : memref<128x64xf32, #tpu.memory_space<vmem>>, vector<16xf32>,
        %parallel_loop3A_1931 = arith.addf %parallel_loop3A_1930, %get3A_886 : vector<16xf32>
        %parallel_loop3A_1932 = vector.broadcast %parallel_loop3A_1907 : i32 to vector<16xi32>
        %parallel_loop3A_1933 = arith.addi %mul3A_16, %parallel_loop3A_1932 : vector<16xi32>
        %parallel_loop3A_1934 = arith.constant 0 : i32
        %parallel_loop3A_1935 = arith.constant 0 : i32
        %parallel_loop3A_1936 = tpu.memref_slice %arg9[%parallel_loop3A_1934, %parallel_loop3A_1935] : memref<5x8192xf32, #tpu.memory_space<vmem>> -> memref<1x8192xf32, #tpu.memory_space<vmem>>
        %parallel_loop3A_1937 = tpu.memref_squeeze %parallel_loop3A_1936 : memref<1x8192xf32, #tpu.memory_space<vmem>> -> memref<8192xf32, #tpu.memory_space<vmem>>
        tpu.vector_store_idx %parallel_loop3A_1937[%parallel_loop3A_1933], %parallel_loop3A_1931 : memref<8192xf32, #tpu.memory_space<vmem>>[vector<16xi32>], vector<16xf32>,
        %parallel_loop3A_1938 = arith.constant 0 : i32
        %parallel_loop3A_1939 = arith.constant 0 : i32
        %parallel_loop3A_1940 = arith.constant 0 : i32
        %parallel_loop3A_1941 = tpu.memref_slice %arg8[%parallel_loop3A_1938, %parallel_loop3A_1939, %parallel_loop3A_1940] : memref<5x128x64xf32, #tpu.memory_space<vmem>> -> memref<1x128x64xf32, #tpu.memory_space<vmem>>
        %parallel_loop3A_1942 = tpu.memref_squeeze %parallel_loop3A_1941 : memref<1x128x64xf32, #tpu.memory_space<vmem>> -> memref<128x64xf32, #tpu.memory_space<vmem>>
        %parallel_loop3A_1943 = arith.index_cast %parallel_loop3A_1907 : i32 to index
        %parallel_loop3A_1944 = arith.constant 32 : index
        %parallel_loop3A_1945 = tpu.vector_load %parallel_loop3A_1942[%parallel_loop3A_1943, %parallel_loop3A_1944] {strides = array<i32>} : memref<128x64xf32, #tpu.memory_space<vmem>>, vector<16xf32>,
        %parallel_loop3A_1946 = arith.addf %parallel_loop3A_1945, %get3A_889 : vector<16xf32>
        %parallel_loop3A_1947 = vector.broadcast %parallel_loop3A_1907 : i32 to vector<16xi32>
        %parallel_loop3A_1948 = arith.addi %mul3A_22, %parallel_loop3A_1947 : vector<16xi32>
        %parallel_loop3A_1949 = arith.constant 0 : i32
        %parallel_loop3A_1950 = arith.constant 0 : i32
        %parallel_loop3A_1951 = tpu.memref_slice %arg9[%parallel_loop3A_1949, %parallel_loop3A_1950] : memref<5x8192xf32, #tpu.memory_space<vmem>> -> memref<1x8192xf32, #tpu.memory_space<vmem>>
        %parallel_loop3A_1952 = tpu.memref_squeeze %parallel_loop3A_1951 : memref<1x8192xf32, #tpu.memory_space<vmem>> -> memref<8192xf32, #tpu.memory_space<vmem>>
        tpu.vector_store_idx %parallel_loop3A_1952[%parallel_loop3A_1948], %parallel_loop3A_1946 : memref<8192xf32, #tpu.memory_space<vmem>>[vector<16xi32>], vector<16xf32>,
        %parallel_loop3A_1953 = arith.constant 0 : i32
        %parallel_loop3A_1954 = arith.constant 0 : i32
        %parallel_loop3A_1955 = arith.constant 0 : i32
        %parallel_loop3A_1956 = tpu.memref_slice %arg8[%parallel_loop3A_1953, %parallel_loop3A_1954, %parallel_loop3A_1955] : memref<5x128x64xf32, #tpu.memory_space<vmem>> -> memref<1x128x64xf32, #tpu.memory_space<vmem>>
        %parallel_loop3A_1957 = tpu.memref_squeeze %parallel_loop3A_1956 : memref<1x128x64xf32, #tpu.memory_space<vmem>> -> memref<128x64xf32, #tpu.memory_space<vmem>>
        %parallel_loop3A_1958 = arith.index_cast %parallel_loop3A_1907 : i32 to index
        %parallel_loop3A_1959 = arith.constant 48 : index
        %parallel_loop3A_1960 = tpu.vector_load %parallel_loop3A_1957[%parallel_loop3A_1958, %parallel_loop3A_1959] {strides = array<i32>} : memref<128x64xf32, #tpu.memory_space<vmem>>, vector<16xf32>,
        %parallel_loop3A_1961 = arith.addf %parallel_loop3A_1960, %get3A_892 : vector<16xf32>
        %parallel_loop3A_1962 = vector.broadcast %parallel_loop3A_1907 : i32 to vector<16xi32>
        %parallel_loop3A_1963 = arith.addi %mul3A_28, %parallel_loop3A_1962 : vector<16xi32>
        %parallel_loop3A_1964 = arith.constant 0 : i32
        %parallel_loop3A_1965 = arith.constant 0 : i32
        %parallel_loop3A_1966 = tpu.memref_slice %arg9[%parallel_loop3A_1964, %parallel_loop3A_1965] : memref<5x8192xf32, #tpu.memory_space<vmem>> -> memref<1x8192xf32, #tpu.memory_space<vmem>>
        %parallel_loop3A_1967 = tpu.memref_squeeze %parallel_loop3A_1966 : memref<1x8192xf32, #tpu.memory_space<vmem>> -> memref<8192xf32, #tpu.memory_space<vmem>>
        tpu.vector_store_idx %parallel_loop3A_1967[%parallel_loop3A_1963], %parallel_loop3A_1961 : memref<8192xf32, #tpu.memory_space<vmem>>[vector<16xi32>], vector<16xf32>,
      } {sc.loop_unroll_factor = 8 : i64, sc.parallel_access}
      %add3A_895 = arith.constant 5 : i32
      %add3A_896 = arith.addi %add3A_840, %add3A_895 : i32
      %lt3A = arith.constant 200 : i32
      %lt3A_897 = arith.cmpi slt, %add3A_896, %lt3A : i32
      %convert_element_type3A_898 = arith.extui %lt3A_897 : i1 to i32
      %cond3A_899 = arith.constant 0 : i32
      %cond3A_900 = arith.cmpi ne, %convert_element_type3A_898, %cond3A_899 : i32
      scf.if %cond3A_900 {
        %add3A_1907 = arith.constant 5 : i32
        %add3A_1908 = arith.addi %add3A_840, %add3A_1907 : i32
        %mul3A_1909 = arith.constant 128 : i32
        %mul3A_1910 = arith.muli %add3A_1908, %mul3A_1909 : i32
        %dma_start3A_1911 = arith.constant 0 : i32
        %dma_start3A_1912 = arith.constant 0 : i32
        %dma_start3A_1913 = arith.constant 0 : i32
        %dma_start3A_1914 = arith.constant 0 : i32
        %dma_start3A_1915 = tpu.memref_slice %arg8[%dma_start3A_1911, %dma_start3A_1913, %dma_start3A_1914] : memref<5x128x64xf32, #tpu.memory_space<vmem>> -> memref<1x128x64xf32, #tpu.memory_space<vmem>>
        %dma_start3A_1916 = tpu.memref_squeeze %dma_start3A_1915 : memref<1x128x64xf32, #tpu.memory_space<vmem>> -> memref<128x64xf32, #tpu.memory_space<vmem>>
        %dma_start3A_1917 = tpu.memref_slice %arg6[%mul3A_1910] : memref<25600xi32, #tpu.memory_space<vmem>> -> memref<128xi32, #tpu.memory_space<vmem>>
        %dma_start3A_1918 = arith.constant 0 : i32
        %dma_start3A_1919 = arith.constant 0 : i32
        %dma_start3A_1920 = tpu.memref_slice %arg4[%dma_start3A_1918, %dma_start3A_1919] : memref<100000x64xf32, #tpu.memory_space<hbm>> -> memref<100000x64xf32, #tpu.memory_space<hbm>>
        %dma_start3A_1921 = tpu.memref_slice %arg10[%dma_start3A_1912] : memref<5x!tpu.dma_semaphore, #tpu.memory_space<semaphore_mem>> -> memref<1x!tpu.dma_semaphore, #tpu.memory_space<semaphore_mem>>
        %dma_start3A_1922 = tpu.memref_squeeze %dma_start3A_1921 : memref<1x!tpu.dma_semaphore, #tpu.memory_space<semaphore_mem>> -> memref<!tpu.dma_semaphore, #tpu.memory_space<semaphore_mem>>
        tpu.enqueue_indirect_dma source(%dma_start3A_1920 : memref<100000x64xf32, #tpu.memory_space<hbm>>) target(%dma_start3A_1916 : memref<128x64xf32, #tpu.memory_space<vmem>>) offsets(%dma_start3A_1917 : memref<128xi32, #tpu.memory_space<vmem>>) semaphore(%dma_start3A_1922 : memref<!tpu.dma_semaphore, #tpu.memory_space<semaphore_mem>>)
      } else {
      }
      %jit3A_901 = arith.constant 32 : i32
      %div3A_902 = arith.divsi %add3A_841, %jit3A_901 : i32
      %sign3A_903 = arith.constant 0 : i32
      %sign3A_904 = arith.cmpi sgt, %add3A_841, %sign3A_903 : i32
      %sign3A_905 = arith.extui %sign3A_904 : i1 to i32
      %sign3A_906 = arith.constant 0 : i32
      %sign3A_907 = arith.cmpi slt, %add3A_841, %sign3A_906 : i32
      %sign3A_908 = arith.extui %sign3A_907 : i1 to i32
      %sign3A_909 = arith.subi %sign3A_905, %sign3A_908 : i32
      %sign3A_910 = arith.constant 0 : i32
      %sign3A_911 = arith.cmpi sgt, %jit3A_901, %sign3A_910 : i32
      %sign3A_912 = arith.extui %sign3A_911 : i1 to i32
      %sign3A_913 = arith.constant 0 : i32
      %sign3A_914 = arith.cmpi slt, %jit3A_901, %sign3A_913 : i32
      %sign3A_915 = arith.extui %sign3A_914 : i1 to i32
      %sign3A_916 = arith.subi %sign3A_912, %sign3A_915 : i32
      %ne3A_917 = arith.cmpi ne, %sign3A_909, %sign3A_916 : i32
      %rem3A_918 = arith.remsi %add3A_841, %jit3A_901 : i32
      %ne3A_919 = arith.constant 0 : i32
      %ne3A_920 = arith.cmpi ne, %rem3A_918, %ne3A_919 : i32
      %and3A_921 = arith.andi %ne3A_917, %ne3A_920 : i1
      %sub3A_922 = arith.constant 1 : i32
      %sub3A_923 = arith.subi %div3A_902, %sub3A_922 : i32
      %select_n3A_924 = arith.select %and3A_921, %sub3A_923, %div3A_902 : i32
      %rem3A_925 = arith.constant 32 : i32
      %rem3A_926 = arith.remsi %add3A_841, %rem3A_925 : i32
      %mul3A_927 = arith.constant 8 : i32
      %mul3A_928 = arith.muli %select_n3A_924, %mul3A_927 : i32
      %mul3A_929 = arith.constant 32 : i32
      %mul3A_930 = arith.muli %mul3A_928, %mul3A_929 : i32
      %add3A_931 = arith.addi %mul3A_930, %rem3A_926 : i32
      %mul3A_932 = arith.constant 1024 : i32
      %mul3A_933 = arith.muli %add3A_931, %mul3A_932 : i32
      %add3A_934 = arith.constant 0 : i32
      %add3A_935 = arith.addi %mul3A_933, %add3A_934 : i32
      %add3A_936 = arith.constant 32768 : i32
      %add3A_937 = arith.addi %mul3A_933, %add3A_936 : i32
      %add3A_938 = arith.constant 65536 : i32
      %add3A_939 = arith.addi %mul3A_933, %add3A_938 : i32
      %add3A_940 = arith.constant 98304 : i32
      %add3A_941 = arith.addi %mul3A_933, %add3A_940 : i32
      %add3A_942 = arith.constant 131072 : i32
      %add3A_943 = arith.addi %mul3A_933, %add3A_942 : i32
      %add3A_944 = arith.constant 163840 : i32
      %add3A_945 = arith.addi %mul3A_933, %add3A_944 : i32
      %add3A_946 = arith.constant 196608 : i32
      %add3A_947 = arith.addi %mul3A_933, %add3A_946 : i32
      %add3A_948 = arith.constant 229376 : i32
      %add3A_949 = arith.addi %mul3A_933, %add3A_948 : i32
      %dma_start3A_950 = arith.constant 0 : i32
      %dma_start3A_951 = arith.constant 0 : i32
      %dma_start3A_952 = arith.constant 0 : i32
      %dma_start3A_953 = tpu.memref_slice %arg9[%dma_start3A_950, %dma_start3A_952] : memref<5x8192xf32, #tpu.memory_space<vmem>> -> memref<1x1024xf32, #tpu.memory_space<vmem>>
      %dma_start3A_954 = tpu.memref_squeeze %dma_start3A_953 : memref<1x1024xf32, #tpu.memory_space<vmem>> -> memref<1024xf32, #tpu.memory_space<vmem>>
      %dma_start3A_955 = tpu.memref_slice %arg5[%add3A_935] : memref<52428800xf32, #tpu.memory_space<hbm>> -> memref<1024xf32, #tpu.memory_space<hbm>>
      %dma_start3A_956 = tpu.memref_slice %arg11[%dma_start3A_951] : memref<5x!tpu.dma_semaphore, #tpu.memory_space<semaphore_mem>> -> memref<1x!tpu.dma_semaphore, #tpu.memory_space<semaphore_mem>>
      %dma_start3A_957 = tpu.memref_squeeze %dma_start3A_956 : memref<1x!tpu.dma_semaphore, #tpu.memory_space<semaphore_mem>> -> memref<!tpu.dma_semaphore, #tpu.memory_space<semaphore_mem>>
      %dma_start3A_958 = tpu.memref_slice %arg5[%add3A_935] : memref<52428800xf32, #tpu.memory_space<hbm>> -> memref<1024xf32, #tpu.memory_space<hbm>>
      %dma_start3A_959 = arith.constant 0 : i32
      %dma_start3A_960 = tpu.memref_slice %arg9[%dma_start3A_950, %dma_start3A_959] : memref<5x8192xf32, #tpu.memory_space<vmem>> -> memref<1x1024xf32, #tpu.memory_space<vmem>>
      %dma_start3A_961 = tpu.memref_squeeze %dma_start3A_960 : memref<1x1024xf32, #tpu.memory_space<vmem>> -> memref<1024xf32, #tpu.memory_space<vmem>>
      tpu.enqueue_dma source(%dma_start3A_961 : memref<1024xf32, #tpu.memory_space<vmem>>) target(%dma_start3A_958 : memref<1024xf32, #tpu.memory_space<hbm>>) target_semaphore(%dma_start3A_957 : memref<!tpu.dma_semaphore, #tpu.memory_space<semaphore_mem>>)
      %dma_start3A_962 = arith.constant 0 : i32
      %dma_start3A_963 = arith.constant 0 : i32
      %dma_start3A_964 = arith.constant 1024 : i32
      %dma_start3A_965 = tpu.memref_slice %arg9[%dma_start3A_962, %dma_start3A_964] : memref<5x8192xf32, #tpu.memory_space<vmem>> -> memref<1x1024xf32, #tpu.memory_space<vmem>>
      %dma_start3A_966 = tpu.memref_squeeze %dma_start3A_965 : memref<1x1024xf32, #tpu.memory_space<vmem>> -> memref<1024xf32, #tpu.memory_space<vmem>>
      %dma_start3A_967 = tpu.memref_slice %arg5[%add3A_937] : memref<52428800xf32, #tpu.memory_space<hbm>> -> memref<1024xf32, #tpu.memory_space<hbm>>
      %dma_start3A_968 = tpu.memref_slice %arg11[%dma_start3A_963] : memref<5x!tpu.dma_semaphore, #tpu.memory_space<semaphore_mem>> -> memref<1x!tpu.dma_semaphore, #tpu.memory_space<semaphore_mem>>
      %dma_start3A_969 = tpu.memref_squeeze %dma_start3A_968 : memref<1x!tpu.dma_semaphore, #tpu.memory_space<semaphore_mem>> -> memref<!tpu.dma_semaphore, #tpu.memory_space<semaphore_mem>>
      %dma_start3A_970 = tpu.memref_slice %arg5[%add3A_937] : memref<52428800xf32, #tpu.memory_space<hbm>> -> memref<1024xf32, #tpu.memory_space<hbm>>
      %dma_start3A_971 = arith.constant 1024 : i32
      %dma_start3A_972 = tpu.memref_slice %arg9[%dma_start3A_962, %dma_start3A_971] : memref<5x8192xf32, #tpu.memory_space<vmem>> -> memref<1x1024xf32, #tpu.memory_space<vmem>>
      %dma_start3A_973 = tpu.memref_squeeze %dma_start3A_972 : memref<1x1024xf32, #tpu.memory_space<vmem>> -> memref<1024xf32, #tpu.memory_space<vmem>>
      tpu.enqueue_dma source(%dma_start3A_973 : memref<1024xf32, #tpu.memory_space<vmem>>) target(%dma_start3A_970 : memref<1024xf32, #tpu.memory_space<hbm>>) target_semaphore(%dma_start3A_969 : memref<!tpu.dma_semaphore, #tpu.memory_space<semaphore_mem>>)
      %dma_start3A_974 = arith.constant 0 : i32
      %dma_start3A_975 = arith.constant 0 : i32
      %dma_start3A_976 = arith.constant 2048 : i32
      %dma_start3A_977 = tpu.memref_slice %arg9[%dma_start3A_974, %dma_start3A_976] : memref<5x8192xf32, #tpu.memory_space<vmem>> -> memref<1x1024xf32, #tpu.memory_space<vmem>>
      %dma_start3A_978 = tpu.memref_squeeze %dma_start3A_977 : memref<1x1024xf32, #tpu.memory_space<vmem>> -> memref<1024xf32, #tpu.memory_space<vmem>>
      %dma_start3A_979 = tpu.memref_slice %arg5[%add3A_939] : memref<52428800xf32, #tpu.memory_space<hbm>> -> memref<1024xf32, #tpu.memory_space<hbm>>
      %dma_start3A_980 = tpu.memref_slice %arg11[%dma_start3A_975] : memref<5x!tpu.dma_semaphore, #tpu.memory_space<semaphore_mem>> -> memref<1x!tpu.dma_semaphore, #tpu.memory_space<semaphore_mem>>
      %dma_start3A_981 = tpu.memref_squeeze %dma_start3A_980 : memref<1x!tpu.dma_semaphore, #tpu.memory_space<semaphore_mem>> -> memref<!tpu.dma_semaphore, #tpu.memory_space<semaphore_mem>>
      %dma_start3A_982 = tpu.memref_slice %arg5[%add3A_939] : memref<52428800xf32, #tpu.memory_space<hbm>> -> memref<1024xf32, #tpu.memory_space<hbm>>
      %dma_start3A_983 = arith.constant 2048 : i32
      %dma_start3A_984 = tpu.memref_slice %arg9[%dma_start3A_974, %dma_start3A_983] : memref<5x8192xf32, #tpu.memory_space<vmem>> -> memref<1x1024xf32, #tpu.memory_space<vmem>>
      %dma_start3A_985 = tpu.memref_squeeze %dma_start3A_984 : memref<1x1024xf32, #tpu.memory_space<vmem>> -> memref<1024xf32, #tpu.memory_space<vmem>>
      tpu.enqueue_dma source(%dma_start3A_985 : memref<1024xf32, #tpu.memory_space<vmem>>) target(%dma_start3A_982 : memref<1024xf32, #tpu.memory_space<hbm>>) target_semaphore(%dma_start3A_981 : memref<!tpu.dma_semaphore, #tpu.memory_space<semaphore_mem>>)
      %dma_start3A_986 = arith.constant 0 : i32
      %dma_start3A_987 = arith.constant 0 : i32
      %dma_start3A_988 = arith.constant 3072 : i32
      %dma_start3A_989 = tpu.memref_slice %arg9[%dma_start3A_986, %dma_start3A_988] : memref<5x8192xf32, #tpu.memory_space<vmem>> -> memref<1x1024xf32, #tpu.memory_space<vmem>>
      %dma_start3A_990 = tpu.memref_squeeze %dma_start3A_989 : memref<1x1024xf32, #tpu.memory_space<vmem>> -> memref<1024xf32, #tpu.memory_space<vmem>>
      %dma_start3A_991 = tpu.memref_slice %arg5[%add3A_941] : memref<52428800xf32, #tpu.memory_space<hbm>> -> memref<1024xf32, #tpu.memory_space<hbm>>
      %dma_start3A_992 = tpu.memref_slice %arg11[%dma_start3A_987] : memref<5x!tpu.dma_semaphore, #tpu.memory_space<semaphore_mem>> -> memref<1x!tpu.dma_semaphore, #tpu.memory_space<semaphore_mem>>
      %dma_start3A_993 = tpu.memref_squeeze %dma_start3A_992 : memref<1x!tpu.dma_semaphore, #tpu.memory_space<semaphore_mem>> -> memref<!tpu.dma_semaphore, #tpu.memory_space<semaphore_mem>>
      %dma_start3A_994 = tpu.memref_slice %arg5[%add3A_941] : memref<52428800xf32, #tpu.memory_space<hbm>> -> memref<1024xf32, #tpu.memory_space<hbm>>
      %dma_start3A_995 = arith.constant 3072 : i32
      %dma_start3A_996 = tpu.memref_slice %arg9[%dma_start3A_986, %dma_start3A_995] : memref<5x8192xf32, #tpu.memory_space<vmem>> -> memref<1x1024xf32, #tpu.memory_space<vmem>>
      %dma_start3A_997 = tpu.memref_squeeze %dma_start3A_996 : memref<1x1024xf32, #tpu.memory_space<vmem>> -> memref<1024xf32, #tpu.memory_space<vmem>>
      tpu.enqueue_dma source(%dma_start3A_997 : memref<1024xf32, #tpu.memory_space<vmem>>) target(%dma_start3A_994 : memref<1024xf32, #tpu.memory_space<hbm>>) target_semaphore(%dma_start3A_993 : memref<!tpu.dma_semaphore, #tpu.memory_space<semaphore_mem>>)
      %dma_start3A_998 = arith.constant 0 : i32
      %dma_start3A_999 = arith.constant 0 : i32
      %dma_start3A_1000 = arith.constant 4096 : i32
      %dma_start3A_1001 = tpu.memref_slice %arg9[%dma_start3A_998, %dma_start3A_1000] : memref<5x8192xf32, #tpu.memory_space<vmem>> -> memref<1x1024xf32, #tpu.memory_space<vmem>>
      %dma_start3A_1002 = tpu.memref_squeeze %dma_start3A_1001 : memref<1x1024xf32, #tpu.memory_space<vmem>> -> memref<1024xf32, #tpu.memory_space<vmem>>
      %dma_start3A_1003 = tpu.memref_slice %arg5[%add3A_943] : memref<52428800xf32, #tpu.memory_space<hbm>> -> memref<1024xf32, #tpu.memory_space<hbm>>
      %dma_start3A_1004 = tpu.memref_slice %arg11[%dma_start3A_999] : memref<5x!tpu.dma_semaphore, #tpu.memory_space<semaphore_mem>> -> memref<1x!tpu.dma_semaphore, #tpu.memory_space<semaphore_mem>>
      %dma_start3A_1005 = tpu.memref_squeeze %dma_start3A_1004 : memref<1x!tpu.dma_semaphore, #tpu.memory_space<semaphore_mem>> -> memref<!tpu.dma_semaphore, #tpu.memory_space<semaphore_mem>>
      %dma_start3A_1006 = tpu.memref_slice %arg5[%add3A_943] : memref<52428800xf32, #tpu.memory_space<hbm>> -> memref<1024xf32, #tpu.memory_space<hbm>>
      %dma_start3A_1007 = arith.constant 4096 : i32
      %dma_start3A_1008 = tpu.memref_slice %arg9[%dma_start3A_998, %dma_start3A_1007] : memref<5x8192xf32, #tpu.memory_space<vmem>> -> memref<1x1024xf32, #tpu.memory_space<vmem>>
      %dma_start3A_1009 = tpu.memref_squeeze %dma_start3A_1008 : memref<1x1024xf32, #tpu.memory_space<vmem>> -> memref<1024xf32, #tpu.memory_space<vmem>>
      tpu.enqueue_dma source(%dma_start3A_1009 : memref<1024xf32, #tpu.memory_space<vmem>>) target(%dma_start3A_1006 : memref<1024xf32, #tpu.memory_space<hbm>>) target_semaphore(%dma_start3A_1005 : memref<!tpu.dma_semaphore, #tpu.memory_space<semaphore_mem>>)
      %dma_start3A_1010 = arith.constant 0 : i32
      %dma_start3A_1011 = arith.constant 0 : i32
      %dma_start3A_1012 = arith.constant 5120 : i32
      %dma_start3A_1013 = tpu.memref_slice %arg9[%dma_start3A_1010, %dma_start3A_1012] : memref<5x8192xf32, #tpu.memory_space<vmem>> -> memref<1x1024xf32, #tpu.memory_space<vmem>>
      %dma_start3A_1014 = tpu.memref_squeeze %dma_start3A_1013 : memref<1x1024xf32, #tpu.memory_space<vmem>> -> memref<1024xf32, #tpu.memory_space<vmem>>
      %dma_start3A_1015 = tpu.memref_slice %arg5[%add3A_945] : memref<52428800xf32, #tpu.memory_space<hbm>> -> memref<1024xf32, #tpu.memory_space<hbm>>
      %dma_start3A_1016 = tpu.memref_slice %arg11[%dma_start3A_1011] : memref<5x!tpu.dma_semaphore, #tpu.memory_space<semaphore_mem>> -> memref<1x!tpu.dma_semaphore, #tpu.memory_space<semaphore_mem>>
      %dma_start3A_1017 = tpu.memref_squeeze %dma_start3A_1016 : memref<1x!tpu.dma_semaphore, #tpu.memory_space<semaphore_mem>> -> memref<!tpu.dma_semaphore, #tpu.memory_space<semaphore_mem>>
      %dma_start3A_1018 = tpu.memref_slice %arg5[%add3A_945] : memref<52428800xf32, #tpu.memory_space<hbm>> -> memref<1024xf32, #tpu.memory_space<hbm>>
      %dma_start3A_1019 = arith.constant 5120 : i32
      %dma_start3A_1020 = tpu.memref_slice %arg9[%dma_start3A_1010, %dma_start3A_1019] : memref<5x8192xf32, #tpu.memory_space<vmem>> -> memref<1x1024xf32, #tpu.memory_space<vmem>>
      %dma_start3A_1021 = tpu.memref_squeeze %dma_start3A_1020 : memref<1x1024xf32, #tpu.memory_space<vmem>> -> memref<1024xf32, #tpu.memory_space<vmem>>
      tpu.enqueue_dma source(%dma_start3A_1021 : memref<1024xf32, #tpu.memory_space<vmem>>) target(%dma_start3A_1018 : memref<1024xf32, #tpu.memory_space<hbm>>) target_semaphore(%dma_start3A_1017 : memref<!tpu.dma_semaphore, #tpu.memory_space<semaphore_mem>>)
      %dma_start3A_1022 = arith.constant 0 : i32
      %dma_start3A_1023 = arith.constant 0 : i32
      %dma_start3A_1024 = arith.constant 6144 : i32
      %dma_start3A_1025 = tpu.memref_slice %arg9[%dma_start3A_1022, %dma_start3A_1024] : memref<5x8192xf32, #tpu.memory_space<vmem>> -> memref<1x1024xf32, #tpu.memory_space<vmem>>
      %dma_start3A_1026 = tpu.memref_squeeze %dma_start3A_1025 : memref<1x1024xf32, #tpu.memory_space<vmem>> -> memref<1024xf32, #tpu.memory_space<vmem>>
      %dma_start3A_1027 = tpu.memref_slice %arg5[%add3A_947] : memref<52428800xf32, #tpu.memory_space<hbm>> -> memref<1024xf32, #tpu.memory_space<hbm>>
      %dma_start3A_1028 = tpu.memref_slice %arg11[%dma_start3A_1023] : memref<5x!tpu.dma_semaphore, #tpu.memory_space<semaphore_mem>> -> memref<1x!tpu.dma_semaphore, #tpu.memory_space<semaphore_mem>>
      %dma_start3A_1029 = tpu.memref_squeeze %dma_start3A_1028 : memref<1x!tpu.dma_semaphore, #tpu.memory_space<semaphore_mem>> -> memref<!tpu.dma_semaphore, #tpu.memory_space<semaphore_mem>>
      %dma_start3A_1030 = tpu.memref_slice %arg5[%add3A_947] : memref<52428800xf32, #tpu.memory_space<hbm>> -> memref<1024xf32, #tpu.memory_space<hbm>>
      %dma_start3A_1031 = arith.constant 6144 : i32
      %dma_start3A_1032 = tpu.memref_slice %arg9[%dma_start3A_1022, %dma_start3A_1031] : memref<5x8192xf32, #tpu.memory_space<vmem>> -> memref<1x1024xf32, #tpu.memory_space<vmem>>
      %dma_start3A_1033 = tpu.memref_squeeze %dma_start3A_1032 : memref<1x1024xf32, #tpu.memory_space<vmem>> -> memref<1024xf32, #tpu.memory_space<vmem>>
      tpu.enqueue_dma source(%dma_start3A_1033 : memref<1024xf32, #tpu.memory_space<vmem>>) target(%dma_start3A_1030 : memref<1024xf32, #tpu.memory_space<hbm>>) target_semaphore(%dma_start3A_1029 : memref<!tpu.dma_semaphore, #tpu.memory_space<semaphore_mem>>)
      %dma_start3A_1034 = arith.constant 0 : i32
      %dma_start3A_1035 = arith.constant 0 : i32
      %dma_start3A_1036 = arith.constant 7168 : i32
      %dma_start3A_1037 = tpu.memref_slice %arg9[%dma_start3A_1034, %dma_start3A_1036] : memref<5x8192xf32, #tpu.memory_space<vmem>> -> memref<1x1024xf32, #tpu.memory_space<vmem>>
      %dma_start3A_1038 = tpu.memref_squeeze %dma_start3A_1037 : memref<1x1024xf32, #tpu.memory_space<vmem>> -> memref<1024xf32, #tpu.memory_space<vmem>>
      %dma_start3A_1039 = tpu.memref_slice %arg5[%add3A_949] : memref<52428800xf32, #tpu.memory_space<hbm>> -> memref<1024xf32, #tpu.memory_space<hbm>>
      %dma_start3A_1040 = tpu.memref_slice %arg11[%dma_start3A_1035] : memref<5x!tpu.dma_semaphore, #tpu.memory_space<semaphore_mem>> -> memref<1x!tpu.dma_semaphore, #tpu.memory_space<semaphore_mem>>
      %dma_start3A_1041 = tpu.memref_squeeze %dma_start3A_1040 : memref<1x!tpu.dma_semaphore, #tpu.memory_space<semaphore_mem>> -> memref<!tpu.dma_semaphore, #tpu.memory_space<semaphore_mem>>
      %dma_start3A_1042 = tpu.memref_slice %arg5[%add3A_949] : memref<52428800xf32, #tpu.memory_space<hbm>> -> memref<1024xf32, #tpu.memory_space<hbm>>
      %dma_start3A_1043 = arith.constant 7168 : i32
      %dma_start3A_1044 = tpu.memref_slice %arg9[%dma_start3A_1034, %dma_start3A_1043] : memref<5x8192xf32, #tpu.memory_space<vmem>> -> memref<1x1024xf32, #tpu.memory_space<vmem>>
      %dma_start3A_1045 = tpu.memref_squeeze %dma_start3A_1044 : memref<1x1024xf32, #tpu.memory_space<vmem>> -> memref<1024xf32, #tpu.memory_space<vmem>>
      tpu.enqueue_dma source(%dma_start3A_1045 : memref<1024xf32, #tpu.memory_space<vmem>>) target(%dma_start3A_1042 : memref<1024xf32, #tpu.memory_space<hbm>>) target_semaphore(%dma_start3A_1041 : memref<!tpu.dma_semaphore, #tpu.memory_space<semaphore_mem>>)
      %mul3A_1046 = arith.constant 5 : i32
      %mul3A_1047 = arith.muli %scan3A_835, %mul3A_1046 : i32
      %add3A_1048 = arith.constant 1 : i32
      %add3A_1049 = arith.addi %mul3A_1047, %add3A_1048 : i32
      %add3A_1050 = arith.addi %mul3A_2, %add3A_1049 : i32
      %jit3A_1051 = arith.constant 32 : i32
      %div3A_1052 = arith.divsi %add3A_1050, %jit3A_1051 : i32
      %sign3A_1053 = arith.constant 0 : i32
      %sign3A_1054 = arith.cmpi sgt, %add3A_1050, %sign3A_1053 : i32
      %sign3A_1055 = arith.extui %sign3A_1054 : i1 to i32
      %sign3A_1056 = arith.constant 0 : i32
      %sign3A_1057 = arith.cmpi slt, %add3A_1050, %sign3A_1056 : i32
      %sign3A_1058 = arith.extui %sign3A_1057 : i1 to i32
      %sign3A_1059 = arith.subi %sign3A_1055, %sign3A_1058 : i32
      %sign3A_1060 = arith.constant 0 : i32
      %sign3A_1061 = arith.cmpi sgt, %jit3A_1051, %sign3A_1060 : i32
      %sign3A_1062 = arith.extui %sign3A_1061 : i1 to i32
      %sign3A_1063 = arith.constant 0 : i32
      %sign3A_1064 = arith.cmpi slt, %jit3A_1051, %sign3A_1063 : i32
      %sign3A_1065 = arith.extui %sign3A_1064 : i1 to i32
      %sign3A_1066 = arith.subi %sign3A_1062, %sign3A_1065 : i32
      %ne3A_1067 = arith.cmpi ne, %sign3A_1059, %sign3A_1066 : i32
      %rem3A_1068 = arith.remsi %add3A_1050, %jit3A_1051 : i32
      %ne3A_1069 = arith.constant 0 : i32
      %ne3A_1070 = arith.cmpi ne, %rem3A_1068, %ne3A_1069 : i32
      %and3A_1071 = arith.andi %ne3A_1067, %ne3A_1070 : i1
      %sub3A_1072 = arith.constant 1 : i32
      %sub3A_1073 = arith.subi %div3A_1052, %sub3A_1072 : i32
      %select_n3A_1074 = arith.select %and3A_1071, %sub3A_1073, %div3A_1052 : i32
      %mul3A_1075 = arith.constant 128 : i32
      %mul3A_1076 = arith.muli %add3A_1049, %mul3A_1075 : i32
      %dma_wait3A_1077 = arith.constant 1 : i32
      %dma_wait3A_1078 = arith.constant 1 : i32
      %dma_wait3A_1079 = arith.constant 0 : i32
      %dma_wait3A_1080 = arith.constant 0 : i32
      %dma_wait3A_1081 = tpu.memref_slice %arg8[%dma_wait3A_1077, %dma_wait3A_1079, %dma_wait3A_1080] : memref<5x128x64xf32, #tpu.memory_space<vmem>> -> memref<1x128x64xf32, #tpu.memory_space<vmem>>
      %dma_wait3A_1082 = tpu.memref_squeeze %dma_wait3A_1081 : memref<1x128x64xf32, #tpu.memory_space<vmem>> -> memref<128x64xf32, #tpu.memory_space<vmem>>
      %dma_wait3A_1083 = tpu.memref_slice %arg6[%mul3A_1076] : memref<25600xi32, #tpu.memory_space<vmem>> -> memref<128xi32, #tpu.memory_space<vmem>>
      %dma_wait3A_1084 = arith.constant 0 : i32
      %dma_wait3A_1085 = arith.constant 0 : i32
      %dma_wait3A_1086 = tpu.memref_slice %arg4[%dma_wait3A_1084, %dma_wait3A_1085] : memref<100000x64xf32, #tpu.memory_space<hbm>> -> memref<100000x64xf32, #tpu.memory_space<hbm>>
      %dma_wait3A_1087 = tpu.memref_slice %arg10[%dma_wait3A_1078] : memref<5x!tpu.dma_semaphore, #tpu.memory_space<semaphore_mem>> -> memref<1x!tpu.dma_semaphore, #tpu.memory_space<semaphore_mem>>
      %dma_wait3A_1088 = tpu.memref_squeeze %dma_wait3A_1087 : memref<1x!tpu.dma_semaphore, #tpu.memory_space<semaphore_mem>> -> memref<!tpu.dma_semaphore, #tpu.memory_space<semaphore_mem>>
      tpu.wait_indirect_dma semaphore(%dma_wait3A_1088 : memref<!tpu.dma_semaphore, #tpu.memory_space<semaphore_mem>>) src(%dma_wait3A_1086 : memref<100000x64xf32, #tpu.memory_space<hbm>>) dst(%dma_wait3A_1082 : memref<128x64xf32, #tpu.memory_space<vmem>>)
      %gt3A_1089 = arith.constant 0 : i32
      %gt3A_1090 = arith.cmpi sgt, %scan3A_835, %gt3A_1089 : i32
      %convert_element_type3A_1091 = arith.extui %gt3A_1090 : i1 to i32
      %cond3A_1092 = arith.constant 0 : i32
      %cond3A_1093 = arith.cmpi ne, %convert_element_type3A_1091, %cond3A_1092 : i32
      scf.if %cond3A_1093 {
        %sub3A_1907 = arith.constant 1 : i32
        %sub3A_1908 = arith.subi %scan3A_835, %sub3A_1907 : i32
        %mul3A_1909 = arith.constant 5 : i32
        %mul3A_1910 = arith.muli %sub3A_1908, %mul3A_1909 : i32
        %add3A_1911 = arith.addi %mul3A_2, %mul3A_1910 : i32
        %add3A_1912 = arith.constant 1 : i32
        %add3A_1913 = arith.addi %add3A_1911, %add3A_1912 : i32
        %jit3A_1914 = arith.constant 32 : i32
        %div3A_1915 = arith.divsi %add3A_1913, %jit3A_1914 : i32
        %sign3A_1916 = arith.constant 0 : i32
        %sign3A_1917 = arith.cmpi sgt, %add3A_1913, %sign3A_1916 : i32
        %sign3A_1918 = arith.extui %sign3A_1917 : i1 to i32
        %sign3A_1919 = arith.constant 0 : i32
        %sign3A_1920 = arith.cmpi slt, %add3A_1913, %sign3A_1919 : i32
        %sign3A_1921 = arith.extui %sign3A_1920 : i1 to i32
        %sign3A_1922 = arith.subi %sign3A_1918, %sign3A_1921 : i32
        %sign3A_1923 = arith.constant 0 : i32
        %sign3A_1924 = arith.cmpi sgt, %jit3A_1914, %sign3A_1923 : i32
        %sign3A_1925 = arith.extui %sign3A_1924 : i1 to i32
        %sign3A_1926 = arith.constant 0 : i32
        %sign3A_1927 = arith.cmpi slt, %jit3A_1914, %sign3A_1926 : i32
        %sign3A_1928 = arith.extui %sign3A_1927 : i1 to i32
        %sign3A_1929 = arith.subi %sign3A_1925, %sign3A_1928 : i32
        %ne3A_1930 = arith.cmpi ne, %sign3A_1922, %sign3A_1929 : i32
        %rem3A_1931 = arith.remsi %add3A_1913, %jit3A_1914 : i32
        %ne3A_1932 = arith.constant 0 : i32
        %ne3A_1933 = arith.cmpi ne, %rem3A_1931, %ne3A_1932 : i32
        %and3A_1934 = arith.andi %ne3A_1930, %ne3A_1933 : i1
        %sub3A_1935 = arith.constant 1 : i32
        %sub3A_1936 = arith.subi %div3A_1915, %sub3A_1935 : i32
        %select_n3A_1937 = arith.select %and3A_1934, %sub3A_1936, %div3A_1915 : i32
        %rem3A_1938 = arith.constant 32 : i32
        %rem3A_1939 = arith.remsi %add3A_1913, %rem3A_1938 : i32
        %mul3A_1940 = arith.constant 8 : i32
        %mul3A_1941 = arith.muli %select_n3A_1937, %mul3A_1940 : i32
        %mul3A_1942 = arith.constant 32 : i32
        %mul3A_1943 = arith.muli %mul3A_1941, %mul3A_1942 : i32
        %add3A_1944 = arith.addi %mul3A_1943, %rem3A_1939 : i32
        %mul3A_1945 = arith.constant 1024 : i32
        %mul3A_1946 = arith.muli %add3A_1944, %mul3A_1945 : i32
        %add3A_1947 = arith.constant 0 : i32
        %add3A_1948 = arith.addi %mul3A_1946, %add3A_1947 : i32
        %add3A_1949 = arith.constant 32768 : i32
        %add3A_1950 = arith.addi %mul3A_1946, %add3A_1949 : i32
        %add3A_1951 = arith.constant 65536 : i32
        %add3A_1952 = arith.addi %mul3A_1946, %add3A_1951 : i32
        %add3A_1953 = arith.constant 98304 : i32
        %add3A_1954 = arith.addi %mul3A_1946, %add3A_1953 : i32
        %add3A_1955 = arith.constant 131072 : i32
        %add3A_1956 = arith.addi %mul3A_1946, %add3A_1955 : i32
        %add3A_1957 = arith.constant 163840 : i32
        %add3A_1958 = arith.addi %mul3A_1946, %add3A_1957 : i32
        %add3A_1959 = arith.constant 196608 : i32
        %add3A_1960 = arith.addi %mul3A_1946, %add3A_1959 : i32
        %add3A_1961 = arith.constant 229376 : i32
        %add3A_1962 = arith.addi %mul3A_1946, %add3A_1961 : i32
        %dma_wait3A_1963 = arith.constant 1 : i32
        %dma_wait3A_1964 = arith.constant 1 : i32
        %dma_wait3A_1965 = arith.constant 0 : i32
        %dma_wait3A_1966 = tpu.memref_slice %arg9[%dma_wait3A_1963, %dma_wait3A_1965] : memref<5x8192xf32, #tpu.memory_space<vmem>> -> memref<1x1024xf32, #tpu.memory_space<vmem>>
        %dma_wait3A_1967 = tpu.memref_squeeze %dma_wait3A_1966 : memref<1x1024xf32, #tpu.memory_space<vmem>> -> memref<1024xf32, #tpu.memory_space<vmem>>
        %dma_wait3A_1968 = tpu.memref_slice %arg5[%add3A_1948] : memref<52428800xf32, #tpu.memory_space<hbm>> -> memref<1024xf32, #tpu.memory_space<hbm>>
        %dma_wait3A_1969 = tpu.memref_slice %arg11[%dma_wait3A_1964] : memref<5x!tpu.dma_semaphore, #tpu.memory_space<semaphore_mem>> -> memref<1x!tpu.dma_semaphore, #tpu.memory_space<semaphore_mem>>
        %dma_wait3A_1970 = tpu.memref_squeeze %dma_wait3A_1969 : memref<1x!tpu.dma_semaphore, #tpu.memory_space<semaphore_mem>> -> memref<!tpu.dma_semaphore, #tpu.memory_space<semaphore_mem>>
        %dma_wait3A_1971 = tpu.memref_slice %arg5[%add3A_1948] : memref<52428800xf32, #tpu.memory_space<hbm>> -> memref<1024xf32, #tpu.memory_space<hbm>>
        %dma_wait3A_1972 = arith.constant 0 : i32
        %dma_wait3A_1973 = tpu.memref_slice %arg9[%dma_wait3A_1963, %dma_wait3A_1972] : memref<5x8192xf32, #tpu.memory_space<vmem>> -> memref<1x1024xf32, #tpu.memory_space<vmem>>
        %dma_wait3A_1974 = tpu.memref_squeeze %dma_wait3A_1973 : memref<1x1024xf32, #tpu.memory_space<vmem>> -> memref<1024xf32, #tpu.memory_space<vmem>>
        tpu.wait_dma2 semaphore(%dma_wait3A_1970 : memref<!tpu.dma_semaphore, #tpu.memory_space<semaphore_mem>>) src(%dma_wait3A_1974 : memref<1024xf32, #tpu.memory_space<vmem>>) dst(%dma_wait3A_1971 : memref<1024xf32, #tpu.memory_space<hbm>>)
        %dma_wait3A_1975 = arith.constant 1 : i32
        %dma_wait3A_1976 = arith.constant 1 : i32
        %dma_wait3A_1977 = arith.constant 1024 : i32
        %dma_wait3A_1978 = tpu.memref_slice %arg9[%dma_wait3A_1975, %dma_wait3A_1977] : memref<5x8192xf32, #tpu.memory_space<vmem>> -> memref<1x1024xf32, #tpu.memory_space<vmem>>
        %dma_wait3A_1979 = tpu.memref_squeeze %dma_wait3A_1978 : memref<1x1024xf32, #tpu.memory_space<vmem>> -> memref<1024xf32, #tpu.memory_space<vmem>>
        %dma_wait3A_1980 = tpu.memref_slice %arg5[%add3A_1950] : memref<52428800xf32, #tpu.memory_space<hbm>> -> memref<1024xf32, #tpu.memory_space<hbm>>
        %dma_wait3A_1981 = tpu.memref_slice %arg11[%dma_wait3A_1976] : memref<5x!tpu.dma_semaphore, #tpu.memory_space<semaphore_mem>> -> memref<1x!tpu.dma_semaphore, #tpu.memory_space<semaphore_mem>>
        %dma_wait3A_1982 = tpu.memref_squeeze %dma_wait3A_1981 : memref<1x!tpu.dma_semaphore, #tpu.memory_space<semaphore_mem>> -> memref<!tpu.dma_semaphore, #tpu.memory_space<semaphore_mem>>
        %dma_wait3A_1983 = tpu.memref_slice %arg5[%add3A_1950] : memref<52428800xf32, #tpu.memory_space<hbm>> -> memref<1024xf32, #tpu.memory_space<hbm>>
        %dma_wait3A_1984 = arith.constant 1024 : i32
        %dma_wait3A_1985 = tpu.memref_slice %arg9[%dma_wait3A_1975, %dma_wait3A_1984] : memref<5x8192xf32, #tpu.memory_space<vmem>> -> memref<1x1024xf32, #tpu.memory_space<vmem>>
        %dma_wait3A_1986 = tpu.memref_squeeze %dma_wait3A_1985 : memref<1x1024xf32, #tpu.memory_space<vmem>> -> memref<1024xf32, #tpu.memory_space<vmem>>
        tpu.wait_dma2 semaphore(%dma_wait3A_1982 : memref<!tpu.dma_semaphore, #tpu.memory_space<semaphore_mem>>) src(%dma_wait3A_1986 : memref<1024xf32, #tpu.memory_space<vmem>>) dst(%dma_wait3A_1983 : memref<1024xf32, #tpu.memory_space<hbm>>)
        %dma_wait3A_1987 = arith.constant 1 : i32
        %dma_wait3A_1988 = arith.constant 1 : i32
        %dma_wait3A_1989 = arith.constant 2048 : i32
        %dma_wait3A_1990 = tpu.memref_slice %arg9[%dma_wait3A_1987, %dma_wait3A_1989] : memref<5x8192xf32, #tpu.memory_space<vmem>> -> memref<1x1024xf32, #tpu.memory_space<vmem>>
        %dma_wait3A_1991 = tpu.memref_squeeze %dma_wait3A_1990 : memref<1x1024xf32, #tpu.memory_space<vmem>> -> memref<1024xf32, #tpu.memory_space<vmem>>
        %dma_wait3A_1992 = tpu.memref_slice %arg5[%add3A_1952] : memref<52428800xf32, #tpu.memory_space<hbm>> -> memref<1024xf32, #tpu.memory_space<hbm>>
        %dma_wait3A_1993 = tpu.memref_slice %arg11[%dma_wait3A_1988] : memref<5x!tpu.dma_semaphore, #tpu.memory_space<semaphore_mem>> -> memref<1x!tpu.dma_semaphore, #tpu.memory_space<semaphore_mem>>
        %dma_wait3A_1994 = tpu.memref_squeeze %dma_wait3A_1993 : memref<1x!tpu.dma_semaphore, #tpu.memory_space<semaphore_mem>> -> memref<!tpu.dma_semaphore, #tpu.memory_space<semaphore_mem>>
        %dma_wait3A_1995 = tpu.memref_slice %arg5[%add3A_1952] : memref<52428800xf32, #tpu.memory_space<hbm>> -> memref<1024xf32, #tpu.memory_space<hbm>>
        %dma_wait3A_1996 = arith.constant 2048 : i32
        %dma_wait3A_1997 = tpu.memref_slice %arg9[%dma_wait3A_1987, %dma_wait3A_1996] : memref<5x8192xf32, #tpu.memory_space<vmem>> -> memref<1x1024xf32, #tpu.memory_space<vmem>>
        %dma_wait3A_1998 = tpu.memref_squeeze %dma_wait3A_1997 : memref<1x1024xf32, #tpu.memory_space<vmem>> -> memref<1024xf32, #tpu.memory_space<vmem>>
        tpu.wait_dma2 semaphore(%dma_wait3A_1994 : memref<!tpu.dma_semaphore, #tpu.memory_space<semaphore_mem>>) src(%dma_wait3A_1998 : memref<1024xf32, #tpu.memory_space<vmem>>) dst(%dma_wait3A_1995 : memref<1024xf32, #tpu.memory_space<hbm>>)
        %dma_wait3A_1999 = arith.constant 1 : i32
        %dma_wait3A_2000 = arith.constant 1 : i32
        %dma_wait3A_2001 = arith.constant 3072 : i32
        %dma_wait3A_2002 = tpu.memref_slice %arg9[%dma_wait3A_1999, %dma_wait3A_2001] : memref<5x8192xf32, #tpu.memory_space<vmem>> -> memref<1x1024xf32, #tpu.memory_space<vmem>>
        %dma_wait3A_2003 = tpu.memref_squeeze %dma_wait3A_2002 : memref<1x1024xf32, #tpu.memory_space<vmem>> -> memref<1024xf32, #tpu.memory_space<vmem>>
        %dma_wait3A_2004 = tpu.memref_slice %arg5[%add3A_1954] : memref<52428800xf32, #tpu.memory_space<hbm>> -> memref<1024xf32, #tpu.memory_space<hbm>>
        %dma_wait3A_2005 = tpu.memref_slice %arg11[%dma_wait3A_2000] : memref<5x!tpu.dma_semaphore, #tpu.memory_space<semaphore_mem>> -> memref<1x!tpu.dma_semaphore, #tpu.memory_space<semaphore_mem>>
        %dma_wait3A_2006 = tpu.memref_squeeze %dma_wait3A_2005 : memref<1x!tpu.dma_semaphore, #tpu.memory_space<semaphore_mem>> -> memref<!tpu.dma_semaphore, #tpu.memory_space<semaphore_mem>>
        %dma_wait3A_2007 = tpu.memref_slice %arg5[%add3A_1954] : memref<52428800xf32, #tpu.memory_space<hbm>> -> memref<1024xf32, #tpu.memory_space<hbm>>
        %dma_wait3A_2008 = arith.constant 3072 : i32
        %dma_wait3A_2009 = tpu.memref_slice %arg9[%dma_wait3A_1999, %dma_wait3A_2008] : memref<5x8192xf32, #tpu.memory_space<vmem>> -> memref<1x1024xf32, #tpu.memory_space<vmem>>
        %dma_wait3A_2010 = tpu.memref_squeeze %dma_wait3A_2009 : memref<1x1024xf32, #tpu.memory_space<vmem>> -> memref<1024xf32, #tpu.memory_space<vmem>>
        tpu.wait_dma2 semaphore(%dma_wait3A_2006 : memref<!tpu.dma_semaphore, #tpu.memory_space<semaphore_mem>>) src(%dma_wait3A_2010 : memref<1024xf32, #tpu.memory_space<vmem>>) dst(%dma_wait3A_2007 : memref<1024xf32, #tpu.memory_space<hbm>>)
        %dma_wait3A_2011 = arith.constant 1 : i32
        %dma_wait3A_2012 = arith.constant 1 : i32
        %dma_wait3A_2013 = arith.constant 4096 : i32
        %dma_wait3A_2014 = tpu.memref_slice %arg9[%dma_wait3A_2011, %dma_wait3A_2013] : memref<5x8192xf32, #tpu.memory_space<vmem>> -> memref<1x1024xf32, #tpu.memory_space<vmem>>
        %dma_wait3A_2015 = tpu.memref_squeeze %dma_wait3A_2014 : memref<1x1024xf32, #tpu.memory_space<vmem>> -> memref<1024xf32, #tpu.memory_space<vmem>>
        %dma_wait3A_2016 = tpu.memref_slice %arg5[%add3A_1956] : memref<52428800xf32, #tpu.memory_space<hbm>> -> memref<1024xf32, #tpu.memory_space<hbm>>
        %dma_wait3A_2017 = tpu.memref_slice %arg11[%dma_wait3A_2012] : memref<5x!tpu.dma_semaphore, #tpu.memory_space<semaphore_mem>> -> memref<1x!tpu.dma_semaphore, #tpu.memory_space<semaphore_mem>>
        %dma_wait3A_2018 = tpu.memref_squeeze %dma_wait3A_2017 : memref<1x!tpu.dma_semaphore, #tpu.memory_space<semaphore_mem>> -> memref<!tpu.dma_semaphore, #tpu.memory_space<semaphore_mem>>
        %dma_wait3A_2019 = tpu.memref_slice %arg5[%add3A_1956] : memref<52428800xf32, #tpu.memory_space<hbm>> -> memref<1024xf32, #tpu.memory_space<hbm>>
        %dma_wait3A_2020 = arith.constant 4096 : i32
        %dma_wait3A_2021 = tpu.memref_slice %arg9[%dma_wait3A_2011, %dma_wait3A_2020] : memref<5x8192xf32, #tpu.memory_space<vmem>> -> memref<1x1024xf32, #tpu.memory_space<vmem>>
        %dma_wait3A_2022 = tpu.memref_squeeze %dma_wait3A_2021 : memref<1x1024xf32, #tpu.memory_space<vmem>> -> memref<1024xf32, #tpu.memory_space<vmem>>
        tpu.wait_dma2 semaphore(%dma_wait3A_2018 : memref<!tpu.dma_semaphore, #tpu.memory_space<semaphore_mem>>) src(%dma_wait3A_2022 : memref<1024xf32, #tpu.memory_space<vmem>>) dst(%dma_wait3A_2019 : memref<1024xf32, #tpu.memory_space<hbm>>)
        %dma_wait3A_2023 = arith.constant 1 : i32
        %dma_wait3A_2024 = arith.constant 1 : i32
        %dma_wait3A_2025 = arith.constant 5120 : i32
        %dma_wait3A_2026 = tpu.memref_slice %arg9[%dma_wait3A_2023, %dma_wait3A_2025] : memref<5x8192xf32, #tpu.memory_space<vmem>> -> memref<1x1024xf32, #tpu.memory_space<vmem>>
        %dma_wait3A_2027 = tpu.memref_squeeze %dma_wait3A_2026 : memref<1x1024xf32, #tpu.memory_space<vmem>> -> memref<1024xf32, #tpu.memory_space<vmem>>
        %dma_wait3A_2028 = tpu.memref_slice %arg5[%add3A_1958] : memref<52428800xf32, #tpu.memory_space<hbm>> -> memref<1024xf32, #tpu.memory_space<hbm>>
        %dma_wait3A_2029 = tpu.memref_slice %arg11[%dma_wait3A_2024] : memref<5x!tpu.dma_semaphore, #tpu.memory_space<semaphore_mem>> -> memref<1x!tpu.dma_semaphore, #tpu.memory_space<semaphore_mem>>
        %dma_wait3A_2030 = tpu.memref_squeeze %dma_wait3A_2029 : memref<1x!tpu.dma_semaphore, #tpu.memory_space<semaphore_mem>> -> memref<!tpu.dma_semaphore, #tpu.memory_space<semaphore_mem>>
        %dma_wait3A_2031 = tpu.memref_slice %arg5[%add3A_1958] : memref<52428800xf32, #tpu.memory_space<hbm>> -> memref<1024xf32, #tpu.memory_space<hbm>>
        %dma_wait3A_2032 = arith.constant 5120 : i32
        %dma_wait3A_2033 = tpu.memref_slice %arg9[%dma_wait3A_2023, %dma_wait3A_2032] : memref<5x8192xf32, #tpu.memory_space<vmem>> -> memref<1x1024xf32, #tpu.memory_space<vmem>>
        %dma_wait3A_2034 = tpu.memref_squeeze %dma_wait3A_2033 : memref<1x1024xf32, #tpu.memory_space<vmem>> -> memref<1024xf32, #tpu.memory_space<vmem>>
        tpu.wait_dma2 semaphore(%dma_wait3A_2030 : memref<!tpu.dma_semaphore, #tpu.memory_space<semaphore_mem>>) src(%dma_wait3A_2034 : memref<1024xf32, #tpu.memory_space<vmem>>) dst(%dma_wait3A_2031 : memref<1024xf32, #tpu.memory_space<hbm>>)
        %dma_wait3A_2035 = arith.constant 1 : i32
        %dma_wait3A_2036 = arith.constant 1 : i32
        %dma_wait3A_2037 = arith.constant 6144 : i32
        %dma_wait3A_2038 = tpu.memref_slice %arg9[%dma_wait3A_2035, %dma_wait3A_2037] : memref<5x8192xf32, #tpu.memory_space<vmem>> -> memref<1x1024xf32, #tpu.memory_space<vmem>>
        %dma_wait3A_2039 = tpu.memref_squeeze %dma_wait3A_2038 : memref<1x1024xf32, #tpu.memory_space<vmem>> -> memref<1024xf32, #tpu.memory_space<vmem>>
        %dma_wait3A_2040 = tpu.memref_slice %arg5[%add3A_1960] : memref<52428800xf32, #tpu.memory_space<hbm>> -> memref<1024xf32, #tpu.memory_space<hbm>>
        %dma_wait3A_2041 = tpu.memref_slice %arg11[%dma_wait3A_2036] : memref<5x!tpu.dma_semaphore, #tpu.memory_space<semaphore_mem>> -> memref<1x!tpu.dma_semaphore, #tpu.memory_space<semaphore_mem>>
        %dma_wait3A_2042 = tpu.memref_squeeze %dma_wait3A_2041 : memref<1x!tpu.dma_semaphore, #tpu.memory_space<semaphore_mem>> -> memref<!tpu.dma_semaphore, #tpu.memory_space<semaphore_mem>>
        %dma_wait3A_2043 = tpu.memref_slice %arg5[%add3A_1960] : memref<52428800xf32, #tpu.memory_space<hbm>> -> memref<1024xf32, #tpu.memory_space<hbm>>
        %dma_wait3A_2044 = arith.constant 6144 : i32
        %dma_wait3A_2045 = tpu.memref_slice %arg9[%dma_wait3A_2035, %dma_wait3A_2044] : memref<5x8192xf32, #tpu.memory_space<vmem>> -> memref<1x1024xf32, #tpu.memory_space<vmem>>
        %dma_wait3A_2046 = tpu.memref_squeeze %dma_wait3A_2045 : memref<1x1024xf32, #tpu.memory_space<vmem>> -> memref<1024xf32, #tpu.memory_space<vmem>>
        tpu.wait_dma2 semaphore(%dma_wait3A_2042 : memref<!tpu.dma_semaphore, #tpu.memory_space<semaphore_mem>>) src(%dma_wait3A_2046 : memref<1024xf32, #tpu.memory_space<vmem>>) dst(%dma_wait3A_2043 : memref<1024xf32, #tpu.memory_space<hbm>>)
        %dma_wait3A_2047 = arith.constant 1 : i32
        %dma_wait3A_2048 = arith.constant 1 : i32
        %dma_wait3A_2049 = arith.constant 7168 : i32
        %dma_wait3A_2050 = tpu.memref_slice %arg9[%dma_wait3A_2047, %dma_wait3A_2049] : memref<5x8192xf32, #tpu.memory_space<vmem>> -> memref<1x1024xf32, #tpu.memory_space<vmem>>
        %dma_wait3A_2051 = tpu.memref_squeeze %dma_wait3A_2050 : memref<1x1024xf32, #tpu.memory_space<vmem>> -> memref<1024xf32, #tpu.memory_space<vmem>>
        %dma_wait3A_2052 = tpu.memref_slice %arg5[%add3A_1962] : memref<52428800xf32, #tpu.memory_space<hbm>> -> memref<1024xf32, #tpu.memory_space<hbm>>
        %dma_wait3A_2053 = tpu.memref_slice %arg11[%dma_wait3A_2048] : memref<5x!tpu.dma_semaphore, #tpu.memory_space<semaphore_mem>> -> memref<1x!tpu.dma_semaphore, #tpu.memory_space<semaphore_mem>>
        %dma_wait3A_2054 = tpu.memref_squeeze %dma_wait3A_2053 : memref<1x!tpu.dma_semaphore, #tpu.memory_space<semaphore_mem>> -> memref<!tpu.dma_semaphore, #tpu.memory_space<semaphore_mem>>
        %dma_wait3A_2055 = tpu.memref_slice %arg5[%add3A_1962] : memref<52428800xf32, #tpu.memory_space<hbm>> -> memref<1024xf32, #tpu.memory_space<hbm>>
        %dma_wait3A_2056 = arith.constant 7168 : i32
        %dma_wait3A_2057 = tpu.memref_slice %arg9[%dma_wait3A_2047, %dma_wait3A_2056] : memref<5x8192xf32, #tpu.memory_space<vmem>> -> memref<1x1024xf32, #tpu.memory_space<vmem>>
        %dma_wait3A_2058 = tpu.memref_squeeze %dma_wait3A_2057 : memref<1x1024xf32, #tpu.memory_space<vmem>> -> memref<1024xf32, #tpu.memory_space<vmem>>
        tpu.wait_dma2 semaphore(%dma_wait3A_2054 : memref<!tpu.dma_semaphore, #tpu.memory_space<semaphore_mem>>) src(%dma_wait3A_2058 : memref<1024xf32, #tpu.memory_space<vmem>>) dst(%dma_wait3A_2055 : memref<1024xf32, #tpu.memory_space<hbm>>)
      } else {
      }
      %get3A_1094 = arith.index_cast %select_n3A_1074 : i32 to index
      %get3A_1095 = arith.constant 0 : index
      %get3A_1096 = tpu.vector_load %arg7[%get3A_1094, %get3A_1095] {strides = array<i32>} : memref<200x64xf32, #tpu.memory_space<vmem>>, vector<16xf32>,
      %get3A_1097 = arith.index_cast %select_n3A_1074 : i32 to index
      %get3A_1098 = arith.constant 16 : index
      %get3A_1099 = tpu.vector_load %arg7[%get3A_1097, %get3A_1098] {strides = array<i32>} : memref<200x64xf32, #tpu.memory_space<vmem>>, vector<16xf32>,
      %get3A_1100 = arith.index_cast %select_n3A_1074 : i32 to index
      %get3A_1101 = arith.constant 32 : index
      %get3A_1102 = tpu.vector_load %arg7[%get3A_1100, %get3A_1101] {strides = array<i32>} : memref<200x64xf32, #tpu.memory_space<vmem>>, vector<16xf32>,
      %get3A_1103 = arith.index_cast %select_n3A_1074 : i32 to index
      %get3A_1104 = arith.constant 48 : index
      %get3A_1105 = tpu.vector_load %arg7[%get3A_1103, %get3A_1104] {strides = array<i32>} : memref<200x64xf32, #tpu.memory_space<vmem>>, vector<16xf32>,
      %parallel_loop3A_1106 = arith.constant 0 : i32
      %parallel_loop3A_1107 = arith.constant 128 : i32
      %parallel_loop3A_1108 = arith.constant 1 : i32
      scf.for %parallel_loop3A_1907 = %parallel_loop3A_1106 to %parallel_loop3A_1107 step %parallel_loop3A_1108  : i32 {
        %parallel_loop3A_1908 = arith.constant 1 : i32
        %parallel_loop3A_1909 = arith.constant 0 : i32
        %parallel_loop3A_1910 = arith.constant 0 : i32
        %parallel_loop3A_1911 = tpu.memref_slice %arg8[%parallel_loop3A_1908, %parallel_loop3A_1909, %parallel_loop3A_1910] : memref<5x128x64xf32, #tpu.memory_space<vmem>> -> memref<1x128x64xf32, #tpu.memory_space<vmem>>
        %parallel_loop3A_1912 = tpu.memref_squeeze %parallel_loop3A_1911 : memref<1x128x64xf32, #tpu.memory_space<vmem>> -> memref<128x64xf32, #tpu.memory_space<vmem>>
        %parallel_loop3A_1913 = arith.index_cast %parallel_loop3A_1907 : i32 to index
        %parallel_loop3A_1914 = arith.constant 0 : index
        %parallel_loop3A_1915 = tpu.vector_load %parallel_loop3A_1912[%parallel_loop3A_1913, %parallel_loop3A_1914] {strides = array<i32>} : memref<128x64xf32, #tpu.memory_space<vmem>>, vector<16xf32>,
        %parallel_loop3A_1916 = arith.addf %parallel_loop3A_1915, %get3A_1096 : vector<16xf32>
        %parallel_loop3A_1917 = vector.broadcast %parallel_loop3A_1907 : i32 to vector<16xi32>
        %parallel_loop3A_1918 = arith.addi %mul3A_10, %parallel_loop3A_1917 : vector<16xi32>
        %parallel_loop3A_1919 = arith.constant 1 : i32
        %parallel_loop3A_1920 = arith.constant 0 : i32
        %parallel_loop3A_1921 = tpu.memref_slice %arg9[%parallel_loop3A_1919, %parallel_loop3A_1920] : memref<5x8192xf32, #tpu.memory_space<vmem>> -> memref<1x8192xf32, #tpu.memory_space<vmem>>
        %parallel_loop3A_1922 = tpu.memref_squeeze %parallel_loop3A_1921 : memref<1x8192xf32, #tpu.memory_space<vmem>> -> memref<8192xf32, #tpu.memory_space<vmem>>
        tpu.vector_store_idx %parallel_loop3A_1922[%parallel_loop3A_1918], %parallel_loop3A_1916 : memref<8192xf32, #tpu.memory_space<vmem>>[vector<16xi32>], vector<16xf32>,
        %parallel_loop3A_1923 = arith.constant 1 : i32
        %parallel_loop3A_1924 = arith.constant 0 : i32
        %parallel_loop3A_1925 = arith.constant 0 : i32
        %parallel_loop3A_1926 = tpu.memref_slice %arg8[%parallel_loop3A_1923, %parallel_loop3A_1924, %parallel_loop3A_1925] : memref<5x128x64xf32, #tpu.memory_space<vmem>> -> memref<1x128x64xf32, #tpu.memory_space<vmem>>
        %parallel_loop3A_1927 = tpu.memref_squeeze %parallel_loop3A_1926 : memref<1x128x64xf32, #tpu.memory_space<vmem>> -> memref<128x64xf32, #tpu.memory_space<vmem>>
        %parallel_loop3A_1928 = arith.index_cast %parallel_loop3A_1907 : i32 to index
        %parallel_loop3A_1929 = arith.constant 16 : index
        %parallel_loop3A_1930 = tpu.vector_load %parallel_loop3A_1927[%parallel_loop3A_1928, %parallel_loop3A_1929] {strides = array<i32>} : memref<128x64xf32, #tpu.memory_space<vmem>>, vector<16xf32>,
        %parallel_loop3A_1931 = arith.addf %parallel_loop3A_1930, %get3A_1099 : vector<16xf32>
        %parallel_loop3A_1932 = vector.broadcast %parallel_loop3A_1907 : i32 to vector<16xi32>
        %parallel_loop3A_1933 = arith.addi %mul3A_16, %parallel_loop3A_1932 : vector<16xi32>
        %parallel_loop3A_1934 = arith.constant 1 : i32
        %parallel_loop3A_1935 = arith.constant 0 : i32
        %parallel_loop3A_1936 = tpu.memref_slice %arg9[%parallel_loop3A_1934, %parallel_loop3A_1935] : memref<5x8192xf32, #tpu.memory_space<vmem>> -> memref<1x8192xf32, #tpu.memory_space<vmem>>
        %parallel_loop3A_1937 = tpu.memref_squeeze %parallel_loop3A_1936 : memref<1x8192xf32, #tpu.memory_space<vmem>> -> memref<8192xf32, #tpu.memory_space<vmem>>
        tpu.vector_store_idx %parallel_loop3A_1937[%parallel_loop3A_1933], %parallel_loop3A_1931 : memref<8192xf32, #tpu.memory_space<vmem>>[vector<16xi32>], vector<16xf32>,
        %parallel_loop3A_1938 = arith.constant 1 : i32
        %parallel_loop3A_1939 = arith.constant 0 : i32
        %parallel_loop3A_1940 = arith.constant 0 : i32
        %parallel_loop3A_1941 = tpu.memref_slice %arg8[%parallel_loop3A_1938, %parallel_loop3A_1939, %parallel_loop3A_1940] : memref<5x128x64xf32, #tpu.memory_space<vmem>> -> memref<1x128x64xf32, #tpu.memory_space<vmem>>
        %parallel_loop3A_1942 = tpu.memref_squeeze %parallel_loop3A_1941 : memref<1x128x64xf32, #tpu.memory_space<vmem>> -> memref<128x64xf32, #tpu.memory_space<vmem>>
        %parallel_loop3A_1943 = arith.index_cast %parallel_loop3A_1907 : i32 to index
        %parallel_loop3A_1944 = arith.constant 32 : index
        %parallel_loop3A_1945 = tpu.vector_load %parallel_loop3A_1942[%parallel_loop3A_1943, %parallel_loop3A_1944] {strides = array<i32>} : memref<128x64xf32, #tpu.memory_space<vmem>>, vector<16xf32>,
        %parallel_loop3A_1946 = arith.addf %parallel_loop3A_1945, %get3A_1102 : vector<16xf32>
        %parallel_loop3A_1947 = vector.broadcast %parallel_loop3A_1907 : i32 to vector<16xi32>
        %parallel_loop3A_1948 = arith.addi %mul3A_22, %parallel_loop3A_1947 : vector<16xi32>
        %parallel_loop3A_1949 = arith.constant 1 : i32
        %parallel_loop3A_1950 = arith.constant 0 : i32
        %parallel_loop3A_1951 = tpu.memref_slice %arg9[%parallel_loop3A_1949, %parallel_loop3A_1950] : memref<5x8192xf32, #tpu.memory_space<vmem>> -> memref<1x8192xf32, #tpu.memory_space<vmem>>
        %parallel_loop3A_1952 = tpu.memref_squeeze %parallel_loop3A_1951 : memref<1x8192xf32, #tpu.memory_space<vmem>> -> memref<8192xf32, #tpu.memory_space<vmem>>
        tpu.vector_store_idx %parallel_loop3A_1952[%parallel_loop3A_1948], %parallel_loop3A_1946 : memref<8192xf32, #tpu.memory_space<vmem>>[vector<16xi32>], vector<16xf32>,
        %parallel_loop3A_1953 = arith.constant 1 : i32
        %parallel_loop3A_1954 = arith.constant 0 : i32
        %parallel_loop3A_1955 = arith.constant 0 : i32
        %parallel_loop3A_1956 = tpu.memref_slice %arg8[%parallel_loop3A_1953, %parallel_loop3A_1954, %parallel_loop3A_1955] : memref<5x128x64xf32, #tpu.memory_space<vmem>> -> memref<1x128x64xf32, #tpu.memory_space<vmem>>
        %parallel_loop3A_1957 = tpu.memref_squeeze %parallel_loop3A_1956 : memref<1x128x64xf32, #tpu.memory_space<vmem>> -> memref<128x64xf32, #tpu.memory_space<vmem>>
        %parallel_loop3A_1958 = arith.index_cast %parallel_loop3A_1907 : i32 to index
        %parallel_loop3A_1959 = arith.constant 48 : index
        %parallel_loop3A_1960 = tpu.vector_load %parallel_loop3A_1957[%parallel_loop3A_1958, %parallel_loop3A_1959] {strides = array<i32>} : memref<128x64xf32, #tpu.memory_space<vmem>>, vector<16xf32>,
        %parallel_loop3A_1961 = arith.addf %parallel_loop3A_1960, %get3A_1105 : vector<16xf32>
        %parallel_loop3A_1962 = vector.broadcast %parallel_loop3A_1907 : i32 to vector<16xi32>
        %parallel_loop3A_1963 = arith.addi %mul3A_28, %parallel_loop3A_1962 : vector<16xi32>
        %parallel_loop3A_1964 = arith.constant 1 : i32
        %parallel_loop3A_1965 = arith.constant 0 : i32
        %parallel_loop3A_1966 = tpu.memref_slice %arg9[%parallel_loop3A_1964, %parallel_loop3A_1965] : memref<5x8192xf32, #tpu.memory_space<vmem>> -> memref<1x8192xf32, #tpu.memory_space<vmem>>
        %parallel_loop3A_1967 = tpu.memref_squeeze %parallel_loop3A_1966 : memref<1x8192xf32, #tpu.memory_space<vmem>> -> memref<8192xf32, #tpu.memory_space<vmem>>
        tpu.vector_store_idx %parallel_loop3A_1967[%parallel_loop3A_1963], %parallel_loop3A_1961 : memref<8192xf32, #tpu.memory_space<vmem>>[vector<16xi32>], vector<16xf32>,
      } {sc.loop_unroll_factor = 8 : i64, sc.parallel_access}
      %add3A_1109 = arith.constant 5 : i32
      %add3A_1110 = arith.addi %add3A_1049, %add3A_1109 : i32
      %lt3A_1111 = arith.constant 200 : i32
      %lt3A_1112 = arith.cmpi slt, %add3A_1110, %lt3A_1111 : i32
      %convert_element_type3A_1113 = arith.extui %lt3A_1112 : i1 to i32
      %cond3A_1114 = arith.constant 0 : i32
      %cond3A_1115 = arith.cmpi ne, %convert_element_type3A_1113, %cond3A_1114 : i32
      scf.if %cond3A_1115 {
        %add3A_1907 = arith.constant 5 : i32
        %add3A_1908 = arith.addi %add3A_1049, %add3A_1907 : i32
        %mul3A_1909 = arith.constant 128 : i32
        %mul3A_1910 = arith.muli %add3A_1908, %mul3A_1909 : i32
        %dma_start3A_1911 = arith.constant 1 : i32
        %dma_start3A_1912 = arith.constant 1 : i32
        %dma_start3A_1913 = arith.constant 0 : i32
        %dma_start3A_1914 = arith.constant 0 : i32
        %dma_start3A_1915 = tpu.memref_slice %arg8[%dma_start3A_1911, %dma_start3A_1913, %dma_start3A_1914] : memref<5x128x64xf32, #tpu.memory_space<vmem>> -> memref<1x128x64xf32, #tpu.memory_space<vmem>>
        %dma_start3A_1916 = tpu.memref_squeeze %dma_start3A_1915 : memref<1x128x64xf32, #tpu.memory_space<vmem>> -> memref<128x64xf32, #tpu.memory_space<vmem>>
        %dma_start3A_1917 = tpu.memref_slice %arg6[%mul3A_1910] : memref<25600xi32, #tpu.memory_space<vmem>> -> memref<128xi32, #tpu.memory_space<vmem>>
        %dma_start3A_1918 = arith.constant 0 : i32
        %dma_start3A_1919 = arith.constant 0 : i32
        %dma_start3A_1920 = tpu.memref_slice %arg4[%dma_start3A_1918, %dma_start3A_1919] : memref<100000x64xf32, #tpu.memory_space<hbm>> -> memref<100000x64xf32, #tpu.memory_space<hbm>>
        %dma_start3A_1921 = tpu.memref_slice %arg10[%dma_start3A_1912] : memref<5x!tpu.dma_semaphore, #tpu.memory_space<semaphore_mem>> -> memref<1x!tpu.dma_semaphore, #tpu.memory_space<semaphore_mem>>
        %dma_start3A_1922 = tpu.memref_squeeze %dma_start3A_1921 : memref<1x!tpu.dma_semaphore, #tpu.memory_space<semaphore_mem>> -> memref<!tpu.dma_semaphore, #tpu.memory_space<semaphore_mem>>
        tpu.enqueue_indirect_dma source(%dma_start3A_1920 : memref<100000x64xf32, #tpu.memory_space<hbm>>) target(%dma_start3A_1916 : memref<128x64xf32, #tpu.memory_space<vmem>>) offsets(%dma_start3A_1917 : memref<128xi32, #tpu.memory_space<vmem>>) semaphore(%dma_start3A_1922 : memref<!tpu.dma_semaphore, #tpu.memory_space<semaphore_mem>>)
      } else {
      }
      %jit3A_1116 = arith.constant 32 : i32
      %div3A_1117 = arith.divsi %add3A_1050, %jit3A_1116 : i32
      %sign3A_1118 = arith.constant 0 : i32
      %sign3A_1119 = arith.cmpi sgt, %add3A_1050, %sign3A_1118 : i32
      %sign3A_1120 = arith.extui %sign3A_1119 : i1 to i32
      %sign3A_1121 = arith.constant 0 : i32
      %sign3A_1122 = arith.cmpi slt, %add3A_1050, %sign3A_1121 : i32
      %sign3A_1123 = arith.extui %sign3A_1122 : i1 to i32
      %sign3A_1124 = arith.subi %sign3A_1120, %sign3A_1123 : i32
      %sign3A_1125 = arith.constant 0 : i32
      %sign3A_1126 = arith.cmpi sgt, %jit3A_1116, %sign3A_1125 : i32
      %sign3A_1127 = arith.extui %sign3A_1126 : i1 to i32
      %sign3A_1128 = arith.constant 0 : i32
      %sign3A_1129 = arith.cmpi slt, %jit3A_1116, %sign3A_1128 : i32
      %sign3A_1130 = arith.extui %sign3A_1129 : i1 to i32
      %sign3A_1131 = arith.subi %sign3A_1127, %sign3A_1130 : i32
      %ne3A_1132 = arith.cmpi ne, %sign3A_1124, %sign3A_1131 : i32
      %rem3A_1133 = arith.remsi %add3A_1050, %jit3A_1116 : i32
      %ne3A_1134 = arith.constant 0 : i32
      %ne3A_1135 = arith.cmpi ne, %rem3A_1133, %ne3A_1134 : i32
      %and3A_1136 = arith.andi %ne3A_1132, %ne3A_1135 : i1
      %sub3A_1137 = arith.constant 1 : i32
      %sub3A_1138 = arith.subi %div3A_1117, %sub3A_1137 : i32
      %select_n3A_1139 = arith.select %and3A_1136, %sub3A_1138, %div3A_1117 : i32
      %rem3A_1140 = arith.constant 32 : i32
      %rem3A_1141 = arith.remsi %add3A_1050, %rem3A_1140 : i32
      %mul3A_1142 = arith.constant 8 : i32
      %mul3A_1143 = arith.muli %select_n3A_1139, %mul3A_1142 : i32
      %mul3A_1144 = arith.constant 32 : i32
      %mul3A_1145 = arith.muli %mul3A_1143, %mul3A_1144 : i32
      %add3A_1146 = arith.addi %mul3A_1145, %rem3A_1141 : i32
      %mul3A_1147 = arith.constant 1024 : i32
      %mul3A_1148 = arith.muli %add3A_1146, %mul3A_1147 : i32
      %add3A_1149 = arith.constant 0 : i32
      %add3A_1150 = arith.addi %mul3A_1148, %add3A_1149 : i32
      %add3A_1151 = arith.constant 32768 : i32
      %add3A_1152 = arith.addi %mul3A_1148, %add3A_1151 : i32
      %add3A_1153 = arith.constant 65536 : i32
      %add3A_1154 = arith.addi %mul3A_1148, %add3A_1153 : i32
      %add3A_1155 = arith.constant 98304 : i32
      %add3A_1156 = arith.addi %mul3A_1148, %add3A_1155 : i32
      %add3A_1157 = arith.constant 131072 : i32
      %add3A_1158 = arith.addi %mul3A_1148, %add3A_1157 : i32
      %add3A_1159 = arith.constant 163840 : i32
      %add3A_1160 = arith.addi %mul3A_1148, %add3A_1159 : i32
      %add3A_1161 = arith.constant 196608 : i32
      %add3A_1162 = arith.addi %mul3A_1148, %add3A_1161 : i32
      %add3A_1163 = arith.constant 229376 : i32
      %add3A_1164 = arith.addi %mul3A_1148, %add3A_1163 : i32
      %dma_start3A_1165 = arith.constant 1 : i32
      %dma_start3A_1166 = arith.constant 1 : i32
      %dma_start3A_1167 = arith.constant 0 : i32
      %dma_start3A_1168 = tpu.memref_slice %arg9[%dma_start3A_1165, %dma_start3A_1167] : memref<5x8192xf32, #tpu.memory_space<vmem>> -> memref<1x1024xf32, #tpu.memory_space<vmem>>
      %dma_start3A_1169 = tpu.memref_squeeze %dma_start3A_1168 : memref<1x1024xf32, #tpu.memory_space<vmem>> -> memref<1024xf32, #tpu.memory_space<vmem>>
      %dma_start3A_1170 = tpu.memref_slice %arg5[%add3A_1150] : memref<52428800xf32, #tpu.memory_space<hbm>> -> memref<1024xf32, #tpu.memory_space<hbm>>
      %dma_start3A_1171 = tpu.memref_slice %arg11[%dma_start3A_1166] : memref<5x!tpu.dma_semaphore, #tpu.memory_space<semaphore_mem>> -> memref<1x!tpu.dma_semaphore, #tpu.memory_space<semaphore_mem>>
      %dma_start3A_1172 = tpu.memref_squeeze %dma_start3A_1171 : memref<1x!tpu.dma_semaphore, #tpu.memory_space<semaphore_mem>> -> memref<!tpu.dma_semaphore, #tpu.memory_space<semaphore_mem>>
      %dma_start3A_1173 = tpu.memref_slice %arg5[%add3A_1150] : memref<52428800xf32, #tpu.memory_space<hbm>> -> memref<1024xf32, #tpu.memory_space<hbm>>
      %dma_start3A_1174 = arith.constant 0 : i32
      %dma_start3A_1175 = tpu.memref_slice %arg9[%dma_start3A_1165, %dma_start3A_1174] : memref<5x8192xf32, #tpu.memory_space<vmem>> -> memref<1x1024xf32, #tpu.memory_space<vmem>>
      %dma_start3A_1176 = tpu.memref_squeeze %dma_start3A_1175 : memref<1x1024xf32, #tpu.memory_space<vmem>> -> memref<1024xf32, #tpu.memory_space<vmem>>
      tpu.enqueue_dma source(%dma_start3A_1176 : memref<1024xf32, #tpu.memory_space<vmem>>) target(%dma_start3A_1173 : memref<1024xf32, #tpu.memory_space<hbm>>) target_semaphore(%dma_start3A_1172 : memref<!tpu.dma_semaphore, #tpu.memory_space<semaphore_mem>>)
      %dma_start3A_1177 = arith.constant 1 : i32
      %dma_start3A_1178 = arith.constant 1 : i32
      %dma_start3A_1179 = arith.constant 1024 : i32
      %dma_start3A_1180 = tpu.memref_slice %arg9[%dma_start3A_1177, %dma_start3A_1179] : memref<5x8192xf32, #tpu.memory_space<vmem>> -> memref<1x1024xf32, #tpu.memory_space<vmem>>
      %dma_start3A_1181 = tpu.memref_squeeze %dma_start3A_1180 : memref<1x1024xf32, #tpu.memory_space<vmem>> -> memref<1024xf32, #tpu.memory_space<vmem>>
      %dma_start3A_1182 = tpu.memref_slice %arg5[%add3A_1152] : memref<52428800xf32, #tpu.memory_space<hbm>> -> memref<1024xf32, #tpu.memory_space<hbm>>
      %dma_start3A_1183 = tpu.memref_slice %arg11[%dma_start3A_1178] : memref<5x!tpu.dma_semaphore, #tpu.memory_space<semaphore_mem>> -> memref<1x!tpu.dma_semaphore, #tpu.memory_space<semaphore_mem>>
      %dma_start3A_1184 = tpu.memref_squeeze %dma_start3A_1183 : memref<1x!tpu.dma_semaphore, #tpu.memory_space<semaphore_mem>> -> memref<!tpu.dma_semaphore, #tpu.memory_space<semaphore_mem>>
      %dma_start3A_1185 = tpu.memref_slice %arg5[%add3A_1152] : memref<52428800xf32, #tpu.memory_space<hbm>> -> memref<1024xf32, #tpu.memory_space<hbm>>
      %dma_start3A_1186 = arith.constant 1024 : i32
      %dma_start3A_1187 = tpu.memref_slice %arg9[%dma_start3A_1177, %dma_start3A_1186] : memref<5x8192xf32, #tpu.memory_space<vmem>> -> memref<1x1024xf32, #tpu.memory_space<vmem>>
      %dma_start3A_1188 = tpu.memref_squeeze %dma_start3A_1187 : memref<1x1024xf32, #tpu.memory_space<vmem>> -> memref<1024xf32, #tpu.memory_space<vmem>>
      tpu.enqueue_dma source(%dma_start3A_1188 : memref<1024xf32, #tpu.memory_space<vmem>>) target(%dma_start3A_1185 : memref<1024xf32, #tpu.memory_space<hbm>>) target_semaphore(%dma_start3A_1184 : memref<!tpu.dma_semaphore, #tpu.memory_space<semaphore_mem>>)
      %dma_start3A_1189 = arith.constant 1 : i32
      %dma_start3A_1190 = arith.constant 1 : i32
      %dma_start3A_1191 = arith.constant 2048 : i32
      %dma_start3A_1192 = tpu.memref_slice %arg9[%dma_start3A_1189, %dma_start3A_1191] : memref<5x8192xf32, #tpu.memory_space<vmem>> -> memref<1x1024xf32, #tpu.memory_space<vmem>>
      %dma_start3A_1193 = tpu.memref_squeeze %dma_start3A_1192 : memref<1x1024xf32, #tpu.memory_space<vmem>> -> memref<1024xf32, #tpu.memory_space<vmem>>
      %dma_start3A_1194 = tpu.memref_slice %arg5[%add3A_1154] : memref<52428800xf32, #tpu.memory_space<hbm>> -> memref<1024xf32, #tpu.memory_space<hbm>>
      %dma_start3A_1195 = tpu.memref_slice %arg11[%dma_start3A_1190] : memref<5x!tpu.dma_semaphore, #tpu.memory_space<semaphore_mem>> -> memref<1x!tpu.dma_semaphore, #tpu.memory_space<semaphore_mem>>
      %dma_start3A_1196 = tpu.memref_squeeze %dma_start3A_1195 : memref<1x!tpu.dma_semaphore, #tpu.memory_space<semaphore_mem>> -> memref<!tpu.dma_semaphore, #tpu.memory_space<semaphore_mem>>
      %dma_start3A_1197 = tpu.memref_slice %arg5[%add3A_1154] : memref<52428800xf32, #tpu.memory_space<hbm>> -> memref<1024xf32, #tpu.memory_space<hbm>>
      %dma_start3A_1198 = arith.constant 2048 : i32
      %dma_start3A_1199 = tpu.memref_slice %arg9[%dma_start3A_1189, %dma_start3A_1198] : memref<5x8192xf32, #tpu.memory_space<vmem>> -> memref<1x1024xf32, #tpu.memory_space<vmem>>
      %dma_start3A_1200 = tpu.memref_squeeze %dma_start3A_1199 : memref<1x1024xf32, #tpu.memory_space<vmem>> -> memref<1024xf32, #tpu.memory_space<vmem>>
      tpu.enqueue_dma source(%dma_start3A_1200 : memref<1024xf32, #tpu.memory_space<vmem>>) target(%dma_start3A_1197 : memref<1024xf32, #tpu.memory_space<hbm>>) target_semaphore(%dma_start3A_1196 : memref<!tpu.dma_semaphore, #tpu.memory_space<semaphore_mem>>)
      %dma_start3A_1201 = arith.constant 1 : i32
      %dma_start3A_1202 = arith.constant 1 : i32
      %dma_start3A_1203 = arith.constant 3072 : i32
      %dma_start3A_1204 = tpu.memref_slice %arg9[%dma_start3A_1201, %dma_start3A_1203] : memref<5x8192xf32, #tpu.memory_space<vmem>> -> memref<1x1024xf32, #tpu.memory_space<vmem>>
      %dma_start3A_1205 = tpu.memref_squeeze %dma_start3A_1204 : memref<1x1024xf32, #tpu.memory_space<vmem>> -> memref<1024xf32, #tpu.memory_space<vmem>>
      %dma_start3A_1206 = tpu.memref_slice %arg5[%add3A_1156] : memref<52428800xf32, #tpu.memory_space<hbm>> -> memref<1024xf32, #tpu.memory_space<hbm>>
      %dma_start3A_1207 = tpu.memref_slice %arg11[%dma_start3A_1202] : memref<5x!tpu.dma_semaphore, #tpu.memory_space<semaphore_mem>> -> memref<1x!tpu.dma_semaphore, #tpu.memory_space<semaphore_mem>>
      %dma_start3A_1208 = tpu.memref_squeeze %dma_start3A_1207 : memref<1x!tpu.dma_semaphore, #tpu.memory_space<semaphore_mem>> -> memref<!tpu.dma_semaphore, #tpu.memory_space<semaphore_mem>>
      %dma_start3A_1209 = tpu.memref_slice %arg5[%add3A_1156] : memref<52428800xf32, #tpu.memory_space<hbm>> -> memref<1024xf32, #tpu.memory_space<hbm>>
      %dma_start3A_1210 = arith.constant 3072 : i32
      %dma_start3A_1211 = tpu.memref_slice %arg9[%dma_start3A_1201, %dma_start3A_1210] : memref<5x8192xf32, #tpu.memory_space<vmem>> -> memref<1x1024xf32, #tpu.memory_space<vmem>>
      %dma_start3A_1212 = tpu.memref_squeeze %dma_start3A_1211 : memref<1x1024xf32, #tpu.memory_space<vmem>> -> memref<1024xf32, #tpu.memory_space<vmem>>
      tpu.enqueue_dma source(%dma_start3A_1212 : memref<1024xf32, #tpu.memory_space<vmem>>) target(%dma_start3A_1209 : memref<1024xf32, #tpu.memory_space<hbm>>) target_semaphore(%dma_start3A_1208 : memref<!tpu.dma_semaphore, #tpu.memory_space<semaphore_mem>>)
      %dma_start3A_1213 = arith.constant 1 : i32
      %dma_start3A_1214 = arith.constant 1 : i32
      %dma_start3A_1215 = arith.constant 4096 : i32
      %dma_start3A_1216 = tpu.memref_slice %arg9[%dma_start3A_1213, %dma_start3A_1215] : memref<5x8192xf32, #tpu.memory_space<vmem>> -> memref<1x1024xf32, #tpu.memory_space<vmem>>
      %dma_start3A_1217 = tpu.memref_squeeze %dma_start3A_1216 : memref<1x1024xf32, #tpu.memory_space<vmem>> -> memref<1024xf32, #tpu.memory_space<vmem>>
      %dma_start3A_1218 = tpu.memref_slice %arg5[%add3A_1158] : memref<52428800xf32, #tpu.memory_space<hbm>> -> memref<1024xf32, #tpu.memory_space<hbm>>
      %dma_start3A_1219 = tpu.memref_slice %arg11[%dma_start3A_1214] : memref<5x!tpu.dma_semaphore, #tpu.memory_space<semaphore_mem>> -> memref<1x!tpu.dma_semaphore, #tpu.memory_space<semaphore_mem>>
      %dma_start3A_1220 = tpu.memref_squeeze %dma_start3A_1219 : memref<1x!tpu.dma_semaphore, #tpu.memory_space<semaphore_mem>> -> memref<!tpu.dma_semaphore, #tpu.memory_space<semaphore_mem>>
      %dma_start3A_1221 = tpu.memref_slice %arg5[%add3A_1158] : memref<52428800xf32, #tpu.memory_space<hbm>> -> memref<1024xf32, #tpu.memory_space<hbm>>
      %dma_start3A_1222 = arith.constant 4096 : i32
      %dma_start3A_1223 = tpu.memref_slice %arg9[%dma_start3A_1213, %dma_start3A_1222] : memref<5x8192xf32, #tpu.memory_space<vmem>> -> memref<1x1024xf32, #tpu.memory_space<vmem>>
      %dma_start3A_1224 = tpu.memref_squeeze %dma_start3A_1223 : memref<1x1024xf32, #tpu.memory_space<vmem>> -> memref<1024xf32, #tpu.memory_space<vmem>>
      tpu.enqueue_dma source(%dma_start3A_1224 : memref<1024xf32, #tpu.memory_space<vmem>>) target(%dma_start3A_1221 : memref<1024xf32, #tpu.memory_space<hbm>>) target_semaphore(%dma_start3A_1220 : memref<!tpu.dma_semaphore, #tpu.memory_space<semaphore_mem>>)
      %dma_start3A_1225 = arith.constant 1 : i32
      %dma_start3A_1226 = arith.constant 1 : i32
      %dma_start3A_1227 = arith.constant 5120 : i32
      %dma_start3A_1228 = tpu.memref_slice %arg9[%dma_start3A_1225, %dma_start3A_1227] : memref<5x8192xf32, #tpu.memory_space<vmem>> -> memref<1x1024xf32, #tpu.memory_space<vmem>>
      %dma_start3A_1229 = tpu.memref_squeeze %dma_start3A_1228 : memref<1x1024xf32, #tpu.memory_space<vmem>> -> memref<1024xf32, #tpu.memory_space<vmem>>
      %dma_start3A_1230 = tpu.memref_slice %arg5[%add3A_1160] : memref<52428800xf32, #tpu.memory_space<hbm>> -> memref<1024xf32, #tpu.memory_space<hbm>>
      %dma_start3A_1231 = tpu.memref_slice %arg11[%dma_start3A_1226] : memref<5x!tpu.dma_semaphore, #tpu.memory_space<semaphore_mem>> -> memref<1x!tpu.dma_semaphore, #tpu.memory_space<semaphore_mem>>
      %dma_start3A_1232 = tpu.memref_squeeze %dma_start3A_1231 : memref<1x!tpu.dma_semaphore, #tpu.memory_space<semaphore_mem>> -> memref<!tpu.dma_semaphore, #tpu.memory_space<semaphore_mem>>
      %dma_start3A_1233 = tpu.memref_slice %arg5[%add3A_1160] : memref<52428800xf32, #tpu.memory_space<hbm>> -> memref<1024xf32, #tpu.memory_space<hbm>>
      %dma_start3A_1234 = arith.constant 5120 : i32
      %dma_start3A_1235 = tpu.memref_slice %arg9[%dma_start3A_1225, %dma_start3A_1234] : memref<5x8192xf32, #tpu.memory_space<vmem>> -> memref<1x1024xf32, #tpu.memory_space<vmem>>
      %dma_start3A_1236 = tpu.memref_squeeze %dma_start3A_1235 : memref<1x1024xf32, #tpu.memory_space<vmem>> -> memref<1024xf32, #tpu.memory_space<vmem>>
      tpu.enqueue_dma source(%dma_start3A_1236 : memref<1024xf32, #tpu.memory_space<vmem>>) target(%dma_start3A_1233 : memref<1024xf32, #tpu.memory_space<hbm>>) target_semaphore(%dma_start3A_1232 : memref<!tpu.dma_semaphore, #tpu.memory_space<semaphore_mem>>)
      %dma_start3A_1237 = arith.constant 1 : i32
      %dma_start3A_1238 = arith.constant 1 : i32
      %dma_start3A_1239 = arith.constant 6144 : i32
      %dma_start3A_1240 = tpu.memref_slice %arg9[%dma_start3A_1237, %dma_start3A_1239] : memref<5x8192xf32, #tpu.memory_space<vmem>> -> memref<1x1024xf32, #tpu.memory_space<vmem>>
      %dma_start3A_1241 = tpu.memref_squeeze %dma_start3A_1240 : memref<1x1024xf32, #tpu.memory_space<vmem>> -> memref<1024xf32, #tpu.memory_space<vmem>>
      %dma_start3A_1242 = tpu.memref_slice %arg5[%add3A_1162] : memref<52428800xf32, #tpu.memory_space<hbm>> -> memref<1024xf32, #tpu.memory_space<hbm>>
      %dma_start3A_1243 = tpu.memref_slice %arg11[%dma_start3A_1238] : memref<5x!tpu.dma_semaphore, #tpu.memory_space<semaphore_mem>> -> memref<1x!tpu.dma_semaphore, #tpu.memory_space<semaphore_mem>>
      %dma_start3A_1244 = tpu.memref_squeeze %dma_start3A_1243 : memref<1x!tpu.dma_semaphore, #tpu.memory_space<semaphore_mem>> -> memref<!tpu.dma_semaphore, #tpu.memory_space<semaphore_mem>>
      %dma_start3A_1245 = tpu.memref_slice %arg5[%add3A_1162] : memref<52428800xf32, #tpu.memory_space<hbm>> -> memref<1024xf32, #tpu.memory_space<hbm>>
      %dma_start3A_1246 = arith.constant 6144 : i32
      %dma_start3A_1247 = tpu.memref_slice %arg9[%dma_start3A_1237, %dma_start3A_1246] : memref<5x8192xf32, #tpu.memory_space<vmem>> -> memref<1x1024xf32, #tpu.memory_space<vmem>>
      %dma_start3A_1248 = tpu.memref_squeeze %dma_start3A_1247 : memref<1x1024xf32, #tpu.memory_space<vmem>> -> memref<1024xf32, #tpu.memory_space<vmem>>
      tpu.enqueue_dma source(%dma_start3A_1248 : memref<1024xf32, #tpu.memory_space<vmem>>) target(%dma_start3A_1245 : memref<1024xf32, #tpu.memory_space<hbm>>) target_semaphore(%dma_start3A_1244 : memref<!tpu.dma_semaphore, #tpu.memory_space<semaphore_mem>>)
      %dma_start3A_1249 = arith.constant 1 : i32
      %dma_start3A_1250 = arith.constant 1 : i32
      %dma_start3A_1251 = arith.constant 7168 : i32
      %dma_start3A_1252 = tpu.memref_slice %arg9[%dma_start3A_1249, %dma_start3A_1251] : memref<5x8192xf32, #tpu.memory_space<vmem>> -> memref<1x1024xf32, #tpu.memory_space<vmem>>
      %dma_start3A_1253 = tpu.memref_squeeze %dma_start3A_1252 : memref<1x1024xf32, #tpu.memory_space<vmem>> -> memref<1024xf32, #tpu.memory_space<vmem>>
      %dma_start3A_1254 = tpu.memref_slice %arg5[%add3A_1164] : memref<52428800xf32, #tpu.memory_space<hbm>> -> memref<1024xf32, #tpu.memory_space<hbm>>
      %dma_start3A_1255 = tpu.memref_slice %arg11[%dma_start3A_1250] : memref<5x!tpu.dma_semaphore, #tpu.memory_space<semaphore_mem>> -> memref<1x!tpu.dma_semaphore, #tpu.memory_space<semaphore_mem>>
      %dma_start3A_1256 = tpu.memref_squeeze %dma_start3A_1255 : memref<1x!tpu.dma_semaphore, #tpu.memory_space<semaphore_mem>> -> memref<!tpu.dma_semaphore, #tpu.memory_space<semaphore_mem>>
      %dma_start3A_1257 = tpu.memref_slice %arg5[%add3A_1164] : memref<52428800xf32, #tpu.memory_space<hbm>> -> memref<1024xf32, #tpu.memory_space<hbm>>
      %dma_start3A_1258 = arith.constant 7168 : i32
      %dma_start3A_1259 = tpu.memref_slice %arg9[%dma_start3A_1249, %dma_start3A_1258] : memref<5x8192xf32, #tpu.memory_space<vmem>> -> memref<1x1024xf32, #tpu.memory_space<vmem>>
      %dma_start3A_1260 = tpu.memref_squeeze %dma_start3A_1259 : memref<1x1024xf32, #tpu.memory_space<vmem>> -> memref<1024xf32, #tpu.memory_space<vmem>>
      tpu.enqueue_dma source(%dma_start3A_1260 : memref<1024xf32, #tpu.memory_space<vmem>>) target(%dma_start3A_1257 : memref<1024xf32, #tpu.memory_space<hbm>>) target_semaphore(%dma_start3A_1256 : memref<!tpu.dma_semaphore, #tpu.memory_space<semaphore_mem>>)
      %mul3A_1261 = arith.constant 5 : i32
      %mul3A_1262 = arith.muli %scan3A_835, %mul3A_1261 : i32
      %add3A_1263 = arith.constant 2 : i32
      %add3A_1264 = arith.addi %mul3A_1262, %add3A_1263 : i32
      %add3A_1265 = arith.addi %mul3A_2, %add3A_1264 : i32
      %jit3A_1266 = arith.constant 32 : i32
      %div3A_1267 = arith.divsi %add3A_1265, %jit3A_1266 : i32
      %sign3A_1268 = arith.constant 0 : i32
      %sign3A_1269 = arith.cmpi sgt, %add3A_1265, %sign3A_1268 : i32
      %sign3A_1270 = arith.extui %sign3A_1269 : i1 to i32
      %sign3A_1271 = arith.constant 0 : i32
      %sign3A_1272 = arith.cmpi slt, %add3A_1265, %sign3A_1271 : i32
      %sign3A_1273 = arith.extui %sign3A_1272 : i1 to i32
      %sign3A_1274 = arith.subi %sign3A_1270, %sign3A_1273 : i32
      %sign3A_1275 = arith.constant 0 : i32
      %sign3A_1276 = arith.cmpi sgt, %jit3A_1266, %sign3A_1275 : i32
      %sign3A_1277 = arith.extui %sign3A_1276 : i1 to i32
      %sign3A_1278 = arith.constant 0 : i32
      %sign3A_1279 = arith.cmpi slt, %jit3A_1266, %sign3A_1278 : i32
      %sign3A_1280 = arith.extui %sign3A_1279 : i1 to i32
      %sign3A_1281 = arith.subi %sign3A_1277, %sign3A_1280 : i32
      %ne3A_1282 = arith.cmpi ne, %sign3A_1274, %sign3A_1281 : i32
      %rem3A_1283 = arith.remsi %add3A_1265, %jit3A_1266 : i32
      %ne3A_1284 = arith.constant 0 : i32
      %ne3A_1285 = arith.cmpi ne, %rem3A_1283, %ne3A_1284 : i32
      %and3A_1286 = arith.andi %ne3A_1282, %ne3A_1285 : i1
      %sub3A_1287 = arith.constant 1 : i32
      %sub3A_1288 = arith.subi %div3A_1267, %sub3A_1287 : i32
      %select_n3A_1289 = arith.select %and3A_1286, %sub3A_1288, %div3A_1267 : i32
      %mul3A_1290 = arith.constant 128 : i32
      %mul3A_1291 = arith.muli %add3A_1264, %mul3A_1290 : i32
      %dma_wait3A_1292 = arith.constant 2 : i32
      %dma_wait3A_1293 = arith.constant 2 : i32
      %dma_wait3A_1294 = arith.constant 0 : i32
      %dma_wait3A_1295 = arith.constant 0 : i32
      %dma_wait3A_1296 = tpu.memref_slice %arg8[%dma_wait3A_1292, %dma_wait3A_1294, %dma_wait3A_1295] : memref<5x128x64xf32, #tpu.memory_space<vmem>> -> memref<1x128x64xf32, #tpu.memory_space<vmem>>
      %dma_wait3A_1297 = tpu.memref_squeeze %dma_wait3A_1296 : memref<1x128x64xf32, #tpu.memory_space<vmem>> -> memref<128x64xf32, #tpu.memory_space<vmem>>
      %dma_wait3A_1298 = tpu.memref_slice %arg6[%mul3A_1291] : memref<25600xi32, #tpu.memory_space<vmem>> -> memref<128xi32, #tpu.memory_space<vmem>>
      %dma_wait3A_1299 = arith.constant 0 : i32
      %dma_wait3A_1300 = arith.constant 0 : i32
      %dma_wait3A_1301 = tpu.memref_slice %arg4[%dma_wait3A_1299, %dma_wait3A_1300] : memref<100000x64xf32, #tpu.memory_space<hbm>> -> memref<100000x64xf32, #tpu.memory_space<hbm>>
      %dma_wait3A_1302 = tpu.memref_slice %arg10[%dma_wait3A_1293] : memref<5x!tpu.dma_semaphore, #tpu.memory_space<semaphore_mem>> -> memref<1x!tpu.dma_semaphore, #tpu.memory_space<semaphore_mem>>
      %dma_wait3A_1303 = tpu.memref_squeeze %dma_wait3A_1302 : memref<1x!tpu.dma_semaphore, #tpu.memory_space<semaphore_mem>> -> memref<!tpu.dma_semaphore, #tpu.memory_space<semaphore_mem>>
      tpu.wait_indirect_dma semaphore(%dma_wait3A_1303 : memref<!tpu.dma_semaphore, #tpu.memory_space<semaphore_mem>>) src(%dma_wait3A_1301 : memref<100000x64xf32, #tpu.memory_space<hbm>>) dst(%dma_wait3A_1297 : memref<128x64xf32, #tpu.memory_space<vmem>>)
      %gt3A_1304 = arith.constant 0 : i32
      %gt3A_1305 = arith.cmpi sgt, %scan3A_835, %gt3A_1304 : i32
      %convert_element_type3A_1306 = arith.extui %gt3A_1305 : i1 to i32
      %cond3A_1307 = arith.constant 0 : i32
      %cond3A_1308 = arith.cmpi ne, %convert_element_type3A_1306, %cond3A_1307 : i32
      scf.if %cond3A_1308 {
        %sub3A_1907 = arith.constant 1 : i32
        %sub3A_1908 = arith.subi %scan3A_835, %sub3A_1907 : i32
        %mul3A_1909 = arith.constant 5 : i32
        %mul3A_1910 = arith.muli %sub3A_1908, %mul3A_1909 : i32
        %add3A_1911 = arith.addi %mul3A_2, %mul3A_1910 : i32
        %add3A_1912 = arith.constant 2 : i32
        %add3A_1913 = arith.addi %add3A_1911, %add3A_1912 : i32
        %jit3A_1914 = arith.constant 32 : i32
        %div3A_1915 = arith.divsi %add3A_1913, %jit3A_1914 : i32
        %sign3A_1916 = arith.constant 0 : i32
        %sign3A_1917 = arith.cmpi sgt, %add3A_1913, %sign3A_1916 : i32
        %sign3A_1918 = arith.extui %sign3A_1917 : i1 to i32
        %sign3A_1919 = arith.constant 0 : i32
        %sign3A_1920 = arith.cmpi slt, %add3A_1913, %sign3A_1919 : i32
        %sign3A_1921 = arith.extui %sign3A_1920 : i1 to i32
        %sign3A_1922 = arith.subi %sign3A_1918, %sign3A_1921 : i32
        %sign3A_1923 = arith.constant 0 : i32
        %sign3A_1924 = arith.cmpi sgt, %jit3A_1914, %sign3A_1923 : i32
        %sign3A_1925 = arith.extui %sign3A_1924 : i1 to i32
        %sign3A_1926 = arith.constant 0 : i32
        %sign3A_1927 = arith.cmpi slt, %jit3A_1914, %sign3A_1926 : i32
        %sign3A_1928 = arith.extui %sign3A_1927 : i1 to i32
        %sign3A_1929 = arith.subi %sign3A_1925, %sign3A_1928 : i32
        %ne3A_1930 = arith.cmpi ne, %sign3A_1922, %sign3A_1929 : i32
        %rem3A_1931 = arith.remsi %add3A_1913, %jit3A_1914 : i32
        %ne3A_1932 = arith.constant 0 : i32
        %ne3A_1933 = arith.cmpi ne, %rem3A_1931, %ne3A_1932 : i32
        %and3A_1934 = arith.andi %ne3A_1930, %ne3A_1933 : i1
        %sub3A_1935 = arith.constant 1 : i32
        %sub3A_1936 = arith.subi %div3A_1915, %sub3A_1935 : i32
        %select_n3A_1937 = arith.select %and3A_1934, %sub3A_1936, %div3A_1915 : i32
        %rem3A_1938 = arith.constant 32 : i32
        %rem3A_1939 = arith.remsi %add3A_1913, %rem3A_1938 : i32
        %mul3A_1940 = arith.constant 8 : i32
        %mul3A_1941 = arith.muli %select_n3A_1937, %mul3A_1940 : i32
        %mul3A_1942 = arith.constant 32 : i32
        %mul3A_1943 = arith.muli %mul3A_1941, %mul3A_1942 : i32
        %add3A_1944 = arith.addi %mul3A_1943, %rem3A_1939 : i32
        %mul3A_1945 = arith.constant 1024 : i32
        %mul3A_1946 = arith.muli %add3A_1944, %mul3A_1945 : i32
        %add3A_1947 = arith.constant 0 : i32
        %add3A_1948 = arith.addi %mul3A_1946, %add3A_1947 : i32
        %add3A_1949 = arith.constant 32768 : i32
        %add3A_1950 = arith.addi %mul3A_1946, %add3A_1949 : i32
        %add3A_1951 = arith.constant 65536 : i32
        %add3A_1952 = arith.addi %mul3A_1946, %add3A_1951 : i32
        %add3A_1953 = arith.constant 98304 : i32
        %add3A_1954 = arith.addi %mul3A_1946, %add3A_1953 : i32
        %add3A_1955 = arith.constant 131072 : i32
        %add3A_1956 = arith.addi %mul3A_1946, %add3A_1955 : i32
        %add3A_1957 = arith.constant 163840 : i32
        %add3A_1958 = arith.addi %mul3A_1946, %add3A_1957 : i32
        %add3A_1959 = arith.constant 196608 : i32
        %add3A_1960 = arith.addi %mul3A_1946, %add3A_1959 : i32
        %add3A_1961 = arith.constant 229376 : i32
        %add3A_1962 = arith.addi %mul3A_1946, %add3A_1961 : i32
        %dma_wait3A_1963 = arith.constant 2 : i32
        %dma_wait3A_1964 = arith.constant 2 : i32
        %dma_wait3A_1965 = arith.constant 0 : i32
        %dma_wait3A_1966 = tpu.memref_slice %arg9[%dma_wait3A_1963, %dma_wait3A_1965] : memref<5x8192xf32, #tpu.memory_space<vmem>> -> memref<1x1024xf32, #tpu.memory_space<vmem>>
        %dma_wait3A_1967 = tpu.memref_squeeze %dma_wait3A_1966 : memref<1x1024xf32, #tpu.memory_space<vmem>> -> memref<1024xf32, #tpu.memory_space<vmem>>
        %dma_wait3A_1968 = tpu.memref_slice %arg5[%add3A_1948] : memref<52428800xf32, #tpu.memory_space<hbm>> -> memref<1024xf32, #tpu.memory_space<hbm>>
        %dma_wait3A_1969 = tpu.memref_slice %arg11[%dma_wait3A_1964] : memref<5x!tpu.dma_semaphore, #tpu.memory_space<semaphore_mem>> -> memref<1x!tpu.dma_semaphore, #tpu.memory_space<semaphore_mem>>
        %dma_wait3A_1970 = tpu.memref_squeeze %dma_wait3A_1969 : memref<1x!tpu.dma_semaphore, #tpu.memory_space<semaphore_mem>> -> memref<!tpu.dma_semaphore, #tpu.memory_space<semaphore_mem>>
        %dma_wait3A_1971 = tpu.memref_slice %arg5[%add3A_1948] : memref<52428800xf32, #tpu.memory_space<hbm>> -> memref<1024xf32, #tpu.memory_space<hbm>>
        %dma_wait3A_1972 = arith.constant 0 : i32
        %dma_wait3A_1973 = tpu.memref_slice %arg9[%dma_wait3A_1963, %dma_wait3A_1972] : memref<5x8192xf32, #tpu.memory_space<vmem>> -> memref<1x1024xf32, #tpu.memory_space<vmem>>
        %dma_wait3A_1974 = tpu.memref_squeeze %dma_wait3A_1973 : memref<1x1024xf32, #tpu.memory_space<vmem>> -> memref<1024xf32, #tpu.memory_space<vmem>>
        tpu.wait_dma2 semaphore(%dma_wait3A_1970 : memref<!tpu.dma_semaphore, #tpu.memory_space<semaphore_mem>>) src(%dma_wait3A_1974 : memref<1024xf32, #tpu.memory_space<vmem>>) dst(%dma_wait3A_1971 : memref<1024xf32, #tpu.memory_space<hbm>>)
        %dma_wait3A_1975 = arith.constant 2 : i32
        %dma_wait3A_1976 = arith.constant 2 : i32
        %dma_wait3A_1977 = arith.constant 1024 : i32
        %dma_wait3A_1978 = tpu.memref_slice %arg9[%dma_wait3A_1975, %dma_wait3A_1977] : memref<5x8192xf32, #tpu.memory_space<vmem>> -> memref<1x1024xf32, #tpu.memory_space<vmem>>
        %dma_wait3A_1979 = tpu.memref_squeeze %dma_wait3A_1978 : memref<1x1024xf32, #tpu.memory_space<vmem>> -> memref<1024xf32, #tpu.memory_space<vmem>>
        %dma_wait3A_1980 = tpu.memref_slice %arg5[%add3A_1950] : memref<52428800xf32, #tpu.memory_space<hbm>> -> memref<1024xf32, #tpu.memory_space<hbm>>
        %dma_wait3A_1981 = tpu.memref_slice %arg11[%dma_wait3A_1976] : memref<5x!tpu.dma_semaphore, #tpu.memory_space<semaphore_mem>> -> memref<1x!tpu.dma_semaphore, #tpu.memory_space<semaphore_mem>>
        %dma_wait3A_1982 = tpu.memref_squeeze %dma_wait3A_1981 : memref<1x!tpu.dma_semaphore, #tpu.memory_space<semaphore_mem>> -> memref<!tpu.dma_semaphore, #tpu.memory_space<semaphore_mem>>
        %dma_wait3A_1983 = tpu.memref_slice %arg5[%add3A_1950] : memref<52428800xf32, #tpu.memory_space<hbm>> -> memref<1024xf32, #tpu.memory_space<hbm>>
        %dma_wait3A_1984 = arith.constant 1024 : i32
        %dma_wait3A_1985 = tpu.memref_slice %arg9[%dma_wait3A_1975, %dma_wait3A_1984] : memref<5x8192xf32, #tpu.memory_space<vmem>> -> memref<1x1024xf32, #tpu.memory_space<vmem>>
        %dma_wait3A_1986 = tpu.memref_squeeze %dma_wait3A_1985 : memref<1x1024xf32, #tpu.memory_space<vmem>> -> memref<1024xf32, #tpu.memory_space<vmem>>
        tpu.wait_dma2 semaphore(%dma_wait3A_1982 : memref<!tpu.dma_semaphore, #tpu.memory_space<semaphore_mem>>) src(%dma_wait3A_1986 : memref<1024xf32, #tpu.memory_space<vmem>>) dst(%dma_wait3A_1983 : memref<1024xf32, #tpu.memory_space<hbm>>)
        %dma_wait3A_1987 = arith.constant 2 : i32
        %dma_wait3A_1988 = arith.constant 2 : i32
        %dma_wait3A_1989 = arith.constant 2048 : i32
        %dma_wait3A_1990 = tpu.memref_slice %arg9[%dma_wait3A_1987, %dma_wait3A_1989] : memref<5x8192xf32, #tpu.memory_space<vmem>> -> memref<1x1024xf32, #tpu.memory_space<vmem>>
        %dma_wait3A_1991 = tpu.memref_squeeze %dma_wait3A_1990 : memref<1x1024xf32, #tpu.memory_space<vmem>> -> memref<1024xf32, #tpu.memory_space<vmem>>
        %dma_wait3A_1992 = tpu.memref_slice %arg5[%add3A_1952] : memref<52428800xf32, #tpu.memory_space<hbm>> -> memref<1024xf32, #tpu.memory_space<hbm>>
        %dma_wait3A_1993 = tpu.memref_slice %arg11[%dma_wait3A_1988] : memref<5x!tpu.dma_semaphore, #tpu.memory_space<semaphore_mem>> -> memref<1x!tpu.dma_semaphore, #tpu.memory_space<semaphore_mem>>
        %dma_wait3A_1994 = tpu.memref_squeeze %dma_wait3A_1993 : memref<1x!tpu.dma_semaphore, #tpu.memory_space<semaphore_mem>> -> memref<!tpu.dma_semaphore, #tpu.memory_space<semaphore_mem>>
        %dma_wait3A_1995 = tpu.memref_slice %arg5[%add3A_1952] : memref<52428800xf32, #tpu.memory_space<hbm>> -> memref<1024xf32, #tpu.memory_space<hbm>>
        %dma_wait3A_1996 = arith.constant 2048 : i32
        %dma_wait3A_1997 = tpu.memref_slice %arg9[%dma_wait3A_1987, %dma_wait3A_1996] : memref<5x8192xf32, #tpu.memory_space<vmem>> -> memref<1x1024xf32, #tpu.memory_space<vmem>>
        %dma_wait3A_1998 = tpu.memref_squeeze %dma_wait3A_1997 : memref<1x1024xf32, #tpu.memory_space<vmem>> -> memref<1024xf32, #tpu.memory_space<vmem>>
        tpu.wait_dma2 semaphore(%dma_wait3A_1994 : memref<!tpu.dma_semaphore, #tpu.memory_space<semaphore_mem>>) src(%dma_wait3A_1998 : memref<1024xf32, #tpu.memory_space<vmem>>) dst(%dma_wait3A_1995 : memref<1024xf32, #tpu.memory_space<hbm>>)
        %dma_wait3A_1999 = arith.constant 2 : i32
        %dma_wait3A_2000 = arith.constant 2 : i32
        %dma_wait3A_2001 = arith.constant 3072 : i32
        %dma_wait3A_2002 = tpu.memref_slice %arg9[%dma_wait3A_1999, %dma_wait3A_2001] : memref<5x8192xf32, #tpu.memory_space<vmem>> -> memref<1x1024xf32, #tpu.memory_space<vmem>>
        %dma_wait3A_2003 = tpu.memref_squeeze %dma_wait3A_2002 : memref<1x1024xf32, #tpu.memory_space<vmem>> -> memref<1024xf32, #tpu.memory_space<vmem>>
        %dma_wait3A_2004 = tpu.memref_slice %arg5[%add3A_1954] : memref<52428800xf32, #tpu.memory_space<hbm>> -> memref<1024xf32, #tpu.memory_space<hbm>>
        %dma_wait3A_2005 = tpu.memref_slice %arg11[%dma_wait3A_2000] : memref<5x!tpu.dma_semaphore, #tpu.memory_space<semaphore_mem>> -> memref<1x!tpu.dma_semaphore, #tpu.memory_space<semaphore_mem>>
        %dma_wait3A_2006 = tpu.memref_squeeze %dma_wait3A_2005 : memref<1x!tpu.dma_semaphore, #tpu.memory_space<semaphore_mem>> -> memref<!tpu.dma_semaphore, #tpu.memory_space<semaphore_mem>>
        %dma_wait3A_2007 = tpu.memref_slice %arg5[%add3A_1954] : memref<52428800xf32, #tpu.memory_space<hbm>> -> memref<1024xf32, #tpu.memory_space<hbm>>
        %dma_wait3A_2008 = arith.constant 3072 : i32
        %dma_wait3A_2009 = tpu.memref_slice %arg9[%dma_wait3A_1999, %dma_wait3A_2008] : memref<5x8192xf32, #tpu.memory_space<vmem>> -> memref<1x1024xf32, #tpu.memory_space<vmem>>
        %dma_wait3A_2010 = tpu.memref_squeeze %dma_wait3A_2009 : memref<1x1024xf32, #tpu.memory_space<vmem>> -> memref<1024xf32, #tpu.memory_space<vmem>>
        tpu.wait_dma2 semaphore(%dma_wait3A_2006 : memref<!tpu.dma_semaphore, #tpu.memory_space<semaphore_mem>>) src(%dma_wait3A_2010 : memref<1024xf32, #tpu.memory_space<vmem>>) dst(%dma_wait3A_2007 : memref<1024xf32, #tpu.memory_space<hbm>>)
        %dma_wait3A_2011 = arith.constant 2 : i32
        %dma_wait3A_2012 = arith.constant 2 : i32
        %dma_wait3A_2013 = arith.constant 4096 : i32
        %dma_wait3A_2014 = tpu.memref_slice %arg9[%dma_wait3A_2011, %dma_wait3A_2013] : memref<5x8192xf32, #tpu.memory_space<vmem>> -> memref<1x1024xf32, #tpu.memory_space<vmem>>
        %dma_wait3A_2015 = tpu.memref_squeeze %dma_wait3A_2014 : memref<1x1024xf32, #tpu.memory_space<vmem>> -> memref<1024xf32, #tpu.memory_space<vmem>>
        %dma_wait3A_2016 = tpu.memref_slice %arg5[%add3A_1956] : memref<52428800xf32, #tpu.memory_space<hbm>> -> memref<1024xf32, #tpu.memory_space<hbm>>
        %dma_wait3A_2017 = tpu.memref_slice %arg11[%dma_wait3A_2012] : memref<5x!tpu.dma_semaphore, #tpu.memory_space<semaphore_mem>> -> memref<1x!tpu.dma_semaphore, #tpu.memory_space<semaphore_mem>>
        %dma_wait3A_2018 = tpu.memref_squeeze %dma_wait3A_2017 : memref<1x!tpu.dma_semaphore, #tpu.memory_space<semaphore_mem>> -> memref<!tpu.dma_semaphore, #tpu.memory_space<semaphore_mem>>
        %dma_wait3A_2019 = tpu.memref_slice %arg5[%add3A_1956] : memref<52428800xf32, #tpu.memory_space<hbm>> -> memref<1024xf32, #tpu.memory_space<hbm>>
        %dma_wait3A_2020 = arith.constant 4096 : i32
        %dma_wait3A_2021 = tpu.memref_slice %arg9[%dma_wait3A_2011, %dma_wait3A_2020] : memref<5x8192xf32, #tpu.memory_space<vmem>> -> memref<1x1024xf32, #tpu.memory_space<vmem>>
        %dma_wait3A_2022 = tpu.memref_squeeze %dma_wait3A_2021 : memref<1x1024xf32, #tpu.memory_space<vmem>> -> memref<1024xf32, #tpu.memory_space<vmem>>
        tpu.wait_dma2 semaphore(%dma_wait3A_2018 : memref<!tpu.dma_semaphore, #tpu.memory_space<semaphore_mem>>) src(%dma_wait3A_2022 : memref<1024xf32, #tpu.memory_space<vmem>>) dst(%dma_wait3A_2019 : memref<1024xf32, #tpu.memory_space<hbm>>)
        %dma_wait3A_2023 = arith.constant 2 : i32
        %dma_wait3A_2024 = arith.constant 2 : i32
        %dma_wait3A_2025 = arith.constant 5120 : i32
        %dma_wait3A_2026 = tpu.memref_slice %arg9[%dma_wait3A_2023, %dma_wait3A_2025] : memref<5x8192xf32, #tpu.memory_space<vmem>> -> memref<1x1024xf32, #tpu.memory_space<vmem>>
        %dma_wait3A_2027 = tpu.memref_squeeze %dma_wait3A_2026 : memref<1x1024xf32, #tpu.memory_space<vmem>> -> memref<1024xf32, #tpu.memory_space<vmem>>
        %dma_wait3A_2028 = tpu.memref_slice %arg5[%add3A_1958] : memref<52428800xf32, #tpu.memory_space<hbm>> -> memref<1024xf32, #tpu.memory_space<hbm>>
        %dma_wait3A_2029 = tpu.memref_slice %arg11[%dma_wait3A_2024] : memref<5x!tpu.dma_semaphore, #tpu.memory_space<semaphore_mem>> -> memref<1x!tpu.dma_semaphore, #tpu.memory_space<semaphore_mem>>
        %dma_wait3A_2030 = tpu.memref_squeeze %dma_wait3A_2029 : memref<1x!tpu.dma_semaphore, #tpu.memory_space<semaphore_mem>> -> memref<!tpu.dma_semaphore, #tpu.memory_space<semaphore_mem>>
        %dma_wait3A_2031 = tpu.memref_slice %arg5[%add3A_1958] : memref<52428800xf32, #tpu.memory_space<hbm>> -> memref<1024xf32, #tpu.memory_space<hbm>>
        %dma_wait3A_2032 = arith.constant 5120 : i32
        %dma_wait3A_2033 = tpu.memref_slice %arg9[%dma_wait3A_2023, %dma_wait3A_2032] : memref<5x8192xf32, #tpu.memory_space<vmem>> -> memref<1x1024xf32, #tpu.memory_space<vmem>>
        %dma_wait3A_2034 = tpu.memref_squeeze %dma_wait3A_2033 : memref<1x1024xf32, #tpu.memory_space<vmem>> -> memref<1024xf32, #tpu.memory_space<vmem>>
        tpu.wait_dma2 semaphore(%dma_wait3A_2030 : memref<!tpu.dma_semaphore, #tpu.memory_space<semaphore_mem>>) src(%dma_wait3A_2034 : memref<1024xf32, #tpu.memory_space<vmem>>) dst(%dma_wait3A_2031 : memref<1024xf32, #tpu.memory_space<hbm>>)
        %dma_wait3A_2035 = arith.constant 2 : i32
        %dma_wait3A_2036 = arith.constant 2 : i32
        %dma_wait3A_2037 = arith.constant 6144 : i32
        %dma_wait3A_2038 = tpu.memref_slice %arg9[%dma_wait3A_2035, %dma_wait3A_2037] : memref<5x8192xf32, #tpu.memory_space<vmem>> -> memref<1x1024xf32, #tpu.memory_space<vmem>>
        %dma_wait3A_2039 = tpu.memref_squeeze %dma_wait3A_2038 : memref<1x1024xf32, #tpu.memory_space<vmem>> -> memref<1024xf32, #tpu.memory_space<vmem>>
        %dma_wait3A_2040 = tpu.memref_slice %arg5[%add3A_1960] : memref<52428800xf32, #tpu.memory_space<hbm>> -> memref<1024xf32, #tpu.memory_space<hbm>>
        %dma_wait3A_2041 = tpu.memref_slice %arg11[%dma_wait3A_2036] : memref<5x!tpu.dma_semaphore, #tpu.memory_space<semaphore_mem>> -> memref<1x!tpu.dma_semaphore, #tpu.memory_space<semaphore_mem>>
        %dma_wait3A_2042 = tpu.memref_squeeze %dma_wait3A_2041 : memref<1x!tpu.dma_semaphore, #tpu.memory_space<semaphore_mem>> -> memref<!tpu.dma_semaphore, #tpu.memory_space<semaphore_mem>>
        %dma_wait3A_2043 = tpu.memref_slice %arg5[%add3A_1960] : memref<52428800xf32, #tpu.memory_space<hbm>> -> memref<1024xf32, #tpu.memory_space<hbm>>
        %dma_wait3A_2044 = arith.constant 6144 : i32
        %dma_wait3A_2045 = tpu.memref_slice %arg9[%dma_wait3A_2035, %dma_wait3A_2044] : memref<5x8192xf32, #tpu.memory_space<vmem>> -> memref<1x1024xf32, #tpu.memory_space<vmem>>
        %dma_wait3A_2046 = tpu.memref_squeeze %dma_wait3A_2045 : memref<1x1024xf32, #tpu.memory_space<vmem>> -> memref<1024xf32, #tpu.memory_space<vmem>>
        tpu.wait_dma2 semaphore(%dma_wait3A_2042 : memref<!tpu.dma_semaphore, #tpu.memory_space<semaphore_mem>>) src(%dma_wait3A_2046 : memref<1024xf32, #tpu.memory_space<vmem>>) dst(%dma_wait3A_2043 : memref<1024xf32, #tpu.memory_space<hbm>>)
        %dma_wait3A_2047 = arith.constant 2 : i32
        %dma_wait3A_2048 = arith.constant 2 : i32
        %dma_wait3A_2049 = arith.constant 7168 : i32
        %dma_wait3A_2050 = tpu.memref_slice %arg9[%dma_wait3A_2047, %dma_wait3A_2049] : memref<5x8192xf32, #tpu.memory_space<vmem>> -> memref<1x1024xf32, #tpu.memory_space<vmem>>
        %dma_wait3A_2051 = tpu.memref_squeeze %dma_wait3A_2050 : memref<1x1024xf32, #tpu.memory_space<vmem>> -> memref<1024xf32, #tpu.memory_space<vmem>>
        %dma_wait3A_2052 = tpu.memref_slice %arg5[%add3A_1962] : memref<52428800xf32, #tpu.memory_space<hbm>> -> memref<1024xf32, #tpu.memory_space<hbm>>
        %dma_wait3A_2053 = tpu.memref_slice %arg11[%dma_wait3A_2048] : memref<5x!tpu.dma_semaphore, #tpu.memory_space<semaphore_mem>> -> memref<1x!tpu.dma_semaphore, #tpu.memory_space<semaphore_mem>>
        %dma_wait3A_2054 = tpu.memref_squeeze %dma_wait3A_2053 : memref<1x!tpu.dma_semaphore, #tpu.memory_space<semaphore_mem>> -> memref<!tpu.dma_semaphore, #tpu.memory_space<semaphore_mem>>
        %dma_wait3A_2055 = tpu.memref_slice %arg5[%add3A_1962] : memref<52428800xf32, #tpu.memory_space<hbm>> -> memref<1024xf32, #tpu.memory_space<hbm>>
        %dma_wait3A_2056 = arith.constant 7168 : i32
        %dma_wait3A_2057 = tpu.memref_slice %arg9[%dma_wait3A_2047, %dma_wait3A_2056] : memref<5x8192xf32, #tpu.memory_space<vmem>> -> memref<1x1024xf32, #tpu.memory_space<vmem>>
        %dma_wait3A_2058 = tpu.memref_squeeze %dma_wait3A_2057 : memref<1x1024xf32, #tpu.memory_space<vmem>> -> memref<1024xf32, #tpu.memory_space<vmem>>
        tpu.wait_dma2 semaphore(%dma_wait3A_2054 : memref<!tpu.dma_semaphore, #tpu.memory_space<semaphore_mem>>) src(%dma_wait3A_2058 : memref<1024xf32, #tpu.memory_space<vmem>>) dst(%dma_wait3A_2055 : memref<1024xf32, #tpu.memory_space<hbm>>)
      } else {
      }
      %get3A_1309 = arith.index_cast %select_n3A_1289 : i32 to index
      %get3A_1310 = arith.constant 0 : index
      %get3A_1311 = tpu.vector_load %arg7[%get3A_1309, %get3A_1310] {strides = array<i32>} : memref<200x64xf32, #tpu.memory_space<vmem>>, vector<16xf32>,
      %get3A_1312 = arith.index_cast %select_n3A_1289 : i32 to index
      %get3A_1313 = arith.constant 16 : index
      %get3A_1314 = tpu.vector_load %arg7[%get3A_1312, %get3A_1313] {strides = array<i32>} : memref<200x64xf32, #tpu.memory_space<vmem>>, vector<16xf32>,
      %get3A_1315 = arith.index_cast %select_n3A_1289 : i32 to index
      %get3A_1316 = arith.constant 32 : index
      %get3A_1317 = tpu.vector_load %arg7[%get3A_1315, %get3A_1316] {strides = array<i32>} : memref<200x64xf32, #tpu.memory_space<vmem>>, vector<16xf32>,
      %get3A_1318 = arith.index_cast %select_n3A_1289 : i32 to index
      %get3A_1319 = arith.constant 48 : index
      %get3A_1320 = tpu.vector_load %arg7[%get3A_1318, %get3A_1319] {strides = array<i32>} : memref<200x64xf32, #tpu.memory_space<vmem>>, vector<16xf32>,
      %parallel_loop3A_1321 = arith.constant 0 : i32
      %parallel_loop3A_1322 = arith.constant 128 : i32
      %parallel_loop3A_1323 = arith.constant 1 : i32
      scf.for %parallel_loop3A_1907 = %parallel_loop3A_1321 to %parallel_loop3A_1322 step %parallel_loop3A_1323  : i32 {
        %parallel_loop3A_1908 = arith.constant 2 : i32
        %parallel_loop3A_1909 = arith.constant 0 : i32
        %parallel_loop3A_1910 = arith.constant 0 : i32
        %parallel_loop3A_1911 = tpu.memref_slice %arg8[%parallel_loop3A_1908, %parallel_loop3A_1909, %parallel_loop3A_1910] : memref<5x128x64xf32, #tpu.memory_space<vmem>> -> memref<1x128x64xf32, #tpu.memory_space<vmem>>
        %parallel_loop3A_1912 = tpu.memref_squeeze %parallel_loop3A_1911 : memref<1x128x64xf32, #tpu.memory_space<vmem>> -> memref<128x64xf32, #tpu.memory_space<vmem>>
        %parallel_loop3A_1913 = arith.index_cast %parallel_loop3A_1907 : i32 to index
        %parallel_loop3A_1914 = arith.constant 0 : index
        %parallel_loop3A_1915 = tpu.vector_load %parallel_loop3A_1912[%parallel_loop3A_1913, %parallel_loop3A_1914] {strides = array<i32>} : memref<128x64xf32, #tpu.memory_space<vmem>>, vector<16xf32>,
        %parallel_loop3A_1916 = arith.addf %parallel_loop3A_1915, %get3A_1311 : vector<16xf32>
        %parallel_loop3A_1917 = vector.broadcast %parallel_loop3A_1907 : i32 to vector<16xi32>
        %parallel_loop3A_1918 = arith.addi %mul3A_10, %parallel_loop3A_1917 : vector<16xi32>
        %parallel_loop3A_1919 = arith.constant 2 : i32
        %parallel_loop3A_1920 = arith.constant 0 : i32
        %parallel_loop3A_1921 = tpu.memref_slice %arg9[%parallel_loop3A_1919, %parallel_loop3A_1920] : memref<5x8192xf32, #tpu.memory_space<vmem>> -> memref<1x8192xf32, #tpu.memory_space<vmem>>
        %parallel_loop3A_1922 = tpu.memref_squeeze %parallel_loop3A_1921 : memref<1x8192xf32, #tpu.memory_space<vmem>> -> memref<8192xf32, #tpu.memory_space<vmem>>
        tpu.vector_store_idx %parallel_loop3A_1922[%parallel_loop3A_1918], %parallel_loop3A_1916 : memref<8192xf32, #tpu.memory_space<vmem>>[vector<16xi32>], vector<16xf32>,
        %parallel_loop3A_1923 = arith.constant 2 : i32
        %parallel_loop3A_1924 = arith.constant 0 : i32
        %parallel_loop3A_1925 = arith.constant 0 : i32
        %parallel_loop3A_1926 = tpu.memref_slice %arg8[%parallel_loop3A_1923, %parallel_loop3A_1924, %parallel_loop3A_1925] : memref<5x128x64xf32, #tpu.memory_space<vmem>> -> memref<1x128x64xf32, #tpu.memory_space<vmem>>
        %parallel_loop3A_1927 = tpu.memref_squeeze %parallel_loop3A_1926 : memref<1x128x64xf32, #tpu.memory_space<vmem>> -> memref<128x64xf32, #tpu.memory_space<vmem>>
        %parallel_loop3A_1928 = arith.index_cast %parallel_loop3A_1907 : i32 to index
        %parallel_loop3A_1929 = arith.constant 16 : index
        %parallel_loop3A_1930 = tpu.vector_load %parallel_loop3A_1927[%parallel_loop3A_1928, %parallel_loop3A_1929] {strides = array<i32>} : memref<128x64xf32, #tpu.memory_space<vmem>>, vector<16xf32>,
        %parallel_loop3A_1931 = arith.addf %parallel_loop3A_1930, %get3A_1314 : vector<16xf32>
        %parallel_loop3A_1932 = vector.broadcast %parallel_loop3A_1907 : i32 to vector<16xi32>
        %parallel_loop3A_1933 = arith.addi %mul3A_16, %parallel_loop3A_1932 : vector<16xi32>
        %parallel_loop3A_1934 = arith.constant 2 : i32
        %parallel_loop3A_1935 = arith.constant 0 : i32
        %parallel_loop3A_1936 = tpu.memref_slice %arg9[%parallel_loop3A_1934, %parallel_loop3A_1935] : memref<5x8192xf32, #tpu.memory_space<vmem>> -> memref<1x8192xf32, #tpu.memory_space<vmem>>
        %parallel_loop3A_1937 = tpu.memref_squeeze %parallel_loop3A_1936 : memref<1x8192xf32, #tpu.memory_space<vmem>> -> memref<8192xf32, #tpu.memory_space<vmem>>
        tpu.vector_store_idx %parallel_loop3A_1937[%parallel_loop3A_1933], %parallel_loop3A_1931 : memref<8192xf32, #tpu.memory_space<vmem>>[vector<16xi32>], vector<16xf32>,
        %parallel_loop3A_1938 = arith.constant 2 : i32
        %parallel_loop3A_1939 = arith.constant 0 : i32
        %parallel_loop3A_1940 = arith.constant 0 : i32
        %parallel_loop3A_1941 = tpu.memref_slice %arg8[%parallel_loop3A_1938, %parallel_loop3A_1939, %parallel_loop3A_1940] : memref<5x128x64xf32, #tpu.memory_space<vmem>> -> memref<1x128x64xf32, #tpu.memory_space<vmem>>
        %parallel_loop3A_1942 = tpu.memref_squeeze %parallel_loop3A_1941 : memref<1x128x64xf32, #tpu.memory_space<vmem>> -> memref<128x64xf32, #tpu.memory_space<vmem>>
        %parallel_loop3A_1943 = arith.index_cast %parallel_loop3A_1907 : i32 to index
        %parallel_loop3A_1944 = arith.constant 32 : index
        %parallel_loop3A_1945 = tpu.vector_load %parallel_loop3A_1942[%parallel_loop3A_1943, %parallel_loop3A_1944] {strides = array<i32>} : memref<128x64xf32, #tpu.memory_space<vmem>>, vector<16xf32>,
        %parallel_loop3A_1946 = arith.addf %parallel_loop3A_1945, %get3A_1317 : vector<16xf32>
        %parallel_loop3A_1947 = vector.broadcast %parallel_loop3A_1907 : i32 to vector<16xi32>
        %parallel_loop3A_1948 = arith.addi %mul3A_22, %parallel_loop3A_1947 : vector<16xi32>
        %parallel_loop3A_1949 = arith.constant 2 : i32
        %parallel_loop3A_1950 = arith.constant 0 : i32
        %parallel_loop3A_1951 = tpu.memref_slice %arg9[%parallel_loop3A_1949, %parallel_loop3A_1950] : memref<5x8192xf32, #tpu.memory_space<vmem>> -> memref<1x8192xf32, #tpu.memory_space<vmem>>
        %parallel_loop3A_1952 = tpu.memref_squeeze %parallel_loop3A_1951 : memref<1x8192xf32, #tpu.memory_space<vmem>> -> memref<8192xf32, #tpu.memory_space<vmem>>
        tpu.vector_store_idx %parallel_loop3A_1952[%parallel_loop3A_1948], %parallel_loop3A_1946 : memref<8192xf32, #tpu.memory_space<vmem>>[vector<16xi32>], vector<16xf32>,
        %parallel_loop3A_1953 = arith.constant 2 : i32
        %parallel_loop3A_1954 = arith.constant 0 : i32
        %parallel_loop3A_1955 = arith.constant 0 : i32
        %parallel_loop3A_1956 = tpu.memref_slice %arg8[%parallel_loop3A_1953, %parallel_loop3A_1954, %parallel_loop3A_1955] : memref<5x128x64xf32, #tpu.memory_space<vmem>> -> memref<1x128x64xf32, #tpu.memory_space<vmem>>
        %parallel_loop3A_1957 = tpu.memref_squeeze %parallel_loop3A_1956 : memref<1x128x64xf32, #tpu.memory_space<vmem>> -> memref<128x64xf32, #tpu.memory_space<vmem>>
        %parallel_loop3A_1958 = arith.index_cast %parallel_loop3A_1907 : i32 to index
        %parallel_loop3A_1959 = arith.constant 48 : index
        %parallel_loop3A_1960 = tpu.vector_load %parallel_loop3A_1957[%parallel_loop3A_1958, %parallel_loop3A_1959] {strides = array<i32>} : memref<128x64xf32, #tpu.memory_space<vmem>>, vector<16xf32>,
        %parallel_loop3A_1961 = arith.addf %parallel_loop3A_1960, %get3A_1320 : vector<16xf32>
        %parallel_loop3A_1962 = vector.broadcast %parallel_loop3A_1907 : i32 to vector<16xi32>
        %parallel_loop3A_1963 = arith.addi %mul3A_28, %parallel_loop3A_1962 : vector<16xi32>
        %parallel_loop3A_1964 = arith.constant 2 : i32
        %parallel_loop3A_1965 = arith.constant 0 : i32
        %parallel_loop3A_1966 = tpu.memref_slice %arg9[%parallel_loop3A_1964, %parallel_loop3A_1965] : memref<5x8192xf32, #tpu.memory_space<vmem>> -> memref<1x8192xf32, #tpu.memory_space<vmem>>
        %parallel_loop3A_1967 = tpu.memref_squeeze %parallel_loop3A_1966 : memref<1x8192xf32, #tpu.memory_space<vmem>> -> memref<8192xf32, #tpu.memory_space<vmem>>
        tpu.vector_store_idx %parallel_loop3A_1967[%parallel_loop3A_1963], %parallel_loop3A_1961 : memref<8192xf32, #tpu.memory_space<vmem>>[vector<16xi32>], vector<16xf32>,
      } {sc.loop_unroll_factor = 8 : i64, sc.parallel_access}
      %add3A_1324 = arith.constant 5 : i32
      %add3A_1325 = arith.addi %add3A_1264, %add3A_1324 : i32
      %lt3A_1326 = arith.constant 200 : i32
      %lt3A_1327 = arith.cmpi slt, %add3A_1325, %lt3A_1326 : i32
      %convert_element_type3A_1328 = arith.extui %lt3A_1327 : i1 to i32
      %cond3A_1329 = arith.constant 0 : i32
      %cond3A_1330 = arith.cmpi ne, %convert_element_type3A_1328, %cond3A_1329 : i32
      scf.if %cond3A_1330 {
        %add3A_1907 = arith.constant 5 : i32
        %add3A_1908 = arith.addi %add3A_1264, %add3A_1907 : i32
        %mul3A_1909 = arith.constant 128 : i32
        %mul3A_1910 = arith.muli %add3A_1908, %mul3A_1909 : i32
        %dma_start3A_1911 = arith.constant 2 : i32
        %dma_start3A_1912 = arith.constant 2 : i32
        %dma_start3A_1913 = arith.constant 0 : i32
        %dma_start3A_1914 = arith.constant 0 : i32
        %dma_start3A_1915 = tpu.memref_slice %arg8[%dma_start3A_1911, %dma_start3A_1913, %dma_start3A_1914] : memref<5x128x64xf32, #tpu.memory_space<vmem>> -> memref<1x128x64xf32, #tpu.memory_space<vmem>>
        %dma_start3A_1916 = tpu.memref_squeeze %dma_start3A_1915 : memref<1x128x64xf32, #tpu.memory_space<vmem>> -> memref<128x64xf32, #tpu.memory_space<vmem>>
        %dma_start3A_1917 = tpu.memref_slice %arg6[%mul3A_1910] : memref<25600xi32, #tpu.memory_space<vmem>> -> memref<128xi32, #tpu.memory_space<vmem>>
        %dma_start3A_1918 = arith.constant 0 : i32
        %dma_start3A_1919 = arith.constant 0 : i32
        %dma_start3A_1920 = tpu.memref_slice %arg4[%dma_start3A_1918, %dma_start3A_1919] : memref<100000x64xf32, #tpu.memory_space<hbm>> -> memref<100000x64xf32, #tpu.memory_space<hbm>>
        %dma_start3A_1921 = tpu.memref_slice %arg10[%dma_start3A_1912] : memref<5x!tpu.dma_semaphore, #tpu.memory_space<semaphore_mem>> -> memref<1x!tpu.dma_semaphore, #tpu.memory_space<semaphore_mem>>
        %dma_start3A_1922 = tpu.memref_squeeze %dma_start3A_1921 : memref<1x!tpu.dma_semaphore, #tpu.memory_space<semaphore_mem>> -> memref<!tpu.dma_semaphore, #tpu.memory_space<semaphore_mem>>
        tpu.enqueue_indirect_dma source(%dma_start3A_1920 : memref<100000x64xf32, #tpu.memory_space<hbm>>) target(%dma_start3A_1916 : memref<128x64xf32, #tpu.memory_space<vmem>>) offsets(%dma_start3A_1917 : memref<128xi32, #tpu.memory_space<vmem>>) semaphore(%dma_start3A_1922 : memref<!tpu.dma_semaphore, #tpu.memory_space<semaphore_mem>>)
      } else {
      }
      %jit3A_1331 = arith.constant 32 : i32
      %div3A_1332 = arith.divsi %add3A_1265, %jit3A_1331 : i32
      %sign3A_1333 = arith.constant 0 : i32
      %sign3A_1334 = arith.cmpi sgt, %add3A_1265, %sign3A_1333 : i32
      %sign3A_1335 = arith.extui %sign3A_1334 : i1 to i32
      %sign3A_1336 = arith.constant 0 : i32
      %sign3A_1337 = arith.cmpi slt, %add3A_1265, %sign3A_1336 : i32
      %sign3A_1338 = arith.extui %sign3A_1337 : i1 to i32
      %sign3A_1339 = arith.subi %sign3A_1335, %sign3A_1338 : i32
      %sign3A_1340 = arith.constant 0 : i32
      %sign3A_1341 = arith.cmpi sgt, %jit3A_1331, %sign3A_1340 : i32
      %sign3A_1342 = arith.extui %sign3A_1341 : i1 to i32
      %sign3A_1343 = arith.constant 0 : i32
      %sign3A_1344 = arith.cmpi slt, %jit3A_1331, %sign3A_1343 : i32
      %sign3A_1345 = arith.extui %sign3A_1344 : i1 to i32
      %sign3A_1346 = arith.subi %sign3A_1342, %sign3A_1345 : i32
      %ne3A_1347 = arith.cmpi ne, %sign3A_1339, %sign3A_1346 : i32
      %rem3A_1348 = arith.remsi %add3A_1265, %jit3A_1331 : i32
      %ne3A_1349 = arith.constant 0 : i32
      %ne3A_1350 = arith.cmpi ne, %rem3A_1348, %ne3A_1349 : i32
      %and3A_1351 = arith.andi %ne3A_1347, %ne3A_1350 : i1
      %sub3A_1352 = arith.constant 1 : i32
      %sub3A_1353 = arith.subi %div3A_1332, %sub3A_1352 : i32
      %select_n3A_1354 = arith.select %and3A_1351, %sub3A_1353, %div3A_1332 : i32
      %rem3A_1355 = arith.constant 32 : i32
      %rem3A_1356 = arith.remsi %add3A_1265, %rem3A_1355 : i32
      %mul3A_1357 = arith.constant 8 : i32
      %mul3A_1358 = arith.muli %select_n3A_1354, %mul3A_1357 : i32
      %mul3A_1359 = arith.constant 32 : i32
      %mul3A_1360 = arith.muli %mul3A_1358, %mul3A_1359 : i32
      %add3A_1361 = arith.addi %mul3A_1360, %rem3A_1356 : i32
      %mul3A_1362 = arith.constant 1024 : i32
      %mul3A_1363 = arith.muli %add3A_1361, %mul3A_1362 : i32
      %add3A_1364 = arith.constant 0 : i32
      %add3A_1365 = arith.addi %mul3A_1363, %add3A_1364 : i32
      %add3A_1366 = arith.constant 32768 : i32
      %add3A_1367 = arith.addi %mul3A_1363, %add3A_1366 : i32
      %add3A_1368 = arith.constant 65536 : i32
      %add3A_1369 = arith.addi %mul3A_1363, %add3A_1368 : i32
      %add3A_1370 = arith.constant 98304 : i32
      %add3A_1371 = arith.addi %mul3A_1363, %add3A_1370 : i32
      %add3A_1372 = arith.constant 131072 : i32
      %add3A_1373 = arith.addi %mul3A_1363, %add3A_1372 : i32
      %add3A_1374 = arith.constant 163840 : i32
      %add3A_1375 = arith.addi %mul3A_1363, %add3A_1374 : i32
      %add3A_1376 = arith.constant 196608 : i32
      %add3A_1377 = arith.addi %mul3A_1363, %add3A_1376 : i32
      %add3A_1378 = arith.constant 229376 : i32
      %add3A_1379 = arith.addi %mul3A_1363, %add3A_1378 : i32
      %dma_start3A_1380 = arith.constant 2 : i32
      %dma_start3A_1381 = arith.constant 2 : i32
      %dma_start3A_1382 = arith.constant 0 : i32
      %dma_start3A_1383 = tpu.memref_slice %arg9[%dma_start3A_1380, %dma_start3A_1382] : memref<5x8192xf32, #tpu.memory_space<vmem>> -> memref<1x1024xf32, #tpu.memory_space<vmem>>
      %dma_start3A_1384 = tpu.memref_squeeze %dma_start3A_1383 : memref<1x1024xf32, #tpu.memory_space<vmem>> -> memref<1024xf32, #tpu.memory_space<vmem>>
      %dma_start3A_1385 = tpu.memref_slice %arg5[%add3A_1365] : memref<52428800xf32, #tpu.memory_space<hbm>> -> memref<1024xf32, #tpu.memory_space<hbm>>
      %dma_start3A_1386 = tpu.memref_slice %arg11[%dma_start3A_1381] : memref<5x!tpu.dma_semaphore, #tpu.memory_space<semaphore_mem>> -> memref<1x!tpu.dma_semaphore, #tpu.memory_space<semaphore_mem>>
      %dma_start3A_1387 = tpu.memref_squeeze %dma_start3A_1386 : memref<1x!tpu.dma_semaphore, #tpu.memory_space<semaphore_mem>> -> memref<!tpu.dma_semaphore, #tpu.memory_space<semaphore_mem>>
      %dma_start3A_1388 = tpu.memref_slice %arg5[%add3A_1365] : memref<52428800xf32, #tpu.memory_space<hbm>> -> memref<1024xf32, #tpu.memory_space<hbm>>
      %dma_start3A_1389 = arith.constant 0 : i32
      %dma_start3A_1390 = tpu.memref_slice %arg9[%dma_start3A_1380, %dma_start3A_1389] : memref<5x8192xf32, #tpu.memory_space<vmem>> -> memref<1x1024xf32, #tpu.memory_space<vmem>>
      %dma_start3A_1391 = tpu.memref_squeeze %dma_start3A_1390 : memref<1x1024xf32, #tpu.memory_space<vmem>> -> memref<1024xf32, #tpu.memory_space<vmem>>
      tpu.enqueue_dma source(%dma_start3A_1391 : memref<1024xf32, #tpu.memory_space<vmem>>) target(%dma_start3A_1388 : memref<1024xf32, #tpu.memory_space<hbm>>) target_semaphore(%dma_start3A_1387 : memref<!tpu.dma_semaphore, #tpu.memory_space<semaphore_mem>>)
      %dma_start3A_1392 = arith.constant 2 : i32
      %dma_start3A_1393 = arith.constant 2 : i32
      %dma_start3A_1394 = arith.constant 1024 : i32
      %dma_start3A_1395 = tpu.memref_slice %arg9[%dma_start3A_1392, %dma_start3A_1394] : memref<5x8192xf32, #tpu.memory_space<vmem>> -> memref<1x1024xf32, #tpu.memory_space<vmem>>
      %dma_start3A_1396 = tpu.memref_squeeze %dma_start3A_1395 : memref<1x1024xf32, #tpu.memory_space<vmem>> -> memref<1024xf32, #tpu.memory_space<vmem>>
      %dma_start3A_1397 = tpu.memref_slice %arg5[%add3A_1367] : memref<52428800xf32, #tpu.memory_space<hbm>> -> memref<1024xf32, #tpu.memory_space<hbm>>
      %dma_start3A_1398 = tpu.memref_slice %arg11[%dma_start3A_1393] : memref<5x!tpu.dma_semaphore, #tpu.memory_space<semaphore_mem>> -> memref<1x!tpu.dma_semaphore, #tpu.memory_space<semaphore_mem>>
      %dma_start3A_1399 = tpu.memref_squeeze %dma_start3A_1398 : memref<1x!tpu.dma_semaphore, #tpu.memory_space<semaphore_mem>> -> memref<!tpu.dma_semaphore, #tpu.memory_space<semaphore_mem>>
      %dma_start3A_1400 = tpu.memref_slice %arg5[%add3A_1367] : memref<52428800xf32, #tpu.memory_space<hbm>> -> memref<1024xf32, #tpu.memory_space<hbm>>
      %dma_start3A_1401 = arith.constant 1024 : i32
      %dma_start3A_1402 = tpu.memref_slice %arg9[%dma_start3A_1392, %dma_start3A_1401] : memref<5x8192xf32, #tpu.memory_space<vmem>> -> memref<1x1024xf32, #tpu.memory_space<vmem>>
      %dma_start3A_1403 = tpu.memref_squeeze %dma_start3A_1402 : memref<1x1024xf32, #tpu.memory_space<vmem>> -> memref<1024xf32, #tpu.memory_space<vmem>>
      tpu.enqueue_dma source(%dma_start3A_1403 : memref<1024xf32, #tpu.memory_space<vmem>>) target(%dma_start3A_1400 : memref<1024xf32, #tpu.memory_space<hbm>>) target_semaphore(%dma_start3A_1399 : memref<!tpu.dma_semaphore, #tpu.memory_space<semaphore_mem>>)
      %dma_start3A_1404 = arith.constant 2 : i32
      %dma_start3A_1405 = arith.constant 2 : i32
      %dma_start3A_1406 = arith.constant 2048 : i32
      %dma_start3A_1407 = tpu.memref_slice %arg9[%dma_start3A_1404, %dma_start3A_1406] : memref<5x8192xf32, #tpu.memory_space<vmem>> -> memref<1x1024xf32, #tpu.memory_space<vmem>>
      %dma_start3A_1408 = tpu.memref_squeeze %dma_start3A_1407 : memref<1x1024xf32, #tpu.memory_space<vmem>> -> memref<1024xf32, #tpu.memory_space<vmem>>
      %dma_start3A_1409 = tpu.memref_slice %arg5[%add3A_1369] : memref<52428800xf32, #tpu.memory_space<hbm>> -> memref<1024xf32, #tpu.memory_space<hbm>>
      %dma_start3A_1410 = tpu.memref_slice %arg11[%dma_start3A_1405] : memref<5x!tpu.dma_semaphore, #tpu.memory_space<semaphore_mem>> -> memref<1x!tpu.dma_semaphore, #tpu.memory_space<semaphore_mem>>
      %dma_start3A_1411 = tpu.memref_squeeze %dma_start3A_1410 : memref<1x!tpu.dma_semaphore, #tpu.memory_space<semaphore_mem>> -> memref<!tpu.dma_semaphore, #tpu.memory_space<semaphore_mem>>
      %dma_start3A_1412 = tpu.memref_slice %arg5[%add3A_1369] : memref<52428800xf32, #tpu.memory_space<hbm>> -> memref<1024xf32, #tpu.memory_space<hbm>>
      %dma_start3A_1413 = arith.constant 2048 : i32
      %dma_start3A_1414 = tpu.memref_slice %arg9[%dma_start3A_1404, %dma_start3A_1413] : memref<5x8192xf32, #tpu.memory_space<vmem>> -> memref<1x1024xf32, #tpu.memory_space<vmem>>
      %dma_start3A_1415 = tpu.memref_squeeze %dma_start3A_1414 : memref<1x1024xf32, #tpu.memory_space<vmem>> -> memref<1024xf32, #tpu.memory_space<vmem>>
      tpu.enqueue_dma source(%dma_start3A_1415 : memref<1024xf32, #tpu.memory_space<vmem>>) target(%dma_start3A_1412 : memref<1024xf32, #tpu.memory_space<hbm>>) target_semaphore(%dma_start3A_1411 : memref<!tpu.dma_semaphore, #tpu.memory_space<semaphore_mem>>)
      %dma_start3A_1416 = arith.constant 2 : i32
      %dma_start3A_1417 = arith.constant 2 : i32
      %dma_start3A_1418 = arith.constant 3072 : i32
      %dma_start3A_1419 = tpu.memref_slice %arg9[%dma_start3A_1416, %dma_start3A_1418] : memref<5x8192xf32, #tpu.memory_space<vmem>> -> memref<1x1024xf32, #tpu.memory_space<vmem>>
      %dma_start3A_1420 = tpu.memref_squeeze %dma_start3A_1419 : memref<1x1024xf32, #tpu.memory_space<vmem>> -> memref<1024xf32, #tpu.memory_space<vmem>>
      %dma_start3A_1421 = tpu.memref_slice %arg5[%add3A_1371] : memref<52428800xf32, #tpu.memory_space<hbm>> -> memref<1024xf32, #tpu.memory_space<hbm>>
      %dma_start3A_1422 = tpu.memref_slice %arg11[%dma_start3A_1417] : memref<5x!tpu.dma_semaphore, #tpu.memory_space<semaphore_mem>> -> memref<1x!tpu.dma_semaphore, #tpu.memory_space<semaphore_mem>>
      %dma_start3A_1423 = tpu.memref_squeeze %dma_start3A_1422 : memref<1x!tpu.dma_semaphore, #tpu.memory_space<semaphore_mem>> -> memref<!tpu.dma_semaphore, #tpu.memory_space<semaphore_mem>>
      %dma_start3A_1424 = tpu.memref_slice %arg5[%add3A_1371] : memref<52428800xf32, #tpu.memory_space<hbm>> -> memref<1024xf32, #tpu.memory_space<hbm>>
      %dma_start3A_1425 = arith.constant 3072 : i32
      %dma_start3A_1426 = tpu.memref_slice %arg9[%dma_start3A_1416, %dma_start3A_1425] : memref<5x8192xf32, #tpu.memory_space<vmem>> -> memref<1x1024xf32, #tpu.memory_space<vmem>>
      %dma_start3A_1427 = tpu.memref_squeeze %dma_start3A_1426 : memref<1x1024xf32, #tpu.memory_space<vmem>> -> memref<1024xf32, #tpu.memory_space<vmem>>
      tpu.enqueue_dma source(%dma_start3A_1427 : memref<1024xf32, #tpu.memory_space<vmem>>) target(%dma_start3A_1424 : memref<1024xf32, #tpu.memory_space<hbm>>) target_semaphore(%dma_start3A_1423 : memref<!tpu.dma_semaphore, #tpu.memory_space<semaphore_mem>>)
      %dma_start3A_1428 = arith.constant 2 : i32
      %dma_start3A_1429 = arith.constant 2 : i32
      %dma_start3A_1430 = arith.constant 4096 : i32
      %dma_start3A_1431 = tpu.memref_slice %arg9[%dma_start3A_1428, %dma_start3A_1430] : memref<5x8192xf32, #tpu.memory_space<vmem>> -> memref<1x1024xf32, #tpu.memory_space<vmem>>
      %dma_start3A_1432 = tpu.memref_squeeze %dma_start3A_1431 : memref<1x1024xf32, #tpu.memory_space<vmem>> -> memref<1024xf32, #tpu.memory_space<vmem>>
      %dma_start3A_1433 = tpu.memref_slice %arg5[%add3A_1373] : memref<52428800xf32, #tpu.memory_space<hbm>> -> memref<1024xf32, #tpu.memory_space<hbm>>
      %dma_start3A_1434 = tpu.memref_slice %arg11[%dma_start3A_1429] : memref<5x!tpu.dma_semaphore, #tpu.memory_space<semaphore_mem>> -> memref<1x!tpu.dma_semaphore, #tpu.memory_space<semaphore_mem>>
      %dma_start3A_1435 = tpu.memref_squeeze %dma_start3A_1434 : memref<1x!tpu.dma_semaphore, #tpu.memory_space<semaphore_mem>> -> memref<!tpu.dma_semaphore, #tpu.memory_space<semaphore_mem>>
      %dma_start3A_1436 = tpu.memref_slice %arg5[%add3A_1373] : memref<52428800xf32, #tpu.memory_space<hbm>> -> memref<1024xf32, #tpu.memory_space<hbm>>
      %dma_start3A_1437 = arith.constant 4096 : i32
      %dma_start3A_1438 = tpu.memref_slice %arg9[%dma_start3A_1428, %dma_start3A_1437] : memref<5x8192xf32, #tpu.memory_space<vmem>> -> memref<1x1024xf32, #tpu.memory_space<vmem>>
      %dma_start3A_1439 = tpu.memref_squeeze %dma_start3A_1438 : memref<1x1024xf32, #tpu.memory_space<vmem>> -> memref<1024xf32, #tpu.memory_space<vmem>>
      tpu.enqueue_dma source(%dma_start3A_1439 : memref<1024xf32, #tpu.memory_space<vmem>>) target(%dma_start3A_1436 : memref<1024xf32, #tpu.memory_space<hbm>>) target_semaphore(%dma_start3A_1435 : memref<!tpu.dma_semaphore, #tpu.memory_space<semaphore_mem>>)
      %dma_start3A_1440 = arith.constant 2 : i32
      %dma_start3A_1441 = arith.constant 2 : i32
      %dma_start3A_1442 = arith.constant 5120 : i32
      %dma_start3A_1443 = tpu.memref_slice %arg9[%dma_start3A_1440, %dma_start3A_1442] : memref<5x8192xf32, #tpu.memory_space<vmem>> -> memref<1x1024xf32, #tpu.memory_space<vmem>>
      %dma_start3A_1444 = tpu.memref_squeeze %dma_start3A_1443 : memref<1x1024xf32, #tpu.memory_space<vmem>> -> memref<1024xf32, #tpu.memory_space<vmem>>
      %dma_start3A_1445 = tpu.memref_slice %arg5[%add3A_1375] : memref<52428800xf32, #tpu.memory_space<hbm>> -> memref<1024xf32, #tpu.memory_space<hbm>>
      %dma_start3A_1446 = tpu.memref_slice %arg11[%dma_start3A_1441] : memref<5x!tpu.dma_semaphore, #tpu.memory_space<semaphore_mem>> -> memref<1x!tpu.dma_semaphore, #tpu.memory_space<semaphore_mem>>
      %dma_start3A_1447 = tpu.memref_squeeze %dma_start3A_1446 : memref<1x!tpu.dma_semaphore, #tpu.memory_space<semaphore_mem>> -> memref<!tpu.dma_semaphore, #tpu.memory_space<semaphore_mem>>
      %dma_start3A_1448 = tpu.memref_slice %arg5[%add3A_1375] : memref<52428800xf32, #tpu.memory_space<hbm>> -> memref<1024xf32, #tpu.memory_space<hbm>>
      %dma_start3A_1449 = arith.constant 5120 : i32
      %dma_start3A_1450 = tpu.memref_slice %arg9[%dma_start3A_1440, %dma_start3A_1449] : memref<5x8192xf32, #tpu.memory_space<vmem>> -> memref<1x1024xf32, #tpu.memory_space<vmem>>
      %dma_start3A_1451 = tpu.memref_squeeze %dma_start3A_1450 : memref<1x1024xf32, #tpu.memory_space<vmem>> -> memref<1024xf32, #tpu.memory_space<vmem>>
      tpu.enqueue_dma source(%dma_start3A_1451 : memref<1024xf32, #tpu.memory_space<vmem>>) target(%dma_start3A_1448 : memref<1024xf32, #tpu.memory_space<hbm>>) target_semaphore(%dma_start3A_1447 : memref<!tpu.dma_semaphore, #tpu.memory_space<semaphore_mem>>)
      %dma_start3A_1452 = arith.constant 2 : i32
      %dma_start3A_1453 = arith.constant 2 : i32
      %dma_start3A_1454 = arith.constant 6144 : i32
      %dma_start3A_1455 = tpu.memref_slice %arg9[%dma_start3A_1452, %dma_start3A_1454] : memref<5x8192xf32, #tpu.memory_space<vmem>> -> memref<1x1024xf32, #tpu.memory_space<vmem>>
      %dma_start3A_1456 = tpu.memref_squeeze %dma_start3A_1455 : memref<1x1024xf32, #tpu.memory_space<vmem>> -> memref<1024xf32, #tpu.memory_space<vmem>>
      %dma_start3A_1457 = tpu.memref_slice %arg5[%add3A_1377] : memref<52428800xf32, #tpu.memory_space<hbm>> -> memref<1024xf32, #tpu.memory_space<hbm>>
      %dma_start3A_1458 = tpu.memref_slice %arg11[%dma_start3A_1453] : memref<5x!tpu.dma_semaphore, #tpu.memory_space<semaphore_mem>> -> memref<1x!tpu.dma_semaphore, #tpu.memory_space<semaphore_mem>>
      %dma_start3A_1459 = tpu.memref_squeeze %dma_start3A_1458 : memref<1x!tpu.dma_semaphore, #tpu.memory_space<semaphore_mem>> -> memref<!tpu.dma_semaphore, #tpu.memory_space<semaphore_mem>>
      %dma_start3A_1460 = tpu.memref_slice %arg5[%add3A_1377] : memref<52428800xf32, #tpu.memory_space<hbm>> -> memref<1024xf32, #tpu.memory_space<hbm>>
      %dma_start3A_1461 = arith.constant 6144 : i32
      %dma_start3A_1462 = tpu.memref_slice %arg9[%dma_start3A_1452, %dma_start3A_1461] : memref<5x8192xf32, #tpu.memory_space<vmem>> -> memref<1x1024xf32, #tpu.memory_space<vmem>>
      %dma_start3A_1463 = tpu.memref_squeeze %dma_start3A_1462 : memref<1x1024xf32, #tpu.memory_space<vmem>> -> memref<1024xf32, #tpu.memory_space<vmem>>
      tpu.enqueue_dma source(%dma_start3A_1463 : memref<1024xf32, #tpu.memory_space<vmem>>) target(%dma_start3A_1460 : memref<1024xf32, #tpu.memory_space<hbm>>) target_semaphore(%dma_start3A_1459 : memref<!tpu.dma_semaphore, #tpu.memory_space<semaphore_mem>>)
      %dma_start3A_1464 = arith.constant 2 : i32
      %dma_start3A_1465 = arith.constant 2 : i32
      %dma_start3A_1466 = arith.constant 7168 : i32
      %dma_start3A_1467 = tpu.memref_slice %arg9[%dma_start3A_1464, %dma_start3A_1466] : memref<5x8192xf32, #tpu.memory_space<vmem>> -> memref<1x1024xf32, #tpu.memory_space<vmem>>
      %dma_start3A_1468 = tpu.memref_squeeze %dma_start3A_1467 : memref<1x1024xf32, #tpu.memory_space<vmem>> -> memref<1024xf32, #tpu.memory_space<vmem>>
      %dma_start3A_1469 = tpu.memref_slice %arg5[%add3A_1379] : memref<52428800xf32, #tpu.memory_space<hbm>> -> memref<1024xf32, #tpu.memory_space<hbm>>
      %dma_start3A_1470 = tpu.memref_slice %arg11[%dma_start3A_1465] : memref<5x!tpu.dma_semaphore, #tpu.memory_space<semaphore_mem>> -> memref<1x!tpu.dma_semaphore, #tpu.memory_space<semaphore_mem>>
      %dma_start3A_1471 = tpu.memref_squeeze %dma_start3A_1470 : memref<1x!tpu.dma_semaphore, #tpu.memory_space<semaphore_mem>> -> memref<!tpu.dma_semaphore, #tpu.memory_space<semaphore_mem>>
      %dma_start3A_1472 = tpu.memref_slice %arg5[%add3A_1379] : memref<52428800xf32, #tpu.memory_space<hbm>> -> memref<1024xf32, #tpu.memory_space<hbm>>
      %dma_start3A_1473 = arith.constant 7168 : i32
      %dma_start3A_1474 = tpu.memref_slice %arg9[%dma_start3A_1464, %dma_start3A_1473] : memref<5x8192xf32, #tpu.memory_space<vmem>> -> memref<1x1024xf32, #tpu.memory_space<vmem>>
      %dma_start3A_1475 = tpu.memref_squeeze %dma_start3A_1474 : memref<1x1024xf32, #tpu.memory_space<vmem>> -> memref<1024xf32, #tpu.memory_space<vmem>>
      tpu.enqueue_dma source(%dma_start3A_1475 : memref<1024xf32, #tpu.memory_space<vmem>>) target(%dma_start3A_1472 : memref<1024xf32, #tpu.memory_space<hbm>>) target_semaphore(%dma_start3A_1471 : memref<!tpu.dma_semaphore, #tpu.memory_space<semaphore_mem>>)
      %mul3A_1476 = arith.constant 5 : i32
      %mul3A_1477 = arith.muli %scan3A_835, %mul3A_1476 : i32
      %add3A_1478 = arith.constant 3 : i32
      %add3A_1479 = arith.addi %mul3A_1477, %add3A_1478 : i32
      %add3A_1480 = arith.addi %mul3A_2, %add3A_1479 : i32
      %jit3A_1481 = arith.constant 32 : i32
      %div3A_1482 = arith.divsi %add3A_1480, %jit3A_1481 : i32
      %sign3A_1483 = arith.constant 0 : i32
      %sign3A_1484 = arith.cmpi sgt, %add3A_1480, %sign3A_1483 : i32
      %sign3A_1485 = arith.extui %sign3A_1484 : i1 to i32
      %sign3A_1486 = arith.constant 0 : i32
      %sign3A_1487 = arith.cmpi slt, %add3A_1480, %sign3A_1486 : i32
      %sign3A_1488 = arith.extui %sign3A_1487 : i1 to i32
      %sign3A_1489 = arith.subi %sign3A_1485, %sign3A_1488 : i32
      %sign3A_1490 = arith.constant 0 : i32
      %sign3A_1491 = arith.cmpi sgt, %jit3A_1481, %sign3A_1490 : i32
      %sign3A_1492 = arith.extui %sign3A_1491 : i1 to i32
      %sign3A_1493 = arith.constant 0 : i32
      %sign3A_1494 = arith.cmpi slt, %jit3A_1481, %sign3A_1493 : i32
      %sign3A_1495 = arith.extui %sign3A_1494 : i1 to i32
      %sign3A_1496 = arith.subi %sign3A_1492, %sign3A_1495 : i32
      %ne3A_1497 = arith.cmpi ne, %sign3A_1489, %sign3A_1496 : i32
      %rem3A_1498 = arith.remsi %add3A_1480, %jit3A_1481 : i32
      %ne3A_1499 = arith.constant 0 : i32
      %ne3A_1500 = arith.cmpi ne, %rem3A_1498, %ne3A_1499 : i32
      %and3A_1501 = arith.andi %ne3A_1497, %ne3A_1500 : i1
      %sub3A_1502 = arith.constant 1 : i32
      %sub3A_1503 = arith.subi %div3A_1482, %sub3A_1502 : i32
      %select_n3A_1504 = arith.select %and3A_1501, %sub3A_1503, %div3A_1482 : i32
      %mul3A_1505 = arith.constant 128 : i32
      %mul3A_1506 = arith.muli %add3A_1479, %mul3A_1505 : i32
      %dma_wait3A_1507 = arith.constant 3 : i32
      %dma_wait3A_1508 = arith.constant 3 : i32
      %dma_wait3A_1509 = arith.constant 0 : i32
      %dma_wait3A_1510 = arith.constant 0 : i32
      %dma_wait3A_1511 = tpu.memref_slice %arg8[%dma_wait3A_1507, %dma_wait3A_1509, %dma_wait3A_1510] : memref<5x128x64xf32, #tpu.memory_space<vmem>> -> memref<1x128x64xf32, #tpu.memory_space<vmem>>
      %dma_wait3A_1512 = tpu.memref_squeeze %dma_wait3A_1511 : memref<1x128x64xf32, #tpu.memory_space<vmem>> -> memref<128x64xf32, #tpu.memory_space<vmem>>
      %dma_wait3A_1513 = tpu.memref_slice %arg6[%mul3A_1506] : memref<25600xi32, #tpu.memory_space<vmem>> -> memref<128xi32, #tpu.memory_space<vmem>>
      %dma_wait3A_1514 = arith.constant 0 : i32
      %dma_wait3A_1515 = arith.constant 0 : i32
      %dma_wait3A_1516 = tpu.memref_slice %arg4[%dma_wait3A_1514, %dma_wait3A_1515] : memref<100000x64xf32, #tpu.memory_space<hbm>> -> memref<100000x64xf32, #tpu.memory_space<hbm>>
      %dma_wait3A_1517 = tpu.memref_slice %arg10[%dma_wait3A_1508] : memref<5x!tpu.dma_semaphore, #tpu.memory_space<semaphore_mem>> -> memref<1x!tpu.dma_semaphore, #tpu.memory_space<semaphore_mem>>
      %dma_wait3A_1518 = tpu.memref_squeeze %dma_wait3A_1517 : memref<1x!tpu.dma_semaphore, #tpu.memory_space<semaphore_mem>> -> memref<!tpu.dma_semaphore, #tpu.memory_space<semaphore_mem>>
      tpu.wait_indirect_dma semaphore(%dma_wait3A_1518 : memref<!tpu.dma_semaphore, #tpu.memory_space<semaphore_mem>>) src(%dma_wait3A_1516 : memref<100000x64xf32, #tpu.memory_space<hbm>>) dst(%dma_wait3A_1512 : memref<128x64xf32, #tpu.memory_space<vmem>>)
      %gt3A_1519 = arith.constant 0 : i32
      %gt3A_1520 = arith.cmpi sgt, %scan3A_835, %gt3A_1519 : i32
      %convert_element_type3A_1521 = arith.extui %gt3A_1520 : i1 to i32
      %cond3A_1522 = arith.constant 0 : i32
      %cond3A_1523 = arith.cmpi ne, %convert_element_type3A_1521, %cond3A_1522 : i32
      scf.if %cond3A_1523 {
        %sub3A_1907 = arith.constant 1 : i32
        %sub3A_1908 = arith.subi %scan3A_835, %sub3A_1907 : i32
        %mul3A_1909 = arith.constant 5 : i32
        %mul3A_1910 = arith.muli %sub3A_1908, %mul3A_1909 : i32
        %add3A_1911 = arith.addi %mul3A_2, %mul3A_1910 : i32
        %add3A_1912 = arith.constant 3 : i32
        %add3A_1913 = arith.addi %add3A_1911, %add3A_1912 : i32
        %jit3A_1914 = arith.constant 32 : i32
        %div3A_1915 = arith.divsi %add3A_1913, %jit3A_1914 : i32
        %sign3A_1916 = arith.constant 0 : i32
        %sign3A_1917 = arith.cmpi sgt, %add3A_1913, %sign3A_1916 : i32
        %sign3A_1918 = arith.extui %sign3A_1917 : i1 to i32
        %sign3A_1919 = arith.constant 0 : i32
        %sign3A_1920 = arith.cmpi slt, %add3A_1913, %sign3A_1919 : i32
        %sign3A_1921 = arith.extui %sign3A_1920 : i1 to i32
        %sign3A_1922 = arith.subi %sign3A_1918, %sign3A_1921 : i32
        %sign3A_1923 = arith.constant 0 : i32
        %sign3A_1924 = arith.cmpi sgt, %jit3A_1914, %sign3A_1923 : i32
        %sign3A_1925 = arith.extui %sign3A_1924 : i1 to i32
        %sign3A_1926 = arith.constant 0 : i32
        %sign3A_1927 = arith.cmpi slt, %jit3A_1914, %sign3A_1926 : i32
        %sign3A_1928 = arith.extui %sign3A_1927 : i1 to i32
        %sign3A_1929 = arith.subi %sign3A_1925, %sign3A_1928 : i32
        %ne3A_1930 = arith.cmpi ne, %sign3A_1922, %sign3A_1929 : i32
        %rem3A_1931 = arith.remsi %add3A_1913, %jit3A_1914 : i32
        %ne3A_1932 = arith.constant 0 : i32
        %ne3A_1933 = arith.cmpi ne, %rem3A_1931, %ne3A_1932 : i32
        %and3A_1934 = arith.andi %ne3A_1930, %ne3A_1933 : i1
        %sub3A_1935 = arith.constant 1 : i32
        %sub3A_1936 = arith.subi %div3A_1915, %sub3A_1935 : i32
        %select_n3A_1937 = arith.select %and3A_1934, %sub3A_1936, %div3A_1915 : i32
        %rem3A_1938 = arith.constant 32 : i32
        %rem3A_1939 = arith.remsi %add3A_1913, %rem3A_1938 : i32
        %mul3A_1940 = arith.constant 8 : i32
        %mul3A_1941 = arith.muli %select_n3A_1937, %mul3A_1940 : i32
        %mul3A_1942 = arith.constant 32 : i32
        %mul3A_1943 = arith.muli %mul3A_1941, %mul3A_1942 : i32
        %add3A_1944 = arith.addi %mul3A_1943, %rem3A_1939 : i32
        %mul3A_1945 = arith.constant 1024 : i32
        %mul3A_1946 = arith.muli %add3A_1944, %mul3A_1945 : i32
        %add3A_1947 = arith.constant 0 : i32
        %add3A_1948 = arith.addi %mul3A_1946, %add3A_1947 : i32
        %add3A_1949 = arith.constant 32768 : i32
        %add3A_1950 = arith.addi %mul3A_1946, %add3A_1949 : i32
        %add3A_1951 = arith.constant 65536 : i32
        %add3A_1952 = arith.addi %mul3A_1946, %add3A_1951 : i32
        %add3A_1953 = arith.constant 98304 : i32
        %add3A_1954 = arith.addi %mul3A_1946, %add3A_1953 : i32
        %add3A_1955 = arith.constant 131072 : i32
        %add3A_1956 = arith.addi %mul3A_1946, %add3A_1955 : i32
        %add3A_1957 = arith.constant 163840 : i32
        %add3A_1958 = arith.addi %mul3A_1946, %add3A_1957 : i32
        %add3A_1959 = arith.constant 196608 : i32
        %add3A_1960 = arith.addi %mul3A_1946, %add3A_1959 : i32
        %add3A_1961 = arith.constant 229376 : i32
        %add3A_1962 = arith.addi %mul3A_1946, %add3A_1961 : i32
        %dma_wait3A_1963 = arith.constant 3 : i32
        %dma_wait3A_1964 = arith.constant 3 : i32
        %dma_wait3A_1965 = arith.constant 0 : i32
        %dma_wait3A_1966 = tpu.memref_slice %arg9[%dma_wait3A_1963, %dma_wait3A_1965] : memref<5x8192xf32, #tpu.memory_space<vmem>> -> memref<1x1024xf32, #tpu.memory_space<vmem>>
        %dma_wait3A_1967 = tpu.memref_squeeze %dma_wait3A_1966 : memref<1x1024xf32, #tpu.memory_space<vmem>> -> memref<1024xf32, #tpu.memory_space<vmem>>
        %dma_wait3A_1968 = tpu.memref_slice %arg5[%add3A_1948] : memref<52428800xf32, #tpu.memory_space<hbm>> -> memref<1024xf32, #tpu.memory_space<hbm>>
        %dma_wait3A_1969 = tpu.memref_slice %arg11[%dma_wait3A_1964] : memref<5x!tpu.dma_semaphore, #tpu.memory_space<semaphore_mem>> -> memref<1x!tpu.dma_semaphore, #tpu.memory_space<semaphore_mem>>
        %dma_wait3A_1970 = tpu.memref_squeeze %dma_wait3A_1969 : memref<1x!tpu.dma_semaphore, #tpu.memory_space<semaphore_mem>> -> memref<!tpu.dma_semaphore, #tpu.memory_space<semaphore_mem>>
        %dma_wait3A_1971 = tpu.memref_slice %arg5[%add3A_1948] : memref<52428800xf32, #tpu.memory_space<hbm>> -> memref<1024xf32, #tpu.memory_space<hbm>>
        %dma_wait3A_1972 = arith.constant 0 : i32
        %dma_wait3A_1973 = tpu.memref_slice %arg9[%dma_wait3A_1963, %dma_wait3A_1972] : memref<5x8192xf32, #tpu.memory_space<vmem>> -> memref<1x1024xf32, #tpu.memory_space<vmem>>
        %dma_wait3A_1974 = tpu.memref_squeeze %dma_wait3A_1973 : memref<1x1024xf32, #tpu.memory_space<vmem>> -> memref<1024xf32, #tpu.memory_space<vmem>>
        tpu.wait_dma2 semaphore(%dma_wait3A_1970 : memref<!tpu.dma_semaphore, #tpu.memory_space<semaphore_mem>>) src(%dma_wait3A_1974 : memref<1024xf32, #tpu.memory_space<vmem>>) dst(%dma_wait3A_1971 : memref<1024xf32, #tpu.memory_space<hbm>>)
        %dma_wait3A_1975 = arith.constant 3 : i32
        %dma_wait3A_1976 = arith.constant 3 : i32
        %dma_wait3A_1977 = arith.constant 1024 : i32
        %dma_wait3A_1978 = tpu.memref_slice %arg9[%dma_wait3A_1975, %dma_wait3A_1977] : memref<5x8192xf32, #tpu.memory_space<vmem>> -> memref<1x1024xf32, #tpu.memory_space<vmem>>
        %dma_wait3A_1979 = tpu.memref_squeeze %dma_wait3A_1978 : memref<1x1024xf32, #tpu.memory_space<vmem>> -> memref<1024xf32, #tpu.memory_space<vmem>>
        %dma_wait3A_1980 = tpu.memref_slice %arg5[%add3A_1950] : memref<52428800xf32, #tpu.memory_space<hbm>> -> memref<1024xf32, #tpu.memory_space<hbm>>
        %dma_wait3A_1981 = tpu.memref_slice %arg11[%dma_wait3A_1976] : memref<5x!tpu.dma_semaphore, #tpu.memory_space<semaphore_mem>> -> memref<1x!tpu.dma_semaphore, #tpu.memory_space<semaphore_mem>>
        %dma_wait3A_1982 = tpu.memref_squeeze %dma_wait3A_1981 : memref<1x!tpu.dma_semaphore, #tpu.memory_space<semaphore_mem>> -> memref<!tpu.dma_semaphore, #tpu.memory_space<semaphore_mem>>
        %dma_wait3A_1983 = tpu.memref_slice %arg5[%add3A_1950] : memref<52428800xf32, #tpu.memory_space<hbm>> -> memref<1024xf32, #tpu.memory_space<hbm>>
        %dma_wait3A_1984 = arith.constant 1024 : i32
        %dma_wait3A_1985 = tpu.memref_slice %arg9[%dma_wait3A_1975, %dma_wait3A_1984] : memref<5x8192xf32, #tpu.memory_space<vmem>> -> memref<1x1024xf32, #tpu.memory_space<vmem>>
        %dma_wait3A_1986 = tpu.memref_squeeze %dma_wait3A_1985 : memref<1x1024xf32, #tpu.memory_space<vmem>> -> memref<1024xf32, #tpu.memory_space<vmem>>
        tpu.wait_dma2 semaphore(%dma_wait3A_1982 : memref<!tpu.dma_semaphore, #tpu.memory_space<semaphore_mem>>) src(%dma_wait3A_1986 : memref<1024xf32, #tpu.memory_space<vmem>>) dst(%dma_wait3A_1983 : memref<1024xf32, #tpu.memory_space<hbm>>)
        %dma_wait3A_1987 = arith.constant 3 : i32
        %dma_wait3A_1988 = arith.constant 3 : i32
        %dma_wait3A_1989 = arith.constant 2048 : i32
        %dma_wait3A_1990 = tpu.memref_slice %arg9[%dma_wait3A_1987, %dma_wait3A_1989] : memref<5x8192xf32, #tpu.memory_space<vmem>> -> memref<1x1024xf32, #tpu.memory_space<vmem>>
        %dma_wait3A_1991 = tpu.memref_squeeze %dma_wait3A_1990 : memref<1x1024xf32, #tpu.memory_space<vmem>> -> memref<1024xf32, #tpu.memory_space<vmem>>
        %dma_wait3A_1992 = tpu.memref_slice %arg5[%add3A_1952] : memref<52428800xf32, #tpu.memory_space<hbm>> -> memref<1024xf32, #tpu.memory_space<hbm>>
        %dma_wait3A_1993 = tpu.memref_slice %arg11[%dma_wait3A_1988] : memref<5x!tpu.dma_semaphore, #tpu.memory_space<semaphore_mem>> -> memref<1x!tpu.dma_semaphore, #tpu.memory_space<semaphore_mem>>
        %dma_wait3A_1994 = tpu.memref_squeeze %dma_wait3A_1993 : memref<1x!tpu.dma_semaphore, #tpu.memory_space<semaphore_mem>> -> memref<!tpu.dma_semaphore, #tpu.memory_space<semaphore_mem>>
        %dma_wait3A_1995 = tpu.memref_slice %arg5[%add3A_1952] : memref<52428800xf32, #tpu.memory_space<hbm>> -> memref<1024xf32, #tpu.memory_space<hbm>>
        %dma_wait3A_1996 = arith.constant 2048 : i32
        %dma_wait3A_1997 = tpu.memref_slice %arg9[%dma_wait3A_1987, %dma_wait3A_1996] : memref<5x8192xf32, #tpu.memory_space<vmem>> -> memref<1x1024xf32, #tpu.memory_space<vmem>>
        %dma_wait3A_1998 = tpu.memref_squeeze %dma_wait3A_1997 : memref<1x1024xf32, #tpu.memory_space<vmem>> -> memref<1024xf32, #tpu.memory_space<vmem>>
        tpu.wait_dma2 semaphore(%dma_wait3A_1994 : memref<!tpu.dma_semaphore, #tpu.memory_space<semaphore_mem>>) src(%dma_wait3A_1998 : memref<1024xf32, #tpu.memory_space<vmem>>) dst(%dma_wait3A_1995 : memref<1024xf32, #tpu.memory_space<hbm>>)
        %dma_wait3A_1999 = arith.constant 3 : i32
        %dma_wait3A_2000 = arith.constant 3 : i32
        %dma_wait3A_2001 = arith.constant 3072 : i32
        %dma_wait3A_2002 = tpu.memref_slice %arg9[%dma_wait3A_1999, %dma_wait3A_2001] : memref<5x8192xf32, #tpu.memory_space<vmem>> -> memref<1x1024xf32, #tpu.memory_space<vmem>>
        %dma_wait3A_2003 = tpu.memref_squeeze %dma_wait3A_2002 : memref<1x1024xf32, #tpu.memory_space<vmem>> -> memref<1024xf32, #tpu.memory_space<vmem>>
        %dma_wait3A_2004 = tpu.memref_slice %arg5[%add3A_1954] : memref<52428800xf32, #tpu.memory_space<hbm>> -> memref<1024xf32, #tpu.memory_space<hbm>>
        %dma_wait3A_2005 = tpu.memref_slice %arg11[%dma_wait3A_2000] : memref<5x!tpu.dma_semaphore, #tpu.memory_space<semaphore_mem>> -> memref<1x!tpu.dma_semaphore, #tpu.memory_space<semaphore_mem>>
        %dma_wait3A_2006 = tpu.memref_squeeze %dma_wait3A_2005 : memref<1x!tpu.dma_semaphore, #tpu.memory_space<semaphore_mem>> -> memref<!tpu.dma_semaphore, #tpu.memory_space<semaphore_mem>>
        %dma_wait3A_2007 = tpu.memref_slice %arg5[%add3A_1954] : memref<52428800xf32, #tpu.memory_space<hbm>> -> memref<1024xf32, #tpu.memory_space<hbm>>
        %dma_wait3A_2008 = arith.constant 3072 : i32
        %dma_wait3A_2009 = tpu.memref_slice %arg9[%dma_wait3A_1999, %dma_wait3A_2008] : memref<5x8192xf32, #tpu.memory_space<vmem>> -> memref<1x1024xf32, #tpu.memory_space<vmem>>
        %dma_wait3A_2010 = tpu.memref_squeeze %dma_wait3A_2009 : memref<1x1024xf32, #tpu.memory_space<vmem>> -> memref<1024xf32, #tpu.memory_space<vmem>>
        tpu.wait_dma2 semaphore(%dma_wait3A_2006 : memref<!tpu.dma_semaphore, #tpu.memory_space<semaphore_mem>>) src(%dma_wait3A_2010 : memref<1024xf32, #tpu.memory_space<vmem>>) dst(%dma_wait3A_2007 : memref<1024xf32, #tpu.memory_space<hbm>>)
        %dma_wait3A_2011 = arith.constant 3 : i32
        %dma_wait3A_2012 = arith.constant 3 : i32
        %dma_wait3A_2013 = arith.constant 4096 : i32
        %dma_wait3A_2014 = tpu.memref_slice %arg9[%dma_wait3A_2011, %dma_wait3A_2013] : memref<5x8192xf32, #tpu.memory_space<vmem>> -> memref<1x1024xf32, #tpu.memory_space<vmem>>
        %dma_wait3A_2015 = tpu.memref_squeeze %dma_wait3A_2014 : memref<1x1024xf32, #tpu.memory_space<vmem>> -> memref<1024xf32, #tpu.memory_space<vmem>>
        %dma_wait3A_2016 = tpu.memref_slice %arg5[%add3A_1956] : memref<52428800xf32, #tpu.memory_space<hbm>> -> memref<1024xf32, #tpu.memory_space<hbm>>
        %dma_wait3A_2017 = tpu.memref_slice %arg11[%dma_wait3A_2012] : memref<5x!tpu.dma_semaphore, #tpu.memory_space<semaphore_mem>> -> memref<1x!tpu.dma_semaphore, #tpu.memory_space<semaphore_mem>>
        %dma_wait3A_2018 = tpu.memref_squeeze %dma_wait3A_2017 : memref<1x!tpu.dma_semaphore, #tpu.memory_space<semaphore_mem>> -> memref<!tpu.dma_semaphore, #tpu.memory_space<semaphore_mem>>
        %dma_wait3A_2019 = tpu.memref_slice %arg5[%add3A_1956] : memref<52428800xf32, #tpu.memory_space<hbm>> -> memref<1024xf32, #tpu.memory_space<hbm>>
        %dma_wait3A_2020 = arith.constant 4096 : i32
        %dma_wait3A_2021 = tpu.memref_slice %arg9[%dma_wait3A_2011, %dma_wait3A_2020] : memref<5x8192xf32, #tpu.memory_space<vmem>> -> memref<1x1024xf32, #tpu.memory_space<vmem>>
        %dma_wait3A_2022 = tpu.memref_squeeze %dma_wait3A_2021 : memref<1x1024xf32, #tpu.memory_space<vmem>> -> memref<1024xf32, #tpu.memory_space<vmem>>
        tpu.wait_dma2 semaphore(%dma_wait3A_2018 : memref<!tpu.dma_semaphore, #tpu.memory_space<semaphore_mem>>) src(%dma_wait3A_2022 : memref<1024xf32, #tpu.memory_space<vmem>>) dst(%dma_wait3A_2019 : memref<1024xf32, #tpu.memory_space<hbm>>)
        %dma_wait3A_2023 = arith.constant 3 : i32
        %dma_wait3A_2024 = arith.constant 3 : i32
        %dma_wait3A_2025 = arith.constant 5120 : i32
        %dma_wait3A_2026 = tpu.memref_slice %arg9[%dma_wait3A_2023, %dma_wait3A_2025] : memref<5x8192xf32, #tpu.memory_space<vmem>> -> memref<1x1024xf32, #tpu.memory_space<vmem>>
        %dma_wait3A_2027 = tpu.memref_squeeze %dma_wait3A_2026 : memref<1x1024xf32, #tpu.memory_space<vmem>> -> memref<1024xf32, #tpu.memory_space<vmem>>
        %dma_wait3A_2028 = tpu.memref_slice %arg5[%add3A_1958] : memref<52428800xf32, #tpu.memory_space<hbm>> -> memref<1024xf32, #tpu.memory_space<hbm>>
        %dma_wait3A_2029 = tpu.memref_slice %arg11[%dma_wait3A_2024] : memref<5x!tpu.dma_semaphore, #tpu.memory_space<semaphore_mem>> -> memref<1x!tpu.dma_semaphore, #tpu.memory_space<semaphore_mem>>
        %dma_wait3A_2030 = tpu.memref_squeeze %dma_wait3A_2029 : memref<1x!tpu.dma_semaphore, #tpu.memory_space<semaphore_mem>> -> memref<!tpu.dma_semaphore, #tpu.memory_space<semaphore_mem>>
        %dma_wait3A_2031 = tpu.memref_slice %arg5[%add3A_1958] : memref<52428800xf32, #tpu.memory_space<hbm>> -> memref<1024xf32, #tpu.memory_space<hbm>>
        %dma_wait3A_2032 = arith.constant 5120 : i32
        %dma_wait3A_2033 = tpu.memref_slice %arg9[%dma_wait3A_2023, %dma_wait3A_2032] : memref<5x8192xf32, #tpu.memory_space<vmem>> -> memref<1x1024xf32, #tpu.memory_space<vmem>>
        %dma_wait3A_2034 = tpu.memref_squeeze %dma_wait3A_2033 : memref<1x1024xf32, #tpu.memory_space<vmem>> -> memref<1024xf32, #tpu.memory_space<vmem>>
        tpu.wait_dma2 semaphore(%dma_wait3A_2030 : memref<!tpu.dma_semaphore, #tpu.memory_space<semaphore_mem>>) src(%dma_wait3A_2034 : memref<1024xf32, #tpu.memory_space<vmem>>) dst(%dma_wait3A_2031 : memref<1024xf32, #tpu.memory_space<hbm>>)
        %dma_wait3A_2035 = arith.constant 3 : i32
        %dma_wait3A_2036 = arith.constant 3 : i32
        %dma_wait3A_2037 = arith.constant 6144 : i32
        %dma_wait3A_2038 = tpu.memref_slice %arg9[%dma_wait3A_2035, %dma_wait3A_2037] : memref<5x8192xf32, #tpu.memory_space<vmem>> -> memref<1x1024xf32, #tpu.memory_space<vmem>>
        %dma_wait3A_2039 = tpu.memref_squeeze %dma_wait3A_2038 : memref<1x1024xf32, #tpu.memory_space<vmem>> -> memref<1024xf32, #tpu.memory_space<vmem>>
        %dma_wait3A_2040 = tpu.memref_slice %arg5[%add3A_1960] : memref<52428800xf32, #tpu.memory_space<hbm>> -> memref<1024xf32, #tpu.memory_space<hbm>>
        %dma_wait3A_2041 = tpu.memref_slice %arg11[%dma_wait3A_2036] : memref<5x!tpu.dma_semaphore, #tpu.memory_space<semaphore_mem>> -> memref<1x!tpu.dma_semaphore, #tpu.memory_space<semaphore_mem>>
        %dma_wait3A_2042 = tpu.memref_squeeze %dma_wait3A_2041 : memref<1x!tpu.dma_semaphore, #tpu.memory_space<semaphore_mem>> -> memref<!tpu.dma_semaphore, #tpu.memory_space<semaphore_mem>>
        %dma_wait3A_2043 = tpu.memref_slice %arg5[%add3A_1960] : memref<52428800xf32, #tpu.memory_space<hbm>> -> memref<1024xf32, #tpu.memory_space<hbm>>
        %dma_wait3A_2044 = arith.constant 6144 : i32
        %dma_wait3A_2045 = tpu.memref_slice %arg9[%dma_wait3A_2035, %dma_wait3A_2044] : memref<5x8192xf32, #tpu.memory_space<vmem>> -> memref<1x1024xf32, #tpu.memory_space<vmem>>
        %dma_wait3A_2046 = tpu.memref_squeeze %dma_wait3A_2045 : memref<1x1024xf32, #tpu.memory_space<vmem>> -> memref<1024xf32, #tpu.memory_space<vmem>>
        tpu.wait_dma2 semaphore(%dma_wait3A_2042 : memref<!tpu.dma_semaphore, #tpu.memory_space<semaphore_mem>>) src(%dma_wait3A_2046 : memref<1024xf32, #tpu.memory_space<vmem>>) dst(%dma_wait3A_2043 : memref<1024xf32, #tpu.memory_space<hbm>>)
        %dma_wait3A_2047 = arith.constant 3 : i32
        %dma_wait3A_2048 = arith.constant 3 : i32
        %dma_wait3A_2049 = arith.constant 7168 : i32
        %dma_wait3A_2050 = tpu.memref_slice %arg9[%dma_wait3A_2047, %dma_wait3A_2049] : memref<5x8192xf32, #tpu.memory_space<vmem>> -> memref<1x1024xf32, #tpu.memory_space<vmem>>
        %dma_wait3A_2051 = tpu.memref_squeeze %dma_wait3A_2050 : memref<1x1024xf32, #tpu.memory_space<vmem>> -> memref<1024xf32, #tpu.memory_space<vmem>>
        %dma_wait3A_2052 = tpu.memref_slice %arg5[%add3A_1962] : memref<52428800xf32, #tpu.memory_space<hbm>> -> memref<1024xf32, #tpu.memory_space<hbm>>
        %dma_wait3A_2053 = tpu.memref_slice %arg11[%dma_wait3A_2048] : memref<5x!tpu.dma_semaphore, #tpu.memory_space<semaphore_mem>> -> memref<1x!tpu.dma_semaphore, #tpu.memory_space<semaphore_mem>>
        %dma_wait3A_2054 = tpu.memref_squeeze %dma_wait3A_2053 : memref<1x!tpu.dma_semaphore, #tpu.memory_space<semaphore_mem>> -> memref<!tpu.dma_semaphore, #tpu.memory_space<semaphore_mem>>
        %dma_wait3A_2055 = tpu.memref_slice %arg5[%add3A_1962] : memref<52428800xf32, #tpu.memory_space<hbm>> -> memref<1024xf32, #tpu.memory_space<hbm>>
        %dma_wait3A_2056 = arith.constant 7168 : i32
        %dma_wait3A_2057 = tpu.memref_slice %arg9[%dma_wait3A_2047, %dma_wait3A_2056] : memref<5x8192xf32, #tpu.memory_space<vmem>> -> memref<1x1024xf32, #tpu.memory_space<vmem>>
        %dma_wait3A_2058 = tpu.memref_squeeze %dma_wait3A_2057 : memref<1x1024xf32, #tpu.memory_space<vmem>> -> memref<1024xf32, #tpu.memory_space<vmem>>
        tpu.wait_dma2 semaphore(%dma_wait3A_2054 : memref<!tpu.dma_semaphore, #tpu.memory_space<semaphore_mem>>) src(%dma_wait3A_2058 : memref<1024xf32, #tpu.memory_space<vmem>>) dst(%dma_wait3A_2055 : memref<1024xf32, #tpu.memory_space<hbm>>)
      } else {
      }
      %get3A_1524 = arith.index_cast %select_n3A_1504 : i32 to index
      %get3A_1525 = arith.constant 0 : index
      %get3A_1526 = tpu.vector_load %arg7[%get3A_1524, %get3A_1525] {strides = array<i32>} : memref<200x64xf32, #tpu.memory_space<vmem>>, vector<16xf32>,
      %get3A_1527 = arith.index_cast %select_n3A_1504 : i32 to index
      %get3A_1528 = arith.constant 16 : index
      %get3A_1529 = tpu.vector_load %arg7[%get3A_1527, %get3A_1528] {strides = array<i32>} : memref<200x64xf32, #tpu.memory_space<vmem>>, vector<16xf32>,
      %get3A_1530 = arith.index_cast %select_n3A_1504 : i32 to index
      %get3A_1531 = arith.constant 32 : index
      %get3A_1532 = tpu.vector_load %arg7[%get3A_1530, %get3A_1531] {strides = array<i32>} : memref<200x64xf32, #tpu.memory_space<vmem>>, vector<16xf32>,
      %get3A_1533 = arith.index_cast %select_n3A_1504 : i32 to index
      %get3A_1534 = arith.constant 48 : index
      %get3A_1535 = tpu.vector_load %arg7[%get3A_1533, %get3A_1534] {strides = array<i32>} : memref<200x64xf32, #tpu.memory_space<vmem>>, vector<16xf32>,
      %parallel_loop3A_1536 = arith.constant 0 : i32
      %parallel_loop3A_1537 = arith.constant 128 : i32
      %parallel_loop3A_1538 = arith.constant 1 : i32
      scf.for %parallel_loop3A_1907 = %parallel_loop3A_1536 to %parallel_loop3A_1537 step %parallel_loop3A_1538  : i32 {
        %parallel_loop3A_1908 = arith.constant 3 : i32
        %parallel_loop3A_1909 = arith.constant 0 : i32
        %parallel_loop3A_1910 = arith.constant 0 : i32
        %parallel_loop3A_1911 = tpu.memref_slice %arg8[%parallel_loop3A_1908, %parallel_loop3A_1909, %parallel_loop3A_1910] : memref<5x128x64xf32, #tpu.memory_space<vmem>> -> memref<1x128x64xf32, #tpu.memory_space<vmem>>
        %parallel_loop3A_1912 = tpu.memref_squeeze %parallel_loop3A_1911 : memref<1x128x64xf32, #tpu.memory_space<vmem>> -> memref<128x64xf32, #tpu.memory_space<vmem>>
        %parallel_loop3A_1913 = arith.index_cast %parallel_loop3A_1907 : i32 to index
        %parallel_loop3A_1914 = arith.constant 0 : index
        %parallel_loop3A_1915 = tpu.vector_load %parallel_loop3A_1912[%parallel_loop3A_1913, %parallel_loop3A_1914] {strides = array<i32>} : memref<128x64xf32, #tpu.memory_space<vmem>>, vector<16xf32>,
        %parallel_loop3A_1916 = arith.addf %parallel_loop3A_1915, %get3A_1526 : vector<16xf32>
        %parallel_loop3A_1917 = vector.broadcast %parallel_loop3A_1907 : i32 to vector<16xi32>
        %parallel_loop3A_1918 = arith.addi %mul3A_10, %parallel_loop3A_1917 : vector<16xi32>
        %parallel_loop3A_1919 = arith.constant 3 : i32
        %parallel_loop3A_1920 = arith.constant 0 : i32
        %parallel_loop3A_1921 = tpu.memref_slice %arg9[%parallel_loop3A_1919, %parallel_loop3A_1920] : memref<5x8192xf32, #tpu.memory_space<vmem>> -> memref<1x8192xf32, #tpu.memory_space<vmem>>
        %parallel_loop3A_1922 = tpu.memref_squeeze %parallel_loop3A_1921 : memref<1x8192xf32, #tpu.memory_space<vmem>> -> memref<8192xf32, #tpu.memory_space<vmem>>
        tpu.vector_store_idx %parallel_loop3A_1922[%parallel_loop3A_1918], %parallel_loop3A_1916 : memref<8192xf32, #tpu.memory_space<vmem>>[vector<16xi32>], vector<16xf32>,
        %parallel_loop3A_1923 = arith.constant 3 : i32
        %parallel_loop3A_1924 = arith.constant 0 : i32
        %parallel_loop3A_1925 = arith.constant 0 : i32
        %parallel_loop3A_1926 = tpu.memref_slice %arg8[%parallel_loop3A_1923, %parallel_loop3A_1924, %parallel_loop3A_1925] : memref<5x128x64xf32, #tpu.memory_space<vmem>> -> memref<1x128x64xf32, #tpu.memory_space<vmem>>
        %parallel_loop3A_1927 = tpu.memref_squeeze %parallel_loop3A_1926 : memref<1x128x64xf32, #tpu.memory_space<vmem>> -> memref<128x64xf32, #tpu.memory_space<vmem>>
        %parallel_loop3A_1928 = arith.index_cast %parallel_loop3A_1907 : i32 to index
        %parallel_loop3A_1929 = arith.constant 16 : index
        %parallel_loop3A_1930 = tpu.vector_load %parallel_loop3A_1927[%parallel_loop3A_1928, %parallel_loop3A_1929] {strides = array<i32>} : memref<128x64xf32, #tpu.memory_space<vmem>>, vector<16xf32>,
        %parallel_loop3A_1931 = arith.addf %parallel_loop3A_1930, %get3A_1529 : vector<16xf32>
        %parallel_loop3A_1932 = vector.broadcast %parallel_loop3A_1907 : i32 to vector<16xi32>
        %parallel_loop3A_1933 = arith.addi %mul3A_16, %parallel_loop3A_1932 : vector<16xi32>
        %parallel_loop3A_1934 = arith.constant 3 : i32
        %parallel_loop3A_1935 = arith.constant 0 : i32
        %parallel_loop3A_1936 = tpu.memref_slice %arg9[%parallel_loop3A_1934, %parallel_loop3A_1935] : memref<5x8192xf32, #tpu.memory_space<vmem>> -> memref<1x8192xf32, #tpu.memory_space<vmem>>
        %parallel_loop3A_1937 = tpu.memref_squeeze %parallel_loop3A_1936 : memref<1x8192xf32, #tpu.memory_space<vmem>> -> memref<8192xf32, #tpu.memory_space<vmem>>
        tpu.vector_store_idx %parallel_loop3A_1937[%parallel_loop3A_1933], %parallel_loop3A_1931 : memref<8192xf32, #tpu.memory_space<vmem>>[vector<16xi32>], vector<16xf32>,
        %parallel_loop3A_1938 = arith.constant 3 : i32
        %parallel_loop3A_1939 = arith.constant 0 : i32
        %parallel_loop3A_1940 = arith.constant 0 : i32
        %parallel_loop3A_1941 = tpu.memref_slice %arg8[%parallel_loop3A_1938, %parallel_loop3A_1939, %parallel_loop3A_1940] : memref<5x128x64xf32, #tpu.memory_space<vmem>> -> memref<1x128x64xf32, #tpu.memory_space<vmem>>
        %parallel_loop3A_1942 = tpu.memref_squeeze %parallel_loop3A_1941 : memref<1x128x64xf32, #tpu.memory_space<vmem>> -> memref<128x64xf32, #tpu.memory_space<vmem>>
        %parallel_loop3A_1943 = arith.index_cast %parallel_loop3A_1907 : i32 to index
        %parallel_loop3A_1944 = arith.constant 32 : index
        %parallel_loop3A_1945 = tpu.vector_load %parallel_loop3A_1942[%parallel_loop3A_1943, %parallel_loop3A_1944] {strides = array<i32>} : memref<128x64xf32, #tpu.memory_space<vmem>>, vector<16xf32>,
        %parallel_loop3A_1946 = arith.addf %parallel_loop3A_1945, %get3A_1532 : vector<16xf32>
        %parallel_loop3A_1947 = vector.broadcast %parallel_loop3A_1907 : i32 to vector<16xi32>
        %parallel_loop3A_1948 = arith.addi %mul3A_22, %parallel_loop3A_1947 : vector<16xi32>
        %parallel_loop3A_1949 = arith.constant 3 : i32
        %parallel_loop3A_1950 = arith.constant 0 : i32
        %parallel_loop3A_1951 = tpu.memref_slice %arg9[%parallel_loop3A_1949, %parallel_loop3A_1950] : memref<5x8192xf32, #tpu.memory_space<vmem>> -> memref<1x8192xf32, #tpu.memory_space<vmem>>
        %parallel_loop3A_1952 = tpu.memref_squeeze %parallel_loop3A_1951 : memref<1x8192xf32, #tpu.memory_space<vmem>> -> memref<8192xf32, #tpu.memory_space<vmem>>
        tpu.vector_store_idx %parallel_loop3A_1952[%parallel_loop3A_1948], %parallel_loop3A_1946 : memref<8192xf32, #tpu.memory_space<vmem>>[vector<16xi32>], vector<16xf32>,
        %parallel_loop3A_1953 = arith.constant 3 : i32
        %parallel_loop3A_1954 = arith.constant 0 : i32
        %parallel_loop3A_1955 = arith.constant 0 : i32
        %parallel_loop3A_1956 = tpu.memref_slice %arg8[%parallel_loop3A_1953, %parallel_loop3A_1954, %parallel_loop3A_1955] : memref<5x128x64xf32, #tpu.memory_space<vmem>> -> memref<1x128x64xf32, #tpu.memory_space<vmem>>
        %parallel_loop3A_1957 = tpu.memref_squeeze %parallel_loop3A_1956 : memref<1x128x64xf32, #tpu.memory_space<vmem>> -> memref<128x64xf32, #tpu.memory_space<vmem>>
        %parallel_loop3A_1958 = arith.index_cast %parallel_loop3A_1907 : i32 to index
        %parallel_loop3A_1959 = arith.constant 48 : index
        %parallel_loop3A_1960 = tpu.vector_load %parallel_loop3A_1957[%parallel_loop3A_1958, %parallel_loop3A_1959] {strides = array<i32>} : memref<128x64xf32, #tpu.memory_space<vmem>>, vector<16xf32>,
        %parallel_loop3A_1961 = arith.addf %parallel_loop3A_1960, %get3A_1535 : vector<16xf32>
        %parallel_loop3A_1962 = vector.broadcast %parallel_loop3A_1907 : i32 to vector<16xi32>
        %parallel_loop3A_1963 = arith.addi %mul3A_28, %parallel_loop3A_1962 : vector<16xi32>
        %parallel_loop3A_1964 = arith.constant 3 : i32
        %parallel_loop3A_1965 = arith.constant 0 : i32
        %parallel_loop3A_1966 = tpu.memref_slice %arg9[%parallel_loop3A_1964, %parallel_loop3A_1965] : memref<5x8192xf32, #tpu.memory_space<vmem>> -> memref<1x8192xf32, #tpu.memory_space<vmem>>
        %parallel_loop3A_1967 = tpu.memref_squeeze %parallel_loop3A_1966 : memref<1x8192xf32, #tpu.memory_space<vmem>> -> memref<8192xf32, #tpu.memory_space<vmem>>
        tpu.vector_store_idx %parallel_loop3A_1967[%parallel_loop3A_1963], %parallel_loop3A_1961 : memref<8192xf32, #tpu.memory_space<vmem>>[vector<16xi32>], vector<16xf32>,
      } {sc.loop_unroll_factor = 8 : i64, sc.parallel_access}
      %add3A_1539 = arith.constant 5 : i32
      %add3A_1540 = arith.addi %add3A_1479, %add3A_1539 : i32
      %lt3A_1541 = arith.constant 200 : i32
      %lt3A_1542 = arith.cmpi slt, %add3A_1540, %lt3A_1541 : i32
      %convert_element_type3A_1543 = arith.extui %lt3A_1542 : i1 to i32
      %cond3A_1544 = arith.constant 0 : i32
      %cond3A_1545 = arith.cmpi ne, %convert_element_type3A_1543, %cond3A_1544 : i32
      scf.if %cond3A_1545 {
        %add3A_1907 = arith.constant 5 : i32
        %add3A_1908 = arith.addi %add3A_1479, %add3A_1907 : i32
        %mul3A_1909 = arith.constant 128 : i32
        %mul3A_1910 = arith.muli %add3A_1908, %mul3A_1909 : i32
        %dma_start3A_1911 = arith.constant 3 : i32
        %dma_start3A_1912 = arith.constant 3 : i32
        %dma_start3A_1913 = arith.constant 0 : i32
        %dma_start3A_1914 = arith.constant 0 : i32
        %dma_start3A_1915 = tpu.memref_slice %arg8[%dma_start3A_1911, %dma_start3A_1913, %dma_start3A_1914] : memref<5x128x64xf32, #tpu.memory_space<vmem>> -> memref<1x128x64xf32, #tpu.memory_space<vmem>>
        %dma_start3A_1916 = tpu.memref_squeeze %dma_start3A_1915 : memref<1x128x64xf32, #tpu.memory_space<vmem>> -> memref<128x64xf32, #tpu.memory_space<vmem>>
        %dma_start3A_1917 = tpu.memref_slice %arg6[%mul3A_1910] : memref<25600xi32, #tpu.memory_space<vmem>> -> memref<128xi32, #tpu.memory_space<vmem>>
        %dma_start3A_1918 = arith.constant 0 : i32
        %dma_start3A_1919 = arith.constant 0 : i32
        %dma_start3A_1920 = tpu.memref_slice %arg4[%dma_start3A_1918, %dma_start3A_1919] : memref<100000x64xf32, #tpu.memory_space<hbm>> -> memref<100000x64xf32, #tpu.memory_space<hbm>>
        %dma_start3A_1921 = tpu.memref_slice %arg10[%dma_start3A_1912] : memref<5x!tpu.dma_semaphore, #tpu.memory_space<semaphore_mem>> -> memref<1x!tpu.dma_semaphore, #tpu.memory_space<semaphore_mem>>
        %dma_start3A_1922 = tpu.memref_squeeze %dma_start3A_1921 : memref<1x!tpu.dma_semaphore, #tpu.memory_space<semaphore_mem>> -> memref<!tpu.dma_semaphore, #tpu.memory_space<semaphore_mem>>
        tpu.enqueue_indirect_dma source(%dma_start3A_1920 : memref<100000x64xf32, #tpu.memory_space<hbm>>) target(%dma_start3A_1916 : memref<128x64xf32, #tpu.memory_space<vmem>>) offsets(%dma_start3A_1917 : memref<128xi32, #tpu.memory_space<vmem>>) semaphore(%dma_start3A_1922 : memref<!tpu.dma_semaphore, #tpu.memory_space<semaphore_mem>>)
      } else {
      }
      %jit3A_1546 = arith.constant 32 : i32
      %div3A_1547 = arith.divsi %add3A_1480, %jit3A_1546 : i32
      %sign3A_1548 = arith.constant 0 : i32
      %sign3A_1549 = arith.cmpi sgt, %add3A_1480, %sign3A_1548 : i32
      %sign3A_1550 = arith.extui %sign3A_1549 : i1 to i32
      %sign3A_1551 = arith.constant 0 : i32
      %sign3A_1552 = arith.cmpi slt, %add3A_1480, %sign3A_1551 : i32
      %sign3A_1553 = arith.extui %sign3A_1552 : i1 to i32
      %sign3A_1554 = arith.subi %sign3A_1550, %sign3A_1553 : i32
      %sign3A_1555 = arith.constant 0 : i32
      %sign3A_1556 = arith.cmpi sgt, %jit3A_1546, %sign3A_1555 : i32
      %sign3A_1557 = arith.extui %sign3A_1556 : i1 to i32
      %sign3A_1558 = arith.constant 0 : i32
      %sign3A_1559 = arith.cmpi slt, %jit3A_1546, %sign3A_1558 : i32
      %sign3A_1560 = arith.extui %sign3A_1559 : i1 to i32
      %sign3A_1561 = arith.subi %sign3A_1557, %sign3A_1560 : i32
      %ne3A_1562 = arith.cmpi ne, %sign3A_1554, %sign3A_1561 : i32
      %rem3A_1563 = arith.remsi %add3A_1480, %jit3A_1546 : i32
      %ne3A_1564 = arith.constant 0 : i32
      %ne3A_1565 = arith.cmpi ne, %rem3A_1563, %ne3A_1564 : i32
      %and3A_1566 = arith.andi %ne3A_1562, %ne3A_1565 : i1
      %sub3A_1567 = arith.constant 1 : i32
      %sub3A_1568 = arith.subi %div3A_1547, %sub3A_1567 : i32
      %select_n3A_1569 = arith.select %and3A_1566, %sub3A_1568, %div3A_1547 : i32
      %rem3A_1570 = arith.constant 32 : i32
      %rem3A_1571 = arith.remsi %add3A_1480, %rem3A_1570 : i32
      %mul3A_1572 = arith.constant 8 : i32
      %mul3A_1573 = arith.muli %select_n3A_1569, %mul3A_1572 : i32
      %mul3A_1574 = arith.constant 32 : i32
      %mul3A_1575 = arith.muli %mul3A_1573, %mul3A_1574 : i32
      %add3A_1576 = arith.addi %mul3A_1575, %rem3A_1571 : i32
      %mul3A_1577 = arith.constant 1024 : i32
      %mul3A_1578 = arith.muli %add3A_1576, %mul3A_1577 : i32
      %add3A_1579 = arith.constant 0 : i32
      %add3A_1580 = arith.addi %mul3A_1578, %add3A_1579 : i32
      %add3A_1581 = arith.constant 32768 : i32
      %add3A_1582 = arith.addi %mul3A_1578, %add3A_1581 : i32
      %add3A_1583 = arith.constant 65536 : i32
      %add3A_1584 = arith.addi %mul3A_1578, %add3A_1583 : i32
      %add3A_1585 = arith.constant 98304 : i32
      %add3A_1586 = arith.addi %mul3A_1578, %add3A_1585 : i32
      %add3A_1587 = arith.constant 131072 : i32
      %add3A_1588 = arith.addi %mul3A_1578, %add3A_1587 : i32
      %add3A_1589 = arith.constant 163840 : i32
      %add3A_1590 = arith.addi %mul3A_1578, %add3A_1589 : i32
      %add3A_1591 = arith.constant 196608 : i32
      %add3A_1592 = arith.addi %mul3A_1578, %add3A_1591 : i32
      %add3A_1593 = arith.constant 229376 : i32
      %add3A_1594 = arith.addi %mul3A_1578, %add3A_1593 : i32
      %dma_start3A_1595 = arith.constant 3 : i32
      %dma_start3A_1596 = arith.constant 3 : i32
      %dma_start3A_1597 = arith.constant 0 : i32
      %dma_start3A_1598 = tpu.memref_slice %arg9[%dma_start3A_1595, %dma_start3A_1597] : memref<5x8192xf32, #tpu.memory_space<vmem>> -> memref<1x1024xf32, #tpu.memory_space<vmem>>
      %dma_start3A_1599 = tpu.memref_squeeze %dma_start3A_1598 : memref<1x1024xf32, #tpu.memory_space<vmem>> -> memref<1024xf32, #tpu.memory_space<vmem>>
      %dma_start3A_1600 = tpu.memref_slice %arg5[%add3A_1580] : memref<52428800xf32, #tpu.memory_space<hbm>> -> memref<1024xf32, #tpu.memory_space<hbm>>
      %dma_start3A_1601 = tpu.memref_slice %arg11[%dma_start3A_1596] : memref<5x!tpu.dma_semaphore, #tpu.memory_space<semaphore_mem>> -> memref<1x!tpu.dma_semaphore, #tpu.memory_space<semaphore_mem>>
      %dma_start3A_1602 = tpu.memref_squeeze %dma_start3A_1601 : memref<1x!tpu.dma_semaphore, #tpu.memory_space<semaphore_mem>> -> memref<!tpu.dma_semaphore, #tpu.memory_space<semaphore_mem>>
      %dma_start3A_1603 = tpu.memref_slice %arg5[%add3A_1580] : memref<52428800xf32, #tpu.memory_space<hbm>> -> memref<1024xf32, #tpu.memory_space<hbm>>
      %dma_start3A_1604 = arith.constant 0 : i32
      %dma_start3A_1605 = tpu.memref_slice %arg9[%dma_start3A_1595, %dma_start3A_1604] : memref<5x8192xf32, #tpu.memory_space<vmem>> -> memref<1x1024xf32, #tpu.memory_space<vmem>>
      %dma_start3A_1606 = tpu.memref_squeeze %dma_start3A_1605 : memref<1x1024xf32, #tpu.memory_space<vmem>> -> memref<1024xf32, #tpu.memory_space<vmem>>
      tpu.enqueue_dma source(%dma_start3A_1606 : memref<1024xf32, #tpu.memory_space<vmem>>) target(%dma_start3A_1603 : memref<1024xf32, #tpu.memory_space<hbm>>) target_semaphore(%dma_start3A_1602 : memref<!tpu.dma_semaphore, #tpu.memory_space<semaphore_mem>>)
      %dma_start3A_1607 = arith.constant 3 : i32
      %dma_start3A_1608 = arith.constant 3 : i32
      %dma_start3A_1609 = arith.constant 1024 : i32
      %dma_start3A_1610 = tpu.memref_slice %arg9[%dma_start3A_1607, %dma_start3A_1609] : memref<5x8192xf32, #tpu.memory_space<vmem>> -> memref<1x1024xf32, #tpu.memory_space<vmem>>
      %dma_start3A_1611 = tpu.memref_squeeze %dma_start3A_1610 : memref<1x1024xf32, #tpu.memory_space<vmem>> -> memref<1024xf32, #tpu.memory_space<vmem>>
      %dma_start3A_1612 = tpu.memref_slice %arg5[%add3A_1582] : memref<52428800xf32, #tpu.memory_space<hbm>> -> memref<1024xf32, #tpu.memory_space<hbm>>
      %dma_start3A_1613 = tpu.memref_slice %arg11[%dma_start3A_1608] : memref<5x!tpu.dma_semaphore, #tpu.memory_space<semaphore_mem>> -> memref<1x!tpu.dma_semaphore, #tpu.memory_space<semaphore_mem>>
      %dma_start3A_1614 = tpu.memref_squeeze %dma_start3A_1613 : memref<1x!tpu.dma_semaphore, #tpu.memory_space<semaphore_mem>> -> memref<!tpu.dma_semaphore, #tpu.memory_space<semaphore_mem>>
      %dma_start3A_1615 = tpu.memref_slice %arg5[%add3A_1582] : memref<52428800xf32, #tpu.memory_space<hbm>> -> memref<1024xf32, #tpu.memory_space<hbm>>
      %dma_start3A_1616 = arith.constant 1024 : i32
      %dma_start3A_1617 = tpu.memref_slice %arg9[%dma_start3A_1607, %dma_start3A_1616] : memref<5x8192xf32, #tpu.memory_space<vmem>> -> memref<1x1024xf32, #tpu.memory_space<vmem>>
      %dma_start3A_1618 = tpu.memref_squeeze %dma_start3A_1617 : memref<1x1024xf32, #tpu.memory_space<vmem>> -> memref<1024xf32, #tpu.memory_space<vmem>>
      tpu.enqueue_dma source(%dma_start3A_1618 : memref<1024xf32, #tpu.memory_space<vmem>>) target(%dma_start3A_1615 : memref<1024xf32, #tpu.memory_space<hbm>>) target_semaphore(%dma_start3A_1614 : memref<!tpu.dma_semaphore, #tpu.memory_space<semaphore_mem>>)
      %dma_start3A_1619 = arith.constant 3 : i32
      %dma_start3A_1620 = arith.constant 3 : i32
      %dma_start3A_1621 = arith.constant 2048 : i32
      %dma_start3A_1622 = tpu.memref_slice %arg9[%dma_start3A_1619, %dma_start3A_1621] : memref<5x8192xf32, #tpu.memory_space<vmem>> -> memref<1x1024xf32, #tpu.memory_space<vmem>>
      %dma_start3A_1623 = tpu.memref_squeeze %dma_start3A_1622 : memref<1x1024xf32, #tpu.memory_space<vmem>> -> memref<1024xf32, #tpu.memory_space<vmem>>
      %dma_start3A_1624 = tpu.memref_slice %arg5[%add3A_1584] : memref<52428800xf32, #tpu.memory_space<hbm>> -> memref<1024xf32, #tpu.memory_space<hbm>>
      %dma_start3A_1625 = tpu.memref_slice %arg11[%dma_start3A_1620] : memref<5x!tpu.dma_semaphore, #tpu.memory_space<semaphore_mem>> -> memref<1x!tpu.dma_semaphore, #tpu.memory_space<semaphore_mem>>
      %dma_start3A_1626 = tpu.memref_squeeze %dma_start3A_1625 : memref<1x!tpu.dma_semaphore, #tpu.memory_space<semaphore_mem>> -> memref<!tpu.dma_semaphore, #tpu.memory_space<semaphore_mem>>
      %dma_start3A_1627 = tpu.memref_slice %arg5[%add3A_1584] : memref<52428800xf32, #tpu.memory_space<hbm>> -> memref<1024xf32, #tpu.memory_space<hbm>>
      %dma_start3A_1628 = arith.constant 2048 : i32
      %dma_start3A_1629 = tpu.memref_slice %arg9[%dma_start3A_1619, %dma_start3A_1628] : memref<5x8192xf32, #tpu.memory_space<vmem>> -> memref<1x1024xf32, #tpu.memory_space<vmem>>
      %dma_start3A_1630 = tpu.memref_squeeze %dma_start3A_1629 : memref<1x1024xf32, #tpu.memory_space<vmem>> -> memref<1024xf32, #tpu.memory_space<vmem>>
      tpu.enqueue_dma source(%dma_start3A_1630 : memref<1024xf32, #tpu.memory_space<vmem>>) target(%dma_start3A_1627 : memref<1024xf32, #tpu.memory_space<hbm>>) target_semaphore(%dma_start3A_1626 : memref<!tpu.dma_semaphore, #tpu.memory_space<semaphore_mem>>)
      %dma_start3A_1631 = arith.constant 3 : i32
      %dma_start3A_1632 = arith.constant 3 : i32
      %dma_start3A_1633 = arith.constant 3072 : i32
      %dma_start3A_1634 = tpu.memref_slice %arg9[%dma_start3A_1631, %dma_start3A_1633] : memref<5x8192xf32, #tpu.memory_space<vmem>> -> memref<1x1024xf32, #tpu.memory_space<vmem>>
      %dma_start3A_1635 = tpu.memref_squeeze %dma_start3A_1634 : memref<1x1024xf32, #tpu.memory_space<vmem>> -> memref<1024xf32, #tpu.memory_space<vmem>>
      %dma_start3A_1636 = tpu.memref_slice %arg5[%add3A_1586] : memref<52428800xf32, #tpu.memory_space<hbm>> -> memref<1024xf32, #tpu.memory_space<hbm>>
      %dma_start3A_1637 = tpu.memref_slice %arg11[%dma_start3A_1632] : memref<5x!tpu.dma_semaphore, #tpu.memory_space<semaphore_mem>> -> memref<1x!tpu.dma_semaphore, #tpu.memory_space<semaphore_mem>>
      %dma_start3A_1638 = tpu.memref_squeeze %dma_start3A_1637 : memref<1x!tpu.dma_semaphore, #tpu.memory_space<semaphore_mem>> -> memref<!tpu.dma_semaphore, #tpu.memory_space<semaphore_mem>>
      %dma_start3A_1639 = tpu.memref_slice %arg5[%add3A_1586] : memref<52428800xf32, #tpu.memory_space<hbm>> -> memref<1024xf32, #tpu.memory_space<hbm>>
      %dma_start3A_1640 = arith.constant 3072 : i32
      %dma_start3A_1641 = tpu.memref_slice %arg9[%dma_start3A_1631, %dma_start3A_1640] : memref<5x8192xf32, #tpu.memory_space<vmem>> -> memref<1x1024xf32, #tpu.memory_space<vmem>>
      %dma_start3A_1642 = tpu.memref_squeeze %dma_start3A_1641 : memref<1x1024xf32, #tpu.memory_space<vmem>> -> memref<1024xf32, #tpu.memory_space<vmem>>
      tpu.enqueue_dma source(%dma_start3A_1642 : memref<1024xf32, #tpu.memory_space<vmem>>) target(%dma_start3A_1639 : memref<1024xf32, #tpu.memory_space<hbm>>) target_semaphore(%dma_start3A_1638 : memref<!tpu.dma_semaphore, #tpu.memory_space<semaphore_mem>>)
      %dma_start3A_1643 = arith.constant 3 : i32
      %dma_start3A_1644 = arith.constant 3 : i32
      %dma_start3A_1645 = arith.constant 4096 : i32
      %dma_start3A_1646 = tpu.memref_slice %arg9[%dma_start3A_1643, %dma_start3A_1645] : memref<5x8192xf32, #tpu.memory_space<vmem>> -> memref<1x1024xf32, #tpu.memory_space<vmem>>
      %dma_start3A_1647 = tpu.memref_squeeze %dma_start3A_1646 : memref<1x1024xf32, #tpu.memory_space<vmem>> -> memref<1024xf32, #tpu.memory_space<vmem>>
      %dma_start3A_1648 = tpu.memref_slice %arg5[%add3A_1588] : memref<52428800xf32, #tpu.memory_space<hbm>> -> memref<1024xf32, #tpu.memory_space<hbm>>
      %dma_start3A_1649 = tpu.memref_slice %arg11[%dma_start3A_1644] : memref<5x!tpu.dma_semaphore, #tpu.memory_space<semaphore_mem>> -> memref<1x!tpu.dma_semaphore, #tpu.memory_space<semaphore_mem>>
      %dma_start3A_1650 = tpu.memref_squeeze %dma_start3A_1649 : memref<1x!tpu.dma_semaphore, #tpu.memory_space<semaphore_mem>> -> memref<!tpu.dma_semaphore, #tpu.memory_space<semaphore_mem>>
      %dma_start3A_1651 = tpu.memref_slice %arg5[%add3A_1588] : memref<52428800xf32, #tpu.memory_space<hbm>> -> memref<1024xf32, #tpu.memory_space<hbm>>
      %dma_start3A_1652 = arith.constant 4096 : i32
      %dma_start3A_1653 = tpu.memref_slice %arg9[%dma_start3A_1643, %dma_start3A_1652] : memref<5x8192xf32, #tpu.memory_space<vmem>> -> memref<1x1024xf32, #tpu.memory_space<vmem>>
      %dma_start3A_1654 = tpu.memref_squeeze %dma_start3A_1653 : memref<1x1024xf32, #tpu.memory_space<vmem>> -> memref<1024xf32, #tpu.memory_space<vmem>>
      tpu.enqueue_dma source(%dma_start3A_1654 : memref<1024xf32, #tpu.memory_space<vmem>>) target(%dma_start3A_1651 : memref<1024xf32, #tpu.memory_space<hbm>>) target_semaphore(%dma_start3A_1650 : memref<!tpu.dma_semaphore, #tpu.memory_space<semaphore_mem>>)
      %dma_start3A_1655 = arith.constant 3 : i32
      %dma_start3A_1656 = arith.constant 3 : i32
      %dma_start3A_1657 = arith.constant 5120 : i32
      %dma_start3A_1658 = tpu.memref_slice %arg9[%dma_start3A_1655, %dma_start3A_1657] : memref<5x8192xf32, #tpu.memory_space<vmem>> -> memref<1x1024xf32, #tpu.memory_space<vmem>>
      %dma_start3A_1659 = tpu.memref_squeeze %dma_start3A_1658 : memref<1x1024xf32, #tpu.memory_space<vmem>> -> memref<1024xf32, #tpu.memory_space<vmem>>
      %dma_start3A_1660 = tpu.memref_slice %arg5[%add3A_1590] : memref<52428800xf32, #tpu.memory_space<hbm>> -> memref<1024xf32, #tpu.memory_space<hbm>>
      %dma_start3A_1661 = tpu.memref_slice %arg11[%dma_start3A_1656] : memref<5x!tpu.dma_semaphore, #tpu.memory_space<semaphore_mem>> -> memref<1x!tpu.dma_semaphore, #tpu.memory_space<semaphore_mem>>
      %dma_start3A_1662 = tpu.memref_squeeze %dma_start3A_1661 : memref<1x!tpu.dma_semaphore, #tpu.memory_space<semaphore_mem>> -> memref<!tpu.dma_semaphore, #tpu.memory_space<semaphore_mem>>
      %dma_start3A_1663 = tpu.memref_slice %arg5[%add3A_1590] : memref<52428800xf32, #tpu.memory_space<hbm>> -> memref<1024xf32, #tpu.memory_space<hbm>>
      %dma_start3A_1664 = arith.constant 5120 : i32
      %dma_start3A_1665 = tpu.memref_slice %arg9[%dma_start3A_1655, %dma_start3A_1664] : memref<5x8192xf32, #tpu.memory_space<vmem>> -> memref<1x1024xf32, #tpu.memory_space<vmem>>
      %dma_start3A_1666 = tpu.memref_squeeze %dma_start3A_1665 : memref<1x1024xf32, #tpu.memory_space<vmem>> -> memref<1024xf32, #tpu.memory_space<vmem>>
      tpu.enqueue_dma source(%dma_start3A_1666 : memref<1024xf32, #tpu.memory_space<vmem>>) target(%dma_start3A_1663 : memref<1024xf32, #tpu.memory_space<hbm>>) target_semaphore(%dma_start3A_1662 : memref<!tpu.dma_semaphore, #tpu.memory_space<semaphore_mem>>)
      %dma_start3A_1667 = arith.constant 3 : i32
      %dma_start3A_1668 = arith.constant 3 : i32
      %dma_start3A_1669 = arith.constant 6144 : i32
      %dma_start3A_1670 = tpu.memref_slice %arg9[%dma_start3A_1667, %dma_start3A_1669] : memref<5x8192xf32, #tpu.memory_space<vmem>> -> memref<1x1024xf32, #tpu.memory_space<vmem>>
      %dma_start3A_1671 = tpu.memref_squeeze %dma_start3A_1670 : memref<1x1024xf32, #tpu.memory_space<vmem>> -> memref<1024xf32, #tpu.memory_space<vmem>>
      %dma_start3A_1672 = tpu.memref_slice %arg5[%add3A_1592] : memref<52428800xf32, #tpu.memory_space<hbm>> -> memref<1024xf32, #tpu.memory_space<hbm>>
      %dma_start3A_1673 = tpu.memref_slice %arg11[%dma_start3A_1668] : memref<5x!tpu.dma_semaphore, #tpu.memory_space<semaphore_mem>> -> memref<1x!tpu.dma_semaphore, #tpu.memory_space<semaphore_mem>>
      %dma_start3A_1674 = tpu.memref_squeeze %dma_start3A_1673 : memref<1x!tpu.dma_semaphore, #tpu.memory_space<semaphore_mem>> -> memref<!tpu.dma_semaphore, #tpu.memory_space<semaphore_mem>>
      %dma_start3A_1675 = tpu.memref_slice %arg5[%add3A_1592] : memref<52428800xf32, #tpu.memory_space<hbm>> -> memref<1024xf32, #tpu.memory_space<hbm>>
      %dma_start3A_1676 = arith.constant 6144 : i32
      %dma_start3A_1677 = tpu.memref_slice %arg9[%dma_start3A_1667, %dma_start3A_1676] : memref<5x8192xf32, #tpu.memory_space<vmem>> -> memref<1x1024xf32, #tpu.memory_space<vmem>>
      %dma_start3A_1678 = tpu.memref_squeeze %dma_start3A_1677 : memref<1x1024xf32, #tpu.memory_space<vmem>> -> memref<1024xf32, #tpu.memory_space<vmem>>
      tpu.enqueue_dma source(%dma_start3A_1678 : memref<1024xf32, #tpu.memory_space<vmem>>) target(%dma_start3A_1675 : memref<1024xf32, #tpu.memory_space<hbm>>) target_semaphore(%dma_start3A_1674 : memref<!tpu.dma_semaphore, #tpu.memory_space<semaphore_mem>>)
      %dma_start3A_1679 = arith.constant 3 : i32
      %dma_start3A_1680 = arith.constant 3 : i32
      %dma_start3A_1681 = arith.constant 7168 : i32
      %dma_start3A_1682 = tpu.memref_slice %arg9[%dma_start3A_1679, %dma_start3A_1681] : memref<5x8192xf32, #tpu.memory_space<vmem>> -> memref<1x1024xf32, #tpu.memory_space<vmem>>
      %dma_start3A_1683 = tpu.memref_squeeze %dma_start3A_1682 : memref<1x1024xf32, #tpu.memory_space<vmem>> -> memref<1024xf32, #tpu.memory_space<vmem>>
      %dma_start3A_1684 = tpu.memref_slice %arg5[%add3A_1594] : memref<52428800xf32, #tpu.memory_space<hbm>> -> memref<1024xf32, #tpu.memory_space<hbm>>
      %dma_start3A_1685 = tpu.memref_slice %arg11[%dma_start3A_1680] : memref<5x!tpu.dma_semaphore, #tpu.memory_space<semaphore_mem>> -> memref<1x!tpu.dma_semaphore, #tpu.memory_space<semaphore_mem>>
      %dma_start3A_1686 = tpu.memref_squeeze %dma_start3A_1685 : memref<1x!tpu.dma_semaphore, #tpu.memory_space<semaphore_mem>> -> memref<!tpu.dma_semaphore, #tpu.memory_space<semaphore_mem>>
      %dma_start3A_1687 = tpu.memref_slice %arg5[%add3A_1594] : memref<52428800xf32, #tpu.memory_space<hbm>> -> memref<1024xf32, #tpu.memory_space<hbm>>
      %dma_start3A_1688 = arith.constant 7168 : i32
      %dma_start3A_1689 = tpu.memref_slice %arg9[%dma_start3A_1679, %dma_start3A_1688] : memref<5x8192xf32, #tpu.memory_space<vmem>> -> memref<1x1024xf32, #tpu.memory_space<vmem>>
      %dma_start3A_1690 = tpu.memref_squeeze %dma_start3A_1689 : memref<1x1024xf32, #tpu.memory_space<vmem>> -> memref<1024xf32, #tpu.memory_space<vmem>>
      tpu.enqueue_dma source(%dma_start3A_1690 : memref<1024xf32, #tpu.memory_space<vmem>>) target(%dma_start3A_1687 : memref<1024xf32, #tpu.memory_space<hbm>>) target_semaphore(%dma_start3A_1686 : memref<!tpu.dma_semaphore, #tpu.memory_space<semaphore_mem>>)
      %mul3A_1691 = arith.constant 5 : i32
      %mul3A_1692 = arith.muli %scan3A_835, %mul3A_1691 : i32
      %add3A_1693 = arith.constant 4 : i32
      %add3A_1694 = arith.addi %mul3A_1692, %add3A_1693 : i32
      %add3A_1695 = arith.addi %mul3A_2, %add3A_1694 : i32
      %jit3A_1696 = arith.constant 32 : i32
      %div3A_1697 = arith.divsi %add3A_1695, %jit3A_1696 : i32
      %sign3A_1698 = arith.constant 0 : i32
      %sign3A_1699 = arith.cmpi sgt, %add3A_1695, %sign3A_1698 : i32
      %sign3A_1700 = arith.extui %sign3A_1699 : i1 to i32
      %sign3A_1701 = arith.constant 0 : i32
      %sign3A_1702 = arith.cmpi slt, %add3A_1695, %sign3A_1701 : i32
      %sign3A_1703 = arith.extui %sign3A_1702 : i1 to i32
      %sign3A_1704 = arith.subi %sign3A_1700, %sign3A_1703 : i32
      %sign3A_1705 = arith.constant 0 : i32
      %sign3A_1706 = arith.cmpi sgt, %jit3A_1696, %sign3A_1705 : i32
      %sign3A_1707 = arith.extui %sign3A_1706 : i1 to i32
      %sign3A_1708 = arith.constant 0 : i32
      %sign3A_1709 = arith.cmpi slt, %jit3A_1696, %sign3A_1708 : i32
      %sign3A_1710 = arith.extui %sign3A_1709 : i1 to i32
      %sign3A_1711 = arith.subi %sign3A_1707, %sign3A_1710 : i32
      %ne3A_1712 = arith.cmpi ne, %sign3A_1704, %sign3A_1711 : i32
      %rem3A_1713 = arith.remsi %add3A_1695, %jit3A_1696 : i32
      %ne3A_1714 = arith.constant 0 : i32
      %ne3A_1715 = arith.cmpi ne, %rem3A_1713, %ne3A_1714 : i32
      %and3A_1716 = arith.andi %ne3A_1712, %ne3A_1715 : i1
      %sub3A_1717 = arith.constant 1 : i32
      %sub3A_1718 = arith.subi %div3A_1697, %sub3A_1717 : i32
      %select_n3A_1719 = arith.select %and3A_1716, %sub3A_1718, %div3A_1697 : i32
      %mul3A_1720 = arith.constant 128 : i32
      %mul3A_1721 = arith.muli %add3A_1694, %mul3A_1720 : i32
      %dma_wait3A_1722 = arith.constant 4 : i32
      %dma_wait3A_1723 = arith.constant 4 : i32
      %dma_wait3A_1724 = arith.constant 0 : i32
      %dma_wait3A_1725 = arith.constant 0 : i32
      %dma_wait3A_1726 = tpu.memref_slice %arg8[%dma_wait3A_1722, %dma_wait3A_1724, %dma_wait3A_1725] : memref<5x128x64xf32, #tpu.memory_space<vmem>> -> memref<1x128x64xf32, #tpu.memory_space<vmem>>
      %dma_wait3A_1727 = tpu.memref_squeeze %dma_wait3A_1726 : memref<1x128x64xf32, #tpu.memory_space<vmem>> -> memref<128x64xf32, #tpu.memory_space<vmem>>
      %dma_wait3A_1728 = tpu.memref_slice %arg6[%mul3A_1721] : memref<25600xi32, #tpu.memory_space<vmem>> -> memref<128xi32, #tpu.memory_space<vmem>>
      %dma_wait3A_1729 = arith.constant 0 : i32
      %dma_wait3A_1730 = arith.constant 0 : i32
      %dma_wait3A_1731 = tpu.memref_slice %arg4[%dma_wait3A_1729, %dma_wait3A_1730] : memref<100000x64xf32, #tpu.memory_space<hbm>> -> memref<100000x64xf32, #tpu.memory_space<hbm>>
      %dma_wait3A_1732 = tpu.memref_slice %arg10[%dma_wait3A_1723] : memref<5x!tpu.dma_semaphore, #tpu.memory_space<semaphore_mem>> -> memref<1x!tpu.dma_semaphore, #tpu.memory_space<semaphore_mem>>
      %dma_wait3A_1733 = tpu.memref_squeeze %dma_wait3A_1732 : memref<1x!tpu.dma_semaphore, #tpu.memory_space<semaphore_mem>> -> memref<!tpu.dma_semaphore, #tpu.memory_space<semaphore_mem>>
      tpu.wait_indirect_dma semaphore(%dma_wait3A_1733 : memref<!tpu.dma_semaphore, #tpu.memory_space<semaphore_mem>>) src(%dma_wait3A_1731 : memref<100000x64xf32, #tpu.memory_space<hbm>>) dst(%dma_wait3A_1727 : memref<128x64xf32, #tpu.memory_space<vmem>>)
      %gt3A_1734 = arith.constant 0 : i32
      %gt3A_1735 = arith.cmpi sgt, %scan3A_835, %gt3A_1734 : i32
      %convert_element_type3A_1736 = arith.extui %gt3A_1735 : i1 to i32
      %cond3A_1737 = arith.constant 0 : i32
      %cond3A_1738 = arith.cmpi ne, %convert_element_type3A_1736, %cond3A_1737 : i32
      scf.if %cond3A_1738 {
        %sub3A_1907 = arith.constant 1 : i32
        %sub3A_1908 = arith.subi %scan3A_835, %sub3A_1907 : i32
        %mul3A_1909 = arith.constant 5 : i32
        %mul3A_1910 = arith.muli %sub3A_1908, %mul3A_1909 : i32
        %add3A_1911 = arith.addi %mul3A_2, %mul3A_1910 : i32
        %add3A_1912 = arith.constant 4 : i32
        %add3A_1913 = arith.addi %add3A_1911, %add3A_1912 : i32
        %jit3A_1914 = arith.constant 32 : i32
        %div3A_1915 = arith.divsi %add3A_1913, %jit3A_1914 : i32
        %sign3A_1916 = arith.constant 0 : i32
        %sign3A_1917 = arith.cmpi sgt, %add3A_1913, %sign3A_1916 : i32
        %sign3A_1918 = arith.extui %sign3A_1917 : i1 to i32
        %sign3A_1919 = arith.constant 0 : i32
        %sign3A_1920 = arith.cmpi slt, %add3A_1913, %sign3A_1919 : i32
        %sign3A_1921 = arith.extui %sign3A_1920 : i1 to i32
        %sign3A_1922 = arith.subi %sign3A_1918, %sign3A_1921 : i32
        %sign3A_1923 = arith.constant 0 : i32
        %sign3A_1924 = arith.cmpi sgt, %jit3A_1914, %sign3A_1923 : i32
        %sign3A_1925 = arith.extui %sign3A_1924 : i1 to i32
        %sign3A_1926 = arith.constant 0 : i32
        %sign3A_1927 = arith.cmpi slt, %jit3A_1914, %sign3A_1926 : i32
        %sign3A_1928 = arith.extui %sign3A_1927 : i1 to i32
        %sign3A_1929 = arith.subi %sign3A_1925, %sign3A_1928 : i32
        %ne3A_1930 = arith.cmpi ne, %sign3A_1922, %sign3A_1929 : i32
        %rem3A_1931 = arith.remsi %add3A_1913, %jit3A_1914 : i32
        %ne3A_1932 = arith.constant 0 : i32
        %ne3A_1933 = arith.cmpi ne, %rem3A_1931, %ne3A_1932 : i32
        %and3A_1934 = arith.andi %ne3A_1930, %ne3A_1933 : i1
        %sub3A_1935 = arith.constant 1 : i32
        %sub3A_1936 = arith.subi %div3A_1915, %sub3A_1935 : i32
        %select_n3A_1937 = arith.select %and3A_1934, %sub3A_1936, %div3A_1915 : i32
        %rem3A_1938 = arith.constant 32 : i32
        %rem3A_1939 = arith.remsi %add3A_1913, %rem3A_1938 : i32
        %mul3A_1940 = arith.constant 8 : i32
        %mul3A_1941 = arith.muli %select_n3A_1937, %mul3A_1940 : i32
        %mul3A_1942 = arith.constant 32 : i32
        %mul3A_1943 = arith.muli %mul3A_1941, %mul3A_1942 : i32
        %add3A_1944 = arith.addi %mul3A_1943, %rem3A_1939 : i32
        %mul3A_1945 = arith.constant 1024 : i32
        %mul3A_1946 = arith.muli %add3A_1944, %mul3A_1945 : i32
        %add3A_1947 = arith.constant 0 : i32
        %add3A_1948 = arith.addi %mul3A_1946, %add3A_1947 : i32
        %add3A_1949 = arith.constant 32768 : i32
        %add3A_1950 = arith.addi %mul3A_1946, %add3A_1949 : i32
        %add3A_1951 = arith.constant 65536 : i32
        %add3A_1952 = arith.addi %mul3A_1946, %add3A_1951 : i32
        %add3A_1953 = arith.constant 98304 : i32
        %add3A_1954 = arith.addi %mul3A_1946, %add3A_1953 : i32
        %add3A_1955 = arith.constant 131072 : i32
        %add3A_1956 = arith.addi %mul3A_1946, %add3A_1955 : i32
        %add3A_1957 = arith.constant 163840 : i32
        %add3A_1958 = arith.addi %mul3A_1946, %add3A_1957 : i32
        %add3A_1959 = arith.constant 196608 : i32
        %add3A_1960 = arith.addi %mul3A_1946, %add3A_1959 : i32
        %add3A_1961 = arith.constant 229376 : i32
        %add3A_1962 = arith.addi %mul3A_1946, %add3A_1961 : i32
        %dma_wait3A_1963 = arith.constant 4 : i32
        %dma_wait3A_1964 = arith.constant 4 : i32
        %dma_wait3A_1965 = arith.constant 0 : i32
        %dma_wait3A_1966 = tpu.memref_slice %arg9[%dma_wait3A_1963, %dma_wait3A_1965] : memref<5x8192xf32, #tpu.memory_space<vmem>> -> memref<1x1024xf32, #tpu.memory_space<vmem>>
        %dma_wait3A_1967 = tpu.memref_squeeze %dma_wait3A_1966 : memref<1x1024xf32, #tpu.memory_space<vmem>> -> memref<1024xf32, #tpu.memory_space<vmem>>
        %dma_wait3A_1968 = tpu.memref_slice %arg5[%add3A_1948] : memref<52428800xf32, #tpu.memory_space<hbm>> -> memref<1024xf32, #tpu.memory_space<hbm>>
        %dma_wait3A_1969 = tpu.memref_slice %arg11[%dma_wait3A_1964] : memref<5x!tpu.dma_semaphore, #tpu.memory_space<semaphore_mem>> -> memref<1x!tpu.dma_semaphore, #tpu.memory_space<semaphore_mem>>
        %dma_wait3A_1970 = tpu.memref_squeeze %dma_wait3A_1969 : memref<1x!tpu.dma_semaphore, #tpu.memory_space<semaphore_mem>> -> memref<!tpu.dma_semaphore, #tpu.memory_space<semaphore_mem>>
        %dma_wait3A_1971 = tpu.memref_slice %arg5[%add3A_1948] : memref<52428800xf32, #tpu.memory_space<hbm>> -> memref<1024xf32, #tpu.memory_space<hbm>>
        %dma_wait3A_1972 = arith.constant 0 : i32
        %dma_wait3A_1973 = tpu.memref_slice %arg9[%dma_wait3A_1963, %dma_wait3A_1972] : memref<5x8192xf32, #tpu.memory_space<vmem>> -> memref<1x1024xf32, #tpu.memory_space<vmem>>
        %dma_wait3A_1974 = tpu.memref_squeeze %dma_wait3A_1973 : memref<1x1024xf32, #tpu.memory_space<vmem>> -> memref<1024xf32, #tpu.memory_space<vmem>>
        tpu.wait_dma2 semaphore(%dma_wait3A_1970 : memref<!tpu.dma_semaphore, #tpu.memory_space<semaphore_mem>>) src(%dma_wait3A_1974 : memref<1024xf32, #tpu.memory_space<vmem>>) dst(%dma_wait3A_1971 : memref<1024xf32, #tpu.memory_space<hbm>>)
        %dma_wait3A_1975 = arith.constant 4 : i32
        %dma_wait3A_1976 = arith.constant 4 : i32
        %dma_wait3A_1977 = arith.constant 1024 : i32
        %dma_wait3A_1978 = tpu.memref_slice %arg9[%dma_wait3A_1975, %dma_wait3A_1977] : memref<5x8192xf32, #tpu.memory_space<vmem>> -> memref<1x1024xf32, #tpu.memory_space<vmem>>
        %dma_wait3A_1979 = tpu.memref_squeeze %dma_wait3A_1978 : memref<1x1024xf32, #tpu.memory_space<vmem>> -> memref<1024xf32, #tpu.memory_space<vmem>>
        %dma_wait3A_1980 = tpu.memref_slice %arg5[%add3A_1950] : memref<52428800xf32, #tpu.memory_space<hbm>> -> memref<1024xf32, #tpu.memory_space<hbm>>
        %dma_wait3A_1981 = tpu.memref_slice %arg11[%dma_wait3A_1976] : memref<5x!tpu.dma_semaphore, #tpu.memory_space<semaphore_mem>> -> memref<1x!tpu.dma_semaphore, #tpu.memory_space<semaphore_mem>>
        %dma_wait3A_1982 = tpu.memref_squeeze %dma_wait3A_1981 : memref<1x!tpu.dma_semaphore, #tpu.memory_space<semaphore_mem>> -> memref<!tpu.dma_semaphore, #tpu.memory_space<semaphore_mem>>
        %dma_wait3A_1983 = tpu.memref_slice %arg5[%add3A_1950] : memref<52428800xf32, #tpu.memory_space<hbm>> -> memref<1024xf32, #tpu.memory_space<hbm>>
        %dma_wait3A_1984 = arith.constant 1024 : i32
        %dma_wait3A_1985 = tpu.memref_slice %arg9[%dma_wait3A_1975, %dma_wait3A_1984] : memref<5x8192xf32, #tpu.memory_space<vmem>> -> memref<1x1024xf32, #tpu.memory_space<vmem>>
        %dma_wait3A_1986 = tpu.memref_squeeze %dma_wait3A_1985 : memref<1x1024xf32, #tpu.memory_space<vmem>> -> memref<1024xf32, #tpu.memory_space<vmem>>
        tpu.wait_dma2 semaphore(%dma_wait3A_1982 : memref<!tpu.dma_semaphore, #tpu.memory_space<semaphore_mem>>) src(%dma_wait3A_1986 : memref<1024xf32, #tpu.memory_space<vmem>>) dst(%dma_wait3A_1983 : memref<1024xf32, #tpu.memory_space<hbm>>)
        %dma_wait3A_1987 = arith.constant 4 : i32
        %dma_wait3A_1988 = arith.constant 4 : i32
        %dma_wait3A_1989 = arith.constant 2048 : i32
        %dma_wait3A_1990 = tpu.memref_slice %arg9[%dma_wait3A_1987, %dma_wait3A_1989] : memref<5x8192xf32, #tpu.memory_space<vmem>> -> memref<1x1024xf32, #tpu.memory_space<vmem>>
        %dma_wait3A_1991 = tpu.memref_squeeze %dma_wait3A_1990 : memref<1x1024xf32, #tpu.memory_space<vmem>> -> memref<1024xf32, #tpu.memory_space<vmem>>
        %dma_wait3A_1992 = tpu.memref_slice %arg5[%add3A_1952] : memref<52428800xf32, #tpu.memory_space<hbm>> -> memref<1024xf32, #tpu.memory_space<hbm>>
        %dma_wait3A_1993 = tpu.memref_slice %arg11[%dma_wait3A_1988] : memref<5x!tpu.dma_semaphore, #tpu.memory_space<semaphore_mem>> -> memref<1x!tpu.dma_semaphore, #tpu.memory_space<semaphore_mem>>
        %dma_wait3A_1994 = tpu.memref_squeeze %dma_wait3A_1993 : memref<1x!tpu.dma_semaphore, #tpu.memory_space<semaphore_mem>> -> memref<!tpu.dma_semaphore, #tpu.memory_space<semaphore_mem>>
        %dma_wait3A_1995 = tpu.memref_slice %arg5[%add3A_1952] : memref<52428800xf32, #tpu.memory_space<hbm>> -> memref<1024xf32, #tpu.memory_space<hbm>>
        %dma_wait3A_1996 = arith.constant 2048 : i32
        %dma_wait3A_1997 = tpu.memref_slice %arg9[%dma_wait3A_1987, %dma_wait3A_1996] : memref<5x8192xf32, #tpu.memory_space<vmem>> -> memref<1x1024xf32, #tpu.memory_space<vmem>>
        %dma_wait3A_1998 = tpu.memref_squeeze %dma_wait3A_1997 : memref<1x1024xf32, #tpu.memory_space<vmem>> -> memref<1024xf32, #tpu.memory_space<vmem>>
        tpu.wait_dma2 semaphore(%dma_wait3A_1994 : memref<!tpu.dma_semaphore, #tpu.memory_space<semaphore_mem>>) src(%dma_wait3A_1998 : memref<1024xf32, #tpu.memory_space<vmem>>) dst(%dma_wait3A_1995 : memref<1024xf32, #tpu.memory_space<hbm>>)
        %dma_wait3A_1999 = arith.constant 4 : i32
        %dma_wait3A_2000 = arith.constant 4 : i32
        %dma_wait3A_2001 = arith.constant 3072 : i32
        %dma_wait3A_2002 = tpu.memref_slice %arg9[%dma_wait3A_1999, %dma_wait3A_2001] : memref<5x8192xf32, #tpu.memory_space<vmem>> -> memref<1x1024xf32, #tpu.memory_space<vmem>>
        %dma_wait3A_2003 = tpu.memref_squeeze %dma_wait3A_2002 : memref<1x1024xf32, #tpu.memory_space<vmem>> -> memref<1024xf32, #tpu.memory_space<vmem>>
        %dma_wait3A_2004 = tpu.memref_slice %arg5[%add3A_1954] : memref<52428800xf32, #tpu.memory_space<hbm>> -> memref<1024xf32, #tpu.memory_space<hbm>>
        %dma_wait3A_2005 = tpu.memref_slice %arg11[%dma_wait3A_2000] : memref<5x!tpu.dma_semaphore, #tpu.memory_space<semaphore_mem>> -> memref<1x!tpu.dma_semaphore, #tpu.memory_space<semaphore_mem>>
        %dma_wait3A_2006 = tpu.memref_squeeze %dma_wait3A_2005 : memref<1x!tpu.dma_semaphore, #tpu.memory_space<semaphore_mem>> -> memref<!tpu.dma_semaphore, #tpu.memory_space<semaphore_mem>>
        %dma_wait3A_2007 = tpu.memref_slice %arg5[%add3A_1954] : memref<52428800xf32, #tpu.memory_space<hbm>> -> memref<1024xf32, #tpu.memory_space<hbm>>
        %dma_wait3A_2008 = arith.constant 3072 : i32
        %dma_wait3A_2009 = tpu.memref_slice %arg9[%dma_wait3A_1999, %dma_wait3A_2008] : memref<5x8192xf32, #tpu.memory_space<vmem>> -> memref<1x1024xf32, #tpu.memory_space<vmem>>
        %dma_wait3A_2010 = tpu.memref_squeeze %dma_wait3A_2009 : memref<1x1024xf32, #tpu.memory_space<vmem>> -> memref<1024xf32, #tpu.memory_space<vmem>>
        tpu.wait_dma2 semaphore(%dma_wait3A_2006 : memref<!tpu.dma_semaphore, #tpu.memory_space<semaphore_mem>>) src(%dma_wait3A_2010 : memref<1024xf32, #tpu.memory_space<vmem>>) dst(%dma_wait3A_2007 : memref<1024xf32, #tpu.memory_space<hbm>>)
        %dma_wait3A_2011 = arith.constant 4 : i32
        %dma_wait3A_2012 = arith.constant 4 : i32
        %dma_wait3A_2013 = arith.constant 4096 : i32
        %dma_wait3A_2014 = tpu.memref_slice %arg9[%dma_wait3A_2011, %dma_wait3A_2013] : memref<5x8192xf32, #tpu.memory_space<vmem>> -> memref<1x1024xf32, #tpu.memory_space<vmem>>
        %dma_wait3A_2015 = tpu.memref_squeeze %dma_wait3A_2014 : memref<1x1024xf32, #tpu.memory_space<vmem>> -> memref<1024xf32, #tpu.memory_space<vmem>>
        %dma_wait3A_2016 = tpu.memref_slice %arg5[%add3A_1956] : memref<52428800xf32, #tpu.memory_space<hbm>> -> memref<1024xf32, #tpu.memory_space<hbm>>
        %dma_wait3A_2017 = tpu.memref_slice %arg11[%dma_wait3A_2012] : memref<5x!tpu.dma_semaphore, #tpu.memory_space<semaphore_mem>> -> memref<1x!tpu.dma_semaphore, #tpu.memory_space<semaphore_mem>>
        %dma_wait3A_2018 = tpu.memref_squeeze %dma_wait3A_2017 : memref<1x!tpu.dma_semaphore, #tpu.memory_space<semaphore_mem>> -> memref<!tpu.dma_semaphore, #tpu.memory_space<semaphore_mem>>
        %dma_wait3A_2019 = tpu.memref_slice %arg5[%add3A_1956] : memref<52428800xf32, #tpu.memory_space<hbm>> -> memref<1024xf32, #tpu.memory_space<hbm>>
        %dma_wait3A_2020 = arith.constant 4096 : i32
        %dma_wait3A_2021 = tpu.memref_slice %arg9[%dma_wait3A_2011, %dma_wait3A_2020] : memref<5x8192xf32, #tpu.memory_space<vmem>> -> memref<1x1024xf32, #tpu.memory_space<vmem>>
        %dma_wait3A_2022 = tpu.memref_squeeze %dma_wait3A_2021 : memref<1x1024xf32, #tpu.memory_space<vmem>> -> memref<1024xf32, #tpu.memory_space<vmem>>
        tpu.wait_dma2 semaphore(%dma_wait3A_2018 : memref<!tpu.dma_semaphore, #tpu.memory_space<semaphore_mem>>) src(%dma_wait3A_2022 : memref<1024xf32, #tpu.memory_space<vmem>>) dst(%dma_wait3A_2019 : memref<1024xf32, #tpu.memory_space<hbm>>)
        %dma_wait3A_2023 = arith.constant 4 : i32
        %dma_wait3A_2024 = arith.constant 4 : i32
        %dma_wait3A_2025 = arith.constant 5120 : i32
        %dma_wait3A_2026 = tpu.memref_slice %arg9[%dma_wait3A_2023, %dma_wait3A_2025] : memref<5x8192xf32, #tpu.memory_space<vmem>> -> memref<1x1024xf32, #tpu.memory_space<vmem>>
        %dma_wait3A_2027 = tpu.memref_squeeze %dma_wait3A_2026 : memref<1x1024xf32, #tpu.memory_space<vmem>> -> memref<1024xf32, #tpu.memory_space<vmem>>
        %dma_wait3A_2028 = tpu.memref_slice %arg5[%add3A_1958] : memref<52428800xf32, #tpu.memory_space<hbm>> -> memref<1024xf32, #tpu.memory_space<hbm>>
        %dma_wait3A_2029 = tpu.memref_slice %arg11[%dma_wait3A_2024] : memref<5x!tpu.dma_semaphore, #tpu.memory_space<semaphore_mem>> -> memref<1x!tpu.dma_semaphore, #tpu.memory_space<semaphore_mem>>
        %dma_wait3A_2030 = tpu.memref_squeeze %dma_wait3A_2029 : memref<1x!tpu.dma_semaphore, #tpu.memory_space<semaphore_mem>> -> memref<!tpu.dma_semaphore, #tpu.memory_space<semaphore_mem>>
        %dma_wait3A_2031 = tpu.memref_slice %arg5[%add3A_1958] : memref<52428800xf32, #tpu.memory_space<hbm>> -> memref<1024xf32, #tpu.memory_space<hbm>>
        %dma_wait3A_2032 = arith.constant 5120 : i32
        %dma_wait3A_2033 = tpu.memref_slice %arg9[%dma_wait3A_2023, %dma_wait3A_2032] : memref<5x8192xf32, #tpu.memory_space<vmem>> -> memref<1x1024xf32, #tpu.memory_space<vmem>>
        %dma_wait3A_2034 = tpu.memref_squeeze %dma_wait3A_2033 : memref<1x1024xf32, #tpu.memory_space<vmem>> -> memref<1024xf32, #tpu.memory_space<vmem>>
        tpu.wait_dma2 semaphore(%dma_wait3A_2030 : memref<!tpu.dma_semaphore, #tpu.memory_space<semaphore_mem>>) src(%dma_wait3A_2034 : memref<1024xf32, #tpu.memory_space<vmem>>) dst(%dma_wait3A_2031 : memref<1024xf32, #tpu.memory_space<hbm>>)
        %dma_wait3A_2035 = arith.constant 4 : i32
        %dma_wait3A_2036 = arith.constant 4 : i32
        %dma_wait3A_2037 = arith.constant 6144 : i32
        %dma_wait3A_2038 = tpu.memref_slice %arg9[%dma_wait3A_2035, %dma_wait3A_2037] : memref<5x8192xf32, #tpu.memory_space<vmem>> -> memref<1x1024xf32, #tpu.memory_space<vmem>>
        %dma_wait3A_2039 = tpu.memref_squeeze %dma_wait3A_2038 : memref<1x1024xf32, #tpu.memory_space<vmem>> -> memref<1024xf32, #tpu.memory_space<vmem>>
        %dma_wait3A_2040 = tpu.memref_slice %arg5[%add3A_1960] : memref<52428800xf32, #tpu.memory_space<hbm>> -> memref<1024xf32, #tpu.memory_space<hbm>>
        %dma_wait3A_2041 = tpu.memref_slice %arg11[%dma_wait3A_2036] : memref<5x!tpu.dma_semaphore, #tpu.memory_space<semaphore_mem>> -> memref<1x!tpu.dma_semaphore, #tpu.memory_space<semaphore_mem>>
        %dma_wait3A_2042 = tpu.memref_squeeze %dma_wait3A_2041 : memref<1x!tpu.dma_semaphore, #tpu.memory_space<semaphore_mem>> -> memref<!tpu.dma_semaphore, #tpu.memory_space<semaphore_mem>>
        %dma_wait3A_2043 = tpu.memref_slice %arg5[%add3A_1960] : memref<52428800xf32, #tpu.memory_space<hbm>> -> memref<1024xf32, #tpu.memory_space<hbm>>
        %dma_wait3A_2044 = arith.constant 6144 : i32
        %dma_wait3A_2045 = tpu.memref_slice %arg9[%dma_wait3A_2035, %dma_wait3A_2044] : memref<5x8192xf32, #tpu.memory_space<vmem>> -> memref<1x1024xf32, #tpu.memory_space<vmem>>
        %dma_wait3A_2046 = tpu.memref_squeeze %dma_wait3A_2045 : memref<1x1024xf32, #tpu.memory_space<vmem>> -> memref<1024xf32, #tpu.memory_space<vmem>>
        tpu.wait_dma2 semaphore(%dma_wait3A_2042 : memref<!tpu.dma_semaphore, #tpu.memory_space<semaphore_mem>>) src(%dma_wait3A_2046 : memref<1024xf32, #tpu.memory_space<vmem>>) dst(%dma_wait3A_2043 : memref<1024xf32, #tpu.memory_space<hbm>>)
        %dma_wait3A_2047 = arith.constant 4 : i32
        %dma_wait3A_2048 = arith.constant 4 : i32
        %dma_wait3A_2049 = arith.constant 7168 : i32
        %dma_wait3A_2050 = tpu.memref_slice %arg9[%dma_wait3A_2047, %dma_wait3A_2049] : memref<5x8192xf32, #tpu.memory_space<vmem>> -> memref<1x1024xf32, #tpu.memory_space<vmem>>
        %dma_wait3A_2051 = tpu.memref_squeeze %dma_wait3A_2050 : memref<1x1024xf32, #tpu.memory_space<vmem>> -> memref<1024xf32, #tpu.memory_space<vmem>>
        %dma_wait3A_2052 = tpu.memref_slice %arg5[%add3A_1962] : memref<52428800xf32, #tpu.memory_space<hbm>> -> memref<1024xf32, #tpu.memory_space<hbm>>
        %dma_wait3A_2053 = tpu.memref_slice %arg11[%dma_wait3A_2048] : memref<5x!tpu.dma_semaphore, #tpu.memory_space<semaphore_mem>> -> memref<1x!tpu.dma_semaphore, #tpu.memory_space<semaphore_mem>>
        %dma_wait3A_2054 = tpu.memref_squeeze %dma_wait3A_2053 : memref<1x!tpu.dma_semaphore, #tpu.memory_space<semaphore_mem>> -> memref<!tpu.dma_semaphore, #tpu.memory_space<semaphore_mem>>
        %dma_wait3A_2055 = tpu.memref_slice %arg5[%add3A_1962] : memref<52428800xf32, #tpu.memory_space<hbm>> -> memref<1024xf32, #tpu.memory_space<hbm>>
        %dma_wait3A_2056 = arith.constant 7168 : i32
        %dma_wait3A_2057 = tpu.memref_slice %arg9[%dma_wait3A_2047, %dma_wait3A_2056] : memref<5x8192xf32, #tpu.memory_space<vmem>> -> memref<1x1024xf32, #tpu.memory_space<vmem>>
        %dma_wait3A_2058 = tpu.memref_squeeze %dma_wait3A_2057 : memref<1x1024xf32, #tpu.memory_space<vmem>> -> memref<1024xf32, #tpu.memory_space<vmem>>
        tpu.wait_dma2 semaphore(%dma_wait3A_2054 : memref<!tpu.dma_semaphore, #tpu.memory_space<semaphore_mem>>) src(%dma_wait3A_2058 : memref<1024xf32, #tpu.memory_space<vmem>>) dst(%dma_wait3A_2055 : memref<1024xf32, #tpu.memory_space<hbm>>)
      } else {
      }
      %get3A_1739 = arith.index_cast %select_n3A_1719 : i32 to index
      %get3A_1740 = arith.constant 0 : index
      %get3A_1741 = tpu.vector_load %arg7[%get3A_1739, %get3A_1740] {strides = array<i32>} : memref<200x64xf32, #tpu.memory_space<vmem>>, vector<16xf32>,
      %get3A_1742 = arith.index_cast %select_n3A_1719 : i32 to index
      %get3A_1743 = arith.constant 16 : index
      %get3A_1744 = tpu.vector_load %arg7[%get3A_1742, %get3A_1743] {strides = array<i32>} : memref<200x64xf32, #tpu.memory_space<vmem>>, vector<16xf32>,
      %get3A_1745 = arith.index_cast %select_n3A_1719 : i32 to index
      %get3A_1746 = arith.constant 32 : index
      %get3A_1747 = tpu.vector_load %arg7[%get3A_1745, %get3A_1746] {strides = array<i32>} : memref<200x64xf32, #tpu.memory_space<vmem>>, vector<16xf32>,
      %get3A_1748 = arith.index_cast %select_n3A_1719 : i32 to index
      %get3A_1749 = arith.constant 48 : index
      %get3A_1750 = tpu.vector_load %arg7[%get3A_1748, %get3A_1749] {strides = array<i32>} : memref<200x64xf32, #tpu.memory_space<vmem>>, vector<16xf32>,
      %parallel_loop3A_1751 = arith.constant 0 : i32
      %parallel_loop3A_1752 = arith.constant 128 : i32
      %parallel_loop3A_1753 = arith.constant 1 : i32
      scf.for %parallel_loop3A_1907 = %parallel_loop3A_1751 to %parallel_loop3A_1752 step %parallel_loop3A_1753  : i32 {
        %parallel_loop3A_1908 = arith.constant 4 : i32
        %parallel_loop3A_1909 = arith.constant 0 : i32
        %parallel_loop3A_1910 = arith.constant 0 : i32
        %parallel_loop3A_1911 = tpu.memref_slice %arg8[%parallel_loop3A_1908, %parallel_loop3A_1909, %parallel_loop3A_1910] : memref<5x128x64xf32, #tpu.memory_space<vmem>> -> memref<1x128x64xf32, #tpu.memory_space<vmem>>
        %parallel_loop3A_1912 = tpu.memref_squeeze %parallel_loop3A_1911 : memref<1x128x64xf32, #tpu.memory_space<vmem>> -> memref<128x64xf32, #tpu.memory_space<vmem>>
        %parallel_loop3A_1913 = arith.index_cast %parallel_loop3A_1907 : i32 to index
        %parallel_loop3A_1914 = arith.constant 0 : index
        %parallel_loop3A_1915 = tpu.vector_load %parallel_loop3A_1912[%parallel_loop3A_1913, %parallel_loop3A_1914] {strides = array<i32>} : memref<128x64xf32, #tpu.memory_space<vmem>>, vector<16xf32>,
        %parallel_loop3A_1916 = arith.addf %parallel_loop3A_1915, %get3A_1741 : vector<16xf32>
        %parallel_loop3A_1917 = vector.broadcast %parallel_loop3A_1907 : i32 to vector<16xi32>
        %parallel_loop3A_1918 = arith.addi %mul3A_10, %parallel_loop3A_1917 : vector<16xi32>
        %parallel_loop3A_1919 = arith.constant 4 : i32
        %parallel_loop3A_1920 = arith.constant 0 : i32
        %parallel_loop3A_1921 = tpu.memref_slice %arg9[%parallel_loop3A_1919, %parallel_loop3A_1920] : memref<5x8192xf32, #tpu.memory_space<vmem>> -> memref<1x8192xf32, #tpu.memory_space<vmem>>
        %parallel_loop3A_1922 = tpu.memref_squeeze %parallel_loop3A_1921 : memref<1x8192xf32, #tpu.memory_space<vmem>> -> memref<8192xf32, #tpu.memory_space<vmem>>
        tpu.vector_store_idx %parallel_loop3A_1922[%parallel_loop3A_1918], %parallel_loop3A_1916 : memref<8192xf32, #tpu.memory_space<vmem>>[vector<16xi32>], vector<16xf32>,
        %parallel_loop3A_1923 = arith.constant 4 : i32
        %parallel_loop3A_1924 = arith.constant 0 : i32
        %parallel_loop3A_1925 = arith.constant 0 : i32
        %parallel_loop3A_1926 = tpu.memref_slice %arg8[%parallel_loop3A_1923, %parallel_loop3A_1924, %parallel_loop3A_1925] : memref<5x128x64xf32, #tpu.memory_space<vmem>> -> memref<1x128x64xf32, #tpu.memory_space<vmem>>
        %parallel_loop3A_1927 = tpu.memref_squeeze %parallel_loop3A_1926 : memref<1x128x64xf32, #tpu.memory_space<vmem>> -> memref<128x64xf32, #tpu.memory_space<vmem>>
        %parallel_loop3A_1928 = arith.index_cast %parallel_loop3A_1907 : i32 to index
        %parallel_loop3A_1929 = arith.constant 16 : index
        %parallel_loop3A_1930 = tpu.vector_load %parallel_loop3A_1927[%parallel_loop3A_1928, %parallel_loop3A_1929] {strides = array<i32>} : memref<128x64xf32, #tpu.memory_space<vmem>>, vector<16xf32>,
        %parallel_loop3A_1931 = arith.addf %parallel_loop3A_1930, %get3A_1744 : vector<16xf32>
        %parallel_loop3A_1932 = vector.broadcast %parallel_loop3A_1907 : i32 to vector<16xi32>
        %parallel_loop3A_1933 = arith.addi %mul3A_16, %parallel_loop3A_1932 : vector<16xi32>
        %parallel_loop3A_1934 = arith.constant 4 : i32
        %parallel_loop3A_1935 = arith.constant 0 : i32
        %parallel_loop3A_1936 = tpu.memref_slice %arg9[%parallel_loop3A_1934, %parallel_loop3A_1935] : memref<5x8192xf32, #tpu.memory_space<vmem>> -> memref<1x8192xf32, #tpu.memory_space<vmem>>
        %parallel_loop3A_1937 = tpu.memref_squeeze %parallel_loop3A_1936 : memref<1x8192xf32, #tpu.memory_space<vmem>> -> memref<8192xf32, #tpu.memory_space<vmem>>
        tpu.vector_store_idx %parallel_loop3A_1937[%parallel_loop3A_1933], %parallel_loop3A_1931 : memref<8192xf32, #tpu.memory_space<vmem>>[vector<16xi32>], vector<16xf32>,
        %parallel_loop3A_1938 = arith.constant 4 : i32
        %parallel_loop3A_1939 = arith.constant 0 : i32
        %parallel_loop3A_1940 = arith.constant 0 : i32
        %parallel_loop3A_1941 = tpu.memref_slice %arg8[%parallel_loop3A_1938, %parallel_loop3A_1939, %parallel_loop3A_1940] : memref<5x128x64xf32, #tpu.memory_space<vmem>> -> memref<1x128x64xf32, #tpu.memory_space<vmem>>
        %parallel_loop3A_1942 = tpu.memref_squeeze %parallel_loop3A_1941 : memref<1x128x64xf32, #tpu.memory_space<vmem>> -> memref<128x64xf32, #tpu.memory_space<vmem>>
        %parallel_loop3A_1943 = arith.index_cast %parallel_loop3A_1907 : i32 to index
        %parallel_loop3A_1944 = arith.constant 32 : index
        %parallel_loop3A_1945 = tpu.vector_load %parallel_loop3A_1942[%parallel_loop3A_1943, %parallel_loop3A_1944] {strides = array<i32>} : memref<128x64xf32, #tpu.memory_space<vmem>>, vector<16xf32>,
        %parallel_loop3A_1946 = arith.addf %parallel_loop3A_1945, %get3A_1747 : vector<16xf32>
        %parallel_loop3A_1947 = vector.broadcast %parallel_loop3A_1907 : i32 to vector<16xi32>
        %parallel_loop3A_1948 = arith.addi %mul3A_22, %parallel_loop3A_1947 : vector<16xi32>
        %parallel_loop3A_1949 = arith.constant 4 : i32
        %parallel_loop3A_1950 = arith.constant 0 : i32
        %parallel_loop3A_1951 = tpu.memref_slice %arg9[%parallel_loop3A_1949, %parallel_loop3A_1950] : memref<5x8192xf32, #tpu.memory_space<vmem>> -> memref<1x8192xf32, #tpu.memory_space<vmem>>
        %parallel_loop3A_1952 = tpu.memref_squeeze %parallel_loop3A_1951 : memref<1x8192xf32, #tpu.memory_space<vmem>> -> memref<8192xf32, #tpu.memory_space<vmem>>
        tpu.vector_store_idx %parallel_loop3A_1952[%parallel_loop3A_1948], %parallel_loop3A_1946 : memref<8192xf32, #tpu.memory_space<vmem>>[vector<16xi32>], vector<16xf32>,
        %parallel_loop3A_1953 = arith.constant 4 : i32
        %parallel_loop3A_1954 = arith.constant 0 : i32
        %parallel_loop3A_1955 = arith.constant 0 : i32
        %parallel_loop3A_1956 = tpu.memref_slice %arg8[%parallel_loop3A_1953, %parallel_loop3A_1954, %parallel_loop3A_1955] : memref<5x128x64xf32, #tpu.memory_space<vmem>> -> memref<1x128x64xf32, #tpu.memory_space<vmem>>
        %parallel_loop3A_1957 = tpu.memref_squeeze %parallel_loop3A_1956 : memref<1x128x64xf32, #tpu.memory_space<vmem>> -> memref<128x64xf32, #tpu.memory_space<vmem>>
        %parallel_loop3A_1958 = arith.index_cast %parallel_loop3A_1907 : i32 to index
        %parallel_loop3A_1959 = arith.constant 48 : index
        %parallel_loop3A_1960 = tpu.vector_load %parallel_loop3A_1957[%parallel_loop3A_1958, %parallel_loop3A_1959] {strides = array<i32>} : memref<128x64xf32, #tpu.memory_space<vmem>>, vector<16xf32>,
        %parallel_loop3A_1961 = arith.addf %parallel_loop3A_1960, %get3A_1750 : vector<16xf32>
        %parallel_loop3A_1962 = vector.broadcast %parallel_loop3A_1907 : i32 to vector<16xi32>
        %parallel_loop3A_1963 = arith.addi %mul3A_28, %parallel_loop3A_1962 : vector<16xi32>
        %parallel_loop3A_1964 = arith.constant 4 : i32
        %parallel_loop3A_1965 = arith.constant 0 : i32
        %parallel_loop3A_1966 = tpu.memref_slice %arg9[%parallel_loop3A_1964, %parallel_loop3A_1965] : memref<5x8192xf32, #tpu.memory_space<vmem>> -> memref<1x8192xf32, #tpu.memory_space<vmem>>
        %parallel_loop3A_1967 = tpu.memref_squeeze %parallel_loop3A_1966 : memref<1x8192xf32, #tpu.memory_space<vmem>> -> memref<8192xf32, #tpu.memory_space<vmem>>
        tpu.vector_store_idx %parallel_loop3A_1967[%parallel_loop3A_1963], %parallel_loop3A_1961 : memref<8192xf32, #tpu.memory_space<vmem>>[vector<16xi32>], vector<16xf32>,
      } {sc.loop_unroll_factor = 8 : i64, sc.parallel_access}
      %add3A_1754 = arith.constant 5 : i32
      %add3A_1755 = arith.addi %add3A_1694, %add3A_1754 : i32
      %lt3A_1756 = arith.constant 200 : i32
      %lt3A_1757 = arith.cmpi slt, %add3A_1755, %lt3A_1756 : i32
      %convert_element_type3A_1758 = arith.extui %lt3A_1757 : i1 to i32
      %cond3A_1759 = arith.constant 0 : i32
      %cond3A_1760 = arith.cmpi ne, %convert_element_type3A_1758, %cond3A_1759 : i32
      scf.if %cond3A_1760 {
        %add3A_1907 = arith.constant 5 : i32
        %add3A_1908 = arith.addi %add3A_1694, %add3A_1907 : i32
        %mul3A_1909 = arith.constant 128 : i32
        %mul3A_1910 = arith.muli %add3A_1908, %mul3A_1909 : i32
        %dma_start3A_1911 = arith.constant 4 : i32
        %dma_start3A_1912 = arith.constant 4 : i32
        %dma_start3A_1913 = arith.constant 0 : i32
        %dma_start3A_1914 = arith.constant 0 : i32
        %dma_start3A_1915 = tpu.memref_slice %arg8[%dma_start3A_1911, %dma_start3A_1913, %dma_start3A_1914] : memref<5x128x64xf32, #tpu.memory_space<vmem>> -> memref<1x128x64xf32, #tpu.memory_space<vmem>>
        %dma_start3A_1916 = tpu.memref_squeeze %dma_start3A_1915 : memref<1x128x64xf32, #tpu.memory_space<vmem>> -> memref<128x64xf32, #tpu.memory_space<vmem>>
        %dma_start3A_1917 = tpu.memref_slice %arg6[%mul3A_1910] : memref<25600xi32, #tpu.memory_space<vmem>> -> memref<128xi32, #tpu.memory_space<vmem>>
        %dma_start3A_1918 = arith.constant 0 : i32
        %dma_start3A_1919 = arith.constant 0 : i32
        %dma_start3A_1920 = tpu.memref_slice %arg4[%dma_start3A_1918, %dma_start3A_1919] : memref<100000x64xf32, #tpu.memory_space<hbm>> -> memref<100000x64xf32, #tpu.memory_space<hbm>>
        %dma_start3A_1921 = tpu.memref_slice %arg10[%dma_start3A_1912] : memref<5x!tpu.dma_semaphore, #tpu.memory_space<semaphore_mem>> -> memref<1x!tpu.dma_semaphore, #tpu.memory_space<semaphore_mem>>
        %dma_start3A_1922 = tpu.memref_squeeze %dma_start3A_1921 : memref<1x!tpu.dma_semaphore, #tpu.memory_space<semaphore_mem>> -> memref<!tpu.dma_semaphore, #tpu.memory_space<semaphore_mem>>
        tpu.enqueue_indirect_dma source(%dma_start3A_1920 : memref<100000x64xf32, #tpu.memory_space<hbm>>) target(%dma_start3A_1916 : memref<128x64xf32, #tpu.memory_space<vmem>>) offsets(%dma_start3A_1917 : memref<128xi32, #tpu.memory_space<vmem>>) semaphore(%dma_start3A_1922 : memref<!tpu.dma_semaphore, #tpu.memory_space<semaphore_mem>>)
      } else {
      }
      %jit3A_1761 = arith.constant 32 : i32
      %div3A_1762 = arith.divsi %add3A_1695, %jit3A_1761 : i32
      %sign3A_1763 = arith.constant 0 : i32
      %sign3A_1764 = arith.cmpi sgt, %add3A_1695, %sign3A_1763 : i32
      %sign3A_1765 = arith.extui %sign3A_1764 : i1 to i32
      %sign3A_1766 = arith.constant 0 : i32
      %sign3A_1767 = arith.cmpi slt, %add3A_1695, %sign3A_1766 : i32
      %sign3A_1768 = arith.extui %sign3A_1767 : i1 to i32
      %sign3A_1769 = arith.subi %sign3A_1765, %sign3A_1768 : i32
      %sign3A_1770 = arith.constant 0 : i32
      %sign3A_1771 = arith.cmpi sgt, %jit3A_1761, %sign3A_1770 : i32
      %sign3A_1772 = arith.extui %sign3A_1771 : i1 to i32
      %sign3A_1773 = arith.constant 0 : i32
      %sign3A_1774 = arith.cmpi slt, %jit3A_1761, %sign3A_1773 : i32
      %sign3A_1775 = arith.extui %sign3A_1774 : i1 to i32
      %sign3A_1776 = arith.subi %sign3A_1772, %sign3A_1775 : i32
      %ne3A_1777 = arith.cmpi ne, %sign3A_1769, %sign3A_1776 : i32
      %rem3A_1778 = arith.remsi %add3A_1695, %jit3A_1761 : i32
      %ne3A_1779 = arith.constant 0 : i32
      %ne3A_1780 = arith.cmpi ne, %rem3A_1778, %ne3A_1779 : i32
      %and3A_1781 = arith.andi %ne3A_1777, %ne3A_1780 : i1
      %sub3A_1782 = arith.constant 1 : i32
      %sub3A_1783 = arith.subi %div3A_1762, %sub3A_1782 : i32
      %select_n3A_1784 = arith.select %and3A_1781, %sub3A_1783, %div3A_1762 : i32
      %rem3A_1785 = arith.constant 32 : i32
      %rem3A_1786 = arith.remsi %add3A_1695, %rem3A_1785 : i32
      %mul3A_1787 = arith.constant 8 : i32
      %mul3A_1788 = arith.muli %select_n3A_1784, %mul3A_1787 : i32
      %mul3A_1789 = arith.constant 32 : i32
      %mul3A_1790 = arith.muli %mul3A_1788, %mul3A_1789 : i32
      %add3A_1791 = arith.addi %mul3A_1790, %rem3A_1786 : i32
      %mul3A_1792 = arith.constant 1024 : i32
      %mul3A_1793 = arith.muli %add3A_1791, %mul3A_1792 : i32
      %add3A_1794 = arith.constant 0 : i32
      %add3A_1795 = arith.addi %mul3A_1793, %add3A_1794 : i32
      %add3A_1796 = arith.constant 32768 : i32
      %add3A_1797 = arith.addi %mul3A_1793, %add3A_1796 : i32
      %add3A_1798 = arith.constant 65536 : i32
      %add3A_1799 = arith.addi %mul3A_1793, %add3A_1798 : i32
      %add3A_1800 = arith.constant 98304 : i32
      %add3A_1801 = arith.addi %mul3A_1793, %add3A_1800 : i32
      %add3A_1802 = arith.constant 131072 : i32
      %add3A_1803 = arith.addi %mul3A_1793, %add3A_1802 : i32
      %add3A_1804 = arith.constant 163840 : i32
      %add3A_1805 = arith.addi %mul3A_1793, %add3A_1804 : i32
      %add3A_1806 = arith.constant 196608 : i32
      %add3A_1807 = arith.addi %mul3A_1793, %add3A_1806 : i32
      %add3A_1808 = arith.constant 229376 : i32
      %add3A_1809 = arith.addi %mul3A_1793, %add3A_1808 : i32
      %dma_start3A_1810 = arith.constant 4 : i32
      %dma_start3A_1811 = arith.constant 4 : i32
      %dma_start3A_1812 = arith.constant 0 : i32
      %dma_start3A_1813 = tpu.memref_slice %arg9[%dma_start3A_1810, %dma_start3A_1812] : memref<5x8192xf32, #tpu.memory_space<vmem>> -> memref<1x1024xf32, #tpu.memory_space<vmem>>
      %dma_start3A_1814 = tpu.memref_squeeze %dma_start3A_1813 : memref<1x1024xf32, #tpu.memory_space<vmem>> -> memref<1024xf32, #tpu.memory_space<vmem>>
      %dma_start3A_1815 = tpu.memref_slice %arg5[%add3A_1795] : memref<52428800xf32, #tpu.memory_space<hbm>> -> memref<1024xf32, #tpu.memory_space<hbm>>
      %dma_start3A_1816 = tpu.memref_slice %arg11[%dma_start3A_1811] : memref<5x!tpu.dma_semaphore, #tpu.memory_space<semaphore_mem>> -> memref<1x!tpu.dma_semaphore, #tpu.memory_space<semaphore_mem>>
      %dma_start3A_1817 = tpu.memref_squeeze %dma_start3A_1816 : memref<1x!tpu.dma_semaphore, #tpu.memory_space<semaphore_mem>> -> memref<!tpu.dma_semaphore, #tpu.memory_space<semaphore_mem>>
      %dma_start3A_1818 = tpu.memref_slice %arg5[%add3A_1795] : memref<52428800xf32, #tpu.memory_space<hbm>> -> memref<1024xf32, #tpu.memory_space<hbm>>
      %dma_start3A_1819 = arith.constant 0 : i32
      %dma_start3A_1820 = tpu.memref_slice %arg9[%dma_start3A_1810, %dma_start3A_1819] : memref<5x8192xf32, #tpu.memory_space<vmem>> -> memref<1x1024xf32, #tpu.memory_space<vmem>>
      %dma_start3A_1821 = tpu.memref_squeeze %dma_start3A_1820 : memref<1x1024xf32, #tpu.memory_space<vmem>> -> memref<1024xf32, #tpu.memory_space<vmem>>
      tpu.enqueue_dma source(%dma_start3A_1821 : memref<1024xf32, #tpu.memory_space<vmem>>) target(%dma_start3A_1818 : memref<1024xf32, #tpu.memory_space<hbm>>) target_semaphore(%dma_start3A_1817 : memref<!tpu.dma_semaphore, #tpu.memory_space<semaphore_mem>>)
      %dma_start3A_1822 = arith.constant 4 : i32
      %dma_start3A_1823 = arith.constant 4 : i32
      %dma_start3A_1824 = arith.constant 1024 : i32
      %dma_start3A_1825 = tpu.memref_slice %arg9[%dma_start3A_1822, %dma_start3A_1824] : memref<5x8192xf32, #tpu.memory_space<vmem>> -> memref<1x1024xf32, #tpu.memory_space<vmem>>
      %dma_start3A_1826 = tpu.memref_squeeze %dma_start3A_1825 : memref<1x1024xf32, #tpu.memory_space<vmem>> -> memref<1024xf32, #tpu.memory_space<vmem>>
      %dma_start3A_1827 = tpu.memref_slice %arg5[%add3A_1797] : memref<52428800xf32, #tpu.memory_space<hbm>> -> memref<1024xf32, #tpu.memory_space<hbm>>
      %dma_start3A_1828 = tpu.memref_slice %arg11[%dma_start3A_1823] : memref<5x!tpu.dma_semaphore, #tpu.memory_space<semaphore_mem>> -> memref<1x!tpu.dma_semaphore, #tpu.memory_space<semaphore_mem>>
      %dma_start3A_1829 = tpu.memref_squeeze %dma_start3A_1828 : memref<1x!tpu.dma_semaphore, #tpu.memory_space<semaphore_mem>> -> memref<!tpu.dma_semaphore, #tpu.memory_space<semaphore_mem>>
      %dma_start3A_1830 = tpu.memref_slice %arg5[%add3A_1797] : memref<52428800xf32, #tpu.memory_space<hbm>> -> memref<1024xf32, #tpu.memory_space<hbm>>
      %dma_start3A_1831 = arith.constant 1024 : i32
      %dma_start3A_1832 = tpu.memref_slice %arg9[%dma_start3A_1822, %dma_start3A_1831] : memref<5x8192xf32, #tpu.memory_space<vmem>> -> memref<1x1024xf32, #tpu.memory_space<vmem>>
      %dma_start3A_1833 = tpu.memref_squeeze %dma_start3A_1832 : memref<1x1024xf32, #tpu.memory_space<vmem>> -> memref<1024xf32, #tpu.memory_space<vmem>>
      tpu.enqueue_dma source(%dma_start3A_1833 : memref<1024xf32, #tpu.memory_space<vmem>>) target(%dma_start3A_1830 : memref<1024xf32, #tpu.memory_space<hbm>>) target_semaphore(%dma_start3A_1829 : memref<!tpu.dma_semaphore, #tpu.memory_space<semaphore_mem>>)
      %dma_start3A_1834 = arith.constant 4 : i32
      %dma_start3A_1835 = arith.constant 4 : i32
      %dma_start3A_1836 = arith.constant 2048 : i32
      %dma_start3A_1837 = tpu.memref_slice %arg9[%dma_start3A_1834, %dma_start3A_1836] : memref<5x8192xf32, #tpu.memory_space<vmem>> -> memref<1x1024xf32, #tpu.memory_space<vmem>>
      %dma_start3A_1838 = tpu.memref_squeeze %dma_start3A_1837 : memref<1x1024xf32, #tpu.memory_space<vmem>> -> memref<1024xf32, #tpu.memory_space<vmem>>
      %dma_start3A_1839 = tpu.memref_slice %arg5[%add3A_1799] : memref<52428800xf32, #tpu.memory_space<hbm>> -> memref<1024xf32, #tpu.memory_space<hbm>>
      %dma_start3A_1840 = tpu.memref_slice %arg11[%dma_start3A_1835] : memref<5x!tpu.dma_semaphore, #tpu.memory_space<semaphore_mem>> -> memref<1x!tpu.dma_semaphore, #tpu.memory_space<semaphore_mem>>
      %dma_start3A_1841 = tpu.memref_squeeze %dma_start3A_1840 : memref<1x!tpu.dma_semaphore, #tpu.memory_space<semaphore_mem>> -> memref<!tpu.dma_semaphore, #tpu.memory_space<semaphore_mem>>
      %dma_start3A_1842 = tpu.memref_slice %arg5[%add3A_1799] : memref<52428800xf32, #tpu.memory_space<hbm>> -> memref<1024xf32, #tpu.memory_space<hbm>>
      %dma_start3A_1843 = arith.constant 2048 : i32
      %dma_start3A_1844 = tpu.memref_slice %arg9[%dma_start3A_1834, %dma_start3A_1843] : memref<5x8192xf32, #tpu.memory_space<vmem>> -> memref<1x1024xf32, #tpu.memory_space<vmem>>
      %dma_start3A_1845 = tpu.memref_squeeze %dma_start3A_1844 : memref<1x1024xf32, #tpu.memory_space<vmem>> -> memref<1024xf32, #tpu.memory_space<vmem>>
      tpu.enqueue_dma source(%dma_start3A_1845 : memref<1024xf32, #tpu.memory_space<vmem>>) target(%dma_start3A_1842 : memref<1024xf32, #tpu.memory_space<hbm>>) target_semaphore(%dma_start3A_1841 : memref<!tpu.dma_semaphore, #tpu.memory_space<semaphore_mem>>)
      %dma_start3A_1846 = arith.constant 4 : i32
      %dma_start3A_1847 = arith.constant 4 : i32
      %dma_start3A_1848 = arith.constant 3072 : i32
      %dma_start3A_1849 = tpu.memref_slice %arg9[%dma_start3A_1846, %dma_start3A_1848] : memref<5x8192xf32, #tpu.memory_space<vmem>> -> memref<1x1024xf32, #tpu.memory_space<vmem>>
      %dma_start3A_1850 = tpu.memref_squeeze %dma_start3A_1849 : memref<1x1024xf32, #tpu.memory_space<vmem>> -> memref<1024xf32, #tpu.memory_space<vmem>>
      %dma_start3A_1851 = tpu.memref_slice %arg5[%add3A_1801] : memref<52428800xf32, #tpu.memory_space<hbm>> -> memref<1024xf32, #tpu.memory_space<hbm>>
      %dma_start3A_1852 = tpu.memref_slice %arg11[%dma_start3A_1847] : memref<5x!tpu.dma_semaphore, #tpu.memory_space<semaphore_mem>> -> memref<1x!tpu.dma_semaphore, #tpu.memory_space<semaphore_mem>>
      %dma_start3A_1853 = tpu.memref_squeeze %dma_start3A_1852 : memref<1x!tpu.dma_semaphore, #tpu.memory_space<semaphore_mem>> -> memref<!tpu.dma_semaphore, #tpu.memory_space<semaphore_mem>>
      %dma_start3A_1854 = tpu.memref_slice %arg5[%add3A_1801] : memref<52428800xf32, #tpu.memory_space<hbm>> -> memref<1024xf32, #tpu.memory_space<hbm>>
      %dma_start3A_1855 = arith.constant 3072 : i32
      %dma_start3A_1856 = tpu.memref_slice %arg9[%dma_start3A_1846, %dma_start3A_1855] : memref<5x8192xf32, #tpu.memory_space<vmem>> -> memref<1x1024xf32, #tpu.memory_space<vmem>>
      %dma_start3A_1857 = tpu.memref_squeeze %dma_start3A_1856 : memref<1x1024xf32, #tpu.memory_space<vmem>> -> memref<1024xf32, #tpu.memory_space<vmem>>
      tpu.enqueue_dma source(%dma_start3A_1857 : memref<1024xf32, #tpu.memory_space<vmem>>) target(%dma_start3A_1854 : memref<1024xf32, #tpu.memory_space<hbm>>) target_semaphore(%dma_start3A_1853 : memref<!tpu.dma_semaphore, #tpu.memory_space<semaphore_mem>>)
      %dma_start3A_1858 = arith.constant 4 : i32
      %dma_start3A_1859 = arith.constant 4 : i32
      %dma_start3A_1860 = arith.constant 4096 : i32
      %dma_start3A_1861 = tpu.memref_slice %arg9[%dma_start3A_1858, %dma_start3A_1860] : memref<5x8192xf32, #tpu.memory_space<vmem>> -> memref<1x1024xf32, #tpu.memory_space<vmem>>
      %dma_start3A_1862 = tpu.memref_squeeze %dma_start3A_1861 : memref<1x1024xf32, #tpu.memory_space<vmem>> -> memref<1024xf32, #tpu.memory_space<vmem>>
      %dma_start3A_1863 = tpu.memref_slice %arg5[%add3A_1803] : memref<52428800xf32, #tpu.memory_space<hbm>> -> memref<1024xf32, #tpu.memory_space<hbm>>
      %dma_start3A_1864 = tpu.memref_slice %arg11[%dma_start3A_1859] : memref<5x!tpu.dma_semaphore, #tpu.memory_space<semaphore_mem>> -> memref<1x!tpu.dma_semaphore, #tpu.memory_space<semaphore_mem>>
      %dma_start3A_1865 = tpu.memref_squeeze %dma_start3A_1864 : memref<1x!tpu.dma_semaphore, #tpu.memory_space<semaphore_mem>> -> memref<!tpu.dma_semaphore, #tpu.memory_space<semaphore_mem>>
      %dma_start3A_1866 = tpu.memref_slice %arg5[%add3A_1803] : memref<52428800xf32, #tpu.memory_space<hbm>> -> memref<1024xf32, #tpu.memory_space<hbm>>
      %dma_start3A_1867 = arith.constant 4096 : i32
      %dma_start3A_1868 = tpu.memref_slice %arg9[%dma_start3A_1858, %dma_start3A_1867] : memref<5x8192xf32, #tpu.memory_space<vmem>> -> memref<1x1024xf32, #tpu.memory_space<vmem>>
      %dma_start3A_1869 = tpu.memref_squeeze %dma_start3A_1868 : memref<1x1024xf32, #tpu.memory_space<vmem>> -> memref<1024xf32, #tpu.memory_space<vmem>>
      tpu.enqueue_dma source(%dma_start3A_1869 : memref<1024xf32, #tpu.memory_space<vmem>>) target(%dma_start3A_1866 : memref<1024xf32, #tpu.memory_space<hbm>>) target_semaphore(%dma_start3A_1865 : memref<!tpu.dma_semaphore, #tpu.memory_space<semaphore_mem>>)
      %dma_start3A_1870 = arith.constant 4 : i32
      %dma_start3A_1871 = arith.constant 4 : i32
      %dma_start3A_1872 = arith.constant 5120 : i32
      %dma_start3A_1873 = tpu.memref_slice %arg9[%dma_start3A_1870, %dma_start3A_1872] : memref<5x8192xf32, #tpu.memory_space<vmem>> -> memref<1x1024xf32, #tpu.memory_space<vmem>>
      %dma_start3A_1874 = tpu.memref_squeeze %dma_start3A_1873 : memref<1x1024xf32, #tpu.memory_space<vmem>> -> memref<1024xf32, #tpu.memory_space<vmem>>
      %dma_start3A_1875 = tpu.memref_slice %arg5[%add3A_1805] : memref<52428800xf32, #tpu.memory_space<hbm>> -> memref<1024xf32, #tpu.memory_space<hbm>>
      %dma_start3A_1876 = tpu.memref_slice %arg11[%dma_start3A_1871] : memref<5x!tpu.dma_semaphore, #tpu.memory_space<semaphore_mem>> -> memref<1x!tpu.dma_semaphore, #tpu.memory_space<semaphore_mem>>
      %dma_start3A_1877 = tpu.memref_squeeze %dma_start3A_1876 : memref<1x!tpu.dma_semaphore, #tpu.memory_space<semaphore_mem>> -> memref<!tpu.dma_semaphore, #tpu.memory_space<semaphore_mem>>
      %dma_start3A_1878 = tpu.memref_slice %arg5[%add3A_1805] : memref<52428800xf32, #tpu.memory_space<hbm>> -> memref<1024xf32, #tpu.memory_space<hbm>>
      %dma_start3A_1879 = arith.constant 5120 : i32
      %dma_start3A_1880 = tpu.memref_slice %arg9[%dma_start3A_1870, %dma_start3A_1879] : memref<5x8192xf32, #tpu.memory_space<vmem>> -> memref<1x1024xf32, #tpu.memory_space<vmem>>
      %dma_start3A_1881 = tpu.memref_squeeze %dma_start3A_1880 : memref<1x1024xf32, #tpu.memory_space<vmem>> -> memref<1024xf32, #tpu.memory_space<vmem>>
      tpu.enqueue_dma source(%dma_start3A_1881 : memref<1024xf32, #tpu.memory_space<vmem>>) target(%dma_start3A_1878 : memref<1024xf32, #tpu.memory_space<hbm>>) target_semaphore(%dma_start3A_1877 : memref<!tpu.dma_semaphore, #tpu.memory_space<semaphore_mem>>)
      %dma_start3A_1882 = arith.constant 4 : i32
      %dma_start3A_1883 = arith.constant 4 : i32
      %dma_start3A_1884 = arith.constant 6144 : i32
      %dma_start3A_1885 = tpu.memref_slice %arg9[%dma_start3A_1882, %dma_start3A_1884] : memref<5x8192xf32, #tpu.memory_space<vmem>> -> memref<1x1024xf32, #tpu.memory_space<vmem>>
      %dma_start3A_1886 = tpu.memref_squeeze %dma_start3A_1885 : memref<1x1024xf32, #tpu.memory_space<vmem>> -> memref<1024xf32, #tpu.memory_space<vmem>>
      %dma_start3A_1887 = tpu.memref_slice %arg5[%add3A_1807] : memref<52428800xf32, #tpu.memory_space<hbm>> -> memref<1024xf32, #tpu.memory_space<hbm>>
      %dma_start3A_1888 = tpu.memref_slice %arg11[%dma_start3A_1883] : memref<5x!tpu.dma_semaphore, #tpu.memory_space<semaphore_mem>> -> memref<1x!tpu.dma_semaphore, #tpu.memory_space<semaphore_mem>>
      %dma_start3A_1889 = tpu.memref_squeeze %dma_start3A_1888 : memref<1x!tpu.dma_semaphore, #tpu.memory_space<semaphore_mem>> -> memref<!tpu.dma_semaphore, #tpu.memory_space<semaphore_mem>>
      %dma_start3A_1890 = tpu.memref_slice %arg5[%add3A_1807] : memref<52428800xf32, #tpu.memory_space<hbm>> -> memref<1024xf32, #tpu.memory_space<hbm>>
      %dma_start3A_1891 = arith.constant 6144 : i32
      %dma_start3A_1892 = tpu.memref_slice %arg9[%dma_start3A_1882, %dma_start3A_1891] : memref<5x8192xf32, #tpu.memory_space<vmem>> -> memref<1x1024xf32, #tpu.memory_space<vmem>>
      %dma_start3A_1893 = tpu.memref_squeeze %dma_start3A_1892 : memref<1x1024xf32, #tpu.memory_space<vmem>> -> memref<1024xf32, #tpu.memory_space<vmem>>
      tpu.enqueue_dma source(%dma_start3A_1893 : memref<1024xf32, #tpu.memory_space<vmem>>) target(%dma_start3A_1890 : memref<1024xf32, #tpu.memory_space<hbm>>) target_semaphore(%dma_start3A_1889 : memref<!tpu.dma_semaphore, #tpu.memory_space<semaphore_mem>>)
      %dma_start3A_1894 = arith.constant 4 : i32
      %dma_start3A_1895 = arith.constant 4 : i32
      %dma_start3A_1896 = arith.constant 7168 : i32
      %dma_start3A_1897 = tpu.memref_slice %arg9[%dma_start3A_1894, %dma_start3A_1896] : memref<5x8192xf32, #tpu.memory_space<vmem>> -> memref<1x1024xf32, #tpu.memory_space<vmem>>
      %dma_start3A_1898 = tpu.memref_squeeze %dma_start3A_1897 : memref<1x1024xf32, #tpu.memory_space<vmem>> -> memref<1024xf32, #tpu.memory_space<vmem>>
      %dma_start3A_1899 = tpu.memref_slice %arg5[%add3A_1809] : memref<52428800xf32, #tpu.memory_space<hbm>> -> memref<1024xf32, #tpu.memory_space<hbm>>
      %dma_start3A_1900 = tpu.memref_slice %arg11[%dma_start3A_1895] : memref<5x!tpu.dma_semaphore, #tpu.memory_space<semaphore_mem>> -> memref<1x!tpu.dma_semaphore, #tpu.memory_space<semaphore_mem>>
      %dma_start3A_1901 = tpu.memref_squeeze %dma_start3A_1900 : memref<1x!tpu.dma_semaphore, #tpu.memory_space<semaphore_mem>> -> memref<!tpu.dma_semaphore, #tpu.memory_space<semaphore_mem>>
      %dma_start3A_1902 = tpu.memref_slice %arg5[%add3A_1809] : memref<52428800xf32, #tpu.memory_space<hbm>> -> memref<1024xf32, #tpu.memory_space<hbm>>
      %dma_start3A_1903 = arith.constant 7168 : i32
      %dma_start3A_1904 = tpu.memref_slice %arg9[%dma_start3A_1894, %dma_start3A_1903] : memref<5x8192xf32, #tpu.memory_space<vmem>> -> memref<1x1024xf32, #tpu.memory_space<vmem>>
      %dma_start3A_1905 = tpu.memref_squeeze %dma_start3A_1904 : memref<1x1024xf32, #tpu.memory_space<vmem>> -> memref<1024xf32, #tpu.memory_space<vmem>>
      tpu.enqueue_dma source(%dma_start3A_1905 : memref<1024xf32, #tpu.memory_space<vmem>>) target(%dma_start3A_1902 : memref<1024xf32, #tpu.memory_space<hbm>>) target_semaphore(%dma_start3A_1901 : memref<!tpu.dma_semaphore, #tpu.memory_space<semaphore_mem>>)
      %scan3A_1906 = arith.constant 0 : i32
      scf.yield %scan3A_1906 : i32
    }
    %scan3A_98 = arith.constant 40 : i32
    %add3A_99 = arith.constant 195 : i32
    %add3A_100 = arith.addi %mul3A_2, %add3A_99 : i32
    %add3A_101 = arith.constant 0 : i32
    %add3A_102 = arith.addi %add3A_100, %add3A_101 : i32
    %jit3A = arith.constant 32 : i32
    %div3A = arith.divsi %add3A_102, %jit3A : i32
    %sign3A = arith.constant 0 : i32
    %sign3A_103 = arith.cmpi sgt, %add3A_102, %sign3A : i32
    %sign3A_104 = arith.extui %sign3A_103 : i1 to i32
    %sign3A_105 = arith.constant 0 : i32
    %sign3A_106 = arith.cmpi slt, %add3A_102, %sign3A_105 : i32
    %sign3A_107 = arith.extui %sign3A_106 : i1 to i32
    %sign3A_108 = arith.subi %sign3A_104, %sign3A_107 : i32
    %sign3A_109 = arith.constant 0 : i32
    %sign3A_110 = arith.cmpi sgt, %jit3A, %sign3A_109 : i32
    %sign3A_111 = arith.extui %sign3A_110 : i1 to i32
    %sign3A_112 = arith.constant 0 : i32
    %sign3A_113 = arith.cmpi slt, %jit3A, %sign3A_112 : i32
    %sign3A_114 = arith.extui %sign3A_113 : i1 to i32
    %sign3A_115 = arith.subi %sign3A_111, %sign3A_114 : i32
    %ne3A = arith.cmpi ne, %sign3A_108, %sign3A_115 : i32
    %rem3A = arith.remsi %add3A_102, %jit3A : i32
    %ne3A_116 = arith.constant 0 : i32
    %ne3A_117 = arith.cmpi ne, %rem3A, %ne3A_116 : i32
    %and3A = arith.andi %ne3A, %ne3A_117 : i1
    %sub3A = arith.constant 1 : i32
    %sub3A_118 = arith.subi %div3A, %sub3A : i32
    %select_n3A = arith.select %and3A, %sub3A_118, %div3A : i32
    %rem3A_119 = arith.constant 32 : i32
    %rem3A_120 = arith.remsi %add3A_102, %rem3A_119 : i32
    %mul3A_121 = arith.constant 8 : i32
    %mul3A_122 = arith.muli %select_n3A, %mul3A_121 : i32
    %mul3A_123 = arith.constant 32 : i32
    %mul3A_124 = arith.muli %mul3A_122, %mul3A_123 : i32
    %add3A_125 = arith.addi %mul3A_124, %rem3A_120 : i32
    %mul3A_126 = arith.constant 1024 : i32
    %mul3A_127 = arith.muli %add3A_125, %mul3A_126 : i32
    %add3A_128 = arith.constant 0 : i32
    %add3A_129 = arith.addi %mul3A_127, %add3A_128 : i32
    %add3A_130 = arith.constant 32768 : i32
    %add3A_131 = arith.addi %mul3A_127, %add3A_130 : i32
    %add3A_132 = arith.constant 65536 : i32
    %add3A_133 = arith.addi %mul3A_127, %add3A_132 : i32
    %add3A_134 = arith.constant 98304 : i32
    %add3A_135 = arith.addi %mul3A_127, %add3A_134 : i32
    %add3A_136 = arith.constant 131072 : i32
    %add3A_137 = arith.addi %mul3A_127, %add3A_136 : i32
    %add3A_138 = arith.constant 163840 : i32
    %add3A_139 = arith.addi %mul3A_127, %add3A_138 : i32
    %add3A_140 = arith.constant 196608 : i32
    %add3A_141 = arith.addi %mul3A_127, %add3A_140 : i32
    %add3A_142 = arith.constant 229376 : i32
    %add3A_143 = arith.addi %mul3A_127, %add3A_142 : i32
    %dma_wait3A = arith.constant 0 : i32
    %dma_wait3A_144 = arith.constant 0 : i32
    %dma_wait3A_145 = arith.constant 0 : i32
    %dma_wait3A_146 = tpu.memref_slice %arg9[%dma_wait3A, %dma_wait3A_145] : memref<5x8192xf32, #tpu.memory_space<vmem>> -> memref<1x1024xf32, #tpu.memory_space<vmem>>
    %dma_wait3A_147 = tpu.memref_squeeze %dma_wait3A_146 : memref<1x1024xf32, #tpu.memory_space<vmem>> -> memref<1024xf32, #tpu.memory_space<vmem>>
    %dma_wait3A_148 = tpu.memref_slice %arg5[%add3A_129] : memref<52428800xf32, #tpu.memory_space<hbm>> -> memref<1024xf32, #tpu.memory_space<hbm>>
    %dma_wait3A_149 = tpu.memref_slice %arg11[%dma_wait3A_144] : memref<5x!tpu.dma_semaphore, #tpu.memory_space<semaphore_mem>> -> memref<1x!tpu.dma_semaphore, #tpu.memory_space<semaphore_mem>>
    %dma_wait3A_150 = tpu.memref_squeeze %dma_wait3A_149 : memref<1x!tpu.dma_semaphore, #tpu.memory_space<semaphore_mem>> -> memref<!tpu.dma_semaphore, #tpu.memory_space<semaphore_mem>>
    %dma_wait3A_151 = tpu.memref_slice %arg5[%add3A_129] : memref<52428800xf32, #tpu.memory_space<hbm>> -> memref<1024xf32, #tpu.memory_space<hbm>>
    %dma_wait3A_152 = arith.constant 0 : i32
    %dma_wait3A_153 = tpu.memref_slice %arg9[%dma_wait3A, %dma_wait3A_152] : memref<5x8192xf32, #tpu.memory_space<vmem>> -> memref<1x1024xf32, #tpu.memory_space<vmem>>
    %dma_wait3A_154 = tpu.memref_squeeze %dma_wait3A_153 : memref<1x1024xf32, #tpu.memory_space<vmem>> -> memref<1024xf32, #tpu.memory_space<vmem>>
    tpu.wait_dma2 semaphore(%dma_wait3A_150 : memref<!tpu.dma_semaphore, #tpu.memory_space<semaphore_mem>>) src(%dma_wait3A_154 : memref<1024xf32, #tpu.memory_space<vmem>>) dst(%dma_wait3A_151 : memref<1024xf32, #tpu.memory_space<hbm>>)
    %dma_wait3A_155 = arith.constant 0 : i32
    %dma_wait3A_156 = arith.constant 0 : i32
    %dma_wait3A_157 = arith.constant 1024 : i32
    %dma_wait3A_158 = tpu.memref_slice %arg9[%dma_wait3A_155, %dma_wait3A_157] : memref<5x8192xf32, #tpu.memory_space<vmem>> -> memref<1x1024xf32, #tpu.memory_space<vmem>>
    %dma_wait3A_159 = tpu.memref_squeeze %dma_wait3A_158 : memref<1x1024xf32, #tpu.memory_space<vmem>> -> memref<1024xf32, #tpu.memory_space<vmem>>
    %dma_wait3A_160 = tpu.memref_slice %arg5[%add3A_131] : memref<52428800xf32, #tpu.memory_space<hbm>> -> memref<1024xf32, #tpu.memory_space<hbm>>
    %dma_wait3A_161 = tpu.memref_slice %arg11[%dma_wait3A_156] : memref<5x!tpu.dma_semaphore, #tpu.memory_space<semaphore_mem>> -> memref<1x!tpu.dma_semaphore, #tpu.memory_space<semaphore_mem>>
    %dma_wait3A_162 = tpu.memref_squeeze %dma_wait3A_161 : memref<1x!tpu.dma_semaphore, #tpu.memory_space<semaphore_mem>> -> memref<!tpu.dma_semaphore, #tpu.memory_space<semaphore_mem>>
    %dma_wait3A_163 = tpu.memref_slice %arg5[%add3A_131] : memref<52428800xf32, #tpu.memory_space<hbm>> -> memref<1024xf32, #tpu.memory_space<hbm>>
    %dma_wait3A_164 = arith.constant 1024 : i32
    %dma_wait3A_165 = tpu.memref_slice %arg9[%dma_wait3A_155, %dma_wait3A_164] : memref<5x8192xf32, #tpu.memory_space<vmem>> -> memref<1x1024xf32, #tpu.memory_space<vmem>>
    %dma_wait3A_166 = tpu.memref_squeeze %dma_wait3A_165 : memref<1x1024xf32, #tpu.memory_space<vmem>> -> memref<1024xf32, #tpu.memory_space<vmem>>
    tpu.wait_dma2 semaphore(%dma_wait3A_162 : memref<!tpu.dma_semaphore, #tpu.memory_space<semaphore_mem>>) src(%dma_wait3A_166 : memref<1024xf32, #tpu.memory_space<vmem>>) dst(%dma_wait3A_163 : memref<1024xf32, #tpu.memory_space<hbm>>)
    %dma_wait3A_167 = arith.constant 0 : i32
    %dma_wait3A_168 = arith.constant 0 : i32
    %dma_wait3A_169 = arith.constant 2048 : i32
    %dma_wait3A_170 = tpu.memref_slice %arg9[%dma_wait3A_167, %dma_wait3A_169] : memref<5x8192xf32, #tpu.memory_space<vmem>> -> memref<1x1024xf32, #tpu.memory_space<vmem>>
    %dma_wait3A_171 = tpu.memref_squeeze %dma_wait3A_170 : memref<1x1024xf32, #tpu.memory_space<vmem>> -> memref<1024xf32, #tpu.memory_space<vmem>>
    %dma_wait3A_172 = tpu.memref_slice %arg5[%add3A_133] : memref<52428800xf32, #tpu.memory_space<hbm>> -> memref<1024xf32, #tpu.memory_space<hbm>>
    %dma_wait3A_173 = tpu.memref_slice %arg11[%dma_wait3A_168] : memref<5x!tpu.dma_semaphore, #tpu.memory_space<semaphore_mem>> -> memref<1x!tpu.dma_semaphore, #tpu.memory_space<semaphore_mem>>
    %dma_wait3A_174 = tpu.memref_squeeze %dma_wait3A_173 : memref<1x!tpu.dma_semaphore, #tpu.memory_space<semaphore_mem>> -> memref<!tpu.dma_semaphore, #tpu.memory_space<semaphore_mem>>
    %dma_wait3A_175 = tpu.memref_slice %arg5[%add3A_133] : memref<52428800xf32, #tpu.memory_space<hbm>> -> memref<1024xf32, #tpu.memory_space<hbm>>
    %dma_wait3A_176 = arith.constant 2048 : i32
    %dma_wait3A_177 = tpu.memref_slice %arg9[%dma_wait3A_167, %dma_wait3A_176] : memref<5x8192xf32, #tpu.memory_space<vmem>> -> memref<1x1024xf32, #tpu.memory_space<vmem>>
    %dma_wait3A_178 = tpu.memref_squeeze %dma_wait3A_177 : memref<1x1024xf32, #tpu.memory_space<vmem>> -> memref<1024xf32, #tpu.memory_space<vmem>>
    tpu.wait_dma2 semaphore(%dma_wait3A_174 : memref<!tpu.dma_semaphore, #tpu.memory_space<semaphore_mem>>) src(%dma_wait3A_178 : memref<1024xf32, #tpu.memory_space<vmem>>) dst(%dma_wait3A_175 : memref<1024xf32, #tpu.memory_space<hbm>>)
    %dma_wait3A_179 = arith.constant 0 : i32
    %dma_wait3A_180 = arith.constant 0 : i32
    %dma_wait3A_181 = arith.constant 3072 : i32
    %dma_wait3A_182 = tpu.memref_slice %arg9[%dma_wait3A_179, %dma_wait3A_181] : memref<5x8192xf32, #tpu.memory_space<vmem>> -> memref<1x1024xf32, #tpu.memory_space<vmem>>
    %dma_wait3A_183 = tpu.memref_squeeze %dma_wait3A_182 : memref<1x1024xf32, #tpu.memory_space<vmem>> -> memref<1024xf32, #tpu.memory_space<vmem>>
    %dma_wait3A_184 = tpu.memref_slice %arg5[%add3A_135] : memref<52428800xf32, #tpu.memory_space<hbm>> -> memref<1024xf32, #tpu.memory_space<hbm>>
    %dma_wait3A_185 = tpu.memref_slice %arg11[%dma_wait3A_180] : memref<5x!tpu.dma_semaphore, #tpu.memory_space<semaphore_mem>> -> memref<1x!tpu.dma_semaphore, #tpu.memory_space<semaphore_mem>>
    %dma_wait3A_186 = tpu.memref_squeeze %dma_wait3A_185 : memref<1x!tpu.dma_semaphore, #tpu.memory_space<semaphore_mem>> -> memref<!tpu.dma_semaphore, #tpu.memory_space<semaphore_mem>>
    %dma_wait3A_187 = tpu.memref_slice %arg5[%add3A_135] : memref<52428800xf32, #tpu.memory_space<hbm>> -> memref<1024xf32, #tpu.memory_space<hbm>>
    %dma_wait3A_188 = arith.constant 3072 : i32
    %dma_wait3A_189 = tpu.memref_slice %arg9[%dma_wait3A_179, %dma_wait3A_188] : memref<5x8192xf32, #tpu.memory_space<vmem>> -> memref<1x1024xf32, #tpu.memory_space<vmem>>
    %dma_wait3A_190 = tpu.memref_squeeze %dma_wait3A_189 : memref<1x1024xf32, #tpu.memory_space<vmem>> -> memref<1024xf32, #tpu.memory_space<vmem>>
    tpu.wait_dma2 semaphore(%dma_wait3A_186 : memref<!tpu.dma_semaphore, #tpu.memory_space<semaphore_mem>>) src(%dma_wait3A_190 : memref<1024xf32, #tpu.memory_space<vmem>>) dst(%dma_wait3A_187 : memref<1024xf32, #tpu.memory_space<hbm>>)
    %dma_wait3A_191 = arith.constant 0 : i32
    %dma_wait3A_192 = arith.constant 0 : i32
    %dma_wait3A_193 = arith.constant 4096 : i32
    %dma_wait3A_194 = tpu.memref_slice %arg9[%dma_wait3A_191, %dma_wait3A_193] : memref<5x8192xf32, #tpu.memory_space<vmem>> -> memref<1x1024xf32, #tpu.memory_space<vmem>>
    %dma_wait3A_195 = tpu.memref_squeeze %dma_wait3A_194 : memref<1x1024xf32, #tpu.memory_space<vmem>> -> memref<1024xf32, #tpu.memory_space<vmem>>
    %dma_wait3A_196 = tpu.memref_slice %arg5[%add3A_137] : memref<52428800xf32, #tpu.memory_space<hbm>> -> memref<1024xf32, #tpu.memory_space<hbm>>
    %dma_wait3A_197 = tpu.memref_slice %arg11[%dma_wait3A_192] : memref<5x!tpu.dma_semaphore, #tpu.memory_space<semaphore_mem>> -> memref<1x!tpu.dma_semaphore, #tpu.memory_space<semaphore_mem>>
    %dma_wait3A_198 = tpu.memref_squeeze %dma_wait3A_197 : memref<1x!tpu.dma_semaphore, #tpu.memory_space<semaphore_mem>> -> memref<!tpu.dma_semaphore, #tpu.memory_space<semaphore_mem>>
    %dma_wait3A_199 = tpu.memref_slice %arg5[%add3A_137] : memref<52428800xf32, #tpu.memory_space<hbm>> -> memref<1024xf32, #tpu.memory_space<hbm>>
    %dma_wait3A_200 = arith.constant 4096 : i32
    %dma_wait3A_201 = tpu.memref_slice %arg9[%dma_wait3A_191, %dma_wait3A_200] : memref<5x8192xf32, #tpu.memory_space<vmem>> -> memref<1x1024xf32, #tpu.memory_space<vmem>>
    %dma_wait3A_202 = tpu.memref_squeeze %dma_wait3A_201 : memref<1x1024xf32, #tpu.memory_space<vmem>> -> memref<1024xf32, #tpu.memory_space<vmem>>
    tpu.wait_dma2 semaphore(%dma_wait3A_198 : memref<!tpu.dma_semaphore, #tpu.memory_space<semaphore_mem>>) src(%dma_wait3A_202 : memref<1024xf32, #tpu.memory_space<vmem>>) dst(%dma_wait3A_199 : memref<1024xf32, #tpu.memory_space<hbm>>)
    %dma_wait3A_203 = arith.constant 0 : i32
    %dma_wait3A_204 = arith.constant 0 : i32
    %dma_wait3A_205 = arith.constant 5120 : i32
    %dma_wait3A_206 = tpu.memref_slice %arg9[%dma_wait3A_203, %dma_wait3A_205] : memref<5x8192xf32, #tpu.memory_space<vmem>> -> memref<1x1024xf32, #tpu.memory_space<vmem>>
    %dma_wait3A_207 = tpu.memref_squeeze %dma_wait3A_206 : memref<1x1024xf32, #tpu.memory_space<vmem>> -> memref<1024xf32, #tpu.memory_space<vmem>>
    %dma_wait3A_208 = tpu.memref_slice %arg5[%add3A_139] : memref<52428800xf32, #tpu.memory_space<hbm>> -> memref<1024xf32, #tpu.memory_space<hbm>>
    %dma_wait3A_209 = tpu.memref_slice %arg11[%dma_wait3A_204] : memref<5x!tpu.dma_semaphore, #tpu.memory_space<semaphore_mem>> -> memref<1x!tpu.dma_semaphore, #tpu.memory_space<semaphore_mem>>
    %dma_wait3A_210 = tpu.memref_squeeze %dma_wait3A_209 : memref<1x!tpu.dma_semaphore, #tpu.memory_space<semaphore_mem>> -> memref<!tpu.dma_semaphore, #tpu.memory_space<semaphore_mem>>
    %dma_wait3A_211 = tpu.memref_slice %arg5[%add3A_139] : memref<52428800xf32, #tpu.memory_space<hbm>> -> memref<1024xf32, #tpu.memory_space<hbm>>
    %dma_wait3A_212 = arith.constant 5120 : i32
    %dma_wait3A_213 = tpu.memref_slice %arg9[%dma_wait3A_203, %dma_wait3A_212] : memref<5x8192xf32, #tpu.memory_space<vmem>> -> memref<1x1024xf32, #tpu.memory_space<vmem>>
    %dma_wait3A_214 = tpu.memref_squeeze %dma_wait3A_213 : memref<1x1024xf32, #tpu.memory_space<vmem>> -> memref<1024xf32, #tpu.memory_space<vmem>>
    tpu.wait_dma2 semaphore(%dma_wait3A_210 : memref<!tpu.dma_semaphore, #tpu.memory_space<semaphore_mem>>) src(%dma_wait3A_214 : memref<1024xf32, #tpu.memory_space<vmem>>) dst(%dma_wait3A_211 : memref<1024xf32, #tpu.memory_space<hbm>>)
    %dma_wait3A_215 = arith.constant 0 : i32
    %dma_wait3A_216 = arith.constant 0 : i32
    %dma_wait3A_217 = arith.constant 6144 : i32
    %dma_wait3A_218 = tpu.memref_slice %arg9[%dma_wait3A_215, %dma_wait3A_217] : memref<5x8192xf32, #tpu.memory_space<vmem>> -> memref<1x1024xf32, #tpu.memory_space<vmem>>
    %dma_wait3A_219 = tpu.memref_squeeze %dma_wait3A_218 : memref<1x1024xf32, #tpu.memory_space<vmem>> -> memref<1024xf32, #tpu.memory_space<vmem>>
    %dma_wait3A_220 = tpu.memref_slice %arg5[%add3A_141] : memref<52428800xf32, #tpu.memory_space<hbm>> -> memref<1024xf32, #tpu.memory_space<hbm>>
    %dma_wait3A_221 = tpu.memref_slice %arg11[%dma_wait3A_216] : memref<5x!tpu.dma_semaphore, #tpu.memory_space<semaphore_mem>> -> memref<1x!tpu.dma_semaphore, #tpu.memory_space<semaphore_mem>>
    %dma_wait3A_222 = tpu.memref_squeeze %dma_wait3A_221 : memref<1x!tpu.dma_semaphore, #tpu.memory_space<semaphore_mem>> -> memref<!tpu.dma_semaphore, #tpu.memory_space<semaphore_mem>>
    %dma_wait3A_223 = tpu.memref_slice %arg5[%add3A_141] : memref<52428800xf32, #tpu.memory_space<hbm>> -> memref<1024xf32, #tpu.memory_space<hbm>>
    %dma_wait3A_224 = arith.constant 6144 : i32
    %dma_wait3A_225 = tpu.memref_slice %arg9[%dma_wait3A_215, %dma_wait3A_224] : memref<5x8192xf32, #tpu.memory_space<vmem>> -> memref<1x1024xf32, #tpu.memory_space<vmem>>
    %dma_wait3A_226 = tpu.memref_squeeze %dma_wait3A_225 : memref<1x1024xf32, #tpu.memory_space<vmem>> -> memref<1024xf32, #tpu.memory_space<vmem>>
    tpu.wait_dma2 semaphore(%dma_wait3A_222 : memref<!tpu.dma_semaphore, #tpu.memory_space<semaphore_mem>>) src(%dma_wait3A_226 : memref<1024xf32, #tpu.memory_space<vmem>>) dst(%dma_wait3A_223 : memref<1024xf32, #tpu.memory_space<hbm>>)
    %dma_wait3A_227 = arith.constant 0 : i32
    %dma_wait3A_228 = arith.constant 0 : i32
    %dma_wait3A_229 = arith.constant 7168 : i32
    %dma_wait3A_230 = tpu.memref_slice %arg9[%dma_wait3A_227, %dma_wait3A_229] : memref<5x8192xf32, #tpu.memory_space<vmem>> -> memref<1x1024xf32, #tpu.memory_space<vmem>>
    %dma_wait3A_231 = tpu.memref_squeeze %dma_wait3A_230 : memref<1x1024xf32, #tpu.memory_space<vmem>> -> memref<1024xf32, #tpu.memory_space<vmem>>
    %dma_wait3A_232 = tpu.memref_slice %arg5[%add3A_143] : memref<52428800xf32, #tpu.memory_space<hbm>> -> memref<1024xf32, #tpu.memory_space<hbm>>
    %dma_wait3A_233 = tpu.memref_slice %arg11[%dma_wait3A_228] : memref<5x!tpu.dma_semaphore, #tpu.memory_space<semaphore_mem>> -> memref<1x!tpu.dma_semaphore, #tpu.memory_space<semaphore_mem>>
    %dma_wait3A_234 = tpu.memref_squeeze %dma_wait3A_233 : memref<1x!tpu.dma_semaphore, #tpu.memory_space<semaphore_mem>> -> memref<!tpu.dma_semaphore, #tpu.memory_space<semaphore_mem>>
    %dma_wait3A_235 = tpu.memref_slice %arg5[%add3A_143] : memref<52428800xf32, #tpu.memory_space<hbm>> -> memref<1024xf32, #tpu.memory_space<hbm>>
    %dma_wait3A_236 = arith.constant 7168 : i32
    %dma_wait3A_237 = tpu.memref_slice %arg9[%dma_wait3A_227, %dma_wait3A_236] : memref<5x8192xf32, #tpu.memory_space<vmem>> -> memref<1x1024xf32, #tpu.memory_space<vmem>>
    %dma_wait3A_238 = tpu.memref_squeeze %dma_wait3A_237 : memref<1x1024xf32, #tpu.memory_space<vmem>> -> memref<1024xf32, #tpu.memory_space<vmem>>
    tpu.wait_dma2 semaphore(%dma_wait3A_234 : memref<!tpu.dma_semaphore, #tpu.memory_space<semaphore_mem>>) src(%dma_wait3A_238 : memref<1024xf32, #tpu.memory_space<vmem>>) dst(%dma_wait3A_235 : memref<1024xf32, #tpu.memory_space<hbm>>)
    %add3A_239 = arith.constant 195 : i32
    %add3A_240 = arith.addi %mul3A_2, %add3A_239 : i32
    %add3A_241 = arith.constant 1 : i32
    %add3A_242 = arith.addi %add3A_240, %add3A_241 : i32
    %jit3A_243 = arith.constant 32 : i32
    %div3A_244 = arith.divsi %add3A_242, %jit3A_243 : i32
    %sign3A_245 = arith.constant 0 : i32
    %sign3A_246 = arith.cmpi sgt, %add3A_242, %sign3A_245 : i32
    %sign3A_247 = arith.extui %sign3A_246 : i1 to i32
    %sign3A_248 = arith.constant 0 : i32
    %sign3A_249 = arith.cmpi slt, %add3A_242, %sign3A_248 : i32
    %sign3A_250 = arith.extui %sign3A_249 : i1 to i32
    %sign3A_251 = arith.subi %sign3A_247, %sign3A_250 : i32
    %sign3A_252 = arith.constant 0 : i32
    %sign3A_253 = arith.cmpi sgt, %jit3A_243, %sign3A_252 : i32
    %sign3A_254 = arith.extui %sign3A_253 : i1 to i32
    %sign3A_255 = arith.constant 0 : i32
    %sign3A_256 = arith.cmpi slt, %jit3A_243, %sign3A_255 : i32
    %sign3A_257 = arith.extui %sign3A_256 : i1 to i32
    %sign3A_258 = arith.subi %sign3A_254, %sign3A_257 : i32
    %ne3A_259 = arith.cmpi ne, %sign3A_251, %sign3A_258 : i32
    %rem3A_260 = arith.remsi %add3A_242, %jit3A_243 : i32
    %ne3A_261 = arith.constant 0 : i32
    %ne3A_262 = arith.cmpi ne, %rem3A_260, %ne3A_261 : i32
    %and3A_263 = arith.andi %ne3A_259, %ne3A_262 : i1
    %sub3A_264 = arith.constant 1 : i32
    %sub3A_265 = arith.subi %div3A_244, %sub3A_264 : i32
    %select_n3A_266 = arith.select %and3A_263, %sub3A_265, %div3A_244 : i32
    %rem3A_267 = arith.constant 32 : i32
    %rem3A_268 = arith.remsi %add3A_242, %rem3A_267 : i32
    %mul3A_269 = arith.constant 8 : i32
    %mul3A_270 = arith.muli %select_n3A_266, %mul3A_269 : i32
    %mul3A_271 = arith.constant 32 : i32
    %mul3A_272 = arith.muli %mul3A_270, %mul3A_271 : i32
    %add3A_273 = arith.addi %mul3A_272, %rem3A_268 : i32
    %mul3A_274 = arith.constant 1024 : i32
    %mul3A_275 = arith.muli %add3A_273, %mul3A_274 : i32
    %add3A_276 = arith.constant 0 : i32
    %add3A_277 = arith.addi %mul3A_275, %add3A_276 : i32
    %add3A_278 = arith.constant 32768 : i32
    %add3A_279 = arith.addi %mul3A_275, %add3A_278 : i32
    %add3A_280 = arith.constant 65536 : i32
    %add3A_281 = arith.addi %mul3A_275, %add3A_280 : i32
    %add3A_282 = arith.constant 98304 : i32
    %add3A_283 = arith.addi %mul3A_275, %add3A_282 : i32
    %add3A_284 = arith.constant 131072 : i32
    %add3A_285 = arith.addi %mul3A_275, %add3A_284 : i32
    %add3A_286 = arith.constant 163840 : i32
    %add3A_287 = arith.addi %mul3A_275, %add3A_286 : i32
    %add3A_288 = arith.constant 196608 : i32
    %add3A_289 = arith.addi %mul3A_275, %add3A_288 : i32
    %add3A_290 = arith.constant 229376 : i32
    %add3A_291 = arith.addi %mul3A_275, %add3A_290 : i32
    %dma_wait3A_292 = arith.constant 1 : i32
    %dma_wait3A_293 = arith.constant 1 : i32
    %dma_wait3A_294 = arith.constant 0 : i32
    %dma_wait3A_295 = tpu.memref_slice %arg9[%dma_wait3A_292, %dma_wait3A_294] : memref<5x8192xf32, #tpu.memory_space<vmem>> -> memref<1x1024xf32, #tpu.memory_space<vmem>>
    %dma_wait3A_296 = tpu.memref_squeeze %dma_wait3A_295 : memref<1x1024xf32, #tpu.memory_space<vmem>> -> memref<1024xf32, #tpu.memory_space<vmem>>
    %dma_wait3A_297 = tpu.memref_slice %arg5[%add3A_277] : memref<52428800xf32, #tpu.memory_space<hbm>> -> memref<1024xf32, #tpu.memory_space<hbm>>
    %dma_wait3A_298 = tpu.memref_slice %arg11[%dma_wait3A_293] : memref<5x!tpu.dma_semaphore, #tpu.memory_space<semaphore_mem>> -> memref<1x!tpu.dma_semaphore, #tpu.memory_space<semaphore_mem>>
    %dma_wait3A_299 = tpu.memref_squeeze %dma_wait3A_298 : memref<1x!tpu.dma_semaphore, #tpu.memory_space<semaphore_mem>> -> memref<!tpu.dma_semaphore, #tpu.memory_space<semaphore_mem>>
    %dma_wait3A_300 = tpu.memref_slice %arg5[%add3A_277] : memref<52428800xf32, #tpu.memory_space<hbm>> -> memref<1024xf32, #tpu.memory_space<hbm>>
    %dma_wait3A_301 = arith.constant 0 : i32
    %dma_wait3A_302 = tpu.memref_slice %arg9[%dma_wait3A_292, %dma_wait3A_301] : memref<5x8192xf32, #tpu.memory_space<vmem>> -> memref<1x1024xf32, #tpu.memory_space<vmem>>
    %dma_wait3A_303 = tpu.memref_squeeze %dma_wait3A_302 : memref<1x1024xf32, #tpu.memory_space<vmem>> -> memref<1024xf32, #tpu.memory_space<vmem>>
    tpu.wait_dma2 semaphore(%dma_wait3A_299 : memref<!tpu.dma_semaphore, #tpu.memory_space<semaphore_mem>>) src(%dma_wait3A_303 : memref<1024xf32, #tpu.memory_space<vmem>>) dst(%dma_wait3A_300 : memref<1024xf32, #tpu.memory_space<hbm>>)
    %dma_wait3A_304 = arith.constant 1 : i32
    %dma_wait3A_305 = arith.constant 1 : i32
    %dma_wait3A_306 = arith.constant 1024 : i32
    %dma_wait3A_307 = tpu.memref_slice %arg9[%dma_wait3A_304, %dma_wait3A_306] : memref<5x8192xf32, #tpu.memory_space<vmem>> -> memref<1x1024xf32, #tpu.memory_space<vmem>>
    %dma_wait3A_308 = tpu.memref_squeeze %dma_wait3A_307 : memref<1x1024xf32, #tpu.memory_space<vmem>> -> memref<1024xf32, #tpu.memory_space<vmem>>
    %dma_wait3A_309 = tpu.memref_slice %arg5[%add3A_279] : memref<52428800xf32, #tpu.memory_space<hbm>> -> memref<1024xf32, #tpu.memory_space<hbm>>
    %dma_wait3A_310 = tpu.memref_slice %arg11[%dma_wait3A_305] : memref<5x!tpu.dma_semaphore, #tpu.memory_space<semaphore_mem>> -> memref<1x!tpu.dma_semaphore, #tpu.memory_space<semaphore_mem>>
    %dma_wait3A_311 = tpu.memref_squeeze %dma_wait3A_310 : memref<1x!tpu.dma_semaphore, #tpu.memory_space<semaphore_mem>> -> memref<!tpu.dma_semaphore, #tpu.memory_space<semaphore_mem>>
    %dma_wait3A_312 = tpu.memref_slice %arg5[%add3A_279] : memref<52428800xf32, #tpu.memory_space<hbm>> -> memref<1024xf32, #tpu.memory_space<hbm>>
    %dma_wait3A_313 = arith.constant 1024 : i32
    %dma_wait3A_314 = tpu.memref_slice %arg9[%dma_wait3A_304, %dma_wait3A_313] : memref<5x8192xf32, #tpu.memory_space<vmem>> -> memref<1x1024xf32, #tpu.memory_space<vmem>>
    %dma_wait3A_315 = tpu.memref_squeeze %dma_wait3A_314 : memref<1x1024xf32, #tpu.memory_space<vmem>> -> memref<1024xf32, #tpu.memory_space<vmem>>
    tpu.wait_dma2 semaphore(%dma_wait3A_311 : memref<!tpu.dma_semaphore, #tpu.memory_space<semaphore_mem>>) src(%dma_wait3A_315 : memref<1024xf32, #tpu.memory_space<vmem>>) dst(%dma_wait3A_312 : memref<1024xf32, #tpu.memory_space<hbm>>)
    %dma_wait3A_316 = arith.constant 1 : i32
    %dma_wait3A_317 = arith.constant 1 : i32
    %dma_wait3A_318 = arith.constant 2048 : i32
    %dma_wait3A_319 = tpu.memref_slice %arg9[%dma_wait3A_316, %dma_wait3A_318] : memref<5x8192xf32, #tpu.memory_space<vmem>> -> memref<1x1024xf32, #tpu.memory_space<vmem>>
    %dma_wait3A_320 = tpu.memref_squeeze %dma_wait3A_319 : memref<1x1024xf32, #tpu.memory_space<vmem>> -> memref<1024xf32, #tpu.memory_space<vmem>>
    %dma_wait3A_321 = tpu.memref_slice %arg5[%add3A_281] : memref<52428800xf32, #tpu.memory_space<hbm>> -> memref<1024xf32, #tpu.memory_space<hbm>>
    %dma_wait3A_322 = tpu.memref_slice %arg11[%dma_wait3A_317] : memref<5x!tpu.dma_semaphore, #tpu.memory_space<semaphore_mem>> -> memref<1x!tpu.dma_semaphore, #tpu.memory_space<semaphore_mem>>
    %dma_wait3A_323 = tpu.memref_squeeze %dma_wait3A_322 : memref<1x!tpu.dma_semaphore, #tpu.memory_space<semaphore_mem>> -> memref<!tpu.dma_semaphore, #tpu.memory_space<semaphore_mem>>
    %dma_wait3A_324 = tpu.memref_slice %arg5[%add3A_281] : memref<52428800xf32, #tpu.memory_space<hbm>> -> memref<1024xf32, #tpu.memory_space<hbm>>
    %dma_wait3A_325 = arith.constant 2048 : i32
    %dma_wait3A_326 = tpu.memref_slice %arg9[%dma_wait3A_316, %dma_wait3A_325] : memref<5x8192xf32, #tpu.memory_space<vmem>> -> memref<1x1024xf32, #tpu.memory_space<vmem>>
    %dma_wait3A_327 = tpu.memref_squeeze %dma_wait3A_326 : memref<1x1024xf32, #tpu.memory_space<vmem>> -> memref<1024xf32, #tpu.memory_space<vmem>>
    tpu.wait_dma2 semaphore(%dma_wait3A_323 : memref<!tpu.dma_semaphore, #tpu.memory_space<semaphore_mem>>) src(%dma_wait3A_327 : memref<1024xf32, #tpu.memory_space<vmem>>) dst(%dma_wait3A_324 : memref<1024xf32, #tpu.memory_space<hbm>>)
    %dma_wait3A_328 = arith.constant 1 : i32
    %dma_wait3A_329 = arith.constant 1 : i32
    %dma_wait3A_330 = arith.constant 3072 : i32
    %dma_wait3A_331 = tpu.memref_slice %arg9[%dma_wait3A_328, %dma_wait3A_330] : memref<5x8192xf32, #tpu.memory_space<vmem>> -> memref<1x1024xf32, #tpu.memory_space<vmem>>
    %dma_wait3A_332 = tpu.memref_squeeze %dma_wait3A_331 : memref<1x1024xf32, #tpu.memory_space<vmem>> -> memref<1024xf32, #tpu.memory_space<vmem>>
    %dma_wait3A_333 = tpu.memref_slice %arg5[%add3A_283] : memref<52428800xf32, #tpu.memory_space<hbm>> -> memref<1024xf32, #tpu.memory_space<hbm>>
    %dma_wait3A_334 = tpu.memref_slice %arg11[%dma_wait3A_329] : memref<5x!tpu.dma_semaphore, #tpu.memory_space<semaphore_mem>> -> memref<1x!tpu.dma_semaphore, #tpu.memory_space<semaphore_mem>>
    %dma_wait3A_335 = tpu.memref_squeeze %dma_wait3A_334 : memref<1x!tpu.dma_semaphore, #tpu.memory_space<semaphore_mem>> -> memref<!tpu.dma_semaphore, #tpu.memory_space<semaphore_mem>>
    %dma_wait3A_336 = tpu.memref_slice %arg5[%add3A_283] : memref<52428800xf32, #tpu.memory_space<hbm>> -> memref<1024xf32, #tpu.memory_space<hbm>>
    %dma_wait3A_337 = arith.constant 3072 : i32
    %dma_wait3A_338 = tpu.memref_slice %arg9[%dma_wait3A_328, %dma_wait3A_337] : memref<5x8192xf32, #tpu.memory_space<vmem>> -> memref<1x1024xf32, #tpu.memory_space<vmem>>
    %dma_wait3A_339 = tpu.memref_squeeze %dma_wait3A_338 : memref<1x1024xf32, #tpu.memory_space<vmem>> -> memref<1024xf32, #tpu.memory_space<vmem>>
    tpu.wait_dma2 semaphore(%dma_wait3A_335 : memref<!tpu.dma_semaphore, #tpu.memory_space<semaphore_mem>>) src(%dma_wait3A_339 : memref<1024xf32, #tpu.memory_space<vmem>>) dst(%dma_wait3A_336 : memref<1024xf32, #tpu.memory_space<hbm>>)
    %dma_wait3A_340 = arith.constant 1 : i32
    %dma_wait3A_341 = arith.constant 1 : i32
    %dma_wait3A_342 = arith.constant 4096 : i32
    %dma_wait3A_343 = tpu.memref_slice %arg9[%dma_wait3A_340, %dma_wait3A_342] : memref<5x8192xf32, #tpu.memory_space<vmem>> -> memref<1x1024xf32, #tpu.memory_space<vmem>>
    %dma_wait3A_344 = tpu.memref_squeeze %dma_wait3A_343 : memref<1x1024xf32, #tpu.memory_space<vmem>> -> memref<1024xf32, #tpu.memory_space<vmem>>
    %dma_wait3A_345 = tpu.memref_slice %arg5[%add3A_285] : memref<52428800xf32, #tpu.memory_space<hbm>> -> memref<1024xf32, #tpu.memory_space<hbm>>
    %dma_wait3A_346 = tpu.memref_slice %arg11[%dma_wait3A_341] : memref<5x!tpu.dma_semaphore, #tpu.memory_space<semaphore_mem>> -> memref<1x!tpu.dma_semaphore, #tpu.memory_space<semaphore_mem>>
    %dma_wait3A_347 = tpu.memref_squeeze %dma_wait3A_346 : memref<1x!tpu.dma_semaphore, #tpu.memory_space<semaphore_mem>> -> memref<!tpu.dma_semaphore, #tpu.memory_space<semaphore_mem>>
    %dma_wait3A_348 = tpu.memref_slice %arg5[%add3A_285] : memref<52428800xf32, #tpu.memory_space<hbm>> -> memref<1024xf32, #tpu.memory_space<hbm>>
    %dma_wait3A_349 = arith.constant 4096 : i32
    %dma_wait3A_350 = tpu.memref_slice %arg9[%dma_wait3A_340, %dma_wait3A_349] : memref<5x8192xf32, #tpu.memory_space<vmem>> -> memref<1x1024xf32, #tpu.memory_space<vmem>>
    %dma_wait3A_351 = tpu.memref_squeeze %dma_wait3A_350 : memref<1x1024xf32, #tpu.memory_space<vmem>> -> memref<1024xf32, #tpu.memory_space<vmem>>
    tpu.wait_dma2 semaphore(%dma_wait3A_347 : memref<!tpu.dma_semaphore, #tpu.memory_space<semaphore_mem>>) src(%dma_wait3A_351 : memref<1024xf32, #tpu.memory_space<vmem>>) dst(%dma_wait3A_348 : memref<1024xf32, #tpu.memory_space<hbm>>)
    %dma_wait3A_352 = arith.constant 1 : i32
    %dma_wait3A_353 = arith.constant 1 : i32
    %dma_wait3A_354 = arith.constant 5120 : i32
    %dma_wait3A_355 = tpu.memref_slice %arg9[%dma_wait3A_352, %dma_wait3A_354] : memref<5x8192xf32, #tpu.memory_space<vmem>> -> memref<1x1024xf32, #tpu.memory_space<vmem>>
    %dma_wait3A_356 = tpu.memref_squeeze %dma_wait3A_355 : memref<1x1024xf32, #tpu.memory_space<vmem>> -> memref<1024xf32, #tpu.memory_space<vmem>>
    %dma_wait3A_357 = tpu.memref_slice %arg5[%add3A_287] : memref<52428800xf32, #tpu.memory_space<hbm>> -> memref<1024xf32, #tpu.memory_space<hbm>>
    %dma_wait3A_358 = tpu.memref_slice %arg11[%dma_wait3A_353] : memref<5x!tpu.dma_semaphore, #tpu.memory_space<semaphore_mem>> -> memref<1x!tpu.dma_semaphore, #tpu.memory_space<semaphore_mem>>
    %dma_wait3A_359 = tpu.memref_squeeze %dma_wait3A_358 : memref<1x!tpu.dma_semaphore, #tpu.memory_space<semaphore_mem>> -> memref<!tpu.dma_semaphore, #tpu.memory_space<semaphore_mem>>
    %dma_wait3A_360 = tpu.memref_slice %arg5[%add3A_287] : memref<52428800xf32, #tpu.memory_space<hbm>> -> memref<1024xf32, #tpu.memory_space<hbm>>
    %dma_wait3A_361 = arith.constant 5120 : i32
    %dma_wait3A_362 = tpu.memref_slice %arg9[%dma_wait3A_352, %dma_wait3A_361] : memref<5x8192xf32, #tpu.memory_space<vmem>> -> memref<1x1024xf32, #tpu.memory_space<vmem>>
    %dma_wait3A_363 = tpu.memref_squeeze %dma_wait3A_362 : memref<1x1024xf32, #tpu.memory_space<vmem>> -> memref<1024xf32, #tpu.memory_space<vmem>>
    tpu.wait_dma2 semaphore(%dma_wait3A_359 : memref<!tpu.dma_semaphore, #tpu.memory_space<semaphore_mem>>) src(%dma_wait3A_363 : memref<1024xf32, #tpu.memory_space<vmem>>) dst(%dma_wait3A_360 : memref<1024xf32, #tpu.memory_space<hbm>>)
    %dma_wait3A_364 = arith.constant 1 : i32
    %dma_wait3A_365 = arith.constant 1 : i32
    %dma_wait3A_366 = arith.constant 6144 : i32
    %dma_wait3A_367 = tpu.memref_slice %arg9[%dma_wait3A_364, %dma_wait3A_366] : memref<5x8192xf32, #tpu.memory_space<vmem>> -> memref<1x1024xf32, #tpu.memory_space<vmem>>
    %dma_wait3A_368 = tpu.memref_squeeze %dma_wait3A_367 : memref<1x1024xf32, #tpu.memory_space<vmem>> -> memref<1024xf32, #tpu.memory_space<vmem>>
    %dma_wait3A_369 = tpu.memref_slice %arg5[%add3A_289] : memref<52428800xf32, #tpu.memory_space<hbm>> -> memref<1024xf32, #tpu.memory_space<hbm>>
    %dma_wait3A_370 = tpu.memref_slice %arg11[%dma_wait3A_365] : memref<5x!tpu.dma_semaphore, #tpu.memory_space<semaphore_mem>> -> memref<1x!tpu.dma_semaphore, #tpu.memory_space<semaphore_mem>>
    %dma_wait3A_371 = tpu.memref_squeeze %dma_wait3A_370 : memref<1x!tpu.dma_semaphore, #tpu.memory_space<semaphore_mem>> -> memref<!tpu.dma_semaphore, #tpu.memory_space<semaphore_mem>>
    %dma_wait3A_372 = tpu.memref_slice %arg5[%add3A_289] : memref<52428800xf32, #tpu.memory_space<hbm>> -> memref<1024xf32, #tpu.memory_space<hbm>>
    %dma_wait3A_373 = arith.constant 6144 : i32
    %dma_wait3A_374 = tpu.memref_slice %arg9[%dma_wait3A_364, %dma_wait3A_373] : memref<5x8192xf32, #tpu.memory_space<vmem>> -> memref<1x1024xf32, #tpu.memory_space<vmem>>
    %dma_wait3A_375 = tpu.memref_squeeze %dma_wait3A_374 : memref<1x1024xf32, #tpu.memory_space<vmem>> -> memref<1024xf32, #tpu.memory_space<vmem>>
    tpu.wait_dma2 semaphore(%dma_wait3A_371 : memref<!tpu.dma_semaphore, #tpu.memory_space<semaphore_mem>>) src(%dma_wait3A_375 : memref<1024xf32, #tpu.memory_space<vmem>>) dst(%dma_wait3A_372 : memref<1024xf32, #tpu.memory_space<hbm>>)
    %dma_wait3A_376 = arith.constant 1 : i32
    %dma_wait3A_377 = arith.constant 1 : i32
    %dma_wait3A_378 = arith.constant 7168 : i32
    %dma_wait3A_379 = tpu.memref_slice %arg9[%dma_wait3A_376, %dma_wait3A_378] : memref<5x8192xf32, #tpu.memory_space<vmem>> -> memref<1x1024xf32, #tpu.memory_space<vmem>>
    %dma_wait3A_380 = tpu.memref_squeeze %dma_wait3A_379 : memref<1x1024xf32, #tpu.memory_space<vmem>> -> memref<1024xf32, #tpu.memory_space<vmem>>
    %dma_wait3A_381 = tpu.memref_slice %arg5[%add3A_291] : memref<52428800xf32, #tpu.memory_space<hbm>> -> memref<1024xf32, #tpu.memory_space<hbm>>
    %dma_wait3A_382 = tpu.memref_slice %arg11[%dma_wait3A_377] : memref<5x!tpu.dma_semaphore, #tpu.memory_space<semaphore_mem>> -> memref<1x!tpu.dma_semaphore, #tpu.memory_space<semaphore_mem>>
    %dma_wait3A_383 = tpu.memref_squeeze %dma_wait3A_382 : memref<1x!tpu.dma_semaphore, #tpu.memory_space<semaphore_mem>> -> memref<!tpu.dma_semaphore, #tpu.memory_space<semaphore_mem>>
    %dma_wait3A_384 = tpu.memref_slice %arg5[%add3A_291] : memref<52428800xf32, #tpu.memory_space<hbm>> -> memref<1024xf32, #tpu.memory_space<hbm>>
    %dma_wait3A_385 = arith.constant 7168 : i32
    %dma_wait3A_386 = tpu.memref_slice %arg9[%dma_wait3A_376, %dma_wait3A_385] : memref<5x8192xf32, #tpu.memory_space<vmem>> -> memref<1x1024xf32, #tpu.memory_space<vmem>>
    %dma_wait3A_387 = tpu.memref_squeeze %dma_wait3A_386 : memref<1x1024xf32, #tpu.memory_space<vmem>> -> memref<1024xf32, #tpu.memory_space<vmem>>
    tpu.wait_dma2 semaphore(%dma_wait3A_383 : memref<!tpu.dma_semaphore, #tpu.memory_space<semaphore_mem>>) src(%dma_wait3A_387 : memref<1024xf32, #tpu.memory_space<vmem>>) dst(%dma_wait3A_384 : memref<1024xf32, #tpu.memory_space<hbm>>)
    %add3A_388 = arith.constant 195 : i32
    %add3A_389 = arith.addi %mul3A_2, %add3A_388 : i32
    %add3A_390 = arith.constant 2 : i32
    %add3A_391 = arith.addi %add3A_389, %add3A_390 : i32
    %jit3A_392 = arith.constant 32 : i32
    %div3A_393 = arith.divsi %add3A_391, %jit3A_392 : i32
    %sign3A_394 = arith.constant 0 : i32
    %sign3A_395 = arith.cmpi sgt, %add3A_391, %sign3A_394 : i32
    %sign3A_396 = arith.extui %sign3A_395 : i1 to i32
    %sign3A_397 = arith.constant 0 : i32
    %sign3A_398 = arith.cmpi slt, %add3A_391, %sign3A_397 : i32
    %sign3A_399 = arith.extui %sign3A_398 : i1 to i32
    %sign3A_400 = arith.subi %sign3A_396, %sign3A_399 : i32
    %sign3A_401 = arith.constant 0 : i32
    %sign3A_402 = arith.cmpi sgt, %jit3A_392, %sign3A_401 : i32
    %sign3A_403 = arith.extui %sign3A_402 : i1 to i32
    %sign3A_404 = arith.constant 0 : i32
    %sign3A_405 = arith.cmpi slt, %jit3A_392, %sign3A_404 : i32
    %sign3A_406 = arith.extui %sign3A_405 : i1 to i32
    %sign3A_407 = arith.subi %sign3A_403, %sign3A_406 : i32
    %ne3A_408 = arith.cmpi ne, %sign3A_400, %sign3A_407 : i32
    %rem3A_409 = arith.remsi %add3A_391, %jit3A_392 : i32
    %ne3A_410 = arith.constant 0 : i32
    %ne3A_411 = arith.cmpi ne, %rem3A_409, %ne3A_410 : i32
    %and3A_412 = arith.andi %ne3A_408, %ne3A_411 : i1
    %sub3A_413 = arith.constant 1 : i32
    %sub3A_414 = arith.subi %div3A_393, %sub3A_413 : i32
    %select_n3A_415 = arith.select %and3A_412, %sub3A_414, %div3A_393 : i32
    %rem3A_416 = arith.constant 32 : i32
    %rem3A_417 = arith.remsi %add3A_391, %rem3A_416 : i32
    %mul3A_418 = arith.constant 8 : i32
    %mul3A_419 = arith.muli %select_n3A_415, %mul3A_418 : i32
    %mul3A_420 = arith.constant 32 : i32
    %mul3A_421 = arith.muli %mul3A_419, %mul3A_420 : i32
    %add3A_422 = arith.addi %mul3A_421, %rem3A_417 : i32
    %mul3A_423 = arith.constant 1024 : i32
    %mul3A_424 = arith.muli %add3A_422, %mul3A_423 : i32
    %add3A_425 = arith.constant 0 : i32
    %add3A_426 = arith.addi %mul3A_424, %add3A_425 : i32
    %add3A_427 = arith.constant 32768 : i32
    %add3A_428 = arith.addi %mul3A_424, %add3A_427 : i32
    %add3A_429 = arith.constant 65536 : i32
    %add3A_430 = arith.addi %mul3A_424, %add3A_429 : i32
    %add3A_431 = arith.constant 98304 : i32
    %add3A_432 = arith.addi %mul3A_424, %add3A_431 : i32
    %add3A_433 = arith.constant 131072 : i32
    %add3A_434 = arith.addi %mul3A_424, %add3A_433 : i32
    %add3A_435 = arith.constant 163840 : i32
    %add3A_436 = arith.addi %mul3A_424, %add3A_435 : i32
    %add3A_437 = arith.constant 196608 : i32
    %add3A_438 = arith.addi %mul3A_424, %add3A_437 : i32
    %add3A_439 = arith.constant 229376 : i32
    %add3A_440 = arith.addi %mul3A_424, %add3A_439 : i32
    %dma_wait3A_441 = arith.constant 2 : i32
    %dma_wait3A_442 = arith.constant 2 : i32
    %dma_wait3A_443 = arith.constant 0 : i32
    %dma_wait3A_444 = tpu.memref_slice %arg9[%dma_wait3A_441, %dma_wait3A_443] : memref<5x8192xf32, #tpu.memory_space<vmem>> -> memref<1x1024xf32, #tpu.memory_space<vmem>>
    %dma_wait3A_445 = tpu.memref_squeeze %dma_wait3A_444 : memref<1x1024xf32, #tpu.memory_space<vmem>> -> memref<1024xf32, #tpu.memory_space<vmem>>
    %dma_wait3A_446 = tpu.memref_slice %arg5[%add3A_426] : memref<52428800xf32, #tpu.memory_space<hbm>> -> memref<1024xf32, #tpu.memory_space<hbm>>
    %dma_wait3A_447 = tpu.memref_slice %arg11[%dma_wait3A_442] : memref<5x!tpu.dma_semaphore, #tpu.memory_space<semaphore_mem>> -> memref<1x!tpu.dma_semaphore, #tpu.memory_space<semaphore_mem>>
    %dma_wait3A_448 = tpu.memref_squeeze %dma_wait3A_447 : memref<1x!tpu.dma_semaphore, #tpu.memory_space<semaphore_mem>> -> memref<!tpu.dma_semaphore, #tpu.memory_space<semaphore_mem>>
    %dma_wait3A_449 = tpu.memref_slice %arg5[%add3A_426] : memref<52428800xf32, #tpu.memory_space<hbm>> -> memref<1024xf32, #tpu.memory_space<hbm>>
    %dma_wait3A_450 = arith.constant 0 : i32
    %dma_wait3A_451 = tpu.memref_slice %arg9[%dma_wait3A_441, %dma_wait3A_450] : memref<5x8192xf32, #tpu.memory_space<vmem>> -> memref<1x1024xf32, #tpu.memory_space<vmem>>
    %dma_wait3A_452 = tpu.memref_squeeze %dma_wait3A_451 : memref<1x1024xf32, #tpu.memory_space<vmem>> -> memref<1024xf32, #tpu.memory_space<vmem>>
    tpu.wait_dma2 semaphore(%dma_wait3A_448 : memref<!tpu.dma_semaphore, #tpu.memory_space<semaphore_mem>>) src(%dma_wait3A_452 : memref<1024xf32, #tpu.memory_space<vmem>>) dst(%dma_wait3A_449 : memref<1024xf32, #tpu.memory_space<hbm>>)
    %dma_wait3A_453 = arith.constant 2 : i32
    %dma_wait3A_454 = arith.constant 2 : i32
    %dma_wait3A_455 = arith.constant 1024 : i32
    %dma_wait3A_456 = tpu.memref_slice %arg9[%dma_wait3A_453, %dma_wait3A_455] : memref<5x8192xf32, #tpu.memory_space<vmem>> -> memref<1x1024xf32, #tpu.memory_space<vmem>>
    %dma_wait3A_457 = tpu.memref_squeeze %dma_wait3A_456 : memref<1x1024xf32, #tpu.memory_space<vmem>> -> memref<1024xf32, #tpu.memory_space<vmem>>
    %dma_wait3A_458 = tpu.memref_slice %arg5[%add3A_428] : memref<52428800xf32, #tpu.memory_space<hbm>> -> memref<1024xf32, #tpu.memory_space<hbm>>
    %dma_wait3A_459 = tpu.memref_slice %arg11[%dma_wait3A_454] : memref<5x!tpu.dma_semaphore, #tpu.memory_space<semaphore_mem>> -> memref<1x!tpu.dma_semaphore, #tpu.memory_space<semaphore_mem>>
    %dma_wait3A_460 = tpu.memref_squeeze %dma_wait3A_459 : memref<1x!tpu.dma_semaphore, #tpu.memory_space<semaphore_mem>> -> memref<!tpu.dma_semaphore, #tpu.memory_space<semaphore_mem>>
    %dma_wait3A_461 = tpu.memref_slice %arg5[%add3A_428] : memref<52428800xf32, #tpu.memory_space<hbm>> -> memref<1024xf32, #tpu.memory_space<hbm>>
    %dma_wait3A_462 = arith.constant 1024 : i32
    %dma_wait3A_463 = tpu.memref_slice %arg9[%dma_wait3A_453, %dma_wait3A_462] : memref<5x8192xf32, #tpu.memory_space<vmem>> -> memref<1x1024xf32, #tpu.memory_space<vmem>>
    %dma_wait3A_464 = tpu.memref_squeeze %dma_wait3A_463 : memref<1x1024xf32, #tpu.memory_space<vmem>> -> memref<1024xf32, #tpu.memory_space<vmem>>
    tpu.wait_dma2 semaphore(%dma_wait3A_460 : memref<!tpu.dma_semaphore, #tpu.memory_space<semaphore_mem>>) src(%dma_wait3A_464 : memref<1024xf32, #tpu.memory_space<vmem>>) dst(%dma_wait3A_461 : memref<1024xf32, #tpu.memory_space<hbm>>)
    %dma_wait3A_465 = arith.constant 2 : i32
    %dma_wait3A_466 = arith.constant 2 : i32
    %dma_wait3A_467 = arith.constant 2048 : i32
    %dma_wait3A_468 = tpu.memref_slice %arg9[%dma_wait3A_465, %dma_wait3A_467] : memref<5x8192xf32, #tpu.memory_space<vmem>> -> memref<1x1024xf32, #tpu.memory_space<vmem>>
    %dma_wait3A_469 = tpu.memref_squeeze %dma_wait3A_468 : memref<1x1024xf32, #tpu.memory_space<vmem>> -> memref<1024xf32, #tpu.memory_space<vmem>>
    %dma_wait3A_470 = tpu.memref_slice %arg5[%add3A_430] : memref<52428800xf32, #tpu.memory_space<hbm>> -> memref<1024xf32, #tpu.memory_space<hbm>>
    %dma_wait3A_471 = tpu.memref_slice %arg11[%dma_wait3A_466] : memref<5x!tpu.dma_semaphore, #tpu.memory_space<semaphore_mem>> -> memref<1x!tpu.dma_semaphore, #tpu.memory_space<semaphore_mem>>
    %dma_wait3A_472 = tpu.memref_squeeze %dma_wait3A_471 : memref<1x!tpu.dma_semaphore, #tpu.memory_space<semaphore_mem>> -> memref<!tpu.dma_semaphore, #tpu.memory_space<semaphore_mem>>
    %dma_wait3A_473 = tpu.memref_slice %arg5[%add3A_430] : memref<52428800xf32, #tpu.memory_space<hbm>> -> memref<1024xf32, #tpu.memory_space<hbm>>
    %dma_wait3A_474 = arith.constant 2048 : i32
    %dma_wait3A_475 = tpu.memref_slice %arg9[%dma_wait3A_465, %dma_wait3A_474] : memref<5x8192xf32, #tpu.memory_space<vmem>> -> memref<1x1024xf32, #tpu.memory_space<vmem>>
    %dma_wait3A_476 = tpu.memref_squeeze %dma_wait3A_475 : memref<1x1024xf32, #tpu.memory_space<vmem>> -> memref<1024xf32, #tpu.memory_space<vmem>>
    tpu.wait_dma2 semaphore(%dma_wait3A_472 : memref<!tpu.dma_semaphore, #tpu.memory_space<semaphore_mem>>) src(%dma_wait3A_476 : memref<1024xf32, #tpu.memory_space<vmem>>) dst(%dma_wait3A_473 : memref<1024xf32, #tpu.memory_space<hbm>>)
    %dma_wait3A_477 = arith.constant 2 : i32
    %dma_wait3A_478 = arith.constant 2 : i32
    %dma_wait3A_479 = arith.constant 3072 : i32
    %dma_wait3A_480 = tpu.memref_slice %arg9[%dma_wait3A_477, %dma_wait3A_479] : memref<5x8192xf32, #tpu.memory_space<vmem>> -> memref<1x1024xf32, #tpu.memory_space<vmem>>
    %dma_wait3A_481 = tpu.memref_squeeze %dma_wait3A_480 : memref<1x1024xf32, #tpu.memory_space<vmem>> -> memref<1024xf32, #tpu.memory_space<vmem>>
    %dma_wait3A_482 = tpu.memref_slice %arg5[%add3A_432] : memref<52428800xf32, #tpu.memory_space<hbm>> -> memref<1024xf32, #tpu.memory_space<hbm>>
    %dma_wait3A_483 = tpu.memref_slice %arg11[%dma_wait3A_478] : memref<5x!tpu.dma_semaphore, #tpu.memory_space<semaphore_mem>> -> memref<1x!tpu.dma_semaphore, #tpu.memory_space<semaphore_mem>>
    %dma_wait3A_484 = tpu.memref_squeeze %dma_wait3A_483 : memref<1x!tpu.dma_semaphore, #tpu.memory_space<semaphore_mem>> -> memref<!tpu.dma_semaphore, #tpu.memory_space<semaphore_mem>>
    %dma_wait3A_485 = tpu.memref_slice %arg5[%add3A_432] : memref<52428800xf32, #tpu.memory_space<hbm>> -> memref<1024xf32, #tpu.memory_space<hbm>>
    %dma_wait3A_486 = arith.constant 3072 : i32
    %dma_wait3A_487 = tpu.memref_slice %arg9[%dma_wait3A_477, %dma_wait3A_486] : memref<5x8192xf32, #tpu.memory_space<vmem>> -> memref<1x1024xf32, #tpu.memory_space<vmem>>
    %dma_wait3A_488 = tpu.memref_squeeze %dma_wait3A_487 : memref<1x1024xf32, #tpu.memory_space<vmem>> -> memref<1024xf32, #tpu.memory_space<vmem>>
    tpu.wait_dma2 semaphore(%dma_wait3A_484 : memref<!tpu.dma_semaphore, #tpu.memory_space<semaphore_mem>>) src(%dma_wait3A_488 : memref<1024xf32, #tpu.memory_space<vmem>>) dst(%dma_wait3A_485 : memref<1024xf32, #tpu.memory_space<hbm>>)
    %dma_wait3A_489 = arith.constant 2 : i32
    %dma_wait3A_490 = arith.constant 2 : i32
    %dma_wait3A_491 = arith.constant 4096 : i32
    %dma_wait3A_492 = tpu.memref_slice %arg9[%dma_wait3A_489, %dma_wait3A_491] : memref<5x8192xf32, #tpu.memory_space<vmem>> -> memref<1x1024xf32, #tpu.memory_space<vmem>>
    %dma_wait3A_493 = tpu.memref_squeeze %dma_wait3A_492 : memref<1x1024xf32, #tpu.memory_space<vmem>> -> memref<1024xf32, #tpu.memory_space<vmem>>
    %dma_wait3A_494 = tpu.memref_slice %arg5[%add3A_434] : memref<52428800xf32, #tpu.memory_space<hbm>> -> memref<1024xf32, #tpu.memory_space<hbm>>
    %dma_wait3A_495 = tpu.memref_slice %arg11[%dma_wait3A_490] : memref<5x!tpu.dma_semaphore, #tpu.memory_space<semaphore_mem>> -> memref<1x!tpu.dma_semaphore, #tpu.memory_space<semaphore_mem>>
    %dma_wait3A_496 = tpu.memref_squeeze %dma_wait3A_495 : memref<1x!tpu.dma_semaphore, #tpu.memory_space<semaphore_mem>> -> memref<!tpu.dma_semaphore, #tpu.memory_space<semaphore_mem>>
    %dma_wait3A_497 = tpu.memref_slice %arg5[%add3A_434] : memref<52428800xf32, #tpu.memory_space<hbm>> -> memref<1024xf32, #tpu.memory_space<hbm>>
    %dma_wait3A_498 = arith.constant 4096 : i32
    %dma_wait3A_499 = tpu.memref_slice %arg9[%dma_wait3A_489, %dma_wait3A_498] : memref<5x8192xf32, #tpu.memory_space<vmem>> -> memref<1x1024xf32, #tpu.memory_space<vmem>>
    %dma_wait3A_500 = tpu.memref_squeeze %dma_wait3A_499 : memref<1x1024xf32, #tpu.memory_space<vmem>> -> memref<1024xf32, #tpu.memory_space<vmem>>
    tpu.wait_dma2 semaphore(%dma_wait3A_496 : memref<!tpu.dma_semaphore, #tpu.memory_space<semaphore_mem>>) src(%dma_wait3A_500 : memref<1024xf32, #tpu.memory_space<vmem>>) dst(%dma_wait3A_497 : memref<1024xf32, #tpu.memory_space<hbm>>)
    %dma_wait3A_501 = arith.constant 2 : i32
    %dma_wait3A_502 = arith.constant 2 : i32
    %dma_wait3A_503 = arith.constant 5120 : i32
    %dma_wait3A_504 = tpu.memref_slice %arg9[%dma_wait3A_501, %dma_wait3A_503] : memref<5x8192xf32, #tpu.memory_space<vmem>> -> memref<1x1024xf32, #tpu.memory_space<vmem>>
    %dma_wait3A_505 = tpu.memref_squeeze %dma_wait3A_504 : memref<1x1024xf32, #tpu.memory_space<vmem>> -> memref<1024xf32, #tpu.memory_space<vmem>>
    %dma_wait3A_506 = tpu.memref_slice %arg5[%add3A_436] : memref<52428800xf32, #tpu.memory_space<hbm>> -> memref<1024xf32, #tpu.memory_space<hbm>>
    %dma_wait3A_507 = tpu.memref_slice %arg11[%dma_wait3A_502] : memref<5x!tpu.dma_semaphore, #tpu.memory_space<semaphore_mem>> -> memref<1x!tpu.dma_semaphore, #tpu.memory_space<semaphore_mem>>
    %dma_wait3A_508 = tpu.memref_squeeze %dma_wait3A_507 : memref<1x!tpu.dma_semaphore, #tpu.memory_space<semaphore_mem>> -> memref<!tpu.dma_semaphore, #tpu.memory_space<semaphore_mem>>
    %dma_wait3A_509 = tpu.memref_slice %arg5[%add3A_436] : memref<52428800xf32, #tpu.memory_space<hbm>> -> memref<1024xf32, #tpu.memory_space<hbm>>
    %dma_wait3A_510 = arith.constant 5120 : i32
    %dma_wait3A_511 = tpu.memref_slice %arg9[%dma_wait3A_501, %dma_wait3A_510] : memref<5x8192xf32, #tpu.memory_space<vmem>> -> memref<1x1024xf32, #tpu.memory_space<vmem>>
    %dma_wait3A_512 = tpu.memref_squeeze %dma_wait3A_511 : memref<1x1024xf32, #tpu.memory_space<vmem>> -> memref<1024xf32, #tpu.memory_space<vmem>>
    tpu.wait_dma2 semaphore(%dma_wait3A_508 : memref<!tpu.dma_semaphore, #tpu.memory_space<semaphore_mem>>) src(%dma_wait3A_512 : memref<1024xf32, #tpu.memory_space<vmem>>) dst(%dma_wait3A_509 : memref<1024xf32, #tpu.memory_space<hbm>>)
    %dma_wait3A_513 = arith.constant 2 : i32
    %dma_wait3A_514 = arith.constant 2 : i32
    %dma_wait3A_515 = arith.constant 6144 : i32
    %dma_wait3A_516 = tpu.memref_slice %arg9[%dma_wait3A_513, %dma_wait3A_515] : memref<5x8192xf32, #tpu.memory_space<vmem>> -> memref<1x1024xf32, #tpu.memory_space<vmem>>
    %dma_wait3A_517 = tpu.memref_squeeze %dma_wait3A_516 : memref<1x1024xf32, #tpu.memory_space<vmem>> -> memref<1024xf32, #tpu.memory_space<vmem>>
    %dma_wait3A_518 = tpu.memref_slice %arg5[%add3A_438] : memref<52428800xf32, #tpu.memory_space<hbm>> -> memref<1024xf32, #tpu.memory_space<hbm>>
    %dma_wait3A_519 = tpu.memref_slice %arg11[%dma_wait3A_514] : memref<5x!tpu.dma_semaphore, #tpu.memory_space<semaphore_mem>> -> memref<1x!tpu.dma_semaphore, #tpu.memory_space<semaphore_mem>>
    %dma_wait3A_520 = tpu.memref_squeeze %dma_wait3A_519 : memref<1x!tpu.dma_semaphore, #tpu.memory_space<semaphore_mem>> -> memref<!tpu.dma_semaphore, #tpu.memory_space<semaphore_mem>>
    %dma_wait3A_521 = tpu.memref_slice %arg5[%add3A_438] : memref<52428800xf32, #tpu.memory_space<hbm>> -> memref<1024xf32, #tpu.memory_space<hbm>>
    %dma_wait3A_522 = arith.constant 6144 : i32
    %dma_wait3A_523 = tpu.memref_slice %arg9[%dma_wait3A_513, %dma_wait3A_522] : memref<5x8192xf32, #tpu.memory_space<vmem>> -> memref<1x1024xf32, #tpu.memory_space<vmem>>
    %dma_wait3A_524 = tpu.memref_squeeze %dma_wait3A_523 : memref<1x1024xf32, #tpu.memory_space<vmem>> -> memref<1024xf32, #tpu.memory_space<vmem>>
    tpu.wait_dma2 semaphore(%dma_wait3A_520 : memref<!tpu.dma_semaphore, #tpu.memory_space<semaphore_mem>>) src(%dma_wait3A_524 : memref<1024xf32, #tpu.memory_space<vmem>>) dst(%dma_wait3A_521 : memref<1024xf32, #tpu.memory_space<hbm>>)
    %dma_wait3A_525 = arith.constant 2 : i32
    %dma_wait3A_526 = arith.constant 2 : i32
    %dma_wait3A_527 = arith.constant 7168 : i32
    %dma_wait3A_528 = tpu.memref_slice %arg9[%dma_wait3A_525, %dma_wait3A_527] : memref<5x8192xf32, #tpu.memory_space<vmem>> -> memref<1x1024xf32, #tpu.memory_space<vmem>>
    %dma_wait3A_529 = tpu.memref_squeeze %dma_wait3A_528 : memref<1x1024xf32, #tpu.memory_space<vmem>> -> memref<1024xf32, #tpu.memory_space<vmem>>
    %dma_wait3A_530 = tpu.memref_slice %arg5[%add3A_440] : memref<52428800xf32, #tpu.memory_space<hbm>> -> memref<1024xf32, #tpu.memory_space<hbm>>
    %dma_wait3A_531 = tpu.memref_slice %arg11[%dma_wait3A_526] : memref<5x!tpu.dma_semaphore, #tpu.memory_space<semaphore_mem>> -> memref<1x!tpu.dma_semaphore, #tpu.memory_space<semaphore_mem>>
    %dma_wait3A_532 = tpu.memref_squeeze %dma_wait3A_531 : memref<1x!tpu.dma_semaphore, #tpu.memory_space<semaphore_mem>> -> memref<!tpu.dma_semaphore, #tpu.memory_space<semaphore_mem>>
    %dma_wait3A_533 = tpu.memref_slice %arg5[%add3A_440] : memref<52428800xf32, #tpu.memory_space<hbm>> -> memref<1024xf32, #tpu.memory_space<hbm>>
    %dma_wait3A_534 = arith.constant 7168 : i32
    %dma_wait3A_535 = tpu.memref_slice %arg9[%dma_wait3A_525, %dma_wait3A_534] : memref<5x8192xf32, #tpu.memory_space<vmem>> -> memref<1x1024xf32, #tpu.memory_space<vmem>>
    %dma_wait3A_536 = tpu.memref_squeeze %dma_wait3A_535 : memref<1x1024xf32, #tpu.memory_space<vmem>> -> memref<1024xf32, #tpu.memory_space<vmem>>
    tpu.wait_dma2 semaphore(%dma_wait3A_532 : memref<!tpu.dma_semaphore, #tpu.memory_space<semaphore_mem>>) src(%dma_wait3A_536 : memref<1024xf32, #tpu.memory_space<vmem>>) dst(%dma_wait3A_533 : memref<1024xf32, #tpu.memory_space<hbm>>)
    %add3A_537 = arith.constant 195 : i32
    %add3A_538 = arith.addi %mul3A_2, %add3A_537 : i32
    %add3A_539 = arith.constant 3 : i32
    %add3A_540 = arith.addi %add3A_538, %add3A_539 : i32
    %jit3A_541 = arith.constant 32 : i32
    %div3A_542 = arith.divsi %add3A_540, %jit3A_541 : i32
    %sign3A_543 = arith.constant 0 : i32
    %sign3A_544 = arith.cmpi sgt, %add3A_540, %sign3A_543 : i32
    %sign3A_545 = arith.extui %sign3A_544 : i1 to i32
    %sign3A_546 = arith.constant 0 : i32
    %sign3A_547 = arith.cmpi slt, %add3A_540, %sign3A_546 : i32
    %sign3A_548 = arith.extui %sign3A_547 : i1 to i32
    %sign3A_549 = arith.subi %sign3A_545, %sign3A_548 : i32
    %sign3A_550 = arith.constant 0 : i32
    %sign3A_551 = arith.cmpi sgt, %jit3A_541, %sign3A_550 : i32
    %sign3A_552 = arith.extui %sign3A_551 : i1 to i32
    %sign3A_553 = arith.constant 0 : i32
    %sign3A_554 = arith.cmpi slt, %jit3A_541, %sign3A_553 : i32
    %sign3A_555 = arith.extui %sign3A_554 : i1 to i32
    %sign3A_556 = arith.subi %sign3A_552, %sign3A_555 : i32
    %ne3A_557 = arith.cmpi ne, %sign3A_549, %sign3A_556 : i32
    %rem3A_558 = arith.remsi %add3A_540, %jit3A_541 : i32
    %ne3A_559 = arith.constant 0 : i32
    %ne3A_560 = arith.cmpi ne, %rem3A_558, %ne3A_559 : i32
    %and3A_561 = arith.andi %ne3A_557, %ne3A_560 : i1
    %sub3A_562 = arith.constant 1 : i32
    %sub3A_563 = arith.subi %div3A_542, %sub3A_562 : i32
    %select_n3A_564 = arith.select %and3A_561, %sub3A_563, %div3A_542 : i32
    %rem3A_565 = arith.constant 32 : i32
    %rem3A_566 = arith.remsi %add3A_540, %rem3A_565 : i32
    %mul3A_567 = arith.constant 8 : i32
    %mul3A_568 = arith.muli %select_n3A_564, %mul3A_567 : i32
    %mul3A_569 = arith.constant 32 : i32
    %mul3A_570 = arith.muli %mul3A_568, %mul3A_569 : i32
    %add3A_571 = arith.addi %mul3A_570, %rem3A_566 : i32
    %mul3A_572 = arith.constant 1024 : i32
    %mul3A_573 = arith.muli %add3A_571, %mul3A_572 : i32
    %add3A_574 = arith.constant 0 : i32
    %add3A_575 = arith.addi %mul3A_573, %add3A_574 : i32
    %add3A_576 = arith.constant 32768 : i32
    %add3A_577 = arith.addi %mul3A_573, %add3A_576 : i32
    %add3A_578 = arith.constant 65536 : i32
    %add3A_579 = arith.addi %mul3A_573, %add3A_578 : i32
    %add3A_580 = arith.constant 98304 : i32
    %add3A_581 = arith.addi %mul3A_573, %add3A_580 : i32
    %add3A_582 = arith.constant 131072 : i32
    %add3A_583 = arith.addi %mul3A_573, %add3A_582 : i32
    %add3A_584 = arith.constant 163840 : i32
    %add3A_585 = arith.addi %mul3A_573, %add3A_584 : i32
    %add3A_586 = arith.constant 196608 : i32
    %add3A_587 = arith.addi %mul3A_573, %add3A_586 : i32
    %add3A_588 = arith.constant 229376 : i32
    %add3A_589 = arith.addi %mul3A_573, %add3A_588 : i32
    %dma_wait3A_590 = arith.constant 3 : i32
    %dma_wait3A_591 = arith.constant 3 : i32
    %dma_wait3A_592 = arith.constant 0 : i32
    %dma_wait3A_593 = tpu.memref_slice %arg9[%dma_wait3A_590, %dma_wait3A_592] : memref<5x8192xf32, #tpu.memory_space<vmem>> -> memref<1x1024xf32, #tpu.memory_space<vmem>>
    %dma_wait3A_594 = tpu.memref_squeeze %dma_wait3A_593 : memref<1x1024xf32, #tpu.memory_space<vmem>> -> memref<1024xf32, #tpu.memory_space<vmem>>
    %dma_wait3A_595 = tpu.memref_slice %arg5[%add3A_575] : memref<52428800xf32, #tpu.memory_space<hbm>> -> memref<1024xf32, #tpu.memory_space<hbm>>
    %dma_wait3A_596 = tpu.memref_slice %arg11[%dma_wait3A_591] : memref<5x!tpu.dma_semaphore, #tpu.memory_space<semaphore_mem>> -> memref<1x!tpu.dma_semaphore, #tpu.memory_space<semaphore_mem>>
    %dma_wait3A_597 = tpu.memref_squeeze %dma_wait3A_596 : memref<1x!tpu.dma_semaphore, #tpu.memory_space<semaphore_mem>> -> memref<!tpu.dma_semaphore, #tpu.memory_space<semaphore_mem>>
    %dma_wait3A_598 = tpu.memref_slice %arg5[%add3A_575] : memref<52428800xf32, #tpu.memory_space<hbm>> -> memref<1024xf32, #tpu.memory_space<hbm>>
    %dma_wait3A_599 = arith.constant 0 : i32
    %dma_wait3A_600 = tpu.memref_slice %arg9[%dma_wait3A_590, %dma_wait3A_599] : memref<5x8192xf32, #tpu.memory_space<vmem>> -> memref<1x1024xf32, #tpu.memory_space<vmem>>
    %dma_wait3A_601 = tpu.memref_squeeze %dma_wait3A_600 : memref<1x1024xf32, #tpu.memory_space<vmem>> -> memref<1024xf32, #tpu.memory_space<vmem>>
    tpu.wait_dma2 semaphore(%dma_wait3A_597 : memref<!tpu.dma_semaphore, #tpu.memory_space<semaphore_mem>>) src(%dma_wait3A_601 : memref<1024xf32, #tpu.memory_space<vmem>>) dst(%dma_wait3A_598 : memref<1024xf32, #tpu.memory_space<hbm>>)
    %dma_wait3A_602 = arith.constant 3 : i32
    %dma_wait3A_603 = arith.constant 3 : i32
    %dma_wait3A_604 = arith.constant 1024 : i32
    %dma_wait3A_605 = tpu.memref_slice %arg9[%dma_wait3A_602, %dma_wait3A_604] : memref<5x8192xf32, #tpu.memory_space<vmem>> -> memref<1x1024xf32, #tpu.memory_space<vmem>>
    %dma_wait3A_606 = tpu.memref_squeeze %dma_wait3A_605 : memref<1x1024xf32, #tpu.memory_space<vmem>> -> memref<1024xf32, #tpu.memory_space<vmem>>
    %dma_wait3A_607 = tpu.memref_slice %arg5[%add3A_577] : memref<52428800xf32, #tpu.memory_space<hbm>> -> memref<1024xf32, #tpu.memory_space<hbm>>
    %dma_wait3A_608 = tpu.memref_slice %arg11[%dma_wait3A_603] : memref<5x!tpu.dma_semaphore, #tpu.memory_space<semaphore_mem>> -> memref<1x!tpu.dma_semaphore, #tpu.memory_space<semaphore_mem>>
    %dma_wait3A_609 = tpu.memref_squeeze %dma_wait3A_608 : memref<1x!tpu.dma_semaphore, #tpu.memory_space<semaphore_mem>> -> memref<!tpu.dma_semaphore, #tpu.memory_space<semaphore_mem>>
    %dma_wait3A_610 = tpu.memref_slice %arg5[%add3A_577] : memref<52428800xf32, #tpu.memory_space<hbm>> -> memref<1024xf32, #tpu.memory_space<hbm>>
    %dma_wait3A_611 = arith.constant 1024 : i32
    %dma_wait3A_612 = tpu.memref_slice %arg9[%dma_wait3A_602, %dma_wait3A_611] : memref<5x8192xf32, #tpu.memory_space<vmem>> -> memref<1x1024xf32, #tpu.memory_space<vmem>>
    %dma_wait3A_613 = tpu.memref_squeeze %dma_wait3A_612 : memref<1x1024xf32, #tpu.memory_space<vmem>> -> memref<1024xf32, #tpu.memory_space<vmem>>
    tpu.wait_dma2 semaphore(%dma_wait3A_609 : memref<!tpu.dma_semaphore, #tpu.memory_space<semaphore_mem>>) src(%dma_wait3A_613 : memref<1024xf32, #tpu.memory_space<vmem>>) dst(%dma_wait3A_610 : memref<1024xf32, #tpu.memory_space<hbm>>)
    %dma_wait3A_614 = arith.constant 3 : i32
    %dma_wait3A_615 = arith.constant 3 : i32
    %dma_wait3A_616 = arith.constant 2048 : i32
    %dma_wait3A_617 = tpu.memref_slice %arg9[%dma_wait3A_614, %dma_wait3A_616] : memref<5x8192xf32, #tpu.memory_space<vmem>> -> memref<1x1024xf32, #tpu.memory_space<vmem>>
    %dma_wait3A_618 = tpu.memref_squeeze %dma_wait3A_617 : memref<1x1024xf32, #tpu.memory_space<vmem>> -> memref<1024xf32, #tpu.memory_space<vmem>>
    %dma_wait3A_619 = tpu.memref_slice %arg5[%add3A_579] : memref<52428800xf32, #tpu.memory_space<hbm>> -> memref<1024xf32, #tpu.memory_space<hbm>>
    %dma_wait3A_620 = tpu.memref_slice %arg11[%dma_wait3A_615] : memref<5x!tpu.dma_semaphore, #tpu.memory_space<semaphore_mem>> -> memref<1x!tpu.dma_semaphore, #tpu.memory_space<semaphore_mem>>
    %dma_wait3A_621 = tpu.memref_squeeze %dma_wait3A_620 : memref<1x!tpu.dma_semaphore, #tpu.memory_space<semaphore_mem>> -> memref<!tpu.dma_semaphore, #tpu.memory_space<semaphore_mem>>
    %dma_wait3A_622 = tpu.memref_slice %arg5[%add3A_579] : memref<52428800xf32, #tpu.memory_space<hbm>> -> memref<1024xf32, #tpu.memory_space<hbm>>
    %dma_wait3A_623 = arith.constant 2048 : i32
    %dma_wait3A_624 = tpu.memref_slice %arg9[%dma_wait3A_614, %dma_wait3A_623] : memref<5x8192xf32, #tpu.memory_space<vmem>> -> memref<1x1024xf32, #tpu.memory_space<vmem>>
    %dma_wait3A_625 = tpu.memref_squeeze %dma_wait3A_624 : memref<1x1024xf32, #tpu.memory_space<vmem>> -> memref<1024xf32, #tpu.memory_space<vmem>>
    tpu.wait_dma2 semaphore(%dma_wait3A_621 : memref<!tpu.dma_semaphore, #tpu.memory_space<semaphore_mem>>) src(%dma_wait3A_625 : memref<1024xf32, #tpu.memory_space<vmem>>) dst(%dma_wait3A_622 : memref<1024xf32, #tpu.memory_space<hbm>>)
    %dma_wait3A_626 = arith.constant 3 : i32
    %dma_wait3A_627 = arith.constant 3 : i32
    %dma_wait3A_628 = arith.constant 3072 : i32
    %dma_wait3A_629 = tpu.memref_slice %arg9[%dma_wait3A_626, %dma_wait3A_628] : memref<5x8192xf32, #tpu.memory_space<vmem>> -> memref<1x1024xf32, #tpu.memory_space<vmem>>
    %dma_wait3A_630 = tpu.memref_squeeze %dma_wait3A_629 : memref<1x1024xf32, #tpu.memory_space<vmem>> -> memref<1024xf32, #tpu.memory_space<vmem>>
    %dma_wait3A_631 = tpu.memref_slice %arg5[%add3A_581] : memref<52428800xf32, #tpu.memory_space<hbm>> -> memref<1024xf32, #tpu.memory_space<hbm>>
    %dma_wait3A_632 = tpu.memref_slice %arg11[%dma_wait3A_627] : memref<5x!tpu.dma_semaphore, #tpu.memory_space<semaphore_mem>> -> memref<1x!tpu.dma_semaphore, #tpu.memory_space<semaphore_mem>>
    %dma_wait3A_633 = tpu.memref_squeeze %dma_wait3A_632 : memref<1x!tpu.dma_semaphore, #tpu.memory_space<semaphore_mem>> -> memref<!tpu.dma_semaphore, #tpu.memory_space<semaphore_mem>>
    %dma_wait3A_634 = tpu.memref_slice %arg5[%add3A_581] : memref<52428800xf32, #tpu.memory_space<hbm>> -> memref<1024xf32, #tpu.memory_space<hbm>>
    %dma_wait3A_635 = arith.constant 3072 : i32
    %dma_wait3A_636 = tpu.memref_slice %arg9[%dma_wait3A_626, %dma_wait3A_635] : memref<5x8192xf32, #tpu.memory_space<vmem>> -> memref<1x1024xf32, #tpu.memory_space<vmem>>
    %dma_wait3A_637 = tpu.memref_squeeze %dma_wait3A_636 : memref<1x1024xf32, #tpu.memory_space<vmem>> -> memref<1024xf32, #tpu.memory_space<vmem>>
    tpu.wait_dma2 semaphore(%dma_wait3A_633 : memref<!tpu.dma_semaphore, #tpu.memory_space<semaphore_mem>>) src(%dma_wait3A_637 : memref<1024xf32, #tpu.memory_space<vmem>>) dst(%dma_wait3A_634 : memref<1024xf32, #tpu.memory_space<hbm>>)
    %dma_wait3A_638 = arith.constant 3 : i32
    %dma_wait3A_639 = arith.constant 3 : i32
    %dma_wait3A_640 = arith.constant 4096 : i32
    %dma_wait3A_641 = tpu.memref_slice %arg9[%dma_wait3A_638, %dma_wait3A_640] : memref<5x8192xf32, #tpu.memory_space<vmem>> -> memref<1x1024xf32, #tpu.memory_space<vmem>>
    %dma_wait3A_642 = tpu.memref_squeeze %dma_wait3A_641 : memref<1x1024xf32, #tpu.memory_space<vmem>> -> memref<1024xf32, #tpu.memory_space<vmem>>
    %dma_wait3A_643 = tpu.memref_slice %arg5[%add3A_583] : memref<52428800xf32, #tpu.memory_space<hbm>> -> memref<1024xf32, #tpu.memory_space<hbm>>
    %dma_wait3A_644 = tpu.memref_slice %arg11[%dma_wait3A_639] : memref<5x!tpu.dma_semaphore, #tpu.memory_space<semaphore_mem>> -> memref<1x!tpu.dma_semaphore, #tpu.memory_space<semaphore_mem>>
    %dma_wait3A_645 = tpu.memref_squeeze %dma_wait3A_644 : memref<1x!tpu.dma_semaphore, #tpu.memory_space<semaphore_mem>> -> memref<!tpu.dma_semaphore, #tpu.memory_space<semaphore_mem>>
    %dma_wait3A_646 = tpu.memref_slice %arg5[%add3A_583] : memref<52428800xf32, #tpu.memory_space<hbm>> -> memref<1024xf32, #tpu.memory_space<hbm>>
    %dma_wait3A_647 = arith.constant 4096 : i32
    %dma_wait3A_648 = tpu.memref_slice %arg9[%dma_wait3A_638, %dma_wait3A_647] : memref<5x8192xf32, #tpu.memory_space<vmem>> -> memref<1x1024xf32, #tpu.memory_space<vmem>>
    %dma_wait3A_649 = tpu.memref_squeeze %dma_wait3A_648 : memref<1x1024xf32, #tpu.memory_space<vmem>> -> memref<1024xf32, #tpu.memory_space<vmem>>
    tpu.wait_dma2 semaphore(%dma_wait3A_645 : memref<!tpu.dma_semaphore, #tpu.memory_space<semaphore_mem>>) src(%dma_wait3A_649 : memref<1024xf32, #tpu.memory_space<vmem>>) dst(%dma_wait3A_646 : memref<1024xf32, #tpu.memory_space<hbm>>)
    %dma_wait3A_650 = arith.constant 3 : i32
    %dma_wait3A_651 = arith.constant 3 : i32
    %dma_wait3A_652 = arith.constant 5120 : i32
    %dma_wait3A_653 = tpu.memref_slice %arg9[%dma_wait3A_650, %dma_wait3A_652] : memref<5x8192xf32, #tpu.memory_space<vmem>> -> memref<1x1024xf32, #tpu.memory_space<vmem>>
    %dma_wait3A_654 = tpu.memref_squeeze %dma_wait3A_653 : memref<1x1024xf32, #tpu.memory_space<vmem>> -> memref<1024xf32, #tpu.memory_space<vmem>>
    %dma_wait3A_655 = tpu.memref_slice %arg5[%add3A_585] : memref<52428800xf32, #tpu.memory_space<hbm>> -> memref<1024xf32, #tpu.memory_space<hbm>>
    %dma_wait3A_656 = tpu.memref_slice %arg11[%dma_wait3A_651] : memref<5x!tpu.dma_semaphore, #tpu.memory_space<semaphore_mem>> -> memref<1x!tpu.dma_semaphore, #tpu.memory_space<semaphore_mem>>
    %dma_wait3A_657 = tpu.memref_squeeze %dma_wait3A_656 : memref<1x!tpu.dma_semaphore, #tpu.memory_space<semaphore_mem>> -> memref<!tpu.dma_semaphore, #tpu.memory_space<semaphore_mem>>
    %dma_wait3A_658 = tpu.memref_slice %arg5[%add3A_585] : memref<52428800xf32, #tpu.memory_space<hbm>> -> memref<1024xf32, #tpu.memory_space<hbm>>
    %dma_wait3A_659 = arith.constant 5120 : i32
    %dma_wait3A_660 = tpu.memref_slice %arg9[%dma_wait3A_650, %dma_wait3A_659] : memref<5x8192xf32, #tpu.memory_space<vmem>> -> memref<1x1024xf32, #tpu.memory_space<vmem>>
    %dma_wait3A_661 = tpu.memref_squeeze %dma_wait3A_660 : memref<1x1024xf32, #tpu.memory_space<vmem>> -> memref<1024xf32, #tpu.memory_space<vmem>>
    tpu.wait_dma2 semaphore(%dma_wait3A_657 : memref<!tpu.dma_semaphore, #tpu.memory_space<semaphore_mem>>) src(%dma_wait3A_661 : memref<1024xf32, #tpu.memory_space<vmem>>) dst(%dma_wait3A_658 : memref<1024xf32, #tpu.memory_space<hbm>>)
    %dma_wait3A_662 = arith.constant 3 : i32
    %dma_wait3A_663 = arith.constant 3 : i32
    %dma_wait3A_664 = arith.constant 6144 : i32
    %dma_wait3A_665 = tpu.memref_slice %arg9[%dma_wait3A_662, %dma_wait3A_664] : memref<5x8192xf32, #tpu.memory_space<vmem>> -> memref<1x1024xf32, #tpu.memory_space<vmem>>
    %dma_wait3A_666 = tpu.memref_squeeze %dma_wait3A_665 : memref<1x1024xf32, #tpu.memory_space<vmem>> -> memref<1024xf32, #tpu.memory_space<vmem>>
    %dma_wait3A_667 = tpu.memref_slice %arg5[%add3A_587] : memref<52428800xf32, #tpu.memory_space<hbm>> -> memref<1024xf32, #tpu.memory_space<hbm>>
    %dma_wait3A_668 = tpu.memref_slice %arg11[%dma_wait3A_663] : memref<5x!tpu.dma_semaphore, #tpu.memory_space<semaphore_mem>> -> memref<1x!tpu.dma_semaphore, #tpu.memory_space<semaphore_mem>>
    %dma_wait3A_669 = tpu.memref_squeeze %dma_wait3A_668 : memref<1x!tpu.dma_semaphore, #tpu.memory_space<semaphore_mem>> -> memref<!tpu.dma_semaphore, #tpu.memory_space<semaphore_mem>>
    %dma_wait3A_670 = tpu.memref_slice %arg5[%add3A_587] : memref<52428800xf32, #tpu.memory_space<hbm>> -> memref<1024xf32, #tpu.memory_space<hbm>>
    %dma_wait3A_671 = arith.constant 6144 : i32
    %dma_wait3A_672 = tpu.memref_slice %arg9[%dma_wait3A_662, %dma_wait3A_671] : memref<5x8192xf32, #tpu.memory_space<vmem>> -> memref<1x1024xf32, #tpu.memory_space<vmem>>
    %dma_wait3A_673 = tpu.memref_squeeze %dma_wait3A_672 : memref<1x1024xf32, #tpu.memory_space<vmem>> -> memref<1024xf32, #tpu.memory_space<vmem>>
    tpu.wait_dma2 semaphore(%dma_wait3A_669 : memref<!tpu.dma_semaphore, #tpu.memory_space<semaphore_mem>>) src(%dma_wait3A_673 : memref<1024xf32, #tpu.memory_space<vmem>>) dst(%dma_wait3A_670 : memref<1024xf32, #tpu.memory_space<hbm>>)
    %dma_wait3A_674 = arith.constant 3 : i32
    %dma_wait3A_675 = arith.constant 3 : i32
    %dma_wait3A_676 = arith.constant 7168 : i32
    %dma_wait3A_677 = tpu.memref_slice %arg9[%dma_wait3A_674, %dma_wait3A_676] : memref<5x8192xf32, #tpu.memory_space<vmem>> -> memref<1x1024xf32, #tpu.memory_space<vmem>>
    %dma_wait3A_678 = tpu.memref_squeeze %dma_wait3A_677 : memref<1x1024xf32, #tpu.memory_space<vmem>> -> memref<1024xf32, #tpu.memory_space<vmem>>
    %dma_wait3A_679 = tpu.memref_slice %arg5[%add3A_589] : memref<52428800xf32, #tpu.memory_space<hbm>> -> memref<1024xf32, #tpu.memory_space<hbm>>
    %dma_wait3A_680 = tpu.memref_slice %arg11[%dma_wait3A_675] : memref<5x!tpu.dma_semaphore, #tpu.memory_space<semaphore_mem>> -> memref<1x!tpu.dma_semaphore, #tpu.memory_space<semaphore_mem>>
    %dma_wait3A_681 = tpu.memref_squeeze %dma_wait3A_680 : memref<1x!tpu.dma_semaphore, #tpu.memory_space<semaphore_mem>> -> memref<!tpu.dma_semaphore, #tpu.memory_space<semaphore_mem>>
    %dma_wait3A_682 = tpu.memref_slice %arg5[%add3A_589] : memref<52428800xf32, #tpu.memory_space<hbm>> -> memref<1024xf32, #tpu.memory_space<hbm>>
    %dma_wait3A_683 = arith.constant 7168 : i32
    %dma_wait3A_684 = tpu.memref_slice %arg9[%dma_wait3A_674, %dma_wait3A_683] : memref<5x8192xf32, #tpu.memory_space<vmem>> -> memref<1x1024xf32, #tpu.memory_space<vmem>>
    %dma_wait3A_685 = tpu.memref_squeeze %dma_wait3A_684 : memref<1x1024xf32, #tpu.memory_space<vmem>> -> memref<1024xf32, #tpu.memory_space<vmem>>
    tpu.wait_dma2 semaphore(%dma_wait3A_681 : memref<!tpu.dma_semaphore, #tpu.memory_space<semaphore_mem>>) src(%dma_wait3A_685 : memref<1024xf32, #tpu.memory_space<vmem>>) dst(%dma_wait3A_682 : memref<1024xf32, #tpu.memory_space<hbm>>)
    %add3A_686 = arith.constant 195 : i32
    %add3A_687 = arith.addi %mul3A_2, %add3A_686 : i32
    %add3A_688 = arith.constant 4 : i32
    %add3A_689 = arith.addi %add3A_687, %add3A_688 : i32
    %jit3A_690 = arith.constant 32 : i32
    %div3A_691 = arith.divsi %add3A_689, %jit3A_690 : i32
    %sign3A_692 = arith.constant 0 : i32
    %sign3A_693 = arith.cmpi sgt, %add3A_689, %sign3A_692 : i32
    %sign3A_694 = arith.extui %sign3A_693 : i1 to i32
    %sign3A_695 = arith.constant 0 : i32
    %sign3A_696 = arith.cmpi slt, %add3A_689, %sign3A_695 : i32
    %sign3A_697 = arith.extui %sign3A_696 : i1 to i32
    %sign3A_698 = arith.subi %sign3A_694, %sign3A_697 : i32
    %sign3A_699 = arith.constant 0 : i32
    %sign3A_700 = arith.cmpi sgt, %jit3A_690, %sign3A_699 : i32
    %sign3A_701 = arith.extui %sign3A_700 : i1 to i32
    %sign3A_702 = arith.constant 0 : i32
    %sign3A_703 = arith.cmpi slt, %jit3A_690, %sign3A_702 : i32
    %sign3A_704 = arith.extui %sign3A_703 : i1 to i32
    %sign3A_705 = arith.subi %sign3A_701, %sign3A_704 : i32
    %ne3A_706 = arith.cmpi ne, %sign3A_698, %sign3A_705 : i32
    %rem3A_707 = arith.remsi %add3A_689, %jit3A_690 : i32
    %ne3A_708 = arith.constant 0 : i32
    %ne3A_709 = arith.cmpi ne, %rem3A_707, %ne3A_708 : i32
    %and3A_710 = arith.andi %ne3A_706, %ne3A_709 : i1
    %sub3A_711 = arith.constant 1 : i32
    %sub3A_712 = arith.subi %div3A_691, %sub3A_711 : i32
    %select_n3A_713 = arith.select %and3A_710, %sub3A_712, %div3A_691 : i32
    %rem3A_714 = arith.constant 32 : i32
    %rem3A_715 = arith.remsi %add3A_689, %rem3A_714 : i32
    %mul3A_716 = arith.constant 8 : i32
    %mul3A_717 = arith.muli %select_n3A_713, %mul3A_716 : i32
    %mul3A_718 = arith.constant 32 : i32
    %mul3A_719 = arith.muli %mul3A_717, %mul3A_718 : i32
    %add3A_720 = arith.addi %mul3A_719, %rem3A_715 : i32
    %mul3A_721 = arith.constant 1024 : i32
    %mul3A_722 = arith.muli %add3A_720, %mul3A_721 : i32
    %add3A_723 = arith.constant 0 : i32
    %add3A_724 = arith.addi %mul3A_722, %add3A_723 : i32
    %add3A_725 = arith.constant 32768 : i32
    %add3A_726 = arith.addi %mul3A_722, %add3A_725 : i32
    %add3A_727 = arith.constant 65536 : i32
    %add3A_728 = arith.addi %mul3A_722, %add3A_727 : i32
    %add3A_729 = arith.constant 98304 : i32
    %add3A_730 = arith.addi %mul3A_722, %add3A_729 : i32
    %add3A_731 = arith.constant 131072 : i32
    %add3A_732 = arith.addi %mul3A_722, %add3A_731 : i32
    %add3A_733 = arith.constant 163840 : i32
    %add3A_734 = arith.addi %mul3A_722, %add3A_733 : i32
    %add3A_735 = arith.constant 196608 : i32
    %add3A_736 = arith.addi %mul3A_722, %add3A_735 : i32
    %add3A_737 = arith.constant 229376 : i32
    %add3A_738 = arith.addi %mul3A_722, %add3A_737 : i32
    %dma_wait3A_739 = arith.constant 4 : i32
    %dma_wait3A_740 = arith.constant 4 : i32
    %dma_wait3A_741 = arith.constant 0 : i32
    %dma_wait3A_742 = tpu.memref_slice %arg9[%dma_wait3A_739, %dma_wait3A_741] : memref<5x8192xf32, #tpu.memory_space<vmem>> -> memref<1x1024xf32, #tpu.memory_space<vmem>>
    %dma_wait3A_743 = tpu.memref_squeeze %dma_wait3A_742 : memref<1x1024xf32, #tpu.memory_space<vmem>> -> memref<1024xf32, #tpu.memory_space<vmem>>
    %dma_wait3A_744 = tpu.memref_slice %arg5[%add3A_724] : memref<52428800xf32, #tpu.memory_space<hbm>> -> memref<1024xf32, #tpu.memory_space<hbm>>
    %dma_wait3A_745 = tpu.memref_slice %arg11[%dma_wait3A_740] : memref<5x!tpu.dma_semaphore, #tpu.memory_space<semaphore_mem>> -> memref<1x!tpu.dma_semaphore, #tpu.memory_space<semaphore_mem>>
    %dma_wait3A_746 = tpu.memref_squeeze %dma_wait3A_745 : memref<1x!tpu.dma_semaphore, #tpu.memory_space<semaphore_mem>> -> memref<!tpu.dma_semaphore, #tpu.memory_space<semaphore_mem>>
    %dma_wait3A_747 = tpu.memref_slice %arg5[%add3A_724] : memref<52428800xf32, #tpu.memory_space<hbm>> -> memref<1024xf32, #tpu.memory_space<hbm>>
    %dma_wait3A_748 = arith.constant 0 : i32
    %dma_wait3A_749 = tpu.memref_slice %arg9[%dma_wait3A_739, %dma_wait3A_748] : memref<5x8192xf32, #tpu.memory_space<vmem>> -> memref<1x1024xf32, #tpu.memory_space<vmem>>
    %dma_wait3A_750 = tpu.memref_squeeze %dma_wait3A_749 : memref<1x1024xf32, #tpu.memory_space<vmem>> -> memref<1024xf32, #tpu.memory_space<vmem>>
    tpu.wait_dma2 semaphore(%dma_wait3A_746 : memref<!tpu.dma_semaphore, #tpu.memory_space<semaphore_mem>>) src(%dma_wait3A_750 : memref<1024xf32, #tpu.memory_space<vmem>>) dst(%dma_wait3A_747 : memref<1024xf32, #tpu.memory_space<hbm>>)
    %dma_wait3A_751 = arith.constant 4 : i32
    %dma_wait3A_752 = arith.constant 4 : i32
    %dma_wait3A_753 = arith.constant 1024 : i32
    %dma_wait3A_754 = tpu.memref_slice %arg9[%dma_wait3A_751, %dma_wait3A_753] : memref<5x8192xf32, #tpu.memory_space<vmem>> -> memref<1x1024xf32, #tpu.memory_space<vmem>>
    %dma_wait3A_755 = tpu.memref_squeeze %dma_wait3A_754 : memref<1x1024xf32, #tpu.memory_space<vmem>> -> memref<1024xf32, #tpu.memory_space<vmem>>
    %dma_wait3A_756 = tpu.memref_slice %arg5[%add3A_726] : memref<52428800xf32, #tpu.memory_space<hbm>> -> memref<1024xf32, #tpu.memory_space<hbm>>
    %dma_wait3A_757 = tpu.memref_slice %arg11[%dma_wait3A_752] : memref<5x!tpu.dma_semaphore, #tpu.memory_space<semaphore_mem>> -> memref<1x!tpu.dma_semaphore, #tpu.memory_space<semaphore_mem>>
    %dma_wait3A_758 = tpu.memref_squeeze %dma_wait3A_757 : memref<1x!tpu.dma_semaphore, #tpu.memory_space<semaphore_mem>> -> memref<!tpu.dma_semaphore, #tpu.memory_space<semaphore_mem>>
    %dma_wait3A_759 = tpu.memref_slice %arg5[%add3A_726] : memref<52428800xf32, #tpu.memory_space<hbm>> -> memref<1024xf32, #tpu.memory_space<hbm>>
    %dma_wait3A_760 = arith.constant 1024 : i32
    %dma_wait3A_761 = tpu.memref_slice %arg9[%dma_wait3A_751, %dma_wait3A_760] : memref<5x8192xf32, #tpu.memory_space<vmem>> -> memref<1x1024xf32, #tpu.memory_space<vmem>>
    %dma_wait3A_762 = tpu.memref_squeeze %dma_wait3A_761 : memref<1x1024xf32, #tpu.memory_space<vmem>> -> memref<1024xf32, #tpu.memory_space<vmem>>
    tpu.wait_dma2 semaphore(%dma_wait3A_758 : memref<!tpu.dma_semaphore, #tpu.memory_space<semaphore_mem>>) src(%dma_wait3A_762 : memref<1024xf32, #tpu.memory_space<vmem>>) dst(%dma_wait3A_759 : memref<1024xf32, #tpu.memory_space<hbm>>)
    %dma_wait3A_763 = arith.constant 4 : i32
    %dma_wait3A_764 = arith.constant 4 : i32
    %dma_wait3A_765 = arith.constant 2048 : i32
    %dma_wait3A_766 = tpu.memref_slice %arg9[%dma_wait3A_763, %dma_wait3A_765] : memref<5x8192xf32, #tpu.memory_space<vmem>> -> memref<1x1024xf32, #tpu.memory_space<vmem>>
    %dma_wait3A_767 = tpu.memref_squeeze %dma_wait3A_766 : memref<1x1024xf32, #tpu.memory_space<vmem>> -> memref<1024xf32, #tpu.memory_space<vmem>>
    %dma_wait3A_768 = tpu.memref_slice %arg5[%add3A_728] : memref<52428800xf32, #tpu.memory_space<hbm>> -> memref<1024xf32, #tpu.memory_space<hbm>>
    %dma_wait3A_769 = tpu.memref_slice %arg11[%dma_wait3A_764] : memref<5x!tpu.dma_semaphore, #tpu.memory_space<semaphore_mem>> -> memref<1x!tpu.dma_semaphore, #tpu.memory_space<semaphore_mem>>
    %dma_wait3A_770 = tpu.memref_squeeze %dma_wait3A_769 : memref<1x!tpu.dma_semaphore, #tpu.memory_space<semaphore_mem>> -> memref<!tpu.dma_semaphore, #tpu.memory_space<semaphore_mem>>
    %dma_wait3A_771 = tpu.memref_slice %arg5[%add3A_728] : memref<52428800xf32, #tpu.memory_space<hbm>> -> memref<1024xf32, #tpu.memory_space<hbm>>
    %dma_wait3A_772 = arith.constant 2048 : i32
    %dma_wait3A_773 = tpu.memref_slice %arg9[%dma_wait3A_763, %dma_wait3A_772] : memref<5x8192xf32, #tpu.memory_space<vmem>> -> memref<1x1024xf32, #tpu.memory_space<vmem>>
    %dma_wait3A_774 = tpu.memref_squeeze %dma_wait3A_773 : memref<1x1024xf32, #tpu.memory_space<vmem>> -> memref<1024xf32, #tpu.memory_space<vmem>>
    tpu.wait_dma2 semaphore(%dma_wait3A_770 : memref<!tpu.dma_semaphore, #tpu.memory_space<semaphore_mem>>) src(%dma_wait3A_774 : memref<1024xf32, #tpu.memory_space<vmem>>) dst(%dma_wait3A_771 : memref<1024xf32, #tpu.memory_space<hbm>>)
    %dma_wait3A_775 = arith.constant 4 : i32
    %dma_wait3A_776 = arith.constant 4 : i32
    %dma_wait3A_777 = arith.constant 3072 : i32
    %dma_wait3A_778 = tpu.memref_slice %arg9[%dma_wait3A_775, %dma_wait3A_777] : memref<5x8192xf32, #tpu.memory_space<vmem>> -> memref<1x1024xf32, #tpu.memory_space<vmem>>
    %dma_wait3A_779 = tpu.memref_squeeze %dma_wait3A_778 : memref<1x1024xf32, #tpu.memory_space<vmem>> -> memref<1024xf32, #tpu.memory_space<vmem>>
    %dma_wait3A_780 = tpu.memref_slice %arg5[%add3A_730] : memref<52428800xf32, #tpu.memory_space<hbm>> -> memref<1024xf32, #tpu.memory_space<hbm>>
    %dma_wait3A_781 = tpu.memref_slice %arg11[%dma_wait3A_776] : memref<5x!tpu.dma_semaphore, #tpu.memory_space<semaphore_mem>> -> memref<1x!tpu.dma_semaphore, #tpu.memory_space<semaphore_mem>>
    %dma_wait3A_782 = tpu.memref_squeeze %dma_wait3A_781 : memref<1x!tpu.dma_semaphore, #tpu.memory_space<semaphore_mem>> -> memref<!tpu.dma_semaphore, #tpu.memory_space<semaphore_mem>>
    %dma_wait3A_783 = tpu.memref_slice %arg5[%add3A_730] : memref<52428800xf32, #tpu.memory_space<hbm>> -> memref<1024xf32, #tpu.memory_space<hbm>>
    %dma_wait3A_784 = arith.constant 3072 : i32
    %dma_wait3A_785 = tpu.memref_slice %arg9[%dma_wait3A_775, %dma_wait3A_784] : memref<5x8192xf32, #tpu.memory_space<vmem>> -> memref<1x1024xf32, #tpu.memory_space<vmem>>
    %dma_wait3A_786 = tpu.memref_squeeze %dma_wait3A_785 : memref<1x1024xf32, #tpu.memory_space<vmem>> -> memref<1024xf32, #tpu.memory_space<vmem>>
    tpu.wait_dma2 semaphore(%dma_wait3A_782 : memref<!tpu.dma_semaphore, #tpu.memory_space<semaphore_mem>>) src(%dma_wait3A_786 : memref<1024xf32, #tpu.memory_space<vmem>>) dst(%dma_wait3A_783 : memref<1024xf32, #tpu.memory_space<hbm>>)
    %dma_wait3A_787 = arith.constant 4 : i32
    %dma_wait3A_788 = arith.constant 4 : i32
    %dma_wait3A_789 = arith.constant 4096 : i32
    %dma_wait3A_790 = tpu.memref_slice %arg9[%dma_wait3A_787, %dma_wait3A_789] : memref<5x8192xf32, #tpu.memory_space<vmem>> -> memref<1x1024xf32, #tpu.memory_space<vmem>>
    %dma_wait3A_791 = tpu.memref_squeeze %dma_wait3A_790 : memref<1x1024xf32, #tpu.memory_space<vmem>> -> memref<1024xf32, #tpu.memory_space<vmem>>
    %dma_wait3A_792 = tpu.memref_slice %arg5[%add3A_732] : memref<52428800xf32, #tpu.memory_space<hbm>> -> memref<1024xf32, #tpu.memory_space<hbm>>
    %dma_wait3A_793 = tpu.memref_slice %arg11[%dma_wait3A_788] : memref<5x!tpu.dma_semaphore, #tpu.memory_space<semaphore_mem>> -> memref<1x!tpu.dma_semaphore, #tpu.memory_space<semaphore_mem>>
    %dma_wait3A_794 = tpu.memref_squeeze %dma_wait3A_793 : memref<1x!tpu.dma_semaphore, #tpu.memory_space<semaphore_mem>> -> memref<!tpu.dma_semaphore, #tpu.memory_space<semaphore_mem>>
    %dma_wait3A_795 = tpu.memref_slice %arg5[%add3A_732] : memref<52428800xf32, #tpu.memory_space<hbm>> -> memref<1024xf32, #tpu.memory_space<hbm>>
    %dma_wait3A_796 = arith.constant 4096 : i32
    %dma_wait3A_797 = tpu.memref_slice %arg9[%dma_wait3A_787, %dma_wait3A_796] : memref<5x8192xf32, #tpu.memory_space<vmem>> -> memref<1x1024xf32, #tpu.memory_space<vmem>>
    %dma_wait3A_798 = tpu.memref_squeeze %dma_wait3A_797 : memref<1x1024xf32, #tpu.memory_space<vmem>> -> memref<1024xf32, #tpu.memory_space<vmem>>
    tpu.wait_dma2 semaphore(%dma_wait3A_794 : memref<!tpu.dma_semaphore, #tpu.memory_space<semaphore_mem>>) src(%dma_wait3A_798 : memref<1024xf32, #tpu.memory_space<vmem>>) dst(%dma_wait3A_795 : memref<1024xf32, #tpu.memory_space<hbm>>)
    %dma_wait3A_799 = arith.constant 4 : i32
    %dma_wait3A_800 = arith.constant 4 : i32
    %dma_wait3A_801 = arith.constant 5120 : i32
    %dma_wait3A_802 = tpu.memref_slice %arg9[%dma_wait3A_799, %dma_wait3A_801] : memref<5x8192xf32, #tpu.memory_space<vmem>> -> memref<1x1024xf32, #tpu.memory_space<vmem>>
    %dma_wait3A_803 = tpu.memref_squeeze %dma_wait3A_802 : memref<1x1024xf32, #tpu.memory_space<vmem>> -> memref<1024xf32, #tpu.memory_space<vmem>>
    %dma_wait3A_804 = tpu.memref_slice %arg5[%add3A_734] : memref<52428800xf32, #tpu.memory_space<hbm>> -> memref<1024xf32, #tpu.memory_space<hbm>>
    %dma_wait3A_805 = tpu.memref_slice %arg11[%dma_wait3A_800] : memref<5x!tpu.dma_semaphore, #tpu.memory_space<semaphore_mem>> -> memref<1x!tpu.dma_semaphore, #tpu.memory_space<semaphore_mem>>
    %dma_wait3A_806 = tpu.memref_squeeze %dma_wait3A_805 : memref<1x!tpu.dma_semaphore, #tpu.memory_space<semaphore_mem>> -> memref<!tpu.dma_semaphore, #tpu.memory_space<semaphore_mem>>
    %dma_wait3A_807 = tpu.memref_slice %arg5[%add3A_734] : memref<52428800xf32, #tpu.memory_space<hbm>> -> memref<1024xf32, #tpu.memory_space<hbm>>
    %dma_wait3A_808 = arith.constant 5120 : i32
    %dma_wait3A_809 = tpu.memref_slice %arg9[%dma_wait3A_799, %dma_wait3A_808] : memref<5x8192xf32, #tpu.memory_space<vmem>> -> memref<1x1024xf32, #tpu.memory_space<vmem>>
    %dma_wait3A_810 = tpu.memref_squeeze %dma_wait3A_809 : memref<1x1024xf32, #tpu.memory_space<vmem>> -> memref<1024xf32, #tpu.memory_space<vmem>>
    tpu.wait_dma2 semaphore(%dma_wait3A_806 : memref<!tpu.dma_semaphore, #tpu.memory_space<semaphore_mem>>) src(%dma_wait3A_810 : memref<1024xf32, #tpu.memory_space<vmem>>) dst(%dma_wait3A_807 : memref<1024xf32, #tpu.memory_space<hbm>>)
    %dma_wait3A_811 = arith.constant 4 : i32
    %dma_wait3A_812 = arith.constant 4 : i32
    %dma_wait3A_813 = arith.constant 6144 : i32
    %dma_wait3A_814 = tpu.memref_slice %arg9[%dma_wait3A_811, %dma_wait3A_813] : memref<5x8192xf32, #tpu.memory_space<vmem>> -> memref<1x1024xf32, #tpu.memory_space<vmem>>
    %dma_wait3A_815 = tpu.memref_squeeze %dma_wait3A_814 : memref<1x1024xf32, #tpu.memory_space<vmem>> -> memref<1024xf32, #tpu.memory_space<vmem>>
    %dma_wait3A_816 = tpu.memref_slice %arg5[%add3A_736] : memref<52428800xf32, #tpu.memory_space<hbm>> -> memref<1024xf32, #tpu.memory_space<hbm>>
    %dma_wait3A_817 = tpu.memref_slice %arg11[%dma_wait3A_812] : memref<5x!tpu.dma_semaphore, #tpu.memory_space<semaphore_mem>> -> memref<1x!tpu.dma_semaphore, #tpu.memory_space<semaphore_mem>>
    %dma_wait3A_818 = tpu.memref_squeeze %dma_wait3A_817 : memref<1x!tpu.dma_semaphore, #tpu.memory_space<semaphore_mem>> -> memref<!tpu.dma_semaphore, #tpu.memory_space<semaphore_mem>>
    %dma_wait3A_819 = tpu.memref_slice %arg5[%add3A_736] : memref<52428800xf32, #tpu.memory_space<hbm>> -> memref<1024xf32, #tpu.memory_space<hbm>>
    %dma_wait3A_820 = arith.constant 6144 : i32
    %dma_wait3A_821 = tpu.memref_slice %arg9[%dma_wait3A_811, %dma_wait3A_820] : memref<5x8192xf32, #tpu.memory_space<vmem>> -> memref<1x1024xf32, #tpu.memory_space<vmem>>
    %dma_wait3A_822 = tpu.memref_squeeze %dma_wait3A_821 : memref<1x1024xf32, #tpu.memory_space<vmem>> -> memref<1024xf32, #tpu.memory_space<vmem>>
    tpu.wait_dma2 semaphore(%dma_wait3A_818 : memref<!tpu.dma_semaphore, #tpu.memory_space<semaphore_mem>>) src(%dma_wait3A_822 : memref<1024xf32, #tpu.memory_space<vmem>>) dst(%dma_wait3A_819 : memref<1024xf32, #tpu.memory_space<hbm>>)
    %dma_wait3A_823 = arith.constant 4 : i32
    %dma_wait3A_824 = arith.constant 4 : i32
    %dma_wait3A_825 = arith.constant 7168 : i32
    %dma_wait3A_826 = tpu.memref_slice %arg9[%dma_wait3A_823, %dma_wait3A_825] : memref<5x8192xf32, #tpu.memory_space<vmem>> -> memref<1x1024xf32, #tpu.memory_space<vmem>>
    %dma_wait3A_827 = tpu.memref_squeeze %dma_wait3A_826 : memref<1x1024xf32, #tpu.memory_space<vmem>> -> memref<1024xf32, #tpu.memory_space<vmem>>
    %dma_wait3A_828 = tpu.memref_slice %arg5[%add3A_738] : memref<52428800xf32, #tpu.memory_space<hbm>> -> memref<1024xf32, #tpu.memory_space<hbm>>
    %dma_wait3A_829 = tpu.memref_slice %arg11[%dma_wait3A_824] : memref<5x!tpu.dma_semaphore, #tpu.memory_space<semaphore_mem>> -> memref<1x!tpu.dma_semaphore, #tpu.memory_space<semaphore_mem>>
    %dma_wait3A_830 = tpu.memref_squeeze %dma_wait3A_829 : memref<1x!tpu.dma_semaphore, #tpu.memory_space<semaphore_mem>> -> memref<!tpu.dma_semaphore, #tpu.memory_space<semaphore_mem>>
    %dma_wait3A_831 = tpu.memref_slice %arg5[%add3A_738] : memref<52428800xf32, #tpu.memory_space<hbm>> -> memref<1024xf32, #tpu.memory_space<hbm>>
    %dma_wait3A_832 = arith.constant 7168 : i32
    %dma_wait3A_833 = tpu.memref_slice %arg9[%dma_wait3A_823, %dma_wait3A_832] : memref<5x8192xf32, #tpu.memory_space<vmem>> -> memref<1x1024xf32, #tpu.memory_space<vmem>>
    %dma_wait3A_834 = tpu.memref_squeeze %dma_wait3A_833 : memref<1x1024xf32, #tpu.memory_space<vmem>> -> memref<1024xf32, #tpu.memory_space<vmem>>
    tpu.wait_dma2 semaphore(%dma_wait3A_830 : memref<!tpu.dma_semaphore, #tpu.memory_space<semaphore_mem>>) src(%dma_wait3A_834 : memref<1024xf32, #tpu.memory_space<vmem>>) dst(%dma_wait3A_831 : memref<1024xf32, #tpu.memory_space<hbm>>)
    return
  }
}

</mosaic_0001>

<sc_bundles>
// kernel: kernel.3.cloned.1.call-start
scs
__scs_entry_jumppad:
0x0: {  	(pc) =	sbr.rel $0x88, $3  }
0x1: {  	(tag) =	ssettag $0x0;
	lr =	simm.s32 $0x1  }
0x2: {  	[smem:$0x3F9F] =	sst lr;
	_ =	strace $0xD0000000  }
0x3: {  	_ = 	snop  }
0x4: {  	_ = 	snop  }
0x5: {  	_ = 	snop  }
0x6: {  	_ = 	snop  }
0x7: {  	_ = 	snop  }
__scs_overlays_trampoline_lowered:
0x8: {  	[smem:$0x3FAE] =	sst s0  }
0x9: {  	[smem:$0x3FAF] =	sst s1  }
0xa: {  	[smem:$0x3FB0] =	sst s2  }
0xb: {  	[smem:$0x3FB1] =	sst s3  }
0xc: {  	[smem:$0x3FB2] =	sst s4  }
0xd: {  	[smem:$0x3FB3] =	sst s5  }
0xe: {  	[smem:$0x3FB4] =	sst s6  }
0xf: {  	[smem:$0x3FB5] =	sst s7  }
0x10: {  	[smem:$0x3FB6] =	sst s8  }
0x11: {  	[smem:$0x3FB7] =	sst s9;
	s0 =	simm.s32 @!p0 $0x0  }
0x12: {  	s1 =	sld [smem:$0x3F9D];
	s0 =	simm.s32 @p0 $0x1  }
0x13: {  	[smem:$0x3FB8] =	sst s0;
	s0 =	simm.s32 @!p1 $0x0  }
0x14: {  	s2 =	sld [smem:$0x3F9C];
	s0 =	simm.s32 @p1 $0x1  }
0x15: {  	[smem:$0x3FB9] =	sst s0;
	s0 =	simm.s32 @!p2 $0x0  }
0x16: {  	s3 =	sld [smem:$0x3FDB];
	s0 =	simm.s32 @p2 $0x1  }
0x17: {  	s4 =	simm.s32 $0x1BF5;
	[smem:$0x3FBB] =	sst s0  }
0x18: {  	s0 =	sld [smem:$0x3F9E];
	_ =	swait.ge [sflag:s4], $0x0  }
0x19: {  	s7 =	sld [smem:$0x3F9F]  }
0x1a: {  	s8 =	sadd.s32 $0xFFFFE003, lr  }
0x1b: {  	s9 =	sadd.s32 $0xFFFFFEF7, lr;
	s5 =	simm.s32 $0xFFFFFFFF;
	p2 =	slt.u32 s8, $0xFFFFF086  }
0x1c: {  	p1 =	slt.u32 s9, $0xF7A;
	s5 =	simm.s32 @!p2 $0x0  }
0x1d: {  	s5 =	simm.s32 @p1 $0x1;
	p0 =	seq.s32 s7, s2  }
0x1e: {  	s7 =	smul.u32 @!p0 $0xF7A, s2;
	p2 =	seq.s32 @!p0 s5, $0x0  }
0x1f: {  	s9 =	smul.u32 $0xF7A, s1;
	s8 =	simm.s32 @!p0 $0x1BF5;
	p2 =	por !p2, p0  }
0x20: {  	[sflag:s8] =	ssyncset.s32 @!p0 $0xFFFFF086;
	s6 =	sadd.s32 @!p0 s3, s7;
	s7 =	simm.s32 @!p0 $0x108  }
0x21: {  	s3 =	sadd.s32 s3, s9;
	s6 =	sadd.s32 @!p0 $0x88, s6;
	s7 =	simm.s32 @p2 $0x1082  }
0x22: {  	[simem:s7], [sflag:s8] =	dma.local @!p0 [hbm:s6], $0xF7A  }
0x23: {  	s9 =	sor.u32 $0xD0000000, s2;
	s6 =	simm.s32 $0x108;
	_ =	swait.ge @!p0 [sflag:s8], $0x0  }
0x24: {  	s3 =	sadd.s32 $0x88, s3;
	s6 =	simm.s32 @!p1 $0x1082;
	[sflag:s4] =	ssyncset.s32 $0xFFFFF086  }
0x25: {  	[simem:s6], [sflag:s4] =	dma.local [hbm:s3], $0xF7A  }
0x26: {  	[smem:$0x3F9F] =	sst s1;
	(tag) =	ssettag s2;
	_ =	strace s9  }
0x27: {  	s1 =	sld [smem:$0x3FAF]  }
0x28: {  	s2 =	sld [smem:$0x3FB0]  }
0x29: {  	s4 =	sld [smem:$0x3FB2]  }
0x2a: {  	p0 =	seq.s32 s5, $0x0;
	s5 =	sld [smem:$0x3FB3]  }
0x2b: {  	s6 =	sld [smem:$0x3FB4]  }
0x2c: {  	s7 =	sld [smem:$0x3FB5]  }
0x2d: {  	s3 =	simm.s32 $0x108;
	s8 =	sld [smem:$0x3FB6]  }
0x2e: {  	s3 =	simm.s32 @!p0 $0x1082;
	s9 =	sld [smem:$0x3FB7]  }
0x2f: {  	lr =	sadd.s32 s0, s3;
	s0 =	sld [smem:$0x3FAE]  }
0x30: {  	s3 =	sld [smem:$0x3FB1]  }
0x31: {  	[smem:$0x3FBA] =	sst s10  }
0x32: {  	s10 =	sld [smem:$0x3FB8];
	_ =	sdelay $0x3  }
0x33: {  	p0 =	seq.s32 s10, $0x1;
	s10 =	sld [smem:$0x3FBA];
	_ =	sdelay $0x3  }
0x34: {  	[smem:$0x3FBA] =	sst s10  }
0x35: {  	s10 =	sld [smem:$0x3FB9];
	_ =	sdelay $0x3  }
0x36: {  	p1 =	seq.s32 s10, $0x1;
	s10 =	sld [smem:$0x3FBA];
	_ =	sdelay $0x3  }
0x37: {  	[smem:$0x3FBA] =	sst s10  }
0x38: {  	s10 =	sld [smem:$0x3FBB]  }
0x39: {  	_ = 	snop;
	(pc) =	sbr.ind lr, $3  }
0x3a: {  	_ = 	snop  }
0x3b: {  	_ = 	snop  }
0x3c: {  	p2 =	seq.s32 s10, $0x1;
	s10 =	sld [smem:$0x3FBA]  }
0x3d: {  	_ =	shalt  }
0x3e: {  	_ =	shalt  }
0x3f: {  	_ =	shalt  }
0x40: {  	_ =	shalt  }
0x41: {  	_ =	shalt  }
0x42: {  	_ =	shalt  }
0x43: {  	_ =	shalt  }
0x44: {  	_ =	shalt  }
0x45: {  	_ =	shalt  }
0x46: {  	_ =	shalt  }
0x47: {  	_ =	shalt  }
0x48: {  	_ =	shalt  }
0x49: {  	_ =	shalt  }
0x4a: {  	_ =	shalt  }
0x4b: {  	_ =	shalt  }
0x4c: {  	_ =	shalt  }
0x4d: {  	_ =	shalt  }
0x4e: {  	_ =	shalt  }
0x4f: {  	_ =	shalt  }
0x50: {  	_ =	shalt  }
0x51: {  	_ =	shalt  }
0x52: {  	_ =	shalt  }
0x53: {  	_ =	shalt  }
0x54: {  	_ =	shalt  }
0x55: {  	_ =	shalt  }
0x56: {  	_ =	shalt  }
0x57: {  	_ =	shalt  }
0x58: {  	_ =	shalt  }
0x59: {  	_ =	shalt  }
0x5a: {  	_ =	shalt  }
0x5b: {  	_ =	shalt  }
0x5c: {  	_ =	shalt  }
0x5d: {  	_ =	shalt  }
0x5e: {  	_ =	shalt  }
0x5f: {  	_ =	shalt  }
0x60: {  	_ =	shalt  }
0x61: {  	_ =	shalt  }
0x62: {  	_ =	shalt  }
0x63: {  	_ =	shalt  }
0x64: {  	_ =	shalt  }
0x65: {  	_ =	shalt  }
0x66: {  	_ =	shalt  }
0x67: {  	_ =	shalt  }
0x68: {  	_ =	shalt  }
0x69: {  	_ =	shalt  }
0x6a: {  	_ =	shalt  }
0x6b: {  	_ =	shalt  }
0x6c: {  	_ =	shalt  }
0x6d: {  	_ =	shalt  }
0x6e: {  	_ =	shalt  }
0x6f: {  	_ =	shalt  }
0x70: {  	_ =	shalt  }
0x71: {  	_ =	shalt  }
0x72: {  	_ =	shalt  }
0x73: {  	_ =	shalt  }
0x74: {  	_ =	shalt  }
0x75: {  	_ =	shalt  }
0x76: {  	_ =	shalt  }
0x77: {  	_ =	shalt  }
0x78: {  	_ =	shalt  }
0x79: {  	_ =	shalt  }
0x7a: {  	_ =	shalt  }
0x7b: {  	_ =	shalt  }
0x7c: {  	_ =	shalt  }
0x7d: {  	_ =	shalt  }
0x7e: {  	_ =	shalt  }
0x7f: {  	_ =	shalt  }
0x80: {  	_ =	shalt  }
0x81: {  	_ =	shalt  }
0x82: {  	_ =	shalt  }
0x83: {  	_ =	shalt  }
0x84: {  	_ =	shalt  }
0x85: {  	_ =	shalt  }
0x86: {  	_ =	shalt  }
0x87: {  	_ =	shalt  }
.Lfunc_end0:
.L_simem_size_0:
called_computation_lowered:
.L_overlay_start_0:
0x88: {  	s2 =	sld [smem:$0x3FD9]  }
0x89: {  	s3 =	sld [smem:$0x3FFE];
	_ =	sdelay $0x1  }
0x8a: {  	s1 =	srdreg.scid  }
0x8b: {  	s0 =	sand.u32 $0x1, s1  }
0x8c: {  	s17 =	sshll.u32 s0, $0xA;
	s2 =	sadd.s32 s3, s2  }
0x8d: {  	s2 =	sadd.s32 s2, s17  }
0x8e: {  	[smem:$0x3FC6] =	sst s2  }
0x8f: {  	_ = 	snop  }
0x90: {  	s2 =	sld [smem:$0x3FD0];
	(tm) =	ssettm $0x1  }
0x91: {  	s18 =	sld [smem:$0x3FFB];
	_ =	sdelay $0x3  }
0x92: {  	_ =	strace s18  }
0x93: {  	s3 =	sld [smem:$0x3FFC];
	_ =	sdelay $0x3  }
0x94: {  	_ =	strace s3  }
0x95: {  	s3 =	sld [smem:$0x3FFD];
	_ =	sdelay $0x3  }
0x96: {  	_ =	strace s3  }
0x97: {  	_ =	strace $0x8FFFFFFF  }
0x98: {  	s19 =	sld [smem:$0x3FDB];
	_ =	sdelay $0x1  }
0x99: {  	s4 =	simm.s32 $_scs_section_size  }
0x9a: {  	s5 =	simm.s32 $_size__tile_overlayer_lowered;
	s6 =	simm.s32 $_tile_overlayer_lowered  }
0x9b: {  	s22 =	simm.s32 $0x1BFF;
	s21 =	sshll.u32 s6, $0x1;
	s3 =	sadd.s32 s4, s19  }
0x9c: {  	s7 =	simm.s32 $0x0;
	s20 =	sshll.u32 s5, $0x1;
	s5 =	sadd.s32 s21, s3  }
0x9d: {  	[timem:s7], [sflag:s22] =	dma.local [hbm:s5], s20  }
0x9e: {  	_ =	swait.ge [sflag:s22], s20  }
0x9f: {  	s4 =	ssub.s32 $0x0, s20;
	[sflag:s22] =	ssyncset.done $0x0  }
0xa0: {  	[sflag:s22] =	ssyncadd.s32 s4;
	_ =	sdelay $0x1  }
0xa1: {  	s23 =	simm.s32 $0x1B8B  }
0xa2: {  	_ =	swait.ge [sflag:s23], $0x1  }
0xa3: {  	[sflag:s23] =	ssyncset.done $0x0  }
0xa4: {  	s25 =	simm.s32 $0x1B8E;
	s24 =	sld [smem:$0x3FFE];
	[sflag:s23] =	ssyncadd.s32 $0xFFFFFFFF  }
0xa5: {  	s26 =	simm.s32 $execute0_lowered;
	[smem:$0x3FD2] =	sst s25  }
0xa6: {  	s5 =	sshll.u32 s26, $0x1;
	_ =	strace $0x80000046;
	[dreg:$0x1] =	wrdreg $0xFFFFFFFF  }
0xa7: {  	s28 =	simm.s32 $_size_execute0_lowered;
	s3 =	sadd.s32 s3, s5;
	[dreg:$0x0] =	wrdreg $0x0  }
0xa8: {  	s5 =	sshll.u32 s28, $0x1;
	[dreg:$0x2] =	wrdreg s3  }
0xa9: {  	[dreg:$0x3] =	wrdreg s5  }
0xaa: {  	[dreg:$0x4] =	wrdreg $0xC0  }
0xab: {  	_ =	task [dreg:s7], $0x5FFFF  }
0xac: {  	[dreg:$0x1] =	wrdreg $0xFFFFFFFF  }
0xad: {  	[dreg:$0x0] =	wrdreg $0x60  }
0xae: {  	[dreg:$0x2] =	wrdreg s24  }
0xaf: {  	[dreg:$0x3] =	wrdreg s2  }
0xb0: {  	[dreg:$0x4] =	wrdreg $0x9  }
0xb1: {  	_ =	task.clear_ibuf [dreg:s7], $0x5FFFF;
	_ =	strace $0x90000046  }
0xb2: {  	s29 =	simm.s32 $0x9;
	_ =	strace $0x80000048  }
0xb3: {  	_ =	swait.ge [sflag:s29], $0x1  }
0xb4: {  	[sflag:s29] =	ssyncadd.s32 $0xFFFFFFFF  }
0xb5: {  	_ =	strace $0x90000048  }
0xb6: {  	_ =	sfence  }
0xb7: {  	s30 =	sld [smem:$0x0];
	_ =	sdelay $0x2  }
0xb8: {  	s31 =	sshll.u32 s1, $0xD;
	s1 =	sshrl.u32 s1, $0x2  }
0xb9: {  	s3 =	sand.u32 $0x4000, s31;
	s1 =	sadd.s32 s1, s30  }
0xba: {  	s0 =	sor.u32 s3, s0;
	s1 =	sshll.u32 s1, $0x11  }
0xbb: {  	s0 =	sor.u32 s1, s0  }
0xbc: {  	s0 =	sadd.s32 $0x8F2B, s0  }
0xbd: {  	[sflag:s0] =	ssyncadd.remote.s32 $0x1  }
0xbe: {  	_ =	sfence.sel $0xFFFF  }
0xbf: {  	[dreg:$0x0] =	wrdreg $0xFFFFFFFF;
	(pc) =	sbr.abs _section_cstart, $3  }
0xc0: {  	[dreg:$0x1] =	wrdreg $0xFFFFFFFF  }
0xc1: {  	_ =	task.clear_ibuf [dreg:s7], $0x2FFFF;
	_ =	strace $0x9FFFFFFF  }
0xc2: {  	(tm) =	ssettm $0x7FFFFFFF  }
0xc3: {  	_ =	shalt  }
tec
execute0_lowered:
.L_overlay_start_1:
0x0: {  	(tag) =	ssettag $0x1  }
0x1: {  	s0 =	srdreg.scid;
	s5 =	rddreg [dreg:$0x0]  }
0x2: {  	s1 =	stileid.u32;
	s3 =	rddreg [dreg:$0x1]  }
0x3: {  	s4 =	simm.s32 $0x0;
	s31 =	simm.s32 $0x15600;
	s25 =	simm.s32 $0x17600  }
0x4: {  	s20 =	simm.s32 $0x19600;
	s0 =	sand.u32 $0x1, s0;
	s1 =	sshll.u32 s1, $0x1  }
0x5: {  	s23 =	simm.s32 $0x1B600;
	[smem:$0x7FF] =	sst s4;
	s1 =	sor.u32 s0, s1  }
0x6: {  	s8 =	sadd.s32 $0x1000, s3;
	s9 =	sadd.s32 $0x2000, s3;
	s2 =	smul.u32 $0xC80, s1  }
0x7: {  	s10 =	sadd.s32 $0x3000, s3;
	s11 =	sadd.s32 $0x4000, s3;
	s1 =	smul.u32 $0xC8, s1  }
0x8: {  	s12 =	sadd.s32 $0x5000, s3;
	s13 =	sadd.s32 $0x6000, s3;
	s14 =	sadd.s32 $0x7000, s3  }
0x9: {  	_ =	strace $0x80000047;
	s28 =	sor.u32 $0x1, s1;
	[dreg:$0x3] =	wrdreg s1  }
0xa: {  	s0 =	ssub.s32 $0x2, s0;
	s29 =	sor.u32 $0x2, s1;
	[dreg:$0x5] =	wrdreg s28  }
0xb: {  	s6 =	sshrl.u32 s0, $0x1;
	s30 =	sor.u32 $0x3, s1;
	[dreg:$0x6] =	wrdreg s29  }
0xc: {  	v0 =	vlaneseq.u32;
	s0 =	ssub.s32 s0, s6;
	s1 =	sor.u32 $0x4, s1;
	[dreg:$0x7] =	wrdreg s30  }
0xd: {  	v0 =	vmul.u32 $0x80, v0;
	s2 =	sadd.s32 s2, s5;
	s0 =	smax.u32 s0, $0x1;
	[dreg:$0x8] =	wrdreg s1  }
0xe: {  	s6 =	simm.s32 $0x0;
	s2 =	sadd.s32 $0x800, s2;
	[dreg:$0x9] =	wrdreg s0  }
0xf: {  	v1 =	vor.u32 $0x800, v0;
	v2 =	vor.u32 $0x1000, v0;
	v3 =	vor.u32 $0x1800, v0;
	s5 =	sadd.s32 $0x19800, s5;
	s0 =	simm.s32 $0x13600;
	[dreg:$0x4] =	wrdreg s2  }
.LBB2_1:
0x10: {  	[dreg:$0xa] =	wrdreg s6  }
0x11: {  	s1 =	rddreg [dreg:$0x0];
	s2 =	simm.s32 $0x6400;
	s15 =	simm.s32 $0xB  }
0x12: {  	[tilespmem:s2], [sflag:$0xB] =	stream.linear.gather [hbm4b:s1+s4], $0x3200, $0x38;
	[tilespmem:$0x1D600] =	vst v63  }
0x13: {  	_ =	swait.ge [sflag:s15], $0x3200  }
0x14: {  	[sflag:s15] =	ssyncset.done $0x0  }
0x15: {  	s16 =	rddreg [dreg:$0x4];
	[sflag:s15] =	ssyncadd.s32 $0xFFFFCE00  }
0x16: {  	[tilespmem:s4], [sflag:$0xB] =	stream.linear.gather [hbm4b:s16+s4], $0x6400, $0x38;
	[tilespmem:$0x1D600] =	vst v63  }
0x17: {  	_ =	swait.ge [sflag:s15], $0x6400  }
0x18: {  	[sflag:s15] =	ssyncset.done $0x0  }
0x19: {  	s17 =	simm.s32 $0x80;
	s18 =	simm.s32 $0x9600;
	[sflag:s15] =	ssyncadd.s32 $0xFFFF9C00  }
0x1a: {  	[tilespmem:s18], [sflag:$0x1] =	stream.indirect.gather [hbm4b:s5+s17], $0x40, s4, s17, $0xb8;
	[tilespmem:$0x1D600] =	vst v63  }
0x1b: {  	s19 =	simm.s32 $0xB600  }
0x1c: {  	[tilespmem:s19], [sflag:$0x2] =	stream.indirect.gather [hbm4b:s5+s17], $0x40, s17, s17, $0xb8;
	[tilespmem:$0x1D600] =	vst v63  }
0x1d: {  	s21 =	simm.s32 $0x100;
	s22 =	simm.s32 $0xD600  }
0x1e: {  	[tilespmem:s22], [sflag:$0x3] =	stream.indirect.gather [hbm4b:s5+s17], $0x40, s21, s17, $0xb8;
	[tilespmem:$0x1D600] =	vst v63  }
0x1f: {  	s24 =	simm.s32 $0x180;
	s26 =	simm.s32 $0xF600  }
0x20: {  	[tilespmem:s26], [sflag:$0x4] =	stream.indirect.gather [hbm4b:s5+s17], $0x40, s24, s17, $0xb8;
	[tilespmem:$0x1D600] =	vst v63  }
0x21: {  	s29 =	simm.s32 $0x200;
	s30 =	simm.s32 $0x11600;
	s28 =	simm.s32 $0x0  }
0x22: {  	[tilespmem:s30], [sflag:$0x5] =	stream.indirect.gather [hbm4b:s5+s17], $0x40, s29, s17, $0xb8;
	[tilespmem:$0x1D600] =	vst v63  }
.LBB2_2:
0x23: {  	s1 =	simm.s32 $0x1  }
0x24: {  	_ =	swait.ge [sflag:s1], $0x2000  }
0x25: {  	p0 =	seq.s32 s28, $0x0;
	[sflag:s1] =	ssyncset.done $0x0  }
0x26: {  	[sflag:s1] =	ssyncadd.s32 $0xFFFFE000;
	s1 =	simm.s32 @!p0 $0x6  }
0x27: {  	_ =	swait.ge @!p0 [sflag:s1], $0x400  }
0x28: {  	[sflag:s1] =	ssyncset.done @!p0 $0x0  }
0x29: {  	[sflag:s1] =	ssyncadd.s32 @!p0 $0xFFFFFC00  }
0x2a: {  	_ =	swait.ge @!p0 [sflag:s1], $0x400  }
0x2b: {  	[sflag:s1] =	ssyncset.done @!p0 $0x0  }
0x2c: {  	[sflag:s1] =	ssyncadd.s32 @!p0 $0xFFFFFC00  }
0x2d: {  	_ =	swait.ge @!p0 [sflag:s1], $0x400  }
0x2e: {  	[sflag:s1] =	ssyncset.done @!p0 $0x0  }
0x2f: {  	[sflag:s1] =	ssyncadd.s32 @!p0 $0xFFFFFC00  }
0x30: {  	_ =	swait.ge @!p0 [sflag:s1], $0x400  }
0x31: {  	[sflag:s1] =	ssyncset.done @!p0 $0x0  }
0x32: {  	[sflag:s1] =	ssyncadd.s32 @!p0 $0xFFFFFC00  }
0x33: {  	_ =	swait.ge @!p0 [sflag:s1], $0x400  }
0x34: {  	[sflag:s1] =	ssyncset.done @!p0 $0x0  }
0x35: {  	[sflag:s1] =	ssyncadd.s32 @!p0 $0xFFFFFC00  }
0x36: {  	_ =	swait.ge @!p0 [sflag:s1], $0x400  }
0x37: {  	[sflag:s1] =	ssyncset.done @!p0 $0x0  }
0x38: {  	[sflag:s1] =	ssyncadd.s32 @!p0 $0xFFFFFC00  }
0x39: {  	s29 =	smul.u32 $0x5, s28;
	_ =	swait.ge @!p0 [sflag:s1], $0x400  }
0x3a: {  	[sflag:s1] =	ssyncset.done @!p0 $0x0;
	s2 =	rddreg [dreg:$0x3]  }
0x3b: {  	s7 =	sadd.s32 s2, s29;
	[sflag:s1] =	ssyncadd.s32 @!p0 $0xFFFFFC00  }
0x3c: {  	s19 =	sshrl.u32 s7, $0x5;
	_ =	swait.ge @!p0 [sflag:s1], $0x400  }
0x3d: {  	[sflag:s1] =	ssyncset.done @!p0 $0x0;
	s22 =	sshll.u32 s19, $0x6  }
0x3e: {  	[sflag:s1] =	ssyncadd.s32 @!p0 $0xFFFFFC00;
	s24 =	sand.u32 $0x3FFFFFC0, s22  }
0x3f: {  	v7 =	vld [tilespmem:s24+$0x6400]  }
0x40: {  	v6 =	vld [tilespmem:s24+$0x6410]  }
0x41: {  	v5 =	vld [tilespmem:s24+$0x6420]  }
0x42: {  	s26 =	simm.s32 $0x9700;
	v4 =	vld [tilespmem:s24+$0x6430]  }
0x43: {  	v8 =	vld [tilespmem:s26+$0xC0]  }
0x44: {  	s21 =	simm.s32 $0x7;
	v9 =	vld [tilespmem:s26+$0xFFFFFF40]  }
0x45: {  	v11 =	vor.u32 s21, v0;
	s22 =	simm.s32 $0x1;
	v10 =	vld [tilespmem:s26+$0xFFFFFF80]  }
0x46: {  	s6 =	simm.s32 $0x2;
	v12 =	vor.u32 s22, v0;
	v13 =	vld [tilespmem:s26+$0xFFFFFFC0]  }
0x47: {  	s30 =	simm.s32 $0x3;
	v14 =	vor.u32 s6, v0;
	v15 =	vld [tilespmem:s26+$0x0]  }
0x48: {  	s18 =	simm.s32 $0x4;
	v16 =	vor.u32 s30, v0;
	v17 =	vld [tilespmem:s26+$0x40];
	v8 =	vadd.f32 v8, v7  }
0x49: {  	s16 =	simm.s32 $0x5;
	v18 =	vor.u32 s18, v0;
	v19 =	vld [tilespmem:s26+$0x80];
	v9 =	vadd.f32 v9, v7  }
0x4a: {  	s17 =	simm.s32 $0x6;
	v21 =	vor.u32 s16, v0;
	v20 =	vld [tilespmem:s26+$0xFFFFFF00];
	v10 =	vadd.f32 v10, v7;
	[tilespmem:v11+s0+$0x0] =	vst.idx.msk $0xffff, v8  }
0x4b: {  	s15 =	simm.s32 $0x0;
	[tilespmem:v12+s0+$0x0] =	vst.idx.msk $0xffff, v9;
	v8 =	vadd.f32 v13, v7;
	v9 =	vor.u32 s17, v0;
	v11 =	vld [tilespmem:s26+$0xD0]  }
0x4c: {  	v12 =	vor.u32 s15, v0;
	[tilespmem:v14+s0+$0x0] =	vst.idx.msk $0xffff, v10;
	v10 =	vadd.f32 v15, v7;
	v13 =	vld [tilespmem:s26+$0xFFFFFF50]  }
0x4d: {  	v15 =	vor.u32 s21, v1;
	v14 =	vld [tilespmem:s26+$0xFFFFFF90];
	[tilespmem:v16+s0+$0x0] =	vst.idx.msk $0xffff, v8;
	v8 =	vadd.f32 v17, v7  }
0x4e: {  	v16 =	vor.u32 s22, v1;
	[tilespmem:v18+s0+$0x0] =	vst.idx.msk $0xffff, v10;
	v10 =	vadd.f32 v19, v7;
	v17 =	vld [tilespmem:s26+$0xFFFFFFD0]  }
0x4f: {  	v18 =	vadd.f32 v20, v7;
	v19 =	vor.u32 s6, v1;
	v20 =	vld [tilespmem:s26+$0x10];
	[tilespmem:v21+s0+$0x0] =	vst.idx.msk $0xffff, v8  }
0x50: {  	v8 =	vor.u32 s30, v1;
	v21 =	vld [tilespmem:s26+$0x50];
	[tilespmem:v9+s0+$0x0] =	vst.idx.msk $0xffff, v10;
	v9 =	vadd.f32 v11, v6  }
0x51: {  	[tilespmem:v12+s0+$0x0] =	vst.idx.msk $0xffff, v18;
	v10 =	vadd.f32 v13, v6;
	v11 =	vor.u32 s18, v1;
	v12 =	vld [tilespmem:s26+$0x90]  }
0x52: {  	v18 =	vor.u32 s16, v1;
	v13 =	vld [tilespmem:s26+$0xFFFFFF10];
	v14 =	vadd.f32 v14, v6;
	[tilespmem:v15+s0+$0x0] =	vst.idx.msk $0xffff, v9  }
0x53: {  	[tilespmem:v16+s0+$0x0] =	vst.idx.msk $0xffff, v10;
	v9 =	vadd.f32 v17, v6;
	v10 =	vor.u32 s17, v1;
	v15 =	vld [tilespmem:s26+$0xE0]  }
0x54: {  	v16 =	vor.u32 s15, v1;
	[tilespmem:v19+s0+$0x0] =	vst.idx.msk $0xffff, v14;
	v14 =	vadd.f32 v20, v6;
	v17 =	vld [tilespmem:s26+$0xFFFFFF60]  }
0x55: {  	v19 =	vld [tilespmem:s26+$0xFFFFFFA0];
	[tilespmem:v8+s0+$0x0] =	vst.idx.msk $0xffff, v9;
	v8 =	vadd.f32 v21, v6;
	v9 =	vor.u32 s21, v2  }
0x56: {  	v20 =	vor.u32 s22, v2;
	v62 =	vld [tilespmem:s26+$0xFFFFFFE0];
	[tilespmem:v11+s0+$0x0] =	vst.idx.msk $0xffff, v14;
	v11 =	vadd.f32 v12, v6  }
0x57: {  	v12 =	vadd.f32 v13, v6;
	v13 =	vor.u32 s6, v2;
	v14 =	vld [tilespmem:s26+$0x20];
	[tilespmem:v18+s0+$0x0] =	vst.idx.msk $0xffff, v8  }
0x58: {  	v8 =	vor.u32 s30, v2;
	v18 =	vld [tilespmem:s26+$0x60];
	[tilespmem:v10+s0+$0x0] =	vst.idx.msk $0xffff, v11;
	v10 =	vadd.f32 v15, v5  }
0x59: {  	[tilespmem:v16+s0+$0x0] =	vst.idx.msk $0xffff, v12;
	v12 =	vor.u32 s18, v2;
	v11 =	vadd.f32 v17, v5;
	v15 =	vld [tilespmem:s26+$0xA0]  }
0x5a: {  	v16 =	vld [tilespmem:s26+$0xFFFFFF20];
	v17 =	vadd.f32 v19, v5;
	v19 =	vor.u32 s16, v2;
	[tilespmem:v9+s0+$0x0] =	vst.idx.msk $0xffff, v10  }
0x5b: {  	[tilespmem:v20+s0+$0x0] =	vst.idx.msk $0xffff, v11;
	v9 =	vadd.f32 v62, v5;
	v11 =	vor.u32 s17, v2;
	v20 =	vld [tilespmem:s26+$0xF0]  }
0x5c: {  	v63 =	vor.u32 s15, v2;
	[tilespmem:v13+s0+$0x0] =	vst.idx.msk $0xffff, v17;
	v22 =	vld [tilespmem:s26+$0xFFFFFF70];
	v10 =	vadd.f32 v14, v5  }
0x5d: {  	v14 =	vld [tilespmem:s26+$0xFFFFFFB0];
	[tilespmem:v8+s0+$0x0] =	vst.idx.msk $0xffff, v9;
	v8 =	vadd.f32 v18, v5;
	v9 =	vor.u32 s21, v3  }
0x5e: {  	v23 =	vor.u32 s22, v3;
	v24 =	vld [tilespmem:s26+$0xFFFFFFF0];
	[tilespmem:v12+s0+$0x0] =	vst.idx.msk $0xffff, v10;
	v12 =	vadd.f32 v15, v5  }
0x5f: {  	v17 =	vor.u32 s6, v3;
	v13 =	vadd.f32 v16, v5;
	v15 =	vld [tilespmem:s26+$0x30];
	[tilespmem:v19+s0+$0x0] =	vst.idx.msk $0xffff, v8  }
0x60: {  	v16 =	vor.u32 s30, v3;
	v10 =	vld [tilespmem:s26+$0x70];
	[tilespmem:v11+s0+$0x0] =	vst.idx.msk $0xffff, v12;
	v12 =	vadd.f32 v20, v4  }
0x61: {  	[tilespmem:v63+s0+$0x0] =	vst.idx.msk $0xffff, v13;
	v13 =	vor.u32 s18, v3;
	v19 =	vadd.f32 v22, v4;
	v11 =	vld [tilespmem:s26+$0xB0]  }
0x62: {  	s2 =	simm.s32 $0x9900;
	v8 =	vld [tilespmem:s26+$0xFFFFFF30];
	v18 =	vadd.f32 v14, v4;
	[tilespmem:v9+s0+$0x0] =	vst.idx.msk $0xffff, v12;
	v12 =	vor.u32 s16, v3  }
0x63: {  	s26 =	simm.s32 $0x8;
	v14 =	vor.u32 s17, v3;
	v9 =	vld [tilespmem:s2+$0xC0];
	s16 =	simm.s32 $0x10;
	[tilespmem:v23+s0+$0x0] =	vst.idx.msk $0xffff, v19;
	v19 =	vadd.f32 v24, v4  }
.LBB2_3:
0x64: {  	p1 =	slt.u32 s16, $0x78;
	v20 =	vld [tilespmem:s2+$0xFFFFFF40];
	s6 =	sadd.s32 $0x7, s26;
	v21 =	vor.u32 s15, v3;
	[tilespmem:v17+s0+$0x0] =	vst.idx.msk $0xffff, v18;
	v15 =	vadd.f32 v15, v4;
	s15 =	smov.u32 s26  }
0x65: {  	s26 =	smov.u32 s16;
	s17 =	sadd.s32 $0x1, s15;
	v17 =	vld [tilespmem:s2+$0xFFFFFF80];
	v18 =	vor.u32 s6, v0;
	[tilespmem:v16+s0+$0x0] =	vst.idx.msk $0xffff, v19;
	v10 =	vadd.f32 v10, v4  }
0x66: {  	s18 =	sadd.s32 $0x2, s15;
	v16 =	vor.u32 s17, v0;
	v19 =	vld [tilespmem:s2+$0xFFFFFFC0];
	[tilespmem:v13+s0+$0x0] =	vst.idx.msk $0xffff, v15;
	v11 =	vadd.f32 v11, v4  }
0x67: {  	s30 =	sadd.s32 $0x3, s15;
	v13 =	vor.u32 s18, v0;
	v15 =	vld [tilespmem:s2+$0x0];
	v8 =	vadd.f32 v8, v4;
	[tilespmem:v12+s0+$0x0] =	vst.idx.msk $0xffff, v10  }
0x68: {  	s1 =	sadd.s32 $0x4, s15;
	v10 =	vor.u32 s30, v0;
	v12 =	vld [tilespmem:s2+$0x40];
	v9 =	vadd.f32 v9, v7;
	[tilespmem:v14+s0+$0x0] =	vst.idx.msk $0xffff, v11  }
0x69: {  	s21 =	sadd.s32 $0x5, s15;
	v14 =	vor.u32 s1, v0;
	v11 =	vadd.f32 v20, v7;
	v20 =	vld [tilespmem:s2+$0x80];
	[tilespmem:v21+s0+$0x0] =	vst.idx.msk $0xffff, v8  }
0x6a: {  	s24 =	sadd.s32 $0x6, s15;
	v21 =	vor.u32 s21, v0;
	v8 =	vld [tilespmem:s2+$0xFFFFFF00];
	v17 =	vadd.f32 v17, v7;
	[tilespmem:v18+s0+$0x0] =	vst.idx.msk $0xffff, v9  }
0x6b: {  	[tilespmem:v16+s0+$0x0] =	vst.idx.msk $0xffff, v11;
	v9 =	vadd.f32 v19, v7;
	v11 =	vor.u32 s24, v0;
	v16 =	vld [tilespmem:s2+$0xD0]  }
0x6c: {  	v18 =	vor.u32 s15, v0;
	v19 =	vld [tilespmem:s2+$0xFFFFFF50];
	[tilespmem:v13+s0+$0x0] =	vst.idx.msk $0xffff, v17;
	v13 =	vadd.f32 v15, v7  }
0x6d: {  	v15 =	vld [tilespmem:s2+$0xFFFFFF90];
	[tilespmem:v10+s0+$0x0] =	vst.idx.msk $0xffff, v9;
	v9 =	vadd.f32 v12, v7;
	v10 =	vor.u32 s6, v1  }
0x6e: {  	v12 =	vor.u32 s17, v1;
	v17 =	vld [tilespmem:s2+$0xFFFFFFD0];
	[tilespmem:v14+s0+$0x0] =	vst.idx.msk $0xffff, v13;
	v13 =	vadd.f32 v20, v7  }
0x6f: {  	v14 =	vor.u32 s18, v1;
	v8 =	vadd.f32 v8, v7;
	v20 =	vld [tilespmem:s2+$0x10];
	[tilespmem:v21+s0+$0x0] =	vst.idx.msk $0xffff, v9  }
0x70: {  	v9 =	vor.u32 s30, v1;
	v21 =	vld [tilespmem:s2+$0x50];
	[tilespmem:v11+s0+$0x0] =	vst.idx.msk $0xffff, v13;
	v11 =	vadd.f32 v16, v6  }
0x71: {  	v13 =	vor.u32 s1, v1;
	[tilespmem:v18+s0+$0x0] =	vst.idx.msk $0xffff, v8;
	v8 =	vadd.f32 v19, v6;
	v16 =	vld [tilespmem:s2+$0x90]  }
0x72: {  	v19 =	vor.u32 s21, v1;
	v18 =	vld [tilespmem:s2+$0xFFFFFF10];
	v15 =	vadd.f32 v15, v6;
	[tilespmem:v10+s0+$0x0] =	vst.idx.msk $0xffff, v11  }
0x73: {  	v10 =	vor.u32 s24, v1;
	[tilespmem:v12+s0+$0x0] =	vst.idx.msk $0xffff, v8;
	v8 =	vadd.f32 v17, v6;
	v11 =	vld [tilespmem:s2+$0xE0]  }
0x74: {  	v12 =	vor.u32 s15, v1;
	v17 =	vld [tilespmem:s2+$0xFFFFFF60];
	[tilespmem:v14+s0+$0x0] =	vst.idx.msk $0xffff, v15;
	v14 =	vadd.f32 v20, v6  }
0x75: {  	v15 =	vld [tilespmem:s2+$0xFFFFFFA0];
	[tilespmem:v9+s0+$0x0] =	vst.idx.msk $0xffff, v8;
	v8 =	vadd.f32 v21, v6;
	v9 =	vor.u32 s6, v2  }
0x76: {  	v20 =	vor.u32 s17, v2;
	v21 =	vld [tilespmem:s2+$0xFFFFFFE0];
	[tilespmem:v13+s0+$0x0] =	vst.idx.msk $0xffff, v14;
	v13 =	vadd.f32 v16, v6  }
0x77: {  	v16 =	vor.u32 s18, v2;
	v14 =	vadd.f32 v18, v6;
	v18 =	vld [tilespmem:s2+$0x20];
	[tilespmem:v19+s0+$0x0] =	vst.idx.msk $0xffff, v8  }
0x78: {  	v8 =	vor.u32 s30, v2;
	v19 =	vld [tilespmem:s2+$0x60];
	[tilespmem:v10+s0+$0x0] =	vst.idx.msk $0xffff, v13;
	v10 =	vadd.f32 v11, v5  }
0x79: {  	[tilespmem:v12+s0+$0x0] =	vst.idx.msk $0xffff, v14;
	v11 =	vadd.f32 v17, v5;
	v12 =	vor.u32 s1, v2;
	v13 =	vld [tilespmem:s2+$0xA0]  }
0x7a: {  	v22 =	vor.u32 s21, v2;
	v14 =	vld [tilespmem:s2+$0xFFFFFF20];
	v15 =	vadd.f32 v15, v5;
	[tilespmem:v9+s0+$0x0] =	vst.idx.msk $0xffff, v10  }
0x7b: {  	[tilespmem:v20+s0+$0x0] =	vst.idx.msk $0xffff, v11;
	v9 =	vadd.f32 v21, v5;
	v11 =	vor.u32 s24, v2;
	v20 =	vld [tilespmem:s2+$0xF0]  }
0x7c: {  	v21 =	vor.u32 s15, v2;
	v23 =	vld [tilespmem:s2+$0xFFFFFF70];
	[tilespmem:v16+s0+$0x0] =	vst.idx.msk $0xffff, v15;
	v10 =	vadd.f32 v18, v5  }
0x7d: {  	v18 =	vld [tilespmem:s2+$0xFFFFFFB0];
	[tilespmem:v8+s0+$0x0] =	vst.idx.msk $0xffff, v9;
	v8 =	vadd.f32 v19, v5;
	v9 =	vor.u32 s6, v3  }
0x7e: {  	v19 =	vor.u32 s17, v3;
	v24 =	vld [tilespmem:s2+$0xFFFFFFF0];
	[tilespmem:v12+s0+$0x0] =	vst.idx.msk $0xffff, v10;
	v12 =	vadd.f32 v13, v5  }
.Ltmp0:
0x7f: {  	v17 =	vor.u32 s18, v3;
	v13 =	vadd.f32 v14, v5;
	v15 =	vld [tilespmem:s2+$0x30];
	[tilespmem:v22+s0+$0x0] =	vst.idx.msk $0xffff, v8;
	(pc) =	sbr.rel @p1 .LBB2_3-.Ltmp0, $4  }
0x80: {  	v16 =	vor.u32 s30, v3;
	v10 =	vld [tilespmem:s2+$0x70];
	[tilespmem:v11+s0+$0x0] =	vst.idx.msk $0xffff, v12;
	v14 =	vadd.f32 v20, v4  }
0x81: {  	[tilespmem:v21+s0+$0x0] =	vst.idx.msk $0xffff, v13;
	v20 =	vadd.f32 v23, v4;
	v13 =	vor.u32 s1, v3;
	v11 =	vld [tilespmem:s2+$0xB0]  }
0x82: {  	v12 =	vor.u32 s21, v3;
	v8 =	vld [tilespmem:s2+$0xFFFFFF30];
	v18 =	vadd.f32 v18, v4;
	[tilespmem:v9+s0+$0x0] =	vst.idx.msk $0xffff, v14;
	s2 =	sadd.s32 $0x200, s2  }
0x83: {  	s16 =	sadd.s32 $0x8, s16;
	v14 =	vor.u32 s24, v3;
	v9 =	vld [tilespmem:s2+$0xC0];
	[tilespmem:v19+s0+$0x0] =	vst.idx.msk $0xffff, v20;
	v19 =	vadd.f32 v24, v4  }
0x84: {  	_ =	sdelay $0x3  }
0x85: {  	v20 =	vld [tilespmem:s2+$0xFFFFFF40];
	s1 =	sadd.s32 $0x7, s26;
	v21 =	vor.u32 s15, v3;
	[tilespmem:v17+s0+$0x0] =	vst.idx.msk $0xffff, v18;
	v15 =	vadd.f32 v15, v4  }
0x86: {  	s6 =	sadd.s32 $0x1, s26;
	v17 =	vld [tilespmem:s2+$0xFFFFFF80];
	v18 =	vor.u32 s1, v0;
	[tilespmem:v16+s0+$0x0] =	vst.idx.msk $0xffff, v19;
	v10 =	vadd.f32 v10, v4  }
0x87: {  	s30 =	sadd.s32 $0x2, s26;
	v16 =	vor.u32 s6, v0;
	v19 =	vld [tilespmem:s2+$0xFFFFFFC0];
	[tilespmem:v13+s0+$0x0] =	vst.idx.msk $0xffff, v15;
	v11 =	vadd.f32 v11, v4  }
0x88: {  	s17 =	sadd.s32 $0x3, s26;
	v13 =	vor.u32 s30, v0;
	v15 =	vld [tilespmem:s2+$0x0];
	v8 =	vadd.f32 v8, v4;
	[tilespmem:v12+s0+$0x0] =	vst.idx.msk $0xffff, v10  }
0x89: {  	s16 =	sadd.s32 $0x4, s26;
	v10 =	vor.u32 s17, v0;
	v12 =	vld [tilespmem:s2+$0x40];
	v9 =	vadd.f32 v9, v7;
	[tilespmem:v14+s0+$0x0] =	vst.idx.msk $0xffff, v11  }
0x8a: {  	s18 =	sadd.s32 $0x5, s26;
	v14 =	vor.u32 s16, v0;
	v11 =	vadd.f32 v20, v7;
	v20 =	vld [tilespmem:s2+$0x80];
	[tilespmem:v21+s0+$0x0] =	vst.idx.msk $0xffff, v8  }
0x8b: {  	s21 =	sadd.s32 $0x6, s26;
	v60 =	vor.u32 s18, v0;
	v8 =	vld [tilespmem:s2+$0xFFFFFF00];
	v17 =	vadd.f32 v17, v7;
	[tilespmem:v18+s0+$0x0] =	vst.idx.msk $0xffff, v9  }
0x8c: {  	v9 =	vadd.f32 v19, v7;
	[tilespmem:v16+s0+$0x0] =	vst.idx.msk $0xffff, v11;
	v11 =	vor.u32 s21, v0;
	v16 =	vld [tilespmem:s2+$0xD0]  }
0x8d: {  	v18 =	vor.u32 s26, v0;
	[tilespmem:v13+s0+$0x0] =	vst.idx.msk $0xffff, v17;
	v13 =	vadd.f32 v15, v7;
	v19 =	vld [tilespmem:s2+$0xFFFFFF50]  }
0x8e: {  	v15 =	vld [tilespmem:s2+$0xFFFFFF90];
	[tilespmem:v10+s0+$0x0] =	vst.idx.msk $0xffff, v9;
	v9 =	vadd.f32 v12, v7;
	v10 =	vor.u32 s1, v1  }
0x8f: {  	v12 =	vor.u32 s6, v1;
	v17 =	vld [tilespmem:s2+$0xFFFFFFD0];
	[tilespmem:v14+s0+$0x0] =	vst.idx.msk $0xffff, v13;
	v13 =	vadd.f32 v20, v7  }
0x90: {  	v7 =	vadd.f32 v8, v7;
	v8 =	vor.u32 s30, v1;
	v14 =	vld [tilespmem:s2+$0x10];
	[tilespmem:v60+s0+$0x0] =	vst.idx.msk $0xffff, v9  }
0x91: {  	v9 =	vor.u32 s17, v1;
	v20 =	vld [tilespmem:s2+$0x50];
	[tilespmem:v11+s0+$0x0] =	vst.idx.msk $0xffff, v13;
	v11 =	vadd.f32 v16, v6  }
0x92: {  	[tilespmem:v18+s0+$0x0] =	vst.idx.msk $0xffff, v7;
	v13 =	vor.u32 s16, v1;
	v7 =	vadd.f32 v19, v6;
	v16 =	vld [tilespmem:s2+$0x90]  }
0x93: {  	v18 =	vld [tilespmem:s2+$0xFFFFFF10];
	v15 =	vadd.f32 v15, v6;
	v19 =	vor.u32 s18, v1;
	[tilespmem:v10+s0+$0x0] =	vst.idx.msk $0xffff, v11  }
0x94: {  	v10 =	vor.u32 s21, v1;
	[tilespmem:v12+s0+$0x0] =	vst.idx.msk $0xffff, v7;
	v7 =	vadd.f32 v17, v6;
	v11 =	vld [tilespmem:s2+$0xE0]  }
0x95: {  	v12 =	vor.u32 s26, v1;
	[tilespmem:v8+s0+$0x0] =	vst.idx.msk $0xffff, v15;
	v8 =	vadd.f32 v14, v6;
	v17 =	vld [tilespmem:s2+$0xFFFFFF60]  }
0x96: {  	v14 =	vld [tilespmem:s2+$0xFFFFFFA0];
	[tilespmem:v9+s0+$0x0] =	vst.idx.msk $0xffff, v7;
	v7 =	vadd.f32 v20, v6;
	v9 =	vor.u32 s1, v2  }
0x97: {  	v15 =	vor.u32 s6, v2;
	[tilespmem:v13+s0+$0x0] =	vst.idx.msk $0xffff, v8;
	v20 =	vld [tilespmem:s2+$0xFFFFFFE0];
	v8 =	vadd.f32 v16, v6  }
0x98: {  	v13 =	vor.u32 s30, v2;
	v6 =	vadd.f32 v18, v6;
	v16 =	vld [tilespmem:s2+$0x20];
	[tilespmem:v19+s0+$0x0] =	vst.idx.msk $0xffff, v7  }
0x99: {  	v7 =	vor.u32 s17, v2;
	v18 =	vld [tilespmem:s2+$0x60];
	[tilespmem:v10+s0+$0x0] =	vst.idx.msk $0xffff, v8;
	v8 =	vadd.f32 v11, v5  }
0x9a: {  	[tilespmem:v12+s0+$0x0] =	vst.idx.msk $0xffff, v6;
	v10 =	vor.u32 s16, v2;
	v6 =	vadd.f32 v17, v5;
	v11 =	vld [tilespmem:s2+$0xA0]  }
0x9b: {  	v12 =	vld [tilespmem:s2+$0xFFFFFF20];
	v14 =	vadd.f32 v14, v5;
	v17 =	vor.u32 s18, v2;
	[tilespmem:v9+s0+$0x0] =	vst.idx.msk $0xffff, v8  }
0x9c: {  	v8 =	vor.u32 s21, v2;
	[tilespmem:v15+s0+$0x0] =	vst.idx.msk $0xffff, v6;
	v6 =	vadd.f32 v20, v5;
	v9 =	vld [tilespmem:s2+$0xF0]  }
0x9d: {  	v15 =	vor.u32 s26, v2;
	[tilespmem:v13+s0+$0x0] =	vst.idx.msk $0xffff, v14;
	v13 =	vadd.f32 v16, v5;
	v19 =	vld [tilespmem:s2+$0xFFFFFF70]  }
0x9e: {  	v14 =	vld [tilespmem:s2+$0xFFFFFFB0];
	[tilespmem:v7+s0+$0x0] =	vst.idx.msk $0xffff, v6;
	v6 =	vadd.f32 v18, v5;
	v7 =	vor.u32 s1, v3  }
0x9f: {  	v16 =	vor.u32 s6, v3;
	[tilespmem:v10+s0+$0x0] =	vst.idx.msk $0xffff, v13;
	v18 =	vld [tilespmem:s2+$0xFFFFFFF0];
	v10 =	vadd.f32 v11, v5  }
0xa0: {  	v5 =	vadd.f32 v12, v5;
	v11 =	vor.u32 s30, v3;
	v12 =	vld [tilespmem:s2+$0x30];
	[tilespmem:v17+s0+$0x0] =	vst.idx.msk $0xffff, v6  }
0xa1: {  	v6 =	vor.u32 s17, v3;
	v13 =	vld [tilespmem:s2+$0x70];
	[tilespmem:v8+s0+$0x0] =	vst.idx.msk $0xffff, v10;
	v8 =	vadd.f32 v9, v4  }
0xa2: {  	[tilespmem:v15+s0+$0x0] =	vst.idx.msk $0xffff, v5;
	v9 =	vor.u32 s16, v3;
	v5 =	vadd.f32 v19, v4;
	v10 =	vld [tilespmem:s2+$0xB0]  }
0xa3: {  	v17 =	vor.u32 s18, v3;
	v15 =	vld [tilespmem:s2+$0xFFFFFF30];
	v14 =	vadd.f32 v14, v4;
	[tilespmem:v7+s0+$0x0] =	vst.idx.msk $0xffff, v8  }
0xa4: {  	v7 =	vor.u32 s21, v3;
	[tilespmem:v16+s0+$0x0] =	vst.idx.msk $0xffff, v5;
	v5 =	vadd.f32 v18, v4  }
0xa5: {  	v8 =	vor.u32 s26, v3;
	[tilespmem:v11+s0+$0x0] =	vst.idx.msk $0xffff, v14;
	v11 =	vadd.f32 v12, v4  }
0xa6: {  	p1 =	seq.s32 s28, $0x27;
	[tilespmem:v6+s0+$0x0] =	vst.idx.msk $0xffff, v5;
	v5 =	vadd.f32 v13, v4  }
0xa7: {  	s1 =	smul.u32 @!p1 $0xA00, s28;
	[tilespmem:v9+s0+$0x0] =	vst.idx.msk $0xffff, v11;
	v6 =	vadd.f32 v10, v4  }
0xa8: {  	v4 =	vadd.f32 v15, v4;
	[tilespmem:v17+s0+$0x0] =	vst.idx.msk $0xffff, v5  }
0xa9: {  	s22 =	sshll.u32 s7, $0x7;
	s2 =	sshra.s32 @!p1 s1, $0x2;
	[tilespmem:v7+s0+$0x0] =	vst.idx.msk $0xffff, v6  }
0xaa: {  	s15 =	simm.s32 @!p1 $0x9600;
	s6 =	simm.s32 @!p1 $0x80;
	s1 =	sadd.s32 @!p1 $0x280, s2;
	[tilespmem:v8+s0+$0x0] =	vst.idx.msk $0xffff, v4  }
0xab: {  	[tilespmem:s15], [sflag:$0x1] =	stream.indirect.gather @!p1 [hbm4b:s5+s6], $0x40, s1, s6, $0xb8;
	[tilespmem:$0x1D600] =	vst v63  }
0xac: {  	s24 =	sshll.u32 s19, $0xF;
	s1 =	sand.u32 $0xF80, s22  }
0xad: {  	s1 =	sor.u32 s1, s24  }
0xae: {  	s6 =	sadd.s32 s3, s1  }
0xaf: {  	[hbm4b:s6+s4] =	stream.linear.scatter [tilespmem:s0], [sflag:$0x6], $0x400, $0x38;
	[tilespmem:$0x1D600] =	vst v63  }
0xb0: {  	s30 =	simm.s32 $0x13A00;
	s26 =	sadd.s32 s1, s8  }
0xb1: {  	[hbm4b:s26+s4] =	stream.linear.scatter [tilespmem:s30], [sflag:$0x6], $0x400, $0x38;
	[tilespmem:$0x1D600] =	vst v63  }
0xb2: {  	s15 =	simm.s32 $0x13E00;
	s7 =	sadd.s32 s1, s9  }
0xb3: {  	[hbm4b:s7+s4] =	stream.linear.scatter [tilespmem:s15], [sflag:$0x6], $0x400, $0x38;
	[tilespmem:$0x1D600] =	vst v63  }
0xb4: {  	s17 =	simm.s32 $0x14200;
	s16 =	sadd.s32 s1, s10  }
0xb5: {  	[hbm4b:s16+s4] =	stream.linear.scatter [tilespmem:s17], [sflag:$0x6], $0x400, $0x38;
	[tilespmem:$0x1D600] =	vst v63  }
0xb6: {  	s19 =	simm.s32 $0x14600;
	s18 =	sadd.s32 s1, s11  }
0xb7: {  	[hbm4b:s18+s4] =	stream.linear.scatter [tilespmem:s19], [sflag:$0x6], $0x400, $0x38;
	[tilespmem:$0x1D600] =	vst v63  }
0xb8: {  	s22 =	simm.s32 $0x14A00;
	s21 =	sadd.s32 s1, s12  }
0xb9: {  	[hbm4b:s21+s4] =	stream.linear.scatter [tilespmem:s22], [sflag:$0x6], $0x400, $0x38;
	[tilespmem:$0x1D600] =	vst v63  }
0xba: {  	s24 =	sadd.s32 s1, s13;
	s26 =	simm.s32 $0x14E00  }
0xbb: {  	[hbm4b:s24+s4] =	stream.linear.scatter [tilespmem:s26], [sflag:$0x6], $0x400, $0x38;
	[tilespmem:$0x1D600] =	vst v63  }
0xbc: {  	s1 =	sadd.s32 s1, s14;
	s6 =	simm.s32 $0x2;
	s30 =	simm.s32 $0x15200  }
0xbd: {  	[hbm4b:s1+s4] =	stream.linear.scatter [tilespmem:s30], [sflag:$0x6], $0x400, $0x38;
	[tilespmem:$0x1D600] =	vst v63  }
0xbe: {  	_ =	swait.ge [sflag:s6], $0x2000  }
0xbf: {  	[sflag:s6] =	ssyncset.done $0x0  }
0xc0: {  	s1 =	simm.s32 @!p0 $0x7;
	[sflag:s6] =	ssyncadd.s32 $0xFFFFE000  }
0xc1: {  	_ =	swait.ge @!p0 [sflag:s1], $0x400  }
0xc2: {  	[sflag:s1] =	ssyncset.done @!p0 $0x0  }
0xc3: {  	[sflag:s1] =	ssyncadd.s32 @!p0 $0xFFFFFC00  }
0xc4: {  	_ =	swait.ge @!p0 [sflag:s1], $0x400  }
0xc5: {  	[sflag:s1] =	ssyncset.done @!p0 $0x0  }
0xc6: {  	[sflag:s1] =	ssyncadd.s32 @!p0 $0xFFFFFC00  }
0xc7: {  	_ =	swait.ge @!p0 [sflag:s1], $0x400  }
0xc8: {  	[sflag:s1] =	ssyncset.done @!p0 $0x0  }
0xc9: {  	[sflag:s1] =	ssyncadd.s32 @!p0 $0xFFFFFC00  }
0xca: {  	_ =	swait.ge @!p0 [sflag:s1], $0x400  }
0xcb: {  	[sflag:s1] =	ssyncset.done @!p0 $0x0  }
0xcc: {  	[sflag:s1] =	ssyncadd.s32 @!p0 $0xFFFFFC00  }
0xcd: {  	_ =	swait.ge @!p0 [sflag:s1], $0x400  }
0xce: {  	[sflag:s1] =	ssyncset.done @!p0 $0x0  }
0xcf: {  	[sflag:s1] =	ssyncadd.s32 @!p0 $0xFFFFFC00  }
0xd0: {  	_ =	swait.ge @!p0 [sflag:s1], $0x400  }
0xd1: {  	[sflag:s1] =	ssyncset.done @!p0 $0x0  }
0xd2: {  	[sflag:s1] =	ssyncadd.s32 @!p0 $0xFFFFFC00  }
0xd3: {  	_ =	swait.ge @!p0 [sflag:s1], $0x400  }
0xd4: {  	[sflag:s1] =	ssyncset.done @!p0 $0x0;
	s7 =	rddreg [dreg:$0x5]  }
0xd5: {  	s7 =	sadd.s32 s29, s7;
	[sflag:s1] =	ssyncadd.s32 @!p0 $0xFFFFFC00  }
0xd6: {  	s19 =	sshrl.u32 s7, $0x5;
	_ =	swait.ge @!p0 [sflag:s1], $0x400  }
0xd7: {  	[sflag:s1] =	ssyncset.done @!p0 $0x0;
	s15 =	sshll.u32 s19, $0x6  }
0xd8: {  	[sflag:s1] =	ssyncadd.s32 @!p0 $0xFFFFFC00;
	s16 =	sand.u32 $0x3FFFFFC0, s15  }
0xd9: {  	v7 =	vld [tilespmem:s16+$0x6400]  }
0xda: {  	v6 =	vld [tilespmem:s16+$0x6410]  }
0xdb: {  	v5 =	vld [tilespmem:s16+$0x6420]  }
0xdc: {  	s1 =	simm.s32 $0xB7F0;
	v4 =	vld [tilespmem:s16+$0x6430]  }
0xdd: {  	v8 =	vld [tilespmem:s1+$0xFFFFFFD0]  }
0xde: {  	s24 =	simm.s32 $0x7;
	v9 =	vld [tilespmem:s1+$0xFFFFFE50]  }
0xdf: {  	s22 =	simm.s32 $0x1;
	v11 =	vor.u32 s24, v0;
	v10 =	vld [tilespmem:s1+$0xFFFFFE90]  }
0xe0: {  	s17 =	simm.s32 $0x2;
	v12 =	vor.u32 s22, v0;
	v13 =	vld [tilespmem:s1+$0xFFFFFED0]  }
0xe1: {  	v14 =	vor.u32 s17, v0;
	s18 =	simm.s32 $0x3;
	v15 =	vld [tilespmem:s1+$0xFFFFFF10]  }
0xe2: {  	v16 =	vor.u32 s18, v0;
	s21 =	simm.s32 $0x4;
	v17 =	vld [tilespmem:s1+$0xFFFFFF50];
	v8 =	vadd.f32 v8, v7  }
0xe3: {  	v18 =	vor.u32 s21, v0;
	s26 =	simm.s32 $0x5;
	v19 =	vld [tilespmem:s1+$0xFFFFFF90];
	v9 =	vadd.f32 v9, v7  }
0xe4: {  	v61 =	vor.u32 s26, v0;
	s30 =	simm.s32 $0x6;
	v20 =	vld [tilespmem:s1+$0xFFFFFE10];
	v10 =	vadd.f32 v10, v7;
	[tilespmem:v11+s31+$0x0] =	vst.idx.msk $0xffff, v8  }
0xe5: {  	s16 =	simm.s32 $0x0;
	[tilespmem:v12+s31+$0x0] =	vst.idx.msk $0xffff, v9;
	v8 =	vadd.f32 v13, v7;
	v9 =	vor.u32 s30, v0;
	v11 =	vld [tilespmem:s1+$0xFFFFFFE0]  }
0xe6: {  	v12 =	vor.u32 s16, v0;
	[tilespmem:v14+s31+$0x0] =	vst.idx.msk $0xffff, v10;
	v10 =	vadd.f32 v15, v7;
	v13 =	vld [tilespmem:s1+$0xFFFFFE60]  }
0xe7: {  	v15 =	vor.u32 s24, v1;
	v14 =	vld [tilespmem:s1+$0xFFFFFEA0];
	[tilespmem:v16+s31+$0x0] =	vst.idx.msk $0xffff, v8;
	v8 =	vadd.f32 v17, v7  }
0xe8: {  	v16 =	vor.u32 s22, v1;
	[tilespmem:v18+s31+$0x0] =	vst.idx.msk $0xffff, v10;
	v10 =	vadd.f32 v19, v7;
	v17 =	vld [tilespmem:s1+$0xFFFFFEE0]  }
0xe9: {  	v18 =	vadd.f32 v20, v7;
	v19 =	vor.u32 s17, v1;
	v20 =	vld [tilespmem:s1+$0xFFFFFF20];
	[tilespmem:v61+s31+$0x0] =	vst.idx.msk $0xffff, v8  }
0xea: {  	v8 =	vor.u32 s18, v1;
	v21 =	vld [tilespmem:s1+$0xFFFFFF60];
	[tilespmem:v9+s31+$0x0] =	vst.idx.msk $0xffff, v10;
	v9 =	vadd.f32 v11, v6  }
0xeb: {  	[tilespmem:v12+s31+$0x0] =	vst.idx.msk $0xffff, v18;
	v10 =	vadd.f32 v13, v6;
	v11 =	vor.u32 s21, v1;
	v12 =	vld [tilespmem:s1+$0xFFFFFFA0]  }
0xec: {  	v18 =	vor.u32 s26, v1;
	v13 =	vld [tilespmem:s1+$0xFFFFFE20];
	v14 =	vadd.f32 v14, v6;
	[tilespmem:v15+s31+$0x0] =	vst.idx.msk $0xffff, v9  }
0xed: {  	[tilespmem:v16+s31+$0x0] =	vst.idx.msk $0xffff, v10;
	v9 =	vadd.f32 v17, v6;
	v10 =	vor.u32 s30, v1;
	v15 =	vld [tilespmem:s1+$0xFFFFFFF0]  }
0xee: {  	v16 =	vor.u32 s16, v1;
	[tilespmem:v19+s31+$0x0] =	vst.idx.msk $0xffff, v14;
	v14 =	vadd.f32 v20, v6;
	v17 =	vld [tilespmem:s1+$0xFFFFFE70]  }
0xef: {  	v19 =	vld [tilespmem:s1+$0xFFFFFEB0];
	[tilespmem:v8+s31+$0x0] =	vst.idx.msk $0xffff, v9;
	v8 =	vadd.f32 v21, v6;
	v9 =	vor.u32 s24, v2  }
0xf0: {  	v20 =	vor.u32 s22, v2;
	v62 =	vld [tilespmem:s1+$0xFFFFFEF0];
	[tilespmem:v11+s31+$0x0] =	vst.idx.msk $0xffff, v14;
	v11 =	vadd.f32 v12, v6  }
0xf1: {  	v12 =	vadd.f32 v13, v6;
	v13 =	vor.u32 s17, v2;
	v14 =	vld [tilespmem:s1+$0xFFFFFF30];
	[tilespmem:v18+s31+$0x0] =	vst.idx.msk $0xffff, v8  }
0xf2: {  	v8 =	vor.u32 s18, v2;
	v18 =	vld [tilespmem:s1+$0xFFFFFF70];
	[tilespmem:v10+s31+$0x0] =	vst.idx.msk $0xffff, v11;
	v10 =	vadd.f32 v15, v5  }
0xf3: {  	[tilespmem:v16+s31+$0x0] =	vst.idx.msk $0xffff, v12;
	v12 =	vor.u32 s21, v2;
	v11 =	vadd.f32 v17, v5;
	v15 =	vld [tilespmem:s1+$0xFFFFFFB0]  }
0xf4: {  	v16 =	vld [tilespmem:s1+$0xFFFFFE30];
	v17 =	vadd.f32 v19, v5;
	v19 =	vor.u32 s26, v2;
	[tilespmem:v9+s31+$0x0] =	vst.idx.msk $0xffff, v10  }
0xf5: {  	[tilespmem:v20+s31+$0x0] =	vst.idx.msk $0xffff, v11;
	v9 =	vadd.f32 v62, v5;
	v10 =	vor.u32 s30, v2;
	v20 =	vld [tilespmem:s1+$0x0]  }
0xf6: {  	v63 =	vor.u32 s16, v2;
	[tilespmem:v13+s31+$0x0] =	vst.idx.msk $0xffff, v17;
	v22 =	vld [tilespmem:s1+$0xFFFFFE80];
	v11 =	vadd.f32 v14, v5  }
0xf7: {  	v23 =	vor.u32 s24, v3;
	v24 =	vld [tilespmem:s1+$0xFFFFFEC0];
	[tilespmem:v8+s31+$0x0] =	vst.idx.msk $0xffff, v9;
	v8 =	vadd.f32 v18, v5  }
0xf8: {  	v25 =	vor.u32 s22, v3;
	v26 =	vld [tilespmem:s1+$0xFFFFFF00];
	[tilespmem:v12+s31+$0x0] =	vst.idx.msk $0xffff, v11;
	v9 =	vadd.f32 v15, v5  }
0xf9: {  	v17 =	vor.u32 s17, v3;
	v12 =	vadd.f32 v16, v5;
	v16 =	vld [tilespmem:s1+$0xFFFFFF40];
	[tilespmem:v19+s31+$0x0] =	vst.idx.msk $0xffff, v8  }
0xfa: {  	v15 =	vor.u32 s18, v3;
	v11 =	vld [tilespmem:s1+$0xFFFFFF80];
	[tilespmem:v10+s31+$0x0] =	vst.idx.msk $0xffff, v9;
	v10 =	vadd.f32 v20, v4  }
0xfb: {  	v14 =	vor.u32 s21, v3;
	[tilespmem:v63+s31+$0x0] =	vst.idx.msk $0xffff, v12;
	v19 =	vadd.f32 v22, v4;
	v13 =	vld [tilespmem:s1+$0xFFFFFFC0]  }
0xfc: {  	v9 =	vor.u32 s26, v3;
	s26 =	simm.s32 $0xB9F0;
	v8 =	vld [tilespmem:s1+$0xFFFFFE40];
	v18 =	vadd.f32 v24, v4;
	[tilespmem:v23+s31+$0x0] =	vst.idx.msk $0xffff, v10  }
0xfd: {  	s6 =	simm.s32 $0x10;
	s15 =	simm.s32 $0x8;
	v12 =	vor.u32 s30, v3;
	v10 =	vld [tilespmem:s26+$0xFFFFFFD0];
	[tilespmem:v25+s31+$0x0] =	vst.idx.msk $0xffff, v19;
	v19 =	vadd.f32 v26, v4  }
.LBB2_5:
0xfe: {  	p2 =	slt.u32 s6, $0x78;
	v20 =	vld [tilespmem:s26+$0xFFFFFE50];
	s17 =	sadd.s32 $0x7, s15;
	v21 =	vor.u32 s16, v3;
	[tilespmem:v17+s31+$0x0] =	vst.idx.msk $0xffff, v18;
	v16 =	vadd.f32 v16, v4;
	s16 =	smov.u32 s15  }
0xff: {  	s15 =	smov.u32 s6;
	s18 =	sadd.s32 $0x1, s16;
	v17 =	vld [tilespmem:s26+$0xFFFFFE90];
	v18 =	vor.u32 s17, v0;
	[tilespmem:v15+s31+$0x0] =	vst.idx.msk $0xffff, v19;
	v11 =	vadd.f32 v11, v4  }
0x100: {  	s1 =	sadd.s32 $0x2, s16;
	v15 =	vor.u32 s18, v0;
	v19 =	vld [tilespmem:s26+$0xFFFFFED0];
	[tilespmem:v14+s31+$0x0] =	vst.idx.msk $0xffff, v16;
	v13 =	vadd.f32 v13, v4  }
0x101: {  	s24 =	sadd.s32 $0x3, s16;
	v14 =	vor.u32 s1, v0;
	v16 =	vld [tilespmem:s26+$0xFFFFFF10];
	v8 =	vadd.f32 v8, v4;
	[tilespmem:v9+s31+$0x0] =	vst.idx.msk $0xffff, v11  }
0x102: {  	s30 =	sadd.s32 $0x4, s16;
	v9 =	vor.u32 s24, v0;
	v11 =	vld [tilespmem:s26+$0xFFFFFF50];
	v10 =	vadd.f32 v10, v7;
	[tilespmem:v12+s31+$0x0] =	vst.idx.msk $0xffff, v13  }
0x103: {  	s22 =	sadd.s32 $0x5, s16;
	v13 =	vor.u32 s30, v0;
	v12 =	vadd.f32 v20, v7;
	v20 =	vld [tilespmem:s26+$0xFFFFFF90];
	[tilespmem:v21+s31+$0x0] =	vst.idx.msk $0xffff, v8  }
0x104: {  	s21 =	sadd.s32 $0x6, s16;
	v21 =	vor.u32 s22, v0;
	v8 =	vld [tilespmem:s26+$0xFFFFFE10];
	v17 =	vadd.f32 v17, v7;
	[tilespmem:v18+s31+$0x0] =	vst.idx.msk $0xffff, v10  }
0x105: {  	[tilespmem:v15+s31+$0x0] =	vst.idx.msk $0xffff, v12;
	v10 =	vadd.f32 v19, v7;
	v12 =	vor.u32 s21, v0;
	v15 =	vld [tilespmem:s26+$0xFFFFFFE0]  }
0x106: {  	v18 =	vor.u32 s16, v0;
	v19 =	vld [tilespmem:s26+$0xFFFFFE60];
	[tilespmem:v14+s31+$0x0] =	vst.idx.msk $0xffff, v17;
	v14 =	vadd.f32 v16, v7  }
0x107: {  	v16 =	vld [tilespmem:s26+$0xFFFFFEA0];
	[tilespmem:v9+s31+$0x0] =	vst.idx.msk $0xffff, v10;
	v9 =	vadd.f32 v11, v7;
	v10 =	vor.u32 s17, v1  }
0x108: {  	v11 =	vor.u32 s18, v1;
	v17 =	vld [tilespmem:s26+$0xFFFFFEE0];
	[tilespmem:v13+s31+$0x0] =	vst.idx.msk $0xffff, v14;
	v13 =	vadd.f32 v20, v7  }
0x109: {  	v14 =	vor.u32 s1, v1;
	v8 =	vadd.f32 v8, v7;
	v20 =	vld [tilespmem:s26+$0xFFFFFF20];
	[tilespmem:v21+s31+$0x0] =	vst.idx.msk $0xffff, v9  }
0x10a: {  	v9 =	vor.u32 s24, v1;
	v21 =	vld [tilespmem:s26+$0xFFFFFF60];
	[tilespmem:v12+s31+$0x0] =	vst.idx.msk $0xffff, v13;
	v12 =	vadd.f32 v15, v6  }
0x10b: {  	v13 =	vor.u32 s30, v1;
	[tilespmem:v18+s31+$0x0] =	vst.idx.msk $0xffff, v8;
	v8 =	vadd.f32 v19, v6;
	v15 =	vld [tilespmem:s26+$0xFFFFFFA0]  }
0x10c: {  	v19 =	vor.u32 s22, v1;
	v18 =	vld [tilespmem:s26+$0xFFFFFE20];
	v16 =	vadd.f32 v16, v6;
	[tilespmem:v10+s31+$0x0] =	vst.idx.msk $0xffff, v12  }
0x10d: {  	v10 =	vor.u32 s21, v1;
	[tilespmem:v11+s31+$0x0] =	vst.idx.msk $0xffff, v8;
	v8 =	vadd.f32 v17, v6;
	v11 =	vld [tilespmem:s26+$0xFFFFFFF0]  }
0x10e: {  	v12 =	vor.u32 s16, v1;
	v17 =	vld [tilespmem:s26+$0xFFFFFE70];
	[tilespmem:v14+s31+$0x0] =	vst.idx.msk $0xffff, v16;
	v14 =	vadd.f32 v20, v6  }
0x10f: {  	v16 =	vld [tilespmem:s26+$0xFFFFFEB0];
	[tilespmem:v9+s31+$0x0] =	vst.idx.msk $0xffff, v8;
	v8 =	vadd.f32 v21, v6;
	v9 =	vor.u32 s17, v2  }
0x110: {  	v20 =	vor.u32 s18, v2;
	v21 =	vld [tilespmem:s26+$0xFFFFFEF0];
	[tilespmem:v13+s31+$0x0] =	vst.idx.msk $0xffff, v14;
	v13 =	vadd.f32 v15, v6  }
0x111: {  	v15 =	vor.u32 s1, v2;
	v14 =	vadd.f32 v18, v6;
	v18 =	vld [tilespmem:s26+$0xFFFFFF30];
	[tilespmem:v19+s31+$0x0] =	vst.idx.msk $0xffff, v8  }
0x112: {  	v8 =	vor.u32 s24, v2;
	v19 =	vld [tilespmem:s26+$0xFFFFFF70];
	[tilespmem:v10+s31+$0x0] =	vst.idx.msk $0xffff, v13;
	v10 =	vadd.f32 v11, v5  }
0x113: {  	[tilespmem:v12+s31+$0x0] =	vst.idx.msk $0xffff, v14;
	v11 =	vadd.f32 v17, v5;
	v12 =	vor.u32 s30, v2;
	v13 =	vld [tilespmem:s26+$0xFFFFFFB0]  }
0x114: {  	v22 =	vor.u32 s22, v2;
	v14 =	vld [tilespmem:s26+$0xFFFFFE30];
	v16 =	vadd.f32 v16, v5;
	[tilespmem:v9+s31+$0x0] =	vst.idx.msk $0xffff, v10  }
0x115: {  	v10 =	vor.u32 s21, v2;
	[tilespmem:v20+s31+$0x0] =	vst.idx.msk $0xffff, v11;
	v9 =	vadd.f32 v21, v5;
	v20 =	vld [tilespmem:s26+$0x0]  }
0x116: {  	v21 =	vor.u32 s16, v2;
	v23 =	vld [tilespmem:s26+$0xFFFFFE80];
	[tilespmem:v15+s31+$0x0] =	vst.idx.msk $0xffff, v16;
	v11 =	vadd.f32 v18, v5  }
0x117: {  	v18 =	vld [tilespmem:s26+$0xFFFFFEC0];
	[tilespmem:v8+s31+$0x0] =	vst.idx.msk $0xffff, v9;
	v8 =	vadd.f32 v19, v5;
	v19 =	vor.u32 s17, v3  }
0x118: {  	v24 =	vor.u32 s18, v3;
	v25 =	vld [tilespmem:s26+$0xFFFFFF00];
	[tilespmem:v12+s31+$0x0] =	vst.idx.msk $0xffff, v11;
	v9 =	vadd.f32 v13, v5  }
.Ltmp1:
0x119: {  	v17 =	vor.u32 s1, v3;
	v12 =	vadd.f32 v14, v5;
	v16 =	vld [tilespmem:s26+$0xFFFFFF40];
	[tilespmem:v22+s31+$0x0] =	vst.idx.msk $0xffff, v8;
	(pc) =	sbr.rel @p2 .LBB2_5-.Ltmp1, $4  }
0x11a: {  	v15 =	vor.u32 s24, v3;
	v11 =	vld [tilespmem:s26+$0xFFFFFF80];
	[tilespmem:v10+s31+$0x0] =	vst.idx.msk $0xffff, v9;
	v10 =	vadd.f32 v20, v4  }
0x11b: {  	v14 =	vor.u32 s30, v3;
	[tilespmem:v21+s31+$0x0] =	vst.idx.msk $0xffff, v12;
	v12 =	vadd.f32 v23, v4;
	v13 =	vld [tilespmem:s26+$0xFFFFFFC0]  }
0x11c: {  	v9 =	vor.u32 s22, v3;
	v8 =	vld [tilespmem:s26+$0xFFFFFE40];
	v18 =	vadd.f32 v18, v4;
	[tilespmem:v19+s31+$0x0] =	vst.idx.msk $0xffff, v10;
	s26 =	sadd.s32 $0x200, s26  }
0x11d: {  	s6 =	sadd.s32 $0x8, s6;
	v10 =	vld [tilespmem:s26+$0xFFFFFFD0];
	[tilespmem:v24+s31+$0x0] =	vst.idx.msk $0xffff, v12;
	v19 =	vadd.f32 v25, v4;
	v12 =	vor.u32 s21, v3  }
0x11e: {  	_ =	sdelay $0x3  }
0x11f: {  	v20 =	vld [tilespmem:s26+$0xFFFFFE50];
	s1 =	sadd.s32 $0x7, s15;
	v21 =	vor.u32 s16, v3;
	[tilespmem:v17+s31+$0x0] =	vst.idx.msk $0xffff, v18;
	v16 =	vadd.f32 v16, v4  }
0x120: {  	s6 =	sadd.s32 $0x1, s15;
	v17 =	vld [tilespmem:s26+$0xFFFFFE90];
	v18 =	vor.u32 s1, v0;
	[tilespmem:v15+s31+$0x0] =	vst.idx.msk $0xffff, v19;
	v11 =	vadd.f32 v11, v4  }
0x121: {  	s30 =	sadd.s32 $0x2, s15;
	v15 =	vor.u32 s6, v0;
	v19 =	vld [tilespmem:s26+$0xFFFFFED0];
	[tilespmem:v14+s31+$0x0] =	vst.idx.msk $0xffff, v16;
	v13 =	vadd.f32 v13, v4  }
0x122: {  	s18 =	sadd.s32 $0x3, s15;
	v14 =	vor.u32 s30, v0;
	v16 =	vld [tilespmem:s26+$0xFFFFFF10];
	v8 =	vadd.f32 v8, v4;
	[tilespmem:v9+s31+$0x0] =	vst.idx.msk $0xffff, v11  }
0x123: {  	s17 =	sadd.s32 $0x4, s15;
	v9 =	vor.u32 s18, v0;
	v11 =	vld [tilespmem:s26+$0xFFFFFF50];
	v10 =	vadd.f32 v10, v7;
	[tilespmem:v12+s31+$0x0] =	vst.idx.msk $0xffff, v13  }
0x124: {  	s21 =	sadd.s32 $0x5, s15;
	v13 =	vor.u32 s17, v0;
	v12 =	vadd.f32 v20, v7;
	v20 =	vld [tilespmem:s26+$0xFFFFFF90];
	[tilespmem:v21+s31+$0x0] =	vst.idx.msk $0xffff, v8  }
0x125: {  	s22 =	sadd.s32 $0x6, s15;
	v60 =	vor.u32 s21, v0;
	v8 =	vld [tilespmem:s26+$0xFFFFFE10];
	v17 =	vadd.f32 v17, v7;
	[tilespmem:v18+s31+$0x0] =	vst.idx.msk $0xffff, v10  }
0x126: {  	v10 =	vadd.f32 v19, v7;
	[tilespmem:v15+s31+$0x0] =	vst.idx.msk $0xffff, v12;
	v12 =	vor.u32 s22, v0;
	v15 =	vld [tilespmem:s26+$0xFFFFFFE0]  }
0x127: {  	v18 =	vor.u32 s15, v0;
	[tilespmem:v14+s31+$0x0] =	vst.idx.msk $0xffff, v17;
	v14 =	vadd.f32 v16, v7;
	v19 =	vld [tilespmem:s26+$0xFFFFFE60]  }
0x128: {  	v16 =	vld [tilespmem:s26+$0xFFFFFEA0];
	[tilespmem:v9+s31+$0x0] =	vst.idx.msk $0xffff, v10;
	v9 =	vadd.f32 v11, v7;
	v10 =	vor.u32 s1, v1  }
0x129: {  	v11 =	vor.u32 s6, v1;
	v17 =	vld [tilespmem:s26+$0xFFFFFEE0];
	[tilespmem:v13+s31+$0x0] =	vst.idx.msk $0xffff, v14;
	v13 =	vadd.f32 v20, v7  }
0x12a: {  	v7 =	vadd.f32 v8, v7;
	v8 =	vor.u32 s30, v1;
	v14 =	vld [tilespmem:s26+$0xFFFFFF20];
	[tilespmem:v60+s31+$0x0] =	vst.idx.msk $0xffff, v9  }
0x12b: {  	v9 =	vor.u32 s18, v1;
	v20 =	vld [tilespmem:s26+$0xFFFFFF60];
	[tilespmem:v12+s31+$0x0] =	vst.idx.msk $0xffff, v13;
	v12 =	vadd.f32 v15, v6  }
0x12c: {  	[tilespmem:v18+s31+$0x0] =	vst.idx.msk $0xffff, v7;
	v13 =	vor.u32 s17, v1;
	v7 =	vadd.f32 v19, v6;
	v15 =	vld [tilespmem:s26+$0xFFFFFFA0]  }
0x12d: {  	v18 =	vld [tilespmem:s26+$0xFFFFFE20];
	v16 =	vadd.f32 v16, v6;
	v19 =	vor.u32 s21, v1;
	[tilespmem:v10+s31+$0x0] =	vst.idx.msk $0xffff, v12  }
0x12e: {  	v10 =	vor.u32 s22, v1;
	[tilespmem:v11+s31+$0x0] =	vst.idx.msk $0xffff, v7;
	v7 =	vadd.f32 v17, v6;
	v11 =	vld [tilespmem:s26+$0xFFFFFFF0]  }
0x12f: {  	v12 =	vor.u32 s15, v1;
	[tilespmem:v8+s31+$0x0] =	vst.idx.msk $0xffff, v16;
	v8 =	vadd.f32 v14, v6;
	v17 =	vld [tilespmem:s26+$0xFFFFFE70]  }
0x130: {  	v14 =	vld [tilespmem:s26+$0xFFFFFEB0];
	[tilespmem:v9+s31+$0x0] =	vst.idx.msk $0xffff, v7;
	v7 =	vadd.f32 v20, v6;
	v9 =	vor.u32 s1, v2  }
0x131: {  	v16 =	vor.u32 s6, v2;
	[tilespmem:v13+s31+$0x0] =	vst.idx.msk $0xffff, v8;
	v20 =	vld [tilespmem:s26+$0xFFFFFEF0];
	v8 =	vadd.f32 v15, v6  }
0x132: {  	v13 =	vor.u32 s30, v2;
	v6 =	vadd.f32 v18, v6;
	v15 =	vld [tilespmem:s26+$0xFFFFFF30];
	[tilespmem:v19+s31+$0x0] =	vst.idx.msk $0xffff, v7  }
0x133: {  	v7 =	vor.u32 s18, v2;
	v18 =	vld [tilespmem:s26+$0xFFFFFF70];
	[tilespmem:v10+s31+$0x0] =	vst.idx.msk $0xffff, v8;
	v8 =	vadd.f32 v11, v5  }
0x134: {  	[tilespmem:v12+s31+$0x0] =	vst.idx.msk $0xffff, v6;
	v10 =	vor.u32 s17, v2;
	v6 =	vadd.f32 v17, v5;
	v11 =	vld [tilespmem:s26+$0xFFFFFFB0]  }
0x135: {  	v12 =	vld [tilespmem:s26+$0xFFFFFE30];
	v14 =	vadd.f32 v14, v5;
	v17 =	vor.u32 s21, v2;
	[tilespmem:v9+s31+$0x0] =	vst.idx.msk $0xffff, v8  }
0x136: {  	v8 =	vor.u32 s22, v2;
	[tilespmem:v16+s31+$0x0] =	vst.idx.msk $0xffff, v6;
	v6 =	vadd.f32 v20, v5;
	v9 =	vld [tilespmem:s26+$0x0]  }
0x137: {  	v16 =	vor.u32 s15, v2;
	[tilespmem:v13+s31+$0x0] =	vst.idx.msk $0xffff, v14;
	v13 =	vadd.f32 v15, v5;
	v19 =	vld [tilespmem:s26+$0xFFFFFE80]  }
0x138: {  	v14 =	vld [tilespmem:s26+$0xFFFFFEC0];
	[tilespmem:v7+s31+$0x0] =	vst.idx.msk $0xffff, v6;
	v6 =	vadd.f32 v18, v5;
	v7 =	vor.u32 s1, v3  }
0x139: {  	v15 =	vor.u32 s6, v3;
	[tilespmem:v10+s31+$0x0] =	vst.idx.msk $0xffff, v13;
	v18 =	vld [tilespmem:s26+$0xFFFFFF00];
	v10 =	vadd.f32 v11, v5  }
0x13a: {  	v5 =	vadd.f32 v12, v5;
	v11 =	vor.u32 s30, v3;
	v12 =	vld [tilespmem:s26+$0xFFFFFF40];
	[tilespmem:v17+s31+$0x0] =	vst.idx.msk $0xffff, v6  }
0x13b: {  	v6 =	vor.u32 s18, v3;
	v13 =	vld [tilespmem:s26+$0xFFFFFF80];
	[tilespmem:v8+s31+$0x0] =	vst.idx.msk $0xffff, v10;
	v8 =	vadd.f32 v9, v4  }
0x13c: {  	[tilespmem:v16+s31+$0x0] =	vst.idx.msk $0xffff, v5;
	v9 =	vor.u32 s17, v3;
	v5 =	vadd.f32 v19, v4;
	v10 =	vld [tilespmem:s26+$0xFFFFFFC0]  }
0x13d: {  	v17 =	vor.u32 s21, v3;
	v16 =	vld [tilespmem:s26+$0xFFFFFE40];
	v14 =	vadd.f32 v14, v4;
	[tilespmem:v7+s31+$0x0] =	vst.idx.msk $0xffff, v8  }
0x13e: {  	v7 =	vor.u32 s22, v3;
	[tilespmem:v15+s31+$0x0] =	vst.idx.msk $0xffff, v5;
	v5 =	vadd.f32 v18, v4  }
0x13f: {  	v8 =	vor.u32 s15, v3;
	[tilespmem:v11+s31+$0x0] =	vst.idx.msk $0xffff, v14;
	v11 =	vadd.f32 v12, v4  }
0x140: {  	[tilespmem:v6+s31+$0x0] =	vst.idx.msk $0xffff, v5;
	v5 =	vadd.f32 v13, v4  }
0x141: {  	[tilespmem:v9+s31+$0x0] =	vst.idx.msk $0xffff, v11;
	v6 =	vadd.f32 v10, v4  }
0x142: {  	v4 =	vadd.f32 v16, v4;
	[tilespmem:v17+s31+$0x0] =	vst.idx.msk $0xffff, v5  }
0x143: {  	s6 =	simm.s32 @!p1 $0x80;
	[tilespmem:v7+s31+$0x0] =	vst.idx.msk $0xffff, v6  }
0x144: {  	s1 =	sadd.s32 @!p1 $0x300, s2;
	s17 =	sshll.u32 s7, $0x7;
	s15 =	simm.s32 @!p1 $0xB600;
	[tilespmem:v8+s31+$0x0] =	vst.idx.msk $0xffff, v4  }
0x145: {  	[tilespmem:s15], [sflag:$0x2] =	stream.indirect.gather @!p1 [hbm4b:s5+s6], $0x40, s1, s6, $0xb8;
	[tilespmem:$0x1D600] =	vst v63  }
0x146: {  	s18 =	sshll.u32 s19, $0xF;
	s1 =	sand.u32 $0xF80, s17  }
0x147: {  	s1 =	sor.u32 s1, s18  }
0x148: {  	s6 =	sadd.s32 s3, s1  }
0x149: {  	[hbm4b:s6+s4] =	stream.linear.scatter [tilespmem:s31], [sflag:$0x7], $0x400, $0x38;
	[tilespmem:$0x1D600] =	vst v63  }
0x14a: {  	s21 =	simm.s32 $0x15A00;
	s19 =	sadd.s32 s1, s8  }
0x14b: {  	[hbm4b:s19+s4] =	stream.linear.scatter [tilespmem:s21], [sflag:$0x7], $0x400, $0x38;
	[tilespmem:$0x1D600] =	vst v63  }
0x14c: {  	s24 =	simm.s32 $0x15E00;
	s22 =	sadd.s32 s1, s9  }
0x14d: {  	[hbm4b:s22+s4] =	stream.linear.scatter [tilespmem:s24], [sflag:$0x7], $0x400, $0x38;
	[tilespmem:$0x1D600] =	vst v63  }
0x14e: {  	s30 =	simm.s32 $0x16200;
	s26 =	sadd.s32 s1, s10  }
0x14f: {  	[hbm4b:s26+s4] =	stream.linear.scatter [tilespmem:s30], [sflag:$0x7], $0x400, $0x38;
	[tilespmem:$0x1D600] =	vst v63  }
0x150: {  	s16 =	simm.s32 $0x16600;
	s15 =	sadd.s32 s1, s11  }
0x151: {  	[hbm4b:s15+s4] =	stream.linear.scatter [tilespmem:s16], [sflag:$0x7], $0x400, $0x38;
	[tilespmem:$0x1D600] =	vst v63  }
0x152: {  	s18 =	simm.s32 $0x16A00;
	s17 =	sadd.s32 s1, s12  }
0x153: {  	[hbm4b:s17+s4] =	stream.linear.scatter [tilespmem:s18], [sflag:$0x7], $0x400, $0x38;
	[tilespmem:$0x1D600] =	vst v63  }
0x154: {  	s19 =	sadd.s32 s1, s13;
	s21 =	simm.s32 $0x16E00  }
0x155: {  	[hbm4b:s19+s4] =	stream.linear.scatter [tilespmem:s21], [sflag:$0x7], $0x400, $0x38;
	[tilespmem:$0x1D600] =	vst v63  }
0x156: {  	s1 =	sadd.s32 s1, s14;
	s22 =	simm.s32 $0x17200;
	s24 =	simm.s32 $0x3  }
0x157: {  	[hbm4b:s1+s4] =	stream.linear.scatter [tilespmem:s22], [sflag:$0x7], $0x400, $0x38;
	[tilespmem:$0x1D600] =	vst v63  }
0x158: {  	_ =	swait.ge [sflag:s24], $0x2000  }
0x159: {  	[sflag:s24] =	ssyncset.done $0x0  }
0x15a: {  	s1 =	simm.s32 @!p0 $0x8;
	[sflag:s24] =	ssyncadd.s32 $0xFFFFE000  }
0x15b: {  	_ =	swait.ge @!p0 [sflag:s1], $0x400  }
0x15c: {  	[sflag:s1] =	ssyncset.done @!p0 $0x0  }
0x15d: {  	[sflag:s1] =	ssyncadd.s32 @!p0 $0xFFFFFC00  }
0x15e: {  	_ =	swait.ge @!p0 [sflag:s1], $0x400  }
0x15f: {  	[sflag:s1] =	ssyncset.done @!p0 $0x0  }
0x160: {  	[sflag:s1] =	ssyncadd.s32 @!p0 $0xFFFFFC00  }
0x161: {  	_ =	swait.ge @!p0 [sflag:s1], $0x400  }
0x162: {  	[sflag:s1] =	ssyncset.done @!p0 $0x0  }
0x163: {  	[sflag:s1] =	ssyncadd.s32 @!p0 $0xFFFFFC00  }
0x164: {  	_ =	swait.ge @!p0 [sflag:s1], $0x400  }
0x165: {  	[sflag:s1] =	ssyncset.done @!p0 $0x0  }
0x166: {  	[sflag:s1] =	ssyncadd.s32 @!p0 $0xFFFFFC00  }
0x167: {  	_ =	swait.ge @!p0 [sflag:s1], $0x400  }
0x168: {  	[sflag:s1] =	ssyncset.done @!p0 $0x0  }
0x169: {  	[sflag:s1] =	ssyncadd.s32 @!p0 $0xFFFFFC00  }
0x16a: {  	_ =	swait.ge @!p0 [sflag:s1], $0x400  }
0x16b: {  	[sflag:s1] =	ssyncset.done @!p0 $0x0  }
0x16c: {  	[sflag:s1] =	ssyncadd.s32 @!p0 $0xFFFFFC00  }
0x16d: {  	_ =	swait.ge @!p0 [sflag:s1], $0x400  }
0x16e: {  	[sflag:s1] =	ssyncset.done @!p0 $0x0;
	s26 =	rddreg [dreg:$0x6]  }
0x16f: {  	s7 =	sadd.s32 s29, s26;
	[sflag:s1] =	ssyncadd.s32 @!p0 $0xFFFFFC00  }
0x170: {  	s19 =	sshrl.u32 s7, $0x5;
	_ =	swait.ge @!p0 [sflag:s1], $0x400  }
0x171: {  	[sflag:s1] =	ssyncset.done @!p0 $0x0;
	s30 =	sshll.u32 s19, $0x6  }
0x172: {  	[sflag:s1] =	ssyncadd.s32 @!p0 $0xFFFFFC00;
	s6 =	sand.u32 $0x3FFFFFC0, s30  }
0x173: {  	v7 =	vld [tilespmem:s6+$0x6400]  }
0x174: {  	v6 =	vld [tilespmem:s6+$0x6410]  }
0x175: {  	v5 =	vld [tilespmem:s6+$0x6420]  }
0x176: {  	s1 =	simm.s32 $0xD7F0;
	v4 =	vld [tilespmem:s6+$0x6430]  }
0x177: {  	v8 =	vld [tilespmem:s1+$0xFFFFFFD0]  }
0x178: {  	s24 =	simm.s32 $0x7;
	v9 =	vld [tilespmem:s1+$0xFFFFFE50]  }
0x179: {  	s15 =	simm.s32 $0x1;
	v11 =	vor.u32 s24, v0;
	v10 =	vld [tilespmem:s1+$0xFFFFFE90]  }
0x17a: {  	v12 =	vor.u32 s15, v0;
	s17 =	simm.s32 $0x2;
	v13 =	vld [tilespmem:s1+$0xFFFFFED0]  }
0x17b: {  	s18 =	simm.s32 $0x3;
	v14 =	vor.u32 s17, v0;
	v15 =	vld [tilespmem:s1+$0xFFFFFF10]  }
0x17c: {  	v16 =	vor.u32 s18, v0;
	s21 =	simm.s32 $0x4;
	v17 =	vld [tilespmem:s1+$0xFFFFFF50];
	v8 =	vadd.f32 v8, v7  }
0x17d: {  	v18 =	vor.u32 s21, v0;
	s26 =	simm.s32 $0x5;
	v19 =	vld [tilespmem:s1+$0xFFFFFF90];
	v9 =	vadd.f32 v9, v7  }
0x17e: {  	v61 =	vor.u32 s26, v0;
	s30 =	simm.s32 $0x6;
	v20 =	vld [tilespmem:s1+$0xFFFFFE10];
	v10 =	vadd.f32 v10, v7;
	[tilespmem:v11+s25+$0x0] =	vst.idx.msk $0xffff, v8  }
0x17f: {  	s16 =	simm.s32 $0x0;
	[tilespmem:v12+s25+$0x0] =	vst.idx.msk $0xffff, v9;
	v8 =	vadd.f32 v13, v7;
	v9 =	vor.u32 s30, v0;
	v11 =	vld [tilespmem:s1+$0xFFFFFFE0]  }
0x180: {  	v12 =	vor.u32 s16, v0;
	[tilespmem:v14+s25+$0x0] =	vst.idx.msk $0xffff, v10;
	v10 =	vadd.f32 v15, v7;
	v13 =	vld [tilespmem:s1+$0xFFFFFE60]  }
0x181: {  	v15 =	vor.u32 s24, v1;
	v14 =	vld [tilespmem:s1+$0xFFFFFEA0];
	[tilespmem:v16+s25+$0x0] =	vst.idx.msk $0xffff, v8;
	v8 =	vadd.f32 v17, v7  }
0x182: {  	v16 =	vor.u32 s15, v1;
	[tilespmem:v18+s25+$0x0] =	vst.idx.msk $0xffff, v10;
	v10 =	vadd.f32 v19, v7;
	v17 =	vld [tilespmem:s1+$0xFFFFFEE0]  }
0x183: {  	v18 =	vadd.f32 v20, v7;
	v19 =	vor.u32 s17, v1;
	v20 =	vld [tilespmem:s1+$0xFFFFFF20];
	[tilespmem:v61+s25+$0x0] =	vst.idx.msk $0xffff, v8  }
0x184: {  	v8 =	vor.u32 s18, v1;
	v21 =	vld [tilespmem:s1+$0xFFFFFF60];
	[tilespmem:v9+s25+$0x0] =	vst.idx.msk $0xffff, v10;
	v9 =	vadd.f32 v11, v6  }
0x185: {  	[tilespmem:v12+s25+$0x0] =	vst.idx.msk $0xffff, v18;
	v10 =	vadd.f32 v13, v6;
	v11 =	vor.u32 s21, v1;
	v12 =	vld [tilespmem:s1+$0xFFFFFFA0]  }
0x186: {  	v18 =	vor.u32 s26, v1;
	v13 =	vld [tilespmem:s1+$0xFFFFFE20];
	v14 =	vadd.f32 v14, v6;
	[tilespmem:v15+s25+$0x0] =	vst.idx.msk $0xffff, v9  }
0x187: {  	[tilespmem:v16+s25+$0x0] =	vst.idx.msk $0xffff, v10;
	v9 =	vadd.f32 v17, v6;
	v10 =	vor.u32 s30, v1;
	v15 =	vld [tilespmem:s1+$0xFFFFFFF0]  }
0x188: {  	v16 =	vor.u32 s16, v1;
	[tilespmem:v19+s25+$0x0] =	vst.idx.msk $0xffff, v14;
	v14 =	vadd.f32 v20, v6;
	v17 =	vld [tilespmem:s1+$0xFFFFFE70]  }
0x189: {  	v19 =	vld [tilespmem:s1+$0xFFFFFEB0];
	[tilespmem:v8+s25+$0x0] =	vst.idx.msk $0xffff, v9;
	v8 =	vadd.f32 v21, v6;
	v9 =	vor.u32 s24, v2  }
0x18a: {  	v20 =	vor.u32 s15, v2;
	v62 =	vld [tilespmem:s1+$0xFFFFFEF0];
	[tilespmem:v11+s25+$0x0] =	vst.idx.msk $0xffff, v14;
	v11 =	vadd.f32 v12, v6  }
0x18b: {  	v12 =	vadd.f32 v13, v6;
	v13 =	vor.u32 s17, v2;
	v14 =	vld [tilespmem:s1+$0xFFFFFF30];
	[tilespmem:v18+s25+$0x0] =	vst.idx.msk $0xffff, v8  }
0x18c: {  	v8 =	vor.u32 s18, v2;
	v18 =	vld [tilespmem:s1+$0xFFFFFF70];
	[tilespmem:v10+s25+$0x0] =	vst.idx.msk $0xffff, v11;
	v10 =	vadd.f32 v15, v5  }
0x18d: {  	[tilespmem:v16+s25+$0x0] =	vst.idx.msk $0xffff, v12;
	v12 =	vor.u32 s21, v2;
	v11 =	vadd.f32 v17, v5;
	v15 =	vld [tilespmem:s1+$0xFFFFFFB0]  }
0x18e: {  	v16 =	vld [tilespmem:s1+$0xFFFFFE30];
	v17 =	vadd.f32 v19, v5;
	v19 =	vor.u32 s26, v2;
	[tilespmem:v9+s25+$0x0] =	vst.idx.msk $0xffff, v10  }
0x18f: {  	[tilespmem:v20+s25+$0x0] =	vst.idx.msk $0xffff, v11;
	v9 =	vadd.f32 v62, v5;
	v10 =	vor.u32 s30, v2;
	v20 =	vld [tilespmem:s1+$0x0]  }
0x190: {  	v63 =	vor.u32 s16, v2;
	[tilespmem:v13+s25+$0x0] =	vst.idx.msk $0xffff, v17;
	v22 =	vld [tilespmem:s1+$0xFFFFFE80];
	v11 =	vadd.f32 v14, v5  }
0x191: {  	v23 =	vor.u32 s24, v3;
	v24 =	vld [tilespmem:s1+$0xFFFFFEC0];
	[tilespmem:v8+s25+$0x0] =	vst.idx.msk $0xffff, v9;
	v8 =	vadd.f32 v18, v5  }
0x192: {  	v25 =	vor.u32 s15, v3;
	v26 =	vld [tilespmem:s1+$0xFFFFFF00];
	[tilespmem:v12+s25+$0x0] =	vst.idx.msk $0xffff, v11;
	v9 =	vadd.f32 v15, v5  }
0x193: {  	v17 =	vor.u32 s17, v3;
	v12 =	vadd.f32 v16, v5;
	v16 =	vld [tilespmem:s1+$0xFFFFFF40];
	[tilespmem:v19+s25+$0x0] =	vst.idx.msk $0xffff, v8  }
0x194: {  	v15 =	vor.u32 s18, v3;
	v11 =	vld [tilespmem:s1+$0xFFFFFF80];
	[tilespmem:v10+s25+$0x0] =	vst.idx.msk $0xffff, v9;
	v10 =	vadd.f32 v20, v4  }
0x195: {  	v14 =	vor.u32 s21, v3;
	[tilespmem:v63+s25+$0x0] =	vst.idx.msk $0xffff, v12;
	v19 =	vadd.f32 v22, v4;
	v13 =	vld [tilespmem:s1+$0xFFFFFFC0]  }
0x196: {  	v9 =	vor.u32 s26, v3;
	s26 =	simm.s32 $0xD9F0;
	v8 =	vld [tilespmem:s1+$0xFFFFFE40];
	v18 =	vadd.f32 v24, v4;
	[tilespmem:v23+s25+$0x0] =	vst.idx.msk $0xffff, v10  }
0x197: {  	s6 =	simm.s32 $0x10;
	s15 =	simm.s32 $0x8;
	v12 =	vor.u32 s30, v3;
	v10 =	vld [tilespmem:s26+$0xFFFFFFD0];
	[tilespmem:v25+s25+$0x0] =	vst.idx.msk $0xffff, v19;
	v19 =	vadd.f32 v26, v4  }
.LBB2_7:
0x198: {  	p2 =	slt.u32 s6, $0x78;
	v20 =	vld [tilespmem:s26+$0xFFFFFE50];
	s17 =	sadd.s32 $0x7, s15;
	v21 =	vor.u32 s16, v3;
	[tilespmem:v17+s25+$0x0] =	vst.idx.msk $0xffff, v18;
	v16 =	vadd.f32 v16, v4;
	s16 =	smov.u32 s15  }
0x199: {  	s15 =	smov.u32 s6;
	s18 =	sadd.s32 $0x1, s16;
	v17 =	vld [tilespmem:s26+$0xFFFFFE90];
	v18 =	vor.u32 s17, v0;
	[tilespmem:v15+s25+$0x0] =	vst.idx.msk $0xffff, v19;
	v11 =	vadd.f32 v11, v4  }
0x19a: {  	s1 =	sadd.s32 $0x2, s16;
	v15 =	vor.u32 s18, v0;
	v19 =	vld [tilespmem:s26+$0xFFFFFED0];
	[tilespmem:v14+s25+$0x0] =	vst.idx.msk $0xffff, v16;
	v13 =	vadd.f32 v13, v4  }
0x19b: {  	s21 =	sadd.s32 $0x3, s16;
	v14 =	vor.u32 s1, v0;
	v16 =	vld [tilespmem:s26+$0xFFFFFF10];
	v8 =	vadd.f32 v8, v4;
	[tilespmem:v9+s25+$0x0] =	vst.idx.msk $0xffff, v11  }
0x19c: {  	s30 =	sadd.s32 $0x4, s16;
	v9 =	vor.u32 s21, v0;
	v11 =	vld [tilespmem:s26+$0xFFFFFF50];
	v10 =	vadd.f32 v10, v7;
	[tilespmem:v12+s25+$0x0] =	vst.idx.msk $0xffff, v13  }
0x19d: {  	s22 =	sadd.s32 $0x5, s16;
	v13 =	vor.u32 s30, v0;
	v12 =	vadd.f32 v20, v7;
	v20 =	vld [tilespmem:s26+$0xFFFFFF90];
	[tilespmem:v21+s25+$0x0] =	vst.idx.msk $0xffff, v8  }
0x19e: {  	s24 =	sadd.s32 $0x6, s16;
	v21 =	vor.u32 s22, v0;
	v8 =	vld [tilespmem:s26+$0xFFFFFE10];
	v17 =	vadd.f32 v17, v7;
	[tilespmem:v18+s25+$0x0] =	vst.idx.msk $0xffff, v10  }
0x19f: {  	[tilespmem:v15+s25+$0x0] =	vst.idx.msk $0xffff, v12;
	v10 =	vadd.f32 v19, v7;
	v12 =	vor.u32 s24, v0;
	v15 =	vld [tilespmem:s26+$0xFFFFFFE0]  }
0x1a0: {  	v18 =	vor.u32 s16, v0;
	v19 =	vld [tilespmem:s26+$0xFFFFFE60];
	[tilespmem:v14+s25+$0x0] =	vst.idx.msk $0xffff, v17;
	v14 =	vadd.f32 v16, v7  }
0x1a1: {  	v16 =	vld [tilespmem:s26+$0xFFFFFEA0];
	[tilespmem:v9+s25+$0x0] =	vst.idx.msk $0xffff, v10;
	v9 =	vadd.f32 v11, v7;
	v10 =	vor.u32 s17, v1  }
0x1a2: {  	v11 =	vor.u32 s18, v1;
	v17 =	vld [tilespmem:s26+$0xFFFFFEE0];
	[tilespmem:v13+s25+$0x0] =	vst.idx.msk $0xffff, v14;
	v13 =	vadd.f32 v20, v7  }
0x1a3: {  	v14 =	vor.u32 s1, v1;
	v8 =	vadd.f32 v8, v7;
	v20 =	vld [tilespmem:s26+$0xFFFFFF20];
	[tilespmem:v21+s25+$0x0] =	vst.idx.msk $0xffff, v9  }
0x1a4: {  	v9 =	vor.u32 s21, v1;
	v21 =	vld [tilespmem:s26+$0xFFFFFF60];
	[tilespmem:v12+s25+$0x0] =	vst.idx.msk $0xffff, v13;
	v12 =	vadd.f32 v15, v6  }
0x1a5: {  	v13 =	vor.u32 s30, v1;
	[tilespmem:v18+s25+$0x0] =	vst.idx.msk $0xffff, v8;
	v8 =	vadd.f32 v19, v6;
	v15 =	vld [tilespmem:s26+$0xFFFFFFA0]  }
0x1a6: {  	v19 =	vor.u32 s22, v1;
	v18 =	vld [tilespmem:s26+$0xFFFFFE20];
	v16 =	vadd.f32 v16, v6;
	[tilespmem:v10+s25+$0x0] =	vst.idx.msk $0xffff, v12  }
0x1a7: {  	v10 =	vor.u32 s24, v1;
	[tilespmem:v11+s25+$0x0] =	vst.idx.msk $0xffff, v8;
	v8 =	vadd.f32 v17, v6;
	v11 =	vld [tilespmem:s26+$0xFFFFFFF0]  }
0x1a8: {  	v12 =	vor.u32 s16, v1;
	v17 =	vld [tilespmem:s26+$0xFFFFFE70];
	[tilespmem:v14+s25+$0x0] =	vst.idx.msk $0xffff, v16;
	v14 =	vadd.f32 v20, v6  }
0x1a9: {  	v16 =	vld [tilespmem:s26+$0xFFFFFEB0];
	[tilespmem:v9+s25+$0x0] =	vst.idx.msk $0xffff, v8;
	v8 =	vadd.f32 v21, v6;
	v9 =	vor.u32 s17, v2  }
0x1aa: {  	v20 =	vor.u32 s18, v2;
	v21 =	vld [tilespmem:s26+$0xFFFFFEF0];
	[tilespmem:v13+s25+$0x0] =	vst.idx.msk $0xffff, v14;
	v13 =	vadd.f32 v15, v6  }
0x1ab: {  	v15 =	vor.u32 s1, v2;
	v14 =	vadd.f32 v18, v6;
	v18 =	vld [tilespmem:s26+$0xFFFFFF30];
	[tilespmem:v19+s25+$0x0] =	vst.idx.msk $0xffff, v8  }
0x1ac: {  	v8 =	vor.u32 s21, v2;
	v19 =	vld [tilespmem:s26+$0xFFFFFF70];
	[tilespmem:v10+s25+$0x0] =	vst.idx.msk $0xffff, v13;
	v10 =	vadd.f32 v11, v5  }
0x1ad: {  	[tilespmem:v12+s25+$0x0] =	vst.idx.msk $0xffff, v14;
	v11 =	vadd.f32 v17, v5;
	v12 =	vor.u32 s30, v2;
	v13 =	vld [tilespmem:s26+$0xFFFFFFB0]  }
0x1ae: {  	v22 =	vor.u32 s22, v2;
	v14 =	vld [tilespmem:s26+$0xFFFFFE30];
	v16 =	vadd.f32 v16, v5;
	[tilespmem:v9+s25+$0x0] =	vst.idx.msk $0xffff, v10  }
0x1af: {  	v10 =	vor.u32 s24, v2;
	[tilespmem:v20+s25+$0x0] =	vst.idx.msk $0xffff, v11;
	v9 =	vadd.f32 v21, v5;
	v20 =	vld [tilespmem:s26+$0x0]  }
0x1b0: {  	v21 =	vor.u32 s16, v2;
	v23 =	vld [tilespmem:s26+$0xFFFFFE80];
	[tilespmem:v15+s25+$0x0] =	vst.idx.msk $0xffff, v16;
	v11 =	vadd.f32 v18, v5  }
0x1b1: {  	v18 =	vld [tilespmem:s26+$0xFFFFFEC0];
	[tilespmem:v8+s25+$0x0] =	vst.idx.msk $0xffff, v9;
	v8 =	vadd.f32 v19, v5;
	v19 =	vor.u32 s17, v3  }
0x1b2: {  	v24 =	vor.u32 s18, v3;
	v25 =	vld [tilespmem:s26+$0xFFFFFF00];
	[tilespmem:v12+s25+$0x0] =	vst.idx.msk $0xffff, v11;
	v9 =	vadd.f32 v13, v5  }
.Ltmp2:
0x1b3: {  	v17 =	vor.u32 s1, v3;
	v12 =	vadd.f32 v14, v5;
	v16 =	vld [tilespmem:s26+$0xFFFFFF40];
	[tilespmem:v22+s25+$0x0] =	vst.idx.msk $0xffff, v8;
	(pc) =	sbr.rel @p2 .LBB2_7-.Ltmp2, $4  }
0x1b4: {  	v15 =	vor.u32 s21, v3;
	v11 =	vld [tilespmem:s26+$0xFFFFFF80];
	[tilespmem:v10+s25+$0x0] =	vst.idx.msk $0xffff, v9;
	v10 =	vadd.f32 v20, v4  }
0x1b5: {  	v14 =	vor.u32 s30, v3;
	[tilespmem:v21+s25+$0x0] =	vst.idx.msk $0xffff, v12;
	v12 =	vadd.f32 v23, v4;
	v13 =	vld [tilespmem:s26+$0xFFFFFFC0]  }
0x1b6: {  	v9 =	vor.u32 s22, v3;
	v8 =	vld [tilespmem:s26+$0xFFFFFE40];
	v18 =	vadd.f32 v18, v4;
	[tilespmem:v19+s25+$0x0] =	vst.idx.msk $0xffff, v10;
	s26 =	sadd.s32 $0x200, s26  }
0x1b7: {  	s6 =	sadd.s32 $0x8, s6;
	v10 =	vld [tilespmem:s26+$0xFFFFFFD0];
	[tilespmem:v24+s25+$0x0] =	vst.idx.msk $0xffff, v12;
	v19 =	vadd.f32 v25, v4;
	v12 =	vor.u32 s24, v3  }
0x1b8: {  	_ =	sdelay $0x3  }
0x1b9: {  	v20 =	vld [tilespmem:s26+$0xFFFFFE50];
	s1 =	sadd.s32 $0x7, s15;
	v21 =	vor.u32 s16, v3;
	[tilespmem:v17+s25+$0x0] =	vst.idx.msk $0xffff, v18;
	v16 =	vadd.f32 v16, v4  }
0x1ba: {  	s6 =	sadd.s32 $0x1, s15;
	v17 =	vld [tilespmem:s26+$0xFFFFFE90];
	v18 =	vor.u32 s1, v0;
	[tilespmem:v15+s25+$0x0] =	vst.idx.msk $0xffff, v19;
	v11 =	vadd.f32 v11, v4  }
0x1bb: {  	s30 =	sadd.s32 $0x2, s15;
	v15 =	vor.u32 s6, v0;
	v19 =	vld [tilespmem:s26+$0xFFFFFED0];
	[tilespmem:v14+s25+$0x0] =	vst.idx.msk $0xffff, v16;
	v13 =	vadd.f32 v13, v4  }
0x1bc: {  	s18 =	sadd.s32 $0x3, s15;
	v14 =	vor.u32 s30, v0;
	v16 =	vld [tilespmem:s26+$0xFFFFFF10];
	v8 =	vadd.f32 v8, v4;
	[tilespmem:v9+s25+$0x0] =	vst.idx.msk $0xffff, v11  }
0x1bd: {  	s17 =	sadd.s32 $0x4, s15;
	v9 =	vor.u32 s18, v0;
	v11 =	vld [tilespmem:s26+$0xFFFFFF50];
	v10 =	vadd.f32 v10, v7;
	[tilespmem:v12+s25+$0x0] =	vst.idx.msk $0xffff, v13  }
0x1be: {  	s21 =	sadd.s32 $0x5, s15;
	v13 =	vor.u32 s17, v0;
	v12 =	vadd.f32 v20, v7;
	v20 =	vld [tilespmem:s26+$0xFFFFFF90];
	[tilespmem:v21+s25+$0x0] =	vst.idx.msk $0xffff, v8  }
0x1bf: {  	s22 =	sadd.s32 $0x6, s15;
	v60 =	vor.u32 s21, v0;
	v8 =	vld [tilespmem:s26+$0xFFFFFE10];
	v17 =	vadd.f32 v17, v7;
	[tilespmem:v18+s25+$0x0] =	vst.idx.msk $0xffff, v10  }
0x1c0: {  	v10 =	vadd.f32 v19, v7;
	[tilespmem:v15+s25+$0x0] =	vst.idx.msk $0xffff, v12;
	v12 =	vor.u32 s22, v0;
	v15 =	vld [tilespmem:s26+$0xFFFFFFE0]  }
0x1c1: {  	v18 =	vor.u32 s15, v0;
	[tilespmem:v14+s25+$0x0] =	vst.idx.msk $0xffff, v17;
	v14 =	vadd.f32 v16, v7;
	v19 =	vld [tilespmem:s26+$0xFFFFFE60]  }
0x1c2: {  	v16 =	vld [tilespmem:s26+$0xFFFFFEA0];
	[tilespmem:v9+s25+$0x0] =	vst.idx.msk $0xffff, v10;
	v9 =	vadd.f32 v11, v7;
	v10 =	vor.u32 s1, v1  }
0x1c3: {  	v11 =	vor.u32 s6, v1;
	v17 =	vld [tilespmem:s26+$0xFFFFFEE0];
	[tilespmem:v13+s25+$0x0] =	vst.idx.msk $0xffff, v14;
	v13 =	vadd.f32 v20, v7  }
0x1c4: {  	v7 =	vadd.f32 v8, v7;
	v8 =	vor.u32 s30, v1;
	v14 =	vld [tilespmem:s26+$0xFFFFFF20];
	[tilespmem:v60+s25+$0x0] =	vst.idx.msk $0xffff, v9  }
0x1c5: {  	v9 =	vor.u32 s18, v1;
	v20 =	vld [tilespmem:s26+$0xFFFFFF60];
	[tilespmem:v12+s25+$0x0] =	vst.idx.msk $0xffff, v13;
	v12 =	vadd.f32 v15, v6  }
0x1c6: {  	[tilespmem:v18+s25+$0x0] =	vst.idx.msk $0xffff, v7;
	v13 =	vor.u32 s17, v1;
	v7 =	vadd.f32 v19, v6;
	v15 =	vld [tilespmem:s26+$0xFFFFFFA0]  }
0x1c7: {  	v18 =	vld [tilespmem:s26+$0xFFFFFE20];
	v16 =	vadd.f32 v16, v6;
	v19 =	vor.u32 s21, v1;
	[tilespmem:v10+s25+$0x0] =	vst.idx.msk $0xffff, v12  }
0x1c8: {  	v10 =	vor.u32 s22, v1;
	[tilespmem:v11+s25+$0x0] =	vst.idx.msk $0xffff, v7;
	v7 =	vadd.f32 v17, v6;
	v11 =	vld [tilespmem:s26+$0xFFFFFFF0]  }
0x1c9: {  	v12 =	vor.u32 s15, v1;
	[tilespmem:v8+s25+$0x0] =	vst.idx.msk $0xffff, v16;
	v8 =	vadd.f32 v14, v6;
	v17 =	vld [tilespmem:s26+$0xFFFFFE70]  }
0x1ca: {  	v14 =	vld [tilespmem:s26+$0xFFFFFEB0];
	[tilespmem:v9+s25+$0x0] =	vst.idx.msk $0xffff, v7;
	v7 =	vadd.f32 v20, v6;
	v9 =	vor.u32 s1, v2  }
0x1cb: {  	v16 =	vor.u32 s6, v2;
	[tilespmem:v13+s25+$0x0] =	vst.idx.msk $0xffff, v8;
	v20 =	vld [tilespmem:s26+$0xFFFFFEF0];
	v8 =	vadd.f32 v15, v6  }
0x1cc: {  	v13 =	vor.u32 s30, v2;
	v6 =	vadd.f32 v18, v6;
	v15 =	vld [tilespmem:s26+$0xFFFFFF30];
	[tilespmem:v19+s25+$0x0] =	vst.idx.msk $0xffff, v7  }
0x1cd: {  	v7 =	vor.u32 s18, v2;
	v18 =	vld [tilespmem:s26+$0xFFFFFF70];
	[tilespmem:v10+s25+$0x0] =	vst.idx.msk $0xffff, v8;
	v8 =	vadd.f32 v11, v5  }
0x1ce: {  	[tilespmem:v12+s25+$0x0] =	vst.idx.msk $0xffff, v6;
	v10 =	vor.u32 s17, v2;
	v6 =	vadd.f32 v17, v5;
	v11 =	vld [tilespmem:s26+$0xFFFFFFB0]  }
0x1cf: {  	v12 =	vld [tilespmem:s26+$0xFFFFFE30];
	v14 =	vadd.f32 v14, v5;
	v17 =	vor.u32 s21, v2;
	[tilespmem:v9+s25+$0x0] =	vst.idx.msk $0xffff, v8  }
0x1d0: {  	v8 =	vor.u32 s22, v2;
	[tilespmem:v16+s25+$0x0] =	vst.idx.msk $0xffff, v6;
	v6 =	vadd.f32 v20, v5;
	v9 =	vld [tilespmem:s26+$0x0]  }
0x1d1: {  	v16 =	vor.u32 s15, v2;
	[tilespmem:v13+s25+$0x0] =	vst.idx.msk $0xffff, v14;
	v13 =	vadd.f32 v15, v5;
	v19 =	vld [tilespmem:s26+$0xFFFFFE80]  }
0x1d2: {  	v14 =	vld [tilespmem:s26+$0xFFFFFEC0];
	[tilespmem:v7+s25+$0x0] =	vst.idx.msk $0xffff, v6;
	v6 =	vadd.f32 v18, v5;
	v7 =	vor.u32 s1, v3  }
0x1d3: {  	v15 =	vor.u32 s6, v3;
	[tilespmem:v10+s25+$0x0] =	vst.idx.msk $0xffff, v13;
	v18 =	vld [tilespmem:s26+$0xFFFFFF00];
	v10 =	vadd.f32 v11, v5  }
0x1d4: {  	v5 =	vadd.f32 v12, v5;
	v11 =	vor.u32 s30, v3;
	v12 =	vld [tilespmem:s26+$0xFFFFFF40];
	[tilespmem:v17+s25+$0x0] =	vst.idx.msk $0xffff, v6  }
0x1d5: {  	v6 =	vor.u32 s18, v3;
	v13 =	vld [tilespmem:s26+$0xFFFFFF80];
	[tilespmem:v8+s25+$0x0] =	vst.idx.msk $0xffff, v10;
	v8 =	vadd.f32 v9, v4  }
0x1d6: {  	[tilespmem:v16+s25+$0x0] =	vst.idx.msk $0xffff, v5;
	v9 =	vor.u32 s17, v3;
	v5 =	vadd.f32 v19, v4;
	v10 =	vld [tilespmem:s26+$0xFFFFFFC0]  }
0x1d7: {  	v17 =	vor.u32 s21, v3;
	v16 =	vld [tilespmem:s26+$0xFFFFFE40];
	v14 =	vadd.f32 v14, v4;
	[tilespmem:v7+s25+$0x0] =	vst.idx.msk $0xffff, v8  }
0x1d8: {  	v7 =	vor.u32 s22, v3;
	[tilespmem:v15+s25+$0x0] =	vst.idx.msk $0xffff, v5;
	v5 =	vadd.f32 v18, v4  }
0x1d9: {  	v8 =	vor.u32 s15, v3;
	[tilespmem:v11+s25+$0x0] =	vst.idx.msk $0xffff, v14;
	v11 =	vadd.f32 v12, v4  }
0x1da: {  	[tilespmem:v6+s25+$0x0] =	vst.idx.msk $0xffff, v5;
	v5 =	vadd.f32 v13, v4  }
0x1db: {  	[tilespmem:v9+s25+$0x0] =	vst.idx.msk $0xffff, v11;
	v6 =	vadd.f32 v10, v4  }
0x1dc: {  	v4 =	vadd.f32 v16, v4;
	[tilespmem:v17+s25+$0x0] =	vst.idx.msk $0xffff, v5  }
0x1dd: {  	s6 =	simm.s32 @!p1 $0x80;
	[tilespmem:v7+s25+$0x0] =	vst.idx.msk $0xffff, v6  }
0x1de: {  	s1 =	sadd.s32 @!p1 $0x380, s2;
	s17 =	sshll.u32 s7, $0x7;
	s15 =	simm.s32 @!p1 $0xD600;
	[tilespmem:v8+s25+$0x0] =	vst.idx.msk $0xffff, v4  }
0x1df: {  	[tilespmem:s15], [sflag:$0x3] =	stream.indirect.gather @!p1 [hbm4b:s5+s6], $0x40, s1, s6, $0xb8;
	[tilespmem:$0x1D600] =	vst v63  }
0x1e0: {  	s18 =	sshll.u32 s19, $0xF;
	s1 =	sand.u32 $0xF80, s17  }
0x1e1: {  	s1 =	sor.u32 s1, s18  }
0x1e2: {  	s6 =	sadd.s32 s3, s1  }
0x1e3: {  	[hbm4b:s6+s4] =	stream.linear.scatter [tilespmem:s25], [sflag:$0x8], $0x400, $0x38;
	[tilespmem:$0x1D600] =	vst v63  }
0x1e4: {  	s21 =	simm.s32 $0x17A00;
	s19 =	sadd.s32 s1, s8  }
0x1e5: {  	[hbm4b:s19+s4] =	stream.linear.scatter [tilespmem:s21], [sflag:$0x8], $0x400, $0x38;
	[tilespmem:$0x1D600] =	vst v63  }
0x1e6: {  	s24 =	simm.s32 $0x17E00;
	s22 =	sadd.s32 s1, s9  }
0x1e7: {  	[hbm4b:s22+s4] =	stream.linear.scatter [tilespmem:s24], [sflag:$0x8], $0x400, $0x38;
	[tilespmem:$0x1D600] =	vst v63  }
0x1e8: {  	s30 =	simm.s32 $0x18200;
	s26 =	sadd.s32 s1, s10  }
0x1e9: {  	[hbm4b:s26+s4] =	stream.linear.scatter [tilespmem:s30], [sflag:$0x8], $0x400, $0x38;
	[tilespmem:$0x1D600] =	vst v63  }
0x1ea: {  	s16 =	simm.s32 $0x18600;
	s15 =	sadd.s32 s1, s11  }
0x1eb: {  	[hbm4b:s15+s4] =	stream.linear.scatter [tilespmem:s16], [sflag:$0x8], $0x400, $0x38;
	[tilespmem:$0x1D600] =	vst v63  }
0x1ec: {  	s18 =	simm.s32 $0x18A00;
	s17 =	sadd.s32 s1, s12  }
0x1ed: {  	[hbm4b:s17+s4] =	stream.linear.scatter [tilespmem:s18], [sflag:$0x8], $0x400, $0x38;
	[tilespmem:$0x1D600] =	vst v63  }
0x1ee: {  	s19 =	sadd.s32 s1, s13;
	s21 =	simm.s32 $0x18E00  }
0x1ef: {  	[hbm4b:s19+s4] =	stream.linear.scatter [tilespmem:s21], [sflag:$0x8], $0x400, $0x38;
	[tilespmem:$0x1D600] =	vst v63  }
0x1f0: {  	s1 =	sadd.s32 s1, s14;
	s22 =	simm.s32 $0x19200;
	s24 =	simm.s32 $0x4  }
0x1f1: {  	[hbm4b:s1+s4] =	stream.linear.scatter [tilespmem:s22], [sflag:$0x8], $0x400, $0x38;
	[tilespmem:$0x1D600] =	vst v63  }
0x1f2: {  	_ =	swait.ge [sflag:s24], $0x2000  }
0x1f3: {  	[sflag:s24] =	ssyncset.done $0x0  }
0x1f4: {  	s1 =	simm.s32 @!p0 $0x9;
	[sflag:s24] =	ssyncadd.s32 $0xFFFFE000  }
0x1f5: {  	_ =	swait.ge @!p0 [sflag:s1], $0x400  }
0x1f6: {  	[sflag:s1] =	ssyncset.done @!p0 $0x0  }
0x1f7: {  	[sflag:s1] =	ssyncadd.s32 @!p0 $0xFFFFFC00  }
0x1f8: {  	_ =	swait.ge @!p0 [sflag:s1], $0x400  }
0x1f9: {  	[sflag:s1] =	ssyncset.done @!p0 $0x0  }
0x1fa: {  	[sflag:s1] =	ssyncadd.s32 @!p0 $0xFFFFFC00  }
0x1fb: {  	_ =	swait.ge @!p0 [sflag:s1], $0x400  }
0x1fc: {  	[sflag:s1] =	ssyncset.done @!p0 $0x0  }
0x1fd: {  	[sflag:s1] =	ssyncadd.s32 @!p0 $0xFFFFFC00  }
0x1fe: {  	_ =	swait.ge @!p0 [sflag:s1], $0x400  }
0x1ff: {  	[sflag:s1] =	ssyncset.done @!p0 $0x0  }
0x200: {  	[sflag:s1] =	ssyncadd.s32 @!p0 $0xFFFFFC00  }
0x201: {  	_ =	swait.ge @!p0 [sflag:s1], $0x400  }
0x202: {  	[sflag:s1] =	ssyncset.done @!p0 $0x0  }
0x203: {  	[sflag:s1] =	ssyncadd.s32 @!p0 $0xFFFFFC00  }
0x204: {  	_ =	swait.ge @!p0 [sflag:s1], $0x400  }
0x205: {  	[sflag:s1] =	ssyncset.done @!p0 $0x0  }
0x206: {  	[sflag:s1] =	ssyncadd.s32 @!p0 $0xFFFFFC00  }
0x207: {  	_ =	swait.ge @!p0 [sflag:s1], $0x400  }
0x208: {  	[sflag:s1] =	ssyncset.done @!p0 $0x0;
	s26 =	rddreg [dreg:$0x7]  }
0x209: {  	s7 =	sadd.s32 s29, s26;
	[sflag:s1] =	ssyncadd.s32 @!p0 $0xFFFFFC00  }
0x20a: {  	s19 =	sshrl.u32 s7, $0x5;
	_ =	swait.ge @!p0 [sflag:s1], $0x400  }
0x20b: {  	[sflag:s1] =	ssyncset.done @!p0 $0x0;
	s30 =	sshll.u32 s19, $0x6  }
0x20c: {  	[sflag:s1] =	ssyncadd.s32 @!p0 $0xFFFFFC00;
	s6 =	sand.u32 $0x3FFFFFC0, s30  }
0x20d: {  	v7 =	vld [tilespmem:s6+$0x6400]  }
0x20e: {  	v6 =	vld [tilespmem:s6+$0x6410]  }
0x20f: {  	v5 =	vld [tilespmem:s6+$0x6420]  }
0x210: {  	s1 =	simm.s32 $0xF7F0;
	v4 =	vld [tilespmem:s6+$0x6430]  }
0x211: {  	v8 =	vld [tilespmem:s1+$0xFFFFFFD0]  }
0x212: {  	s24 =	simm.s32 $0x7;
	v9 =	vld [tilespmem:s1+$0xFFFFFE50]  }
0x213: {  	s15 =	simm.s32 $0x1;
	v11 =	vor.u32 s24, v0;
	v10 =	vld [tilespmem:s1+$0xFFFFFE90]  }
0x214: {  	v12 =	vor.u32 s15, v0;
	s17 =	simm.s32 $0x2;
	v13 =	vld [tilespmem:s1+$0xFFFFFED0]  }
0x215: {  	s18 =	simm.s32 $0x3;
	v14 =	vor.u32 s17, v0;
	v15 =	vld [tilespmem:s1+$0xFFFFFF10]  }
0x216: {  	v16 =	vor.u32 s18, v0;
	s21 =	simm.s32 $0x4;
	v17 =	vld [tilespmem:s1+$0xFFFFFF50];
	v8 =	vadd.f32 v8, v7  }
0x217: {  	v18 =	vor.u32 s21, v0;
	s26 =	simm.s32 $0x5;
	v19 =	vld [tilespmem:s1+$0xFFFFFF90];
	v9 =	vadd.f32 v9, v7  }
0x218: {  	v61 =	vor.u32 s26, v0;
	s30 =	simm.s32 $0x6;
	v20 =	vld [tilespmem:s1+$0xFFFFFE10];
	v10 =	vadd.f32 v10, v7;
	[tilespmem:v11+s20+$0x0] =	vst.idx.msk $0xffff, v8  }
0x219: {  	s16 =	simm.s32 $0x0;
	[tilespmem:v12+s20+$0x0] =	vst.idx.msk $0xffff, v9;
	v8 =	vadd.f32 v13, v7;
	v9 =	vor.u32 s30, v0;
	v11 =	vld [tilespmem:s1+$0xFFFFFFE0]  }
0x21a: {  	v12 =	vor.u32 s16, v0;
	[tilespmem:v14+s20+$0x0] =	vst.idx.msk $0xffff, v10;
	v10 =	vadd.f32 v15, v7;
	v13 =	vld [tilespmem:s1+$0xFFFFFE60]  }
0x21b: {  	v15 =	vor.u32 s24, v1;
	v14 =	vld [tilespmem:s1+$0xFFFFFEA0];
	[tilespmem:v16+s20+$0x0] =	vst.idx.msk $0xffff, v8;
	v8 =	vadd.f32 v17, v7  }
0x21c: {  	v16 =	vor.u32 s15, v1;
	[tilespmem:v18+s20+$0x0] =	vst.idx.msk $0xffff, v10;
	v10 =	vadd.f32 v19, v7;
	v17 =	vld [tilespmem:s1+$0xFFFFFEE0]  }
0x21d: {  	v18 =	vadd.f32 v20, v7;
	v19 =	vor.u32 s17, v1;
	v20 =	vld [tilespmem:s1+$0xFFFFFF20];
	[tilespmem:v61+s20+$0x0] =	vst.idx.msk $0xffff, v8  }
0x21e: {  	v8 =	vor.u32 s18, v1;
	v21 =	vld [tilespmem:s1+$0xFFFFFF60];
	[tilespmem:v9+s20+$0x0] =	vst.idx.msk $0xffff, v10;
	v9 =	vadd.f32 v11, v6  }
0x21f: {  	[tilespmem:v12+s20+$0x0] =	vst.idx.msk $0xffff, v18;
	v10 =	vadd.f32 v13, v6;
	v11 =	vor.u32 s21, v1;
	v12 =	vld [tilespmem:s1+$0xFFFFFFA0]  }
0x220: {  	v18 =	vor.u32 s26, v1;
	v13 =	vld [tilespmem:s1+$0xFFFFFE20];
	v14 =	vadd.f32 v14, v6;
	[tilespmem:v15+s20+$0x0] =	vst.idx.msk $0xffff, v9  }
0x221: {  	[tilespmem:v16+s20+$0x0] =	vst.idx.msk $0xffff, v10;
	v9 =	vadd.f32 v17, v6;
	v10 =	vor.u32 s30, v1;
	v15 =	vld [tilespmem:s1+$0xFFFFFFF0]  }
0x222: {  	v16 =	vor.u32 s16, v1;
	[tilespmem:v19+s20+$0x0] =	vst.idx.msk $0xffff, v14;
	v14 =	vadd.f32 v20, v6;
	v17 =	vld [tilespmem:s1+$0xFFFFFE70]  }
0x223: {  	v19 =	vld [tilespmem:s1+$0xFFFFFEB0];
	[tilespmem:v8+s20+$0x0] =	vst.idx.msk $0xffff, v9;
	v8 =	vadd.f32 v21, v6;
	v9 =	vor.u32 s24, v2  }
0x224: {  	v20 =	vor.u32 s15, v2;
	v62 =	vld [tilespmem:s1+$0xFFFFFEF0];
	[tilespmem:v11+s20+$0x0] =	vst.idx.msk $0xffff, v14;
	v11 =	vadd.f32 v12, v6  }
0x225: {  	v12 =	vadd.f32 v13, v6;
	v13 =	vor.u32 s17, v2;
	v14 =	vld [tilespmem:s1+$0xFFFFFF30];
	[tilespmem:v18+s20+$0x0] =	vst.idx.msk $0xffff, v8  }
0x226: {  	v8 =	vor.u32 s18, v2;
	v18 =	vld [tilespmem:s1+$0xFFFFFF70];
	[tilespmem:v10+s20+$0x0] =	vst.idx.msk $0xffff, v11;
	v10 =	vadd.f32 v15, v5  }
0x227: {  	[tilespmem:v16+s20+$0x0] =	vst.idx.msk $0xffff, v12;
	v12 =	vor.u32 s21, v2;
	v11 =	vadd.f32 v17, v5;
	v15 =	vld [tilespmem:s1+$0xFFFFFFB0]  }
0x228: {  	v16 =	vld [tilespmem:s1+$0xFFFFFE30];
	v17 =	vadd.f32 v19, v5;
	v19 =	vor.u32 s26, v2;
	[tilespmem:v9+s20+$0x0] =	vst.idx.msk $0xffff, v10  }
0x229: {  	[tilespmem:v20+s20+$0x0] =	vst.idx.msk $0xffff, v11;
	v9 =	vadd.f32 v62, v5;
	v10 =	vor.u32 s30, v2;
	v20 =	vld [tilespmem:s1+$0x0]  }
0x22a: {  	v63 =	vor.u32 s16, v2;
	[tilespmem:v13+s20+$0x0] =	vst.idx.msk $0xffff, v17;
	v22 =	vld [tilespmem:s1+$0xFFFFFE80];
	v11 =	vadd.f32 v14, v5  }
0x22b: {  	v23 =	vor.u32 s24, v3;
	v24 =	vld [tilespmem:s1+$0xFFFFFEC0];
	[tilespmem:v8+s20+$0x0] =	vst.idx.msk $0xffff, v9;
	v8 =	vadd.f32 v18, v5  }
0x22c: {  	v25 =	vor.u32 s15, v3;
	v26 =	vld [tilespmem:s1+$0xFFFFFF00];
	[tilespmem:v12+s20+$0x0] =	vst.idx.msk $0xffff, v11;
	v9 =	vadd.f32 v15, v5  }
0x22d: {  	v17 =	vor.u32 s17, v3;
	v12 =	vadd.f32 v16, v5;
	v16 =	vld [tilespmem:s1+$0xFFFFFF40];
	[tilespmem:v19+s20+$0x0] =	vst.idx.msk $0xffff, v8  }
0x22e: {  	v15 =	vor.u32 s18, v3;
	v11 =	vld [tilespmem:s1+$0xFFFFFF80];
	[tilespmem:v10+s20+$0x0] =	vst.idx.msk $0xffff, v9;
	v10 =	vadd.f32 v20, v4  }
0x22f: {  	v14 =	vor.u32 s21, v3;
	[tilespmem:v63+s20+$0x0] =	vst.idx.msk $0xffff, v12;
	v19 =	vadd.f32 v22, v4;
	v13 =	vld [tilespmem:s1+$0xFFFFFFC0]  }
0x230: {  	v9 =	vor.u32 s26, v3;
	s26 =	simm.s32 $0xF9F0;
	v8 =	vld [tilespmem:s1+$0xFFFFFE40];
	v18 =	vadd.f32 v24, v4;
	[tilespmem:v23+s20+$0x0] =	vst.idx.msk $0xffff, v10  }
0x231: {  	s6 =	simm.s32 $0x10;
	s15 =	simm.s32 $0x8;
	v12 =	vor.u32 s30, v3;
	v10 =	vld [tilespmem:s26+$0xFFFFFFD0];
	[tilespmem:v25+s20+$0x0] =	vst.idx.msk $0xffff, v19;
	v19 =	vadd.f32 v26, v4  }
.LBB2_9:
0x232: {  	p2 =	slt.u32 s6, $0x78;
	v20 =	vld [tilespmem:s26+$0xFFFFFE50];
	s17 =	sadd.s32 $0x7, s15;
	v21 =	vor.u32 s16, v3;
	[tilespmem:v17+s20+$0x0] =	vst.idx.msk $0xffff, v18;
	v16 =	vadd.f32 v16, v4;
	s16 =	smov.u32 s15  }
0x233: {  	s15 =	smov.u32 s6;
	s18 =	sadd.s32 $0x1, s16;
	v17 =	vld [tilespmem:s26+$0xFFFFFE90];
	v18 =	vor.u32 s17, v0;
	[tilespmem:v15+s20+$0x0] =	vst.idx.msk $0xffff, v19;
	v11 =	vadd.f32 v11, v4  }
0x234: {  	s1 =	sadd.s32 $0x2, s16;
	v15 =	vor.u32 s18, v0;
	v19 =	vld [tilespmem:s26+$0xFFFFFED0];
	[tilespmem:v14+s20+$0x0] =	vst.idx.msk $0xffff, v16;
	v13 =	vadd.f32 v13, v4  }
0x235: {  	s21 =	sadd.s32 $0x3, s16;
	v14 =	vor.u32 s1, v0;
	v16 =	vld [tilespmem:s26+$0xFFFFFF10];
	v8 =	vadd.f32 v8, v4;
	[tilespmem:v9+s20+$0x0] =	vst.idx.msk $0xffff, v11  }
0x236: {  	s30 =	sadd.s32 $0x4, s16;
	v9 =	vor.u32 s21, v0;
	v11 =	vld [tilespmem:s26+$0xFFFFFF50];
	v10 =	vadd.f32 v10, v7;
	[tilespmem:v12+s20+$0x0] =	vst.idx.msk $0xffff, v13  }
0x237: {  	s22 =	sadd.s32 $0x5, s16;
	v13 =	vor.u32 s30, v0;
	v12 =	vadd.f32 v20, v7;
	v20 =	vld [tilespmem:s26+$0xFFFFFF90];
	[tilespmem:v21+s20+$0x0] =	vst.idx.msk $0xffff, v8  }
0x238: {  	s24 =	sadd.s32 $0x6, s16;
	v21 =	vor.u32 s22, v0;
	v8 =	vld [tilespmem:s26+$0xFFFFFE10];
	v17 =	vadd.f32 v17, v7;
	[tilespmem:v18+s20+$0x0] =	vst.idx.msk $0xffff, v10  }
0x239: {  	[tilespmem:v15+s20+$0x0] =	vst.idx.msk $0xffff, v12;
	v10 =	vadd.f32 v19, v7;
	v12 =	vor.u32 s24, v0;
	v15 =	vld [tilespmem:s26+$0xFFFFFFE0]  }
0x23a: {  	v18 =	vor.u32 s16, v0;
	v19 =	vld [tilespmem:s26+$0xFFFFFE60];
	[tilespmem:v14+s20+$0x0] =	vst.idx.msk $0xffff, v17;
	v14 =	vadd.f32 v16, v7  }
0x23b: {  	v16 =	vld [tilespmem:s26+$0xFFFFFEA0];
	[tilespmem:v9+s20+$0x0] =	vst.idx.msk $0xffff, v10;
	v9 =	vadd.f32 v11, v7;
	v10 =	vor.u32 s17, v1  }
0x23c: {  	v11 =	vor.u32 s18, v1;
	v17 =	vld [tilespmem:s26+$0xFFFFFEE0];
	[tilespmem:v13+s20+$0x0] =	vst.idx.msk $0xffff, v14;
	v13 =	vadd.f32 v20, v7  }
0x23d: {  	v14 =	vor.u32 s1, v1;
	v8 =	vadd.f32 v8, v7;
	v20 =	vld [tilespmem:s26+$0xFFFFFF20];
	[tilespmem:v21+s20+$0x0] =	vst.idx.msk $0xffff, v9  }
0x23e: {  	v9 =	vor.u32 s21, v1;
	v21 =	vld [tilespmem:s26+$0xFFFFFF60];
	[tilespmem:v12+s20+$0x0] =	vst.idx.msk $0xffff, v13;
	v12 =	vadd.f32 v15, v6  }
0x23f: {  	v13 =	vor.u32 s30, v1;
	[tilespmem:v18+s20+$0x0] =	vst.idx.msk $0xffff, v8;
	v8 =	vadd.f32 v19, v6;
	v15 =	vld [tilespmem:s26+$0xFFFFFFA0]  }
0x240: {  	v19 =	vor.u32 s22, v1;
	v18 =	vld [tilespmem:s26+$0xFFFFFE20];
	v16 =	vadd.f32 v16, v6;
	[tilespmem:v10+s20+$0x0] =	vst.idx.msk $0xffff, v12  }
0x241: {  	v10 =	vor.u32 s24, v1;
	[tilespmem:v11+s20+$0x0] =	vst.idx.msk $0xffff, v8;
	v8 =	vadd.f32 v17, v6;
	v11 =	vld [tilespmem:s26+$0xFFFFFFF0]  }
0x242: {  	v12 =	vor.u32 s16, v1;
	v17 =	vld [tilespmem:s26+$0xFFFFFE70];
	[tilespmem:v14+s20+$0x0] =	vst.idx.msk $0xffff, v16;
	v14 =	vadd.f32 v20, v6  }
0x243: {  	v16 =	vld [tilespmem:s26+$0xFFFFFEB0];
	[tilespmem:v9+s20+$0x0] =	vst.idx.msk $0xffff, v8;
	v8 =	vadd.f32 v21, v6;
	v9 =	vor.u32 s17, v2  }
0x244: {  	v20 =	vor.u32 s18, v2;
	v21 =	vld [tilespmem:s26+$0xFFFFFEF0];
	[tilespmem:v13+s20+$0x0] =	vst.idx.msk $0xffff, v14;
	v13 =	vadd.f32 v15, v6  }
0x245: {  	v15 =	vor.u32 s1, v2;
	v14 =	vadd.f32 v18, v6;
	v18 =	vld [tilespmem:s26+$0xFFFFFF30];
	[tilespmem:v19+s20+$0x0] =	vst.idx.msk $0xffff, v8  }
0x246: {  	v8 =	vor.u32 s21, v2;
	v19 =	vld [tilespmem:s26+$0xFFFFFF70];
	[tilespmem:v10+s20+$0x0] =	vst.idx.msk $0xffff, v13;
	v10 =	vadd.f32 v11, v5  }
0x247: {  	[tilespmem:v12+s20+$0x0] =	vst.idx.msk $0xffff, v14;
	v11 =	vadd.f32 v17, v5;
	v12 =	vor.u32 s30, v2;
	v13 =	vld [tilespmem:s26+$0xFFFFFFB0]  }
0x248: {  	v22 =	vor.u32 s22, v2;
	v14 =	vld [tilespmem:s26+$0xFFFFFE30];
	v16 =	vadd.f32 v16, v5;
	[tilespmem:v9+s20+$0x0] =	vst.idx.msk $0xffff, v10  }
0x249: {  	v10 =	vor.u32 s24, v2;
	[tilespmem:v20+s20+$0x0] =	vst.idx.msk $0xffff, v11;
	v9 =	vadd.f32 v21, v5;
	v20 =	vld [tilespmem:s26+$0x0]  }
0x24a: {  	v21 =	vor.u32 s16, v2;
	v23 =	vld [tilespmem:s26+$0xFFFFFE80];
	[tilespmem:v15+s20+$0x0] =	vst.idx.msk $0xffff, v16;
	v11 =	vadd.f32 v18, v5  }
0x24b: {  	v18 =	vld [tilespmem:s26+$0xFFFFFEC0];
	[tilespmem:v8+s20+$0x0] =	vst.idx.msk $0xffff, v9;
	v8 =	vadd.f32 v19, v5;
	v19 =	vor.u32 s17, v3  }
0x24c: {  	v24 =	vor.u32 s18, v3;
	v25 =	vld [tilespmem:s26+$0xFFFFFF00];
	[tilespmem:v12+s20+$0x0] =	vst.idx.msk $0xffff, v11;
	v9 =	vadd.f32 v13, v5  }
.Ltmp3:
0x24d: {  	v17 =	vor.u32 s1, v3;
	v12 =	vadd.f32 v14, v5;
	v16 =	vld [tilespmem:s26+$0xFFFFFF40];
	[tilespmem:v22+s20+$0x0] =	vst.idx.msk $0xffff, v8;
	(pc) =	sbr.rel @p2 .LBB2_9-.Ltmp3, $4  }
0x24e: {  	v15 =	vor.u32 s21, v3;
	v11 =	vld [tilespmem:s26+$0xFFFFFF80];
	[tilespmem:v10+s20+$0x0] =	vst.idx.msk $0xffff, v9;
	v10 =	vadd.f32 v20, v4  }
0x24f: {  	v14 =	vor.u32 s30, v3;
	[tilespmem:v21+s20+$0x0] =	vst.idx.msk $0xffff, v12;
	v12 =	vadd.f32 v23, v4;
	v13 =	vld [tilespmem:s26+$0xFFFFFFC0]  }
0x250: {  	v9 =	vor.u32 s22, v3;
	v8 =	vld [tilespmem:s26+$0xFFFFFE40];
	v18 =	vadd.f32 v18, v4;
	[tilespmem:v19+s20+$0x0] =	vst.idx.msk $0xffff, v10;
	s26 =	sadd.s32 $0x200, s26  }
0x251: {  	s6 =	sadd.s32 $0x8, s6;
	v10 =	vld [tilespmem:s26+$0xFFFFFFD0];
	[tilespmem:v24+s20+$0x0] =	vst.idx.msk $0xffff, v12;
	v19 =	vadd.f32 v25, v4;
	v12 =	vor.u32 s24, v3  }
0x252: {  	_ =	sdelay $0x3  }
0x253: {  	v20 =	vld [tilespmem:s26+$0xFFFFFE50];
	s1 =	sadd.s32 $0x7, s15;
	v21 =	vor.u32 s16, v3;
	[tilespmem:v17+s20+$0x0] =	vst.idx.msk $0xffff, v18;
	v16 =	vadd.f32 v16, v4  }
0x254: {  	s6 =	sadd.s32 $0x1, s15;
	v17 =	vld [tilespmem:s26+$0xFFFFFE90];
	v18 =	vor.u32 s1, v0;
	[tilespmem:v15+s20+$0x0] =	vst.idx.msk $0xffff, v19;
	v11 =	vadd.f32 v11, v4  }
0x255: {  	s30 =	sadd.s32 $0x2, s15;
	v15 =	vor.u32 s6, v0;
	v19 =	vld [tilespmem:s26+$0xFFFFFED0];
	[tilespmem:v14+s20+$0x0] =	vst.idx.msk $0xffff, v16;
	v13 =	vadd.f32 v13, v4  }
0x256: {  	s18 =	sadd.s32 $0x3, s15;
	v14 =	vor.u32 s30, v0;
	v16 =	vld [tilespmem:s26+$0xFFFFFF10];
	v8 =	vadd.f32 v8, v4;
	[tilespmem:v9+s20+$0x0] =	vst.idx.msk $0xffff, v11  }
0x257: {  	s17 =	sadd.s32 $0x4, s15;
	v9 =	vor.u32 s18, v0;
	v11 =	vld [tilespmem:s26+$0xFFFFFF50];
	v10 =	vadd.f32 v10, v7;
	[tilespmem:v12+s20+$0x0] =	vst.idx.msk $0xffff, v13  }
0x258: {  	s21 =	sadd.s32 $0x5, s15;
	v13 =	vor.u32 s17, v0;
	v12 =	vadd.f32 v20, v7;
	v20 =	vld [tilespmem:s26+$0xFFFFFF90];
	[tilespmem:v21+s20+$0x0] =	vst.idx.msk $0xffff, v8  }
0x259: {  	s22 =	sadd.s32 $0x6, s15;
	v60 =	vor.u32 s21, v0;
	v8 =	vld [tilespmem:s26+$0xFFFFFE10];
	v17 =	vadd.f32 v17, v7;
	[tilespmem:v18+s20+$0x0] =	vst.idx.msk $0xffff, v10  }
0x25a: {  	v10 =	vadd.f32 v19, v7;
	[tilespmem:v15+s20+$0x0] =	vst.idx.msk $0xffff, v12;
	v12 =	vor.u32 s22, v0;
	v15 =	vld [tilespmem:s26+$0xFFFFFFE0]  }
0x25b: {  	v18 =	vor.u32 s15, v0;
	[tilespmem:v14+s20+$0x0] =	vst.idx.msk $0xffff, v17;
	v14 =	vadd.f32 v16, v7;
	v19 =	vld [tilespmem:s26+$0xFFFFFE60]  }
0x25c: {  	v16 =	vld [tilespmem:s26+$0xFFFFFEA0];
	[tilespmem:v9+s20+$0x0] =	vst.idx.msk $0xffff, v10;
	v9 =	vadd.f32 v11, v7;
	v10 =	vor.u32 s1, v1  }
0x25d: {  	v11 =	vor.u32 s6, v1;
	v17 =	vld [tilespmem:s26+$0xFFFFFEE0];
	[tilespmem:v13+s20+$0x0] =	vst.idx.msk $0xffff, v14;
	v13 =	vadd.f32 v20, v7  }
0x25e: {  	v7 =	vadd.f32 v8, v7;
	v8 =	vor.u32 s30, v1;
	v14 =	vld [tilespmem:s26+$0xFFFFFF20];
	[tilespmem:v60+s20+$0x0] =	vst.idx.msk $0xffff, v9  }
0x25f: {  	v9 =	vor.u32 s18, v1;
	v20 =	vld [tilespmem:s26+$0xFFFFFF60];
	[tilespmem:v12+s20+$0x0] =	vst.idx.msk $0xffff, v13;
	v12 =	vadd.f32 v15, v6  }
0x260: {  	[tilespmem:v18+s20+$0x0] =	vst.idx.msk $0xffff, v7;
	v13 =	vor.u32 s17, v1;
	v7 =	vadd.f32 v19, v6;
	v15 =	vld [tilespmem:s26+$0xFFFFFFA0]  }
0x261: {  	v18 =	vld [tilespmem:s26+$0xFFFFFE20];
	v16 =	vadd.f32 v16, v6;
	v19 =	vor.u32 s21, v1;
	[tilespmem:v10+s20+$0x0] =	vst.idx.msk $0xffff, v12  }
0x262: {  	v10 =	vor.u32 s22, v1;
	[tilespmem:v11+s20+$0x0] =	vst.idx.msk $0xffff, v7;
	v7 =	vadd.f32 v17, v6;
	v11 =	vld [tilespmem:s26+$0xFFFFFFF0]  }
0x263: {  	v12 =	vor.u32 s15, v1;
	[tilespmem:v8+s20+$0x0] =	vst.idx.msk $0xffff, v16;
	v8 =	vadd.f32 v14, v6;
	v17 =	vld [tilespmem:s26+$0xFFFFFE70]  }
0x264: {  	v14 =	vld [tilespmem:s26+$0xFFFFFEB0];
	[tilespmem:v9+s20+$0x0] =	vst.idx.msk $0xffff, v7;
	v7 =	vadd.f32 v20, v6;
	v9 =	vor.u32 s1, v2  }
0x265: {  	v16 =	vor.u32 s6, v2;
	[tilespmem:v13+s20+$0x0] =	vst.idx.msk $0xffff, v8;
	v20 =	vld [tilespmem:s26+$0xFFFFFEF0];
	v8 =	vadd.f32 v15, v6  }
0x266: {  	v13 =	vor.u32 s30, v2;
	v6 =	vadd.f32 v18, v6;
	v15 =	vld [tilespmem:s26+$0xFFFFFF30];
	[tilespmem:v19+s20+$0x0] =	vst.idx.msk $0xffff, v7  }
0x267: {  	v7 =	vor.u32 s18, v2;
	v18 =	vld [tilespmem:s26+$0xFFFFFF70];
	[tilespmem:v10+s20+$0x0] =	vst.idx.msk $0xffff, v8;
	v8 =	vadd.f32 v11, v5  }
0x268: {  	[tilespmem:v12+s20+$0x0] =	vst.idx.msk $0xffff, v6;
	v10 =	vor.u32 s17, v2;
	v6 =	vadd.f32 v17, v5;
	v11 =	vld [tilespmem:s26+$0xFFFFFFB0]  }
0x269: {  	v12 =	vld [tilespmem:s26+$0xFFFFFE30];
	v14 =	vadd.f32 v14, v5;
	v17 =	vor.u32 s21, v2;
	[tilespmem:v9+s20+$0x0] =	vst.idx.msk $0xffff, v8  }
0x26a: {  	v8 =	vor.u32 s22, v2;
	[tilespmem:v16+s20+$0x0] =	vst.idx.msk $0xffff, v6;
	v6 =	vadd.f32 v20, v5;
	v9 =	vld [tilespmem:s26+$0x0]  }
0x26b: {  	v16 =	vor.u32 s15, v2;
	[tilespmem:v13+s20+$0x0] =	vst.idx.msk $0xffff, v14;
	v13 =	vadd.f32 v15, v5;
	v19 =	vld [tilespmem:s26+$0xFFFFFE80]  }
0x26c: {  	v14 =	vor.u32 s1, v3;
	v15 =	vld [tilespmem:s26+$0xFFFFFEC0];
	[tilespmem:v7+s20+$0x0] =	vst.idx.msk $0xffff, v6;
	v6 =	vadd.f32 v18, v5  }
0x26d: {  	v7 =	vor.u32 s6, v3;
	[tilespmem:v10+s20+$0x0] =	vst.idx.msk $0xffff, v13;
	v18 =	vld [tilespmem:s26+$0xFFFFFF00];
	v10 =	vadd.f32 v11, v5  }
0x26e: {  	v5 =	vadd.f32 v12, v5;
	v11 =	vor.u32 s30, v3;
	v12 =	vld [tilespmem:s26+$0xFFFFFF40];
	[tilespmem:v17+s20+$0x0] =	vst.idx.msk $0xffff, v6  }
0x26f: {  	v6 =	vor.u32 s18, v3;
	v13 =	vld [tilespmem:s26+$0xFFFFFF80];
	[tilespmem:v8+s20+$0x0] =	vst.idx.msk $0xffff, v10;
	v8 =	vadd.f32 v9, v4  }
0x270: {  	[tilespmem:v16+s20+$0x0] =	vst.idx.msk $0xffff, v5;
	v9 =	vor.u32 s17, v3;
	v5 =	vadd.f32 v19, v4;
	v10 =	vld [tilespmem:s26+$0xFFFFFFC0]  }
0x271: {  	v17 =	vor.u32 s21, v3;
	v16 =	vld [tilespmem:s26+$0xFFFFFE40];
	v15 =	vadd.f32 v15, v4;
	[tilespmem:v14+s20+$0x0] =	vst.idx.msk $0xffff, v8  }
0x272: {  	[tilespmem:v7+s20+$0x0] =	vst.idx.msk $0xffff, v5;
	v5 =	vadd.f32 v18, v4;
	v7 =	vor.u32 s22, v3  }
0x273: {  	v8 =	vor.u32 s15, v3;
	[tilespmem:v11+s20+$0x0] =	vst.idx.msk $0xffff, v15;
	v11 =	vadd.f32 v12, v4  }
0x274: {  	[tilespmem:v6+s20+$0x0] =	vst.idx.msk $0xffff, v5;
	v5 =	vadd.f32 v13, v4  }
0x275: {  	[tilespmem:v9+s20+$0x0] =	vst.idx.msk $0xffff, v11;
	v6 =	vadd.f32 v10, v4  }
0x276: {  	v4 =	vadd.f32 v16, v4;
	[tilespmem:v17+s20+$0x0] =	vst.idx.msk $0xffff, v5  }
0x277: {  	s1 =	sadd.s32 @!p1 $0x400, s2;
	[tilespmem:v7+s20+$0x0] =	vst.idx.msk $0xffff, v6  }
0x278: {  	s6 =	simm.s32 @!p1 $0x80;
	s15 =	simm.s32 @!p1 $0xF600;
	s22 =	sshll.u32 s7, $0x7;
	[tilespmem:v8+s20+$0x0] =	vst.idx.msk $0xffff, v4  }
0x279: {  	[tilespmem:s15], [sflag:$0x4] =	stream.indirect.gather @!p1 [hbm4b:s5+s6], $0x40, s1, s6, $0xb8;
	[tilespmem:$0x1D600] =	vst v63  }
0x27a: {  	s24 =	sshll.u32 s19, $0xF;
	s1 =	sand.u32 $0xF80, s22  }
0x27b: {  	s1 =	sor.u32 s1, s24  }
0x27c: {  	s6 =	sadd.s32 s3, s1  }
0x27d: {  	[hbm4b:s6+s4] =	stream.linear.scatter [tilespmem:s20], [sflag:$0x9], $0x400, $0x38;
	[tilespmem:$0x1D600] =	vst v63  }
0x27e: {  	s30 =	simm.s32 $0x19A00;
	s26 =	sadd.s32 s1, s8  }
0x27f: {  	[hbm4b:s26+s4] =	stream.linear.scatter [tilespmem:s30], [sflag:$0x9], $0x400, $0x38;
	[tilespmem:$0x1D600] =	vst v63  }
0x280: {  	s15 =	simm.s32 $0x19E00;
	s7 =	sadd.s32 s1, s9  }
0x281: {  	[hbm4b:s7+s4] =	stream.linear.scatter [tilespmem:s15], [sflag:$0x9], $0x400, $0x38;
	[tilespmem:$0x1D600] =	vst v63  }
0x282: {  	s17 =	simm.s32 $0x1A200;
	s16 =	sadd.s32 s1, s10  }
0x283: {  	[hbm4b:s16+s4] =	stream.linear.scatter [tilespmem:s17], [sflag:$0x9], $0x400, $0x38;
	[tilespmem:$0x1D600] =	vst v63  }
0x284: {  	s19 =	simm.s32 $0x1A600;
	s18 =	sadd.s32 s1, s11  }
0x285: {  	[hbm4b:s18+s4] =	stream.linear.scatter [tilespmem:s19], [sflag:$0x9], $0x400, $0x38;
	[tilespmem:$0x1D600] =	vst v63  }
0x286: {  	s22 =	simm.s32 $0x1AA00;
	s21 =	sadd.s32 s1, s12  }
0x287: {  	[hbm4b:s21+s4] =	stream.linear.scatter [tilespmem:s22], [sflag:$0x9], $0x400, $0x38;
	[tilespmem:$0x1D600] =	vst v63  }
0x288: {  	s24 =	sadd.s32 s1, s13;
	s26 =	simm.s32 $0x1AE00  }
0x289: {  	[hbm4b:s24+s4] =	stream.linear.scatter [tilespmem:s26], [sflag:$0x9], $0x400, $0x38;
	[tilespmem:$0x1D600] =	vst v63  }
0x28a: {  	s1 =	sadd.s32 s1, s14;
	s6 =	simm.s32 $0x5;
	s30 =	simm.s32 $0x1B200  }
0x28b: {  	[hbm4b:s1+s4] =	stream.linear.scatter [tilespmem:s30], [sflag:$0x9], $0x400, $0x38;
	[tilespmem:$0x1D600] =	vst v63  }
0x28c: {  	_ =	swait.ge [sflag:s6], $0x2000  }
0x28d: {  	[sflag:s6] =	ssyncset.done $0x0  }
0x28e: {  	s1 =	simm.s32 @!p0 $0xA;
	[sflag:s6] =	ssyncadd.s32 $0xFFFFE000  }
0x28f: {  	_ =	swait.ge @!p0 [sflag:s1], $0x400  }
0x290: {  	[sflag:s1] =	ssyncset.done @!p0 $0x0  }
0x291: {  	[sflag:s1] =	ssyncadd.s32 @!p0 $0xFFFFFC00  }
0x292: {  	_ =	swait.ge @!p0 [sflag:s1], $0x400  }
0x293: {  	[sflag:s1] =	ssyncset.done @!p0 $0x0  }
0x294: {  	[sflag:s1] =	ssyncadd.s32 @!p0 $0xFFFFFC00  }
0x295: {  	_ =	swait.ge @!p0 [sflag:s1], $0x400  }
0x296: {  	[sflag:s1] =	ssyncset.done @!p0 $0x0  }
0x297: {  	[sflag:s1] =	ssyncadd.s32 @!p0 $0xFFFFFC00  }
0x298: {  	_ =	swait.ge @!p0 [sflag:s1], $0x400  }
0x299: {  	[sflag:s1] =	ssyncset.done @!p0 $0x0  }
0x29a: {  	[sflag:s1] =	ssyncadd.s32 @!p0 $0xFFFFFC00  }
0x29b: {  	_ =	swait.ge @!p0 [sflag:s1], $0x400  }
0x29c: {  	[sflag:s1] =	ssyncset.done @!p0 $0x0  }
0x29d: {  	[sflag:s1] =	ssyncadd.s32 @!p0 $0xFFFFFC00  }
0x29e: {  	_ =	swait.ge @!p0 [sflag:s1], $0x400  }
0x29f: {  	[sflag:s1] =	ssyncset.done @!p0 $0x0  }
0x2a0: {  	[sflag:s1] =	ssyncadd.s32 @!p0 $0xFFFFFC00  }
0x2a1: {  	_ =	swait.ge @!p0 [sflag:s1], $0x400  }
0x2a2: {  	[sflag:s1] =	ssyncset.done @!p0 $0x0;
	s7 =	rddreg [dreg:$0x8]  }
0x2a3: {  	s7 =	sadd.s32 s29, s7;
	[sflag:s1] =	ssyncadd.s32 @!p0 $0xFFFFFC00  }
0x2a4: {  	s19 =	sshrl.u32 s7, $0x5;
	_ =	swait.ge @!p0 [sflag:s1], $0x400  }
0x2a5: {  	[sflag:s1] =	ssyncset.done @!p0 $0x0;
	s15 =	sshll.u32 s19, $0x6  }
0x2a6: {  	[sflag:s1] =	ssyncadd.s32 @!p0 $0xFFFFFC00;
	s16 =	sand.u32 $0x3FFFFFC0, s15  }
0x2a7: {  	v7 =	vld [tilespmem:s16+$0x6400]  }
0x2a8: {  	v6 =	vld [tilespmem:s16+$0x6410]  }
0x2a9: {  	v5 =	vld [tilespmem:s16+$0x6420]  }
0x2aa: {  	s1 =	simm.s32 $0x117F0;
	v4 =	vld [tilespmem:s16+$0x6430]  }
0x2ab: {  	v8 =	vld [tilespmem:s1+$0xFFFFFFD0]  }
0x2ac: {  	s24 =	simm.s32 $0x7;
	v9 =	vld [tilespmem:s1+$0xFFFFFE50]  }
0x2ad: {  	s17 =	simm.s32 $0x1;
	v11 =	vor.u32 s24, v0;
	v10 =	vld [tilespmem:s1+$0xFFFFFE90]  }
0x2ae: {  	v12 =	vor.u32 s17, v0;
	s18 =	simm.s32 $0x2;
	v13 =	vld [tilespmem:s1+$0xFFFFFED0]  }
0x2af: {  	v14 =	vor.u32 s18, v0;
	s21 =	simm.s32 $0x3;
	v15 =	vld [tilespmem:s1+$0xFFFFFF10]  }
0x2b0: {  	v16 =	vor.u32 s21, v0;
	s26 =	simm.s32 $0x4;
	v17 =	vld [tilespmem:s1+$0xFFFFFF50];
	v8 =	vadd.f32 v8, v7  }
0x2b1: {  	v18 =	vor.u32 s26, v0;
	s29 =	simm.s32 $0x5;
	v19 =	vld [tilespmem:s1+$0xFFFFFF90];
	v9 =	vadd.f32 v9, v7  }
0x2b2: {  	s30 =	simm.s32 $0x6;
	v61 =	vor.u32 s29, v0;
	v20 =	vld [tilespmem:s1+$0xFFFFFE10];
	v10 =	vadd.f32 v10, v7;
	[tilespmem:v11+s23+$0x0] =	vst.idx.msk $0xffff, v8  }
0x2b3: {  	s16 =	simm.s32 $0x0;
	[tilespmem:v12+s23+$0x0] =	vst.idx.msk $0xffff, v9;
	v8 =	vadd.f32 v13, v7;
	v9 =	vor.u32 s30, v0;
	v11 =	vld [tilespmem:s1+$0xFFFFFFE0]  }
0x2b4: {  	v12 =	vor.u32 s16, v0;
	[tilespmem:v14+s23+$0x0] =	vst.idx.msk $0xffff, v10;
	v10 =	vadd.f32 v15, v7;
	v13 =	vld [tilespmem:s1+$0xFFFFFE60]  }
0x2b5: {  	v15 =	vor.u32 s24, v1;
	v14 =	vld [tilespmem:s1+$0xFFFFFEA0];
	[tilespmem:v16+s23+$0x0] =	vst.idx.msk $0xffff, v8;
	v8 =	vadd.f32 v17, v7  }
0x2b6: {  	v16 =	vor.u32 s17, v1;
	[tilespmem:v18+s23+$0x0] =	vst.idx.msk $0xffff, v10;
	v10 =	vadd.f32 v19, v7;
	v17 =	vld [tilespmem:s1+$0xFFFFFEE0]  }
0x2b7: {  	v18 =	vadd.f32 v20, v7;
	v19 =	vor.u32 s18, v1;
	v20 =	vld [tilespmem:s1+$0xFFFFFF20];
	[tilespmem:v61+s23+$0x0] =	vst.idx.msk $0xffff, v8  }
0x2b8: {  	v8 =	vor.u32 s21, v1;
	v21 =	vld [tilespmem:s1+$0xFFFFFF60];
	[tilespmem:v9+s23+$0x0] =	vst.idx.msk $0xffff, v10;
	v9 =	vadd.f32 v11, v6  }
0x2b9: {  	[tilespmem:v12+s23+$0x0] =	vst.idx.msk $0xffff, v18;
	v10 =	vadd.f32 v13, v6;
	v11 =	vor.u32 s26, v1;
	v12 =	vld [tilespmem:s1+$0xFFFFFFA0]  }
0x2ba: {  	v18 =	vor.u32 s29, v1;
	v13 =	vld [tilespmem:s1+$0xFFFFFE20];
	v14 =	vadd.f32 v14, v6;
	[tilespmem:v15+s23+$0x0] =	vst.idx.msk $0xffff, v9  }
0x2bb: {  	[tilespmem:v16+s23+$0x0] =	vst.idx.msk $0xffff, v10;
	v9 =	vadd.f32 v17, v6;
	v10 =	vor.u32 s30, v1;
	v15 =	vld [tilespmem:s1+$0xFFFFFFF0]  }
0x2bc: {  	v16 =	vor.u32 s16, v1;
	[tilespmem:v19+s23+$0x0] =	vst.idx.msk $0xffff, v14;
	v14 =	vadd.f32 v20, v6;
	v17 =	vld [tilespmem:s1+$0xFFFFFE70]  }
0x2bd: {  	v19 =	vld [tilespmem:s1+$0xFFFFFEB0];
	[tilespmem:v8+s23+$0x0] =	vst.idx.msk $0xffff, v9;
	v8 =	vadd.f32 v21, v6;
	v9 =	vor.u32 s24, v2  }
0x2be: {  	v20 =	vor.u32 s17, v2;
	v62 =	vld [tilespmem:s1+$0xFFFFFEF0];
	[tilespmem:v11+s23+$0x0] =	vst.idx.msk $0xffff, v14;
	v11 =	vadd.f32 v12, v6  }
0x2bf: {  	v12 =	vadd.f32 v13, v6;
	v13 =	vor.u32 s18, v2;
	v14 =	vld [tilespmem:s1+$0xFFFFFF30];
	[tilespmem:v18+s23+$0x0] =	vst.idx.msk $0xffff, v8  }
0x2c0: {  	v8 =	vor.u32 s21, v2;
	v18 =	vld [tilespmem:s1+$0xFFFFFF70];
	[tilespmem:v10+s23+$0x0] =	vst.idx.msk $0xffff, v11;
	v10 =	vadd.f32 v15, v5  }
0x2c1: {  	[tilespmem:v16+s23+$0x0] =	vst.idx.msk $0xffff, v12;
	v12 =	vor.u32 s26, v2;
	v11 =	vadd.f32 v17, v5;
	v15 =	vld [tilespmem:s1+$0xFFFFFFB0]  }
0x2c2: {  	v16 =	vld [tilespmem:s1+$0xFFFFFE30];
	v17 =	vadd.f32 v19, v5;
	v19 =	vor.u32 s29, v2;
	[tilespmem:v9+s23+$0x0] =	vst.idx.msk $0xffff, v10  }
0x2c3: {  	[tilespmem:v20+s23+$0x0] =	vst.idx.msk $0xffff, v11;
	v9 =	vadd.f32 v62, v5;
	v10 =	vor.u32 s30, v2;
	v20 =	vld [tilespmem:s1+$0x0]  }
0x2c4: {  	v63 =	vor.u32 s16, v2;
	[tilespmem:v13+s23+$0x0] =	vst.idx.msk $0xffff, v17;
	v22 =	vld [tilespmem:s1+$0xFFFFFE80];
	v11 =	vadd.f32 v14, v5  }
0x2c5: {  	v23 =	vor.u32 s24, v3;
	v24 =	vld [tilespmem:s1+$0xFFFFFEC0];
	[tilespmem:v8+s23+$0x0] =	vst.idx.msk $0xffff, v9;
	v8 =	vadd.f32 v18, v5  }
0x2c6: {  	v25 =	vor.u32 s17, v3;
	v26 =	vld [tilespmem:s1+$0xFFFFFF00];
	[tilespmem:v12+s23+$0x0] =	vst.idx.msk $0xffff, v11;
	v9 =	vadd.f32 v15, v5  }
0x2c7: {  	v17 =	vor.u32 s18, v3;
	v12 =	vadd.f32 v16, v5;
	v16 =	vld [tilespmem:s1+$0xFFFFFF40];
	[tilespmem:v19+s23+$0x0] =	vst.idx.msk $0xffff, v8  }
0x2c8: {  	v15 =	vor.u32 s21, v3;
	v11 =	vld [tilespmem:s1+$0xFFFFFF80];
	[tilespmem:v10+s23+$0x0] =	vst.idx.msk $0xffff, v9;
	v10 =	vadd.f32 v20, v4  }
0x2c9: {  	v14 =	vor.u32 s26, v3;
	[tilespmem:v63+s23+$0x0] =	vst.idx.msk $0xffff, v12;
	v19 =	vadd.f32 v22, v4;
	v13 =	vld [tilespmem:s1+$0xFFFFFFC0]  }
0x2ca: {  	s26 =	simm.s32 $0x119F0;
	v9 =	vor.u32 s29, v3;
	v8 =	vld [tilespmem:s1+$0xFFFFFE40];
	v18 =	vadd.f32 v24, v4;
	[tilespmem:v23+s23+$0x0] =	vst.idx.msk $0xffff, v10  }
0x2cb: {  	s6 =	simm.s32 $0x10;
	s15 =	simm.s32 $0x8;
	v12 =	vor.u32 s30, v3;
	v10 =	vld [tilespmem:s26+$0xFFFFFFD0];
	[tilespmem:v25+s23+$0x0] =	vst.idx.msk $0xffff, v19;
	v19 =	vadd.f32 v26, v4  }
.LBB2_11:
0x2cc: {  	p0 =	slt.u32 s6, $0x78;
	v20 =	vld [tilespmem:s26+$0xFFFFFE50];
	s17 =	sadd.s32 $0x7, s15;
	v21 =	vor.u32 s16, v3;
	[tilespmem:v17+s23+$0x0] =	vst.idx.msk $0xffff, v18;
	v16 =	vadd.f32 v16, v4;
	s16 =	smov.u32 s15  }
0x2cd: {  	s15 =	smov.u32 s6;
	s18 =	sadd.s32 $0x1, s16;
	v17 =	vld [tilespmem:s26+$0xFFFFFE90];
	v18 =	vor.u32 s17, v0;
	[tilespmem:v15+s23+$0x0] =	vst.idx.msk $0xffff, v19;
	v11 =	vadd.f32 v11, v4  }
0x2ce: {  	s1 =	sadd.s32 $0x2, s16;
	v15 =	vor.u32 s18, v0;
	v19 =	vld [tilespmem:s26+$0xFFFFFED0];
	[tilespmem:v14+s23+$0x0] =	vst.idx.msk $0xffff, v16;
	v13 =	vadd.f32 v13, v4  }
0x2cf: {  	s21 =	sadd.s32 $0x3, s16;
	v14 =	vor.u32 s1, v0;
	v16 =	vld [tilespmem:s26+$0xFFFFFF10];
	v8 =	vadd.f32 v8, v4;
	[tilespmem:v9+s23+$0x0] =	vst.idx.msk $0xffff, v11  }
0x2d0: {  	s29 =	sadd.s32 $0x4, s16;
	v9 =	vor.u32 s21, v0;
	v11 =	vld [tilespmem:s26+$0xFFFFFF50];
	v10 =	vadd.f32 v10, v7;
	[tilespmem:v12+s23+$0x0] =	vst.idx.msk $0xffff, v13  }
0x2d1: {  	s22 =	sadd.s32 $0x5, s16;
	v13 =	vor.u32 s29, v0;
	v12 =	vadd.f32 v20, v7;
	v20 =	vld [tilespmem:s26+$0xFFFFFF90];
	[tilespmem:v21+s23+$0x0] =	vst.idx.msk $0xffff, v8  }
0x2d2: {  	s24 =	sadd.s32 $0x6, s16;
	v21 =	vor.u32 s22, v0;
	v8 =	vld [tilespmem:s26+$0xFFFFFE10];
	v17 =	vadd.f32 v17, v7;
	[tilespmem:v18+s23+$0x0] =	vst.idx.msk $0xffff, v10  }
0x2d3: {  	[tilespmem:v15+s23+$0x0] =	vst.idx.msk $0xffff, v12;
	v10 =	vadd.f32 v19, v7;
	v12 =	vor.u32 s24, v0;
	v15 =	vld [tilespmem:s26+$0xFFFFFFE0]  }
0x2d4: {  	v18 =	vor.u32 s16, v0;
	v19 =	vld [tilespmem:s26+$0xFFFFFE60];
	[tilespmem:v14+s23+$0x0] =	vst.idx.msk $0xffff, v17;
	v14 =	vadd.f32 v16, v7  }
0x2d5: {  	v16 =	vld [tilespmem:s26+$0xFFFFFEA0];
	[tilespmem:v9+s23+$0x0] =	vst.idx.msk $0xffff, v10;
	v9 =	vadd.f32 v11, v7;
	v10 =	vor.u32 s17, v1  }
0x2d6: {  	v11 =	vor.u32 s18, v1;
	v17 =	vld [tilespmem:s26+$0xFFFFFEE0];
	[tilespmem:v13+s23+$0x0] =	vst.idx.msk $0xffff, v14;
	v13 =	vadd.f32 v20, v7  }
0x2d7: {  	v14 =	vor.u32 s1, v1;
	v8 =	vadd.f32 v8, v7;
	v20 =	vld [tilespmem:s26+$0xFFFFFF20];
	[tilespmem:v21+s23+$0x0] =	vst.idx.msk $0xffff, v9  }
0x2d8: {  	v9 =	vor.u32 s21, v1;
	v21 =	vld [tilespmem:s26+$0xFFFFFF60];
	[tilespmem:v12+s23+$0x0] =	vst.idx.msk $0xffff, v13;
	v12 =	vadd.f32 v15, v6  }
0x2d9: {  	v13 =	vor.u32 s29, v1;
	[tilespmem:v18+s23+$0x0] =	vst.idx.msk $0xffff, v8;
	v8 =	vadd.f32 v19, v6;
	v15 =	vld [tilespmem:s26+$0xFFFFFFA0]  }
0x2da: {  	v19 =	vor.u32 s22, v1;
	v18 =	vld [tilespmem:s26+$0xFFFFFE20];
	v16 =	vadd.f32 v16, v6;
	[tilespmem:v10+s23+$0x0] =	vst.idx.msk $0xffff, v12  }
0x2db: {  	v10 =	vor.u32 s24, v1;
	[tilespmem:v11+s23+$0x0] =	vst.idx.msk $0xffff, v8;
	v8 =	vadd.f32 v17, v6;
	v11 =	vld [tilespmem:s26+$0xFFFFFFF0]  }
0x2dc: {  	v12 =	vor.u32 s16, v1;
	v17 =	vld [tilespmem:s26+$0xFFFFFE70];
	[tilespmem:v14+s23+$0x0] =	vst.idx.msk $0xffff, v16;
	v14 =	vadd.f32 v20, v6  }
0x2dd: {  	v16 =	vld [tilespmem:s26+$0xFFFFFEB0];
	[tilespmem:v9+s23+$0x0] =	vst.idx.msk $0xffff, v8;
	v8 =	vadd.f32 v21, v6;
	v9 =	vor.u32 s17, v2  }
0x2de: {  	v20 =	vor.u32 s18, v2;
	v21 =	vld [tilespmem:s26+$0xFFFFFEF0];
	[tilespmem:v13+s23+$0x0] =	vst.idx.msk $0xffff, v14;
	v13 =	vadd.f32 v15, v6  }
0x2df: {  	v15 =	vor.u32 s1, v2;
	v14 =	vadd.f32 v18, v6;
	v18 =	vld [tilespmem:s26+$0xFFFFFF30];
	[tilespmem:v19+s23+$0x0] =	vst.idx.msk $0xffff, v8  }
0x2e0: {  	v8 =	vor.u32 s21, v2;
	v19 =	vld [tilespmem:s26+$0xFFFFFF70];
	[tilespmem:v10+s23+$0x0] =	vst.idx.msk $0xffff, v13;
	v10 =	vadd.f32 v11, v5  }
0x2e1: {  	[tilespmem:v12+s23+$0x0] =	vst.idx.msk $0xffff, v14;
	v11 =	vadd.f32 v17, v5;
	v12 =	vor.u32 s29, v2;
	v13 =	vld [tilespmem:s26+$0xFFFFFFB0]  }
0x2e2: {  	v22 =	vor.u32 s22, v2;
	v14 =	vld [tilespmem:s26+$0xFFFFFE30];
	v16 =	vadd.f32 v16, v5;
	[tilespmem:v9+s23+$0x0] =	vst.idx.msk $0xffff, v10  }
0x2e3: {  	v10 =	vor.u32 s24, v2;
	[tilespmem:v20+s23+$0x0] =	vst.idx.msk $0xffff, v11;
	v9 =	vadd.f32 v21, v5;
	v20 =	vld [tilespmem:s26+$0x0]  }
0x2e4: {  	v21 =	vor.u32 s16, v2;
	v23 =	vld [tilespmem:s26+$0xFFFFFE80];
	[tilespmem:v15+s23+$0x0] =	vst.idx.msk $0xffff, v16;
	v11 =	vadd.f32 v18, v5  }
0x2e5: {  	v18 =	vld [tilespmem:s26+$0xFFFFFEC0];
	[tilespmem:v8+s23+$0x0] =	vst.idx.msk $0xffff, v9;
	v8 =	vadd.f32 v19, v5;
	v19 =	vor.u32 s17, v3  }
0x2e6: {  	v24 =	vor.u32 s18, v3;
	v25 =	vld [tilespmem:s26+$0xFFFFFF00];
	[tilespmem:v12+s23+$0x0] =	vst.idx.msk $0xffff, v11;
	v9 =	vadd.f32 v13, v5  }
.Ltmp4:
0x2e7: {  	v17 =	vor.u32 s1, v3;
	v12 =	vadd.f32 v14, v5;
	v16 =	vld [tilespmem:s26+$0xFFFFFF40];
	[tilespmem:v22+s23+$0x0] =	vst.idx.msk $0xffff, v8;
	(pc) =	sbr.rel @p0 .LBB2_11-.Ltmp4, $4  }
0x2e8: {  	v15 =	vor.u32 s21, v3;
	v11 =	vld [tilespmem:s26+$0xFFFFFF80];
	[tilespmem:v10+s23+$0x0] =	vst.idx.msk $0xffff, v9;
	v10 =	vadd.f32 v20, v4  }
0x2e9: {  	v14 =	vor.u32 s29, v3;
	[tilespmem:v21+s23+$0x0] =	vst.idx.msk $0xffff, v12;
	v12 =	vadd.f32 v23, v4;
	v13 =	vld [tilespmem:s26+$0xFFFFFFC0]  }
0x2ea: {  	v9 =	vor.u32 s22, v3;
	v8 =	vld [tilespmem:s26+$0xFFFFFE40];
	v18 =	vadd.f32 v18, v4;
	[tilespmem:v19+s23+$0x0] =	vst.idx.msk $0xffff, v10;
	s26 =	sadd.s32 $0x200, s26  }
0x2eb: {  	s6 =	sadd.s32 $0x8, s6;
	v10 =	vld [tilespmem:s26+$0xFFFFFFD0];
	[tilespmem:v24+s23+$0x0] =	vst.idx.msk $0xffff, v12;
	v19 =	vadd.f32 v25, v4;
	v12 =	vor.u32 s24, v3  }
0x2ec: {  	_ =	sdelay $0x3  }
0x2ed: {  	v20 =	vld [tilespmem:s26+$0xFFFFFE50];
	s1 =	sadd.s32 $0x7, s15;
	v21 =	vor.u32 s16, v3;
	[tilespmem:v17+s23+$0x0] =	vst.idx.msk $0xffff, v18;
	v16 =	vadd.f32 v16, v4  }
0x2ee: {  	s6 =	sadd.s32 $0x1, s15;
	v26 =	vld [tilespmem:s26+$0xFFFFFE90];
	v27 =	vor.u32 s1, v0;
	[tilespmem:v15+s23+$0x0] =	vst.idx.msk $0xffff, v19;
	v11 =	vadd.f32 v11, v4  }
0x2ef: {  	s24 =	sadd.s32 $0x2, s15;
	v31 =	vld [tilespmem:s26+$0xFFFFFF10];
	v28 =	vor.u32 s6, v0;
	[tilespmem:v14+s23+$0x0] =	vst.idx.msk $0xffff, v16;
	v13 =	vadd.f32 v13, v4  }
0x2f0: {  	v29 =	vld [tilespmem:s26+$0xFFFFFED0];
	s18 =	sadd.s32 $0x4, s15;
	v30 =	vor.u32 s24, v0;
	v8 =	vadd.f32 v8, v4;
	[tilespmem:v9+s23+$0x0] =	vst.idx.msk $0xffff, v11  }
0x2f1: {  	s17 =	sadd.s32 $0x3, s15;
	v36 =	vld [tilespmem:s26+$0xFFFFFF90];
	v35 =	vor.u32 s18, v0;
	v10 =	vadd.f32 v10, v7;
	[tilespmem:v12+s23+$0x0] =	vst.idx.msk $0xffff, v13  }
0x2f2: {  	v33 =	vld [tilespmem:s26+$0xFFFFFF50];
	s22 =	sadd.s32 $0x6, s15;
	v32 =	vor.u32 s17, v0;
	v34 =	vadd.f32 v20, v7;
	[tilespmem:v21+s23+$0x0] =	vst.idx.msk $0xffff, v8  }
0x2f3: {  	s21 =	sadd.s32 $0x5, s15;
	v37 =	vld [tilespmem:s26+$0xFFFFFE10];
	v40 =	vor.u32 s22, v0;
	v17 =	vadd.f32 v26, v7;
	[tilespmem:v27+s23+$0x0] =	vst.idx.msk $0xffff, v10  }
0x2f4: {  	v38 =	vor.u32 s21, v0;
	v44 =	vadd.f32 v31, v7;
	[tilespmem:v28+s23+$0x0] =	vst.idx.msk $0xffff, v34;
	v41 =	vld [tilespmem:s26+$0xFFFFFFE0]  }
0x2f5: {  	v42 =	vor.u32 s15, v0;
	v39 =	vadd.f32 v29, v7;
	[tilespmem:v30+s23+$0x0] =	vst.idx.msk $0xffff, v17;
	v43 =	vld [tilespmem:s26+$0xFFFFFE60]  }
0x2f6: {  	v47 =	vor.u32 s1, v1;
	v50 =	vadd.f32 v36, v7;
	[tilespmem:v35+s23+$0x0] =	vst.idx.msk $0xffff, v44;
	v45 =	vld [tilespmem:s26+$0xFFFFFEA0]  }
0x2f7: {  	v48 =	vor.u32 s6, v1;
	v46 =	vadd.f32 v33, v7;
	[tilespmem:v32+s23+$0x0] =	vst.idx.msk $0xffff, v39;
	v14 =	vld [tilespmem:s26+$0xFFFFFF20]  }
0x2f8: {  	v52 =	vor.u32 s24, v1;
	v51 =	vadd.f32 v37, v7;
	[tilespmem:v40+s23+$0x0] =	vst.idx.msk $0xffff, v50;
	v49 =	vld [tilespmem:s26+$0xFFFFFEE0]  }
0x2f9: {  	v57 =	vor.u32 s18, v1;
	[tilespmem:v38+s23+$0x0] =	vst.idx.msk $0xffff, v46;
	v58 =	vld [tilespmem:s26+$0xFFFFFFA0];
	v55 =	vadd.f32 v41, v6  }
0x2fa: {  	v53 =	vor.u32 s17, v1;
	[tilespmem:v42+s23+$0x0] =	vst.idx.msk $0xffff, v51;
	v54 =	vld [tilespmem:s26+$0xFFFFFF60];
	v56 =	vadd.f32 v43, v6  }
0x2fb: {  	v61 =	vor.u32 s22, v1;
	v18 =	vld [tilespmem:s26+$0xFFFFFE20];
	v16 =	vadd.f32 v45, v6;
	[tilespmem:v47+s23+$0x0] =	vst.idx.msk $0xffff, v55  }
0x2fc: {  	v59 =	vor.u32 s21, v1;
	v25 =	vadd.f32 v14, v6;
	[tilespmem:v48+s23+$0x0] =	vst.idx.msk $0xffff, v56;
	v62 =	vld [tilespmem:s26+$0xFFFFFFF0]  }
0x2fd: {  	v63 =	vor.u32 s15, v1;
	v60 =	vadd.f32 v49, v6;
	[tilespmem:v52+s23+$0x0] =	vst.idx.msk $0xffff, v16;
	v24 =	vld [tilespmem:s26+$0xFFFFFE70]  }
0x2fe: {  	v28 =	vor.u32 s1, v2;
	v31 =	vadd.f32 v58, v6;
	[tilespmem:v57+s23+$0x0] =	vst.idx.msk $0xffff, v25;
	v26 =	vld [tilespmem:s26+$0xFFFFFEB0]  }
0x2ff: {  	v29 =	vor.u32 s6, v2;
	v27 =	vadd.f32 v54, v6;
	[tilespmem:v53+s23+$0x0] =	vst.idx.msk $0xffff, v60;
	v34 =	vld [tilespmem:s26+$0xFFFFFF30]  }
0x300: {  	v33 =	vor.u32 s24, v2;
	v32 =	vadd.f32 v18, v6;
	[tilespmem:v61+s23+$0x0] =	vst.idx.msk $0xffff, v31;
	v30 =	vld [tilespmem:s26+$0xFFFFFEF0]  }
0x301: {  	v39 =	vor.u32 s18, v2;
	[tilespmem:v59+s23+$0x0] =	vst.idx.msk $0xffff, v27;
	v40 =	vld [tilespmem:s26+$0xFFFFFFB0];
	v37 =	vadd.f32 v62, v5  }
0x302: {  	v35 =	vor.u32 s17, v2;
	[tilespmem:v63+s23+$0x0] =	vst.idx.msk $0xffff, v32;
	v36 =	vld [tilespmem:s26+$0xFFFFFF70];
	v38 =	vadd.f32 v24, v5  }
0x303: {  	v43 =	vor.u32 s22, v2;
	v12 =	vld [tilespmem:s26+$0xFFFFFE30];
	v14 =	vadd.f32 v26, v5;
	[tilespmem:v28+s23+$0x0] =	vst.idx.msk $0xffff, v37  }
0x304: {  	v41 =	vor.u32 s21, v2;
	v46 =	vadd.f32 v34, v5;
	[tilespmem:v29+s23+$0x0] =	vst.idx.msk $0xffff, v38;
	v9 =	vld [tilespmem:s26+$0x0]  }
0x305: {  	v44 =	vor.u32 s15, v2;
	v42 =	vadd.f32 v30, v5;
	[tilespmem:v33+s23+$0x0] =	vst.idx.msk $0xffff, v14;
	v45 =	vld [tilespmem:s26+$0xFFFFFE80]  }
0x306: {  	v47 =	vor.u32 s1, v3;
	v52 =	vadd.f32 v40, v5;
	[tilespmem:v39+s23+$0x0] =	vst.idx.msk $0xffff, v46;
	v48 =	vld [tilespmem:s26+$0xFFFFFEC0]  }
0x307: {  	v50 =	vor.u32 s6, v3;
	v49 =	vadd.f32 v36, v5;
	[tilespmem:v35+s23+$0x0] =	vst.idx.msk $0xffff, v42;
	v54 =	vld [tilespmem:s26+$0xFFFFFF40]  }
0x308: {  	v53 =	vor.u32 s24, v3;
	v5 =	vadd.f32 v12, v5;
	[tilespmem:v43+s23+$0x0] =	vst.idx.msk $0xffff, v52;
	v51 =	vld [tilespmem:s26+$0xFFFFFF00]  }
0x309: {  	v58 =	vor.u32 s18, v3;
	[tilespmem:v41+s23+$0x0] =	vst.idx.msk $0xffff, v49;
	v10 =	vld [tilespmem:s26+$0xFFFFFFC0];
	v57 =	vadd.f32 v9, v4  }
0x30a: {  	v55 =	vor.u32 s17, v3;
	[tilespmem:v44+s23+$0x0] =	vst.idx.msk $0xffff, v5;
	v56 =	vld [tilespmem:s26+$0xFFFFFF80];
	v5 =	vadd.f32 v45, v4  }
0x30b: {  	v60 =	vor.u32 s22, v3;
	v16 =	vld [tilespmem:s26+$0xFFFFFE40];
	v15 =	vadd.f32 v48, v4;
	[tilespmem:v47+s23+$0x0] =	vst.idx.msk $0xffff, v57  }
0x30c: {  	v59 =	vor.u32 s21, v3;
	v62 =	vadd.f32 v54, v4;
	[tilespmem:v50+s23+$0x0] =	vst.idx.msk $0xffff, v5  }
0x30d: {  	v61 =	vor.u32 s15, v3;
	v5 =	vadd.f32 v51, v4;
	[tilespmem:v53+s23+$0x0] =	vst.idx.msk $0xffff, v15  }
0x30e: {  	v63 =	vadd.f32 v10, v4;
	[tilespmem:v58+s23+$0x0] =	vst.idx.msk $0xffff, v62  }
0x30f: {  	[tilespmem:v55+s23+$0x0] =	vst.idx.msk $0xffff, v5;
	v5 =	vadd.f32 v56, v4  }
0x310: {  	[tilespmem:v60+s23+$0x0] =	vst.idx.msk $0xffff, v63;
	v4 =	vadd.f32 v16, v4  }
0x311: {  	s29 =	sshll.u32 s7, $0x7;
	[tilespmem:v59+s23+$0x0] =	vst.idx.msk $0xffff, v5  }
0x312: {  	s6 =	simm.s32 @!p1 $0x11600;
	s1 =	sadd.s32 @!p1 $0x480, s2;
	s2 =	simm.s32 @!p1 $0x80;
	[tilespmem:v61+s23+$0x0] =	vst.idx.msk $0xffff, v4  }
0x313: {  	[tilespmem:s6], [sflag:$0x5] =	stream.indirect.gather @!p1 [hbm4b:s5+s2], $0x40, s1, s2, $0xb8;
	[tilespmem:$0x1D600] =	vst v63  }
0x314: {  	s30 =	sshll.u32 s19, $0xF;
	s1 =	sand.u32 $0xF80, s29  }
0x315: {  	s1 =	sor.u32 s1, s30  }
0x316: {  	s2 =	sadd.s32 s3, s1  }
0x317: {  	[hbm4b:s2+s4] =	stream.linear.scatter [tilespmem:s23], [sflag:$0xA], $0x400, $0x38;
	[tilespmem:$0x1D600] =	vst v63  }
0x318: {  	s7 =	simm.s32 $0x1BA00;
	s6 =	sadd.s32 s1, s8  }
0x319: {  	[hbm4b:s6+s4] =	stream.linear.scatter [tilespmem:s7], [sflag:$0xA], $0x400, $0x38;
	[tilespmem:$0x1D600] =	vst v63  }
0x31a: {  	s16 =	simm.s32 $0x1BE00;
	s15 =	sadd.s32 s1, s9  }
0x31b: {  	[hbm4b:s15+s4] =	stream.linear.scatter [tilespmem:s16], [sflag:$0xA], $0x400, $0x38;
	[tilespmem:$0x1D600] =	vst v63  }
0x31c: {  	s18 =	simm.s32 $0x1C200;
	s17 =	sadd.s32 s1, s10  }
0x31d: {  	[hbm4b:s17+s4] =	stream.linear.scatter [tilespmem:s18], [sflag:$0xA], $0x400, $0x38;
	[tilespmem:$0x1D600] =	vst v63  }
0x31e: {  	s28 =	sadd.s32 $0x1, s28;
	s21 =	simm.s32 $0x1C600;
	s19 =	sadd.s32 s1, s11  }
0x31f: {  	[hbm4b:s19+s4] =	stream.linear.scatter [tilespmem:s21], [sflag:$0xA], $0x400, $0x38;
	[tilespmem:$0x1D600] =	vst v63  }
0x320: {  	p0 =	sne.s32 s28, $0x28;
	s24 =	simm.s32 $0x1CA00;
	s22 =	sadd.s32 s1, s12  }
0x321: {  	[hbm4b:s22+s4] =	stream.linear.scatter [tilespmem:s24], [sflag:$0xA], $0x400, $0x38;
	[tilespmem:$0x1D600] =	vst v63  }
.Ltmp5:
0x322: {  	_ = 	snop;
	(pc) =	sbr.rel @p0 .LBB2_2-.Ltmp5, $4  }
0x323: {  	s29 =	simm.s32 $0x1CE00;
	s26 =	sadd.s32 s1, s13  }
0x324: {  	[hbm4b:s26+s4] =	stream.linear.scatter [tilespmem:s29], [sflag:$0xA], $0x400, $0x38;
	[tilespmem:$0x1D600] =	vst v63  }
0x325: {  	s30 =	simm.s32 $0x1D200;
	s1 =	sadd.s32 s1, s14  }
0x326: {  	[hbm4b:s1+s4] =	stream.linear.scatter [tilespmem:s30], [sflag:$0xA], $0x400, $0x38;
	[tilespmem:$0x1D600] =	vst v63  }
0x327: {  	s1 =	simm.s32 $0x6  }
0x328: {  	_ =	swait.ge [sflag:s1], $0x400  }
0x329: {  	[sflag:s1] =	ssyncset.done $0x0  }
0x32a: {  	[sflag:s1] =	ssyncadd.s32 $0xFFFFFC00  }
0x32b: {  	_ =	swait.ge [sflag:s1], $0x400  }
0x32c: {  	[sflag:s1] =	ssyncset.done $0x0  }
0x32d: {  	[sflag:s1] =	ssyncadd.s32 $0xFFFFFC00  }
0x32e: {  	_ =	swait.ge [sflag:s1], $0x400  }
0x32f: {  	[sflag:s1] =	ssyncset.done $0x0  }
0x330: {  	[sflag:s1] =	ssyncadd.s32 $0xFFFFFC00  }
0x331: {  	_ =	swait.ge [sflag:s1], $0x400  }
0x332: {  	[sflag:s1] =	ssyncset.done $0x0  }
0x333: {  	[sflag:s1] =	ssyncadd.s32 $0xFFFFFC00  }
0x334: {  	_ =	swait.ge [sflag:s1], $0x400  }
0x335: {  	[sflag:s1] =	ssyncset.done $0x0  }
0x336: {  	[sflag:s1] =	ssyncadd.s32 $0xFFFFFC00  }
0x337: {  	_ =	swait.ge [sflag:s1], $0x400  }
0x338: {  	[sflag:s1] =	ssyncset.done $0x0  }
0x339: {  	[sflag:s1] =	ssyncadd.s32 $0xFFFFFC00  }
0x33a: {  	_ =	swait.ge [sflag:s1], $0x400  }
0x33b: {  	[sflag:s1] =	ssyncset.done $0x0  }
0x33c: {  	[sflag:s1] =	ssyncadd.s32 $0xFFFFFC00  }
0x33d: {  	_ =	swait.ge [sflag:s1], $0x400  }
0x33e: {  	[sflag:s1] =	ssyncset.done $0x0  }
0x33f: {  	s26 =	simm.s32 $0x7;
	[sflag:s1] =	ssyncadd.s32 $0xFFFFFC00  }
0x340: {  	_ =	swait.ge [sflag:s26], $0x400  }
0x341: {  	[sflag:s26] =	ssyncset.done $0x0  }
0x342: {  	[sflag:s26] =	ssyncadd.s32 $0xFFFFFC00  }
0x343: {  	_ =	swait.ge [sflag:s26], $0x400  }
0x344: {  	[sflag:s26] =	ssyncset.done $0x0  }
0x345: {  	[sflag:s26] =	ssyncadd.s32 $0xFFFFFC00  }
0x346: {  	_ =	swait.ge [sflag:s26], $0x400  }
0x347: {  	[sflag:s26] =	ssyncset.done $0x0  }
0x348: {  	[sflag:s26] =	ssyncadd.s32 $0xFFFFFC00  }
0x349: {  	_ =	swait.ge [sflag:s26], $0x400  }
0x34a: {  	[sflag:s26] =	ssyncset.done $0x0  }
0x34b: {  	[sflag:s26] =	ssyncadd.s32 $0xFFFFFC00  }
0x34c: {  	_ =	swait.ge [sflag:s26], $0x400  }
0x34d: {  	[sflag:s26] =	ssyncset.done $0x0  }
0x34e: {  	[sflag:s26] =	ssyncadd.s32 $0xFFFFFC00  }
0x34f: {  	_ =	swait.ge [sflag:s26], $0x400  }
0x350: {  	[sflag:s26] =	ssyncset.done $0x0  }
0x351: {  	[sflag:s26] =	ssyncadd.s32 $0xFFFFFC00  }
0x352: {  	_ =	swait.ge [sflag:s26], $0x400  }
0x353: {  	[sflag:s26] =	ssyncset.done $0x0  }
0x354: {  	[sflag:s26] =	ssyncadd.s32 $0xFFFFFC00  }
0x355: {  	_ =	swait.ge [sflag:s26], $0x400  }
0x356: {  	[sflag:s26] =	ssyncset.done $0x0  }
0x357: {  	s28 =	simm.s32 $0x8;
	[sflag:s26] =	ssyncadd.s32 $0xFFFFFC00  }
0x358: {  	_ =	swait.ge [sflag:s28], $0x400  }
0x359: {  	[sflag:s28] =	ssyncset.done $0x0  }
0x35a: {  	[sflag:s28] =	ssyncadd.s32 $0xFFFFFC00  }
0x35b: {  	_ =	swait.ge [sflag:s28], $0x400  }
0x35c: {  	[sflag:s28] =	ssyncset.done $0x0  }
0x35d: {  	[sflag:s28] =	ssyncadd.s32 $0xFFFFFC00  }
0x35e: {  	_ =	swait.ge [sflag:s28], $0x400  }
0x35f: {  	[sflag:s28] =	ssyncset.done $0x0  }
0x360: {  	[sflag:s28] =	ssyncadd.s32 $0xFFFFFC00  }
0x361: {  	_ =	swait.ge [sflag:s28], $0x400  }
0x362: {  	[sflag:s28] =	ssyncset.done $0x0  }
0x363: {  	[sflag:s28] =	ssyncadd.s32 $0xFFFFFC00  }
0x364: {  	_ =	swait.ge [sflag:s28], $0x400  }
0x365: {  	[sflag:s28] =	ssyncset.done $0x0  }
0x366: {  	[sflag:s28] =	ssyncadd.s32 $0xFFFFFC00  }
0x367: {  	_ =	swait.ge [sflag:s28], $0x400  }
0x368: {  	[sflag:s28] =	ssyncset.done $0x0  }
0x369: {  	[sflag:s28] =	ssyncadd.s32 $0xFFFFFC00  }
0x36a: {  	_ =	swait.ge [sflag:s28], $0x400  }
0x36b: {  	[sflag:s28] =	ssyncset.done $0x0  }
0x36c: {  	[sflag:s28] =	ssyncadd.s32 $0xFFFFFC00  }
0x36d: {  	_ =	swait.ge [sflag:s28], $0x400  }
0x36e: {  	[sflag:s28] =	ssyncset.done $0x0  }
0x36f: {  	s29 =	simm.s32 $0x9;
	[sflag:s28] =	ssyncadd.s32 $0xFFFFFC00  }
0x370: {  	_ =	swait.ge [sflag:s29], $0x400  }
0x371: {  	[sflag:s29] =	ssyncset.done $0x0  }
0x372: {  	[sflag:s29] =	ssyncadd.s32 $0xFFFFFC00  }
0x373: {  	_ =	swait.ge [sflag:s29], $0x400  }
0x374: {  	[sflag:s29] =	ssyncset.done $0x0  }
0x375: {  	[sflag:s29] =	ssyncadd.s32 $0xFFFFFC00  }
0x376: {  	_ =	swait.ge [sflag:s29], $0x400  }
0x377: {  	[sflag:s29] =	ssyncset.done $0x0  }
0x378: {  	[sflag:s29] =	ssyncadd.s32 $0xFFFFFC00  }
0x379: {  	_ =	swait.ge [sflag:s29], $0x400  }
0x37a: {  	[sflag:s29] =	ssyncset.done $0x0  }
0x37b: {  	[sflag:s29] =	ssyncadd.s32 $0xFFFFFC00  }
0x37c: {  	_ =	swait.ge [sflag:s29], $0x400  }
0x37d: {  	[sflag:s29] =	ssyncset.done $0x0  }
0x37e: {  	[sflag:s29] =	ssyncadd.s32 $0xFFFFFC00  }
0x37f: {  	_ =	swait.ge [sflag:s29], $0x400  }
0x380: {  	[sflag:s29] =	ssyncset.done $0x0  }
0x381: {  	[sflag:s29] =	ssyncadd.s32 $0xFFFFFC00  }
0x382: {  	_ =	swait.ge [sflag:s29], $0x400  }
0x383: {  	[sflag:s29] =	ssyncset.done $0x0  }
0x384: {  	[sflag:s29] =	ssyncadd.s32 $0xFFFFFC00  }
0x385: {  	_ =	swait.ge [sflag:s29], $0x400  }
0x386: {  	[sflag:s29] =	ssyncset.done $0x0  }
0x387: {  	s2 =	simm.s32 $0xA;
	[sflag:s29] =	ssyncadd.s32 $0xFFFFFC00  }
0x388: {  	_ =	swait.ge [sflag:s2], $0x400  }
0x389: {  	[sflag:s2] =	ssyncset.done $0x0  }
0x38a: {  	[sflag:s2] =	ssyncadd.s32 $0xFFFFFC00  }
0x38b: {  	_ =	swait.ge [sflag:s2], $0x400  }
0x38c: {  	[sflag:s2] =	ssyncset.done $0x0  }
0x38d: {  	[sflag:s2] =	ssyncadd.s32 $0xFFFFFC00  }
0x38e: {  	_ =	swait.ge [sflag:s2], $0x400  }
0x38f: {  	[sflag:s2] =	ssyncset.done $0x0  }
0x390: {  	[sflag:s2] =	ssyncadd.s32 $0xFFFFFC00  }
0x391: {  	_ =	swait.ge [sflag:s2], $0x400  }
0x392: {  	[sflag:s2] =	ssyncset.done $0x0  }
0x393: {  	[sflag:s2] =	ssyncadd.s32 $0xFFFFFC00  }
0x394: {  	_ =	swait.ge [sflag:s2], $0x400  }
0x395: {  	[sflag:s2] =	ssyncset.done $0x0  }
0x396: {  	[sflag:s2] =	ssyncadd.s32 $0xFFFFFC00  }
0x397: {  	_ =	swait.ge [sflag:s2], $0x400  }
0x398: {  	[sflag:s2] =	ssyncset.done $0x0  }
0x399: {  	[sflag:s2] =	ssyncadd.s32 $0xFFFFFC00  }
0x39a: {  	_ =	swait.ge [sflag:s2], $0x400  }
0x39b: {  	[sflag:s2] =	ssyncset.done $0x0  }
0x39c: {  	[sflag:s2] =	ssyncadd.s32 $0xFFFFFC00  }
0x39d: {  	_ =	swait.ge [sflag:s2], $0x400  }
0x39e: {  	s6 =	rddreg [dreg:$0xa]  }
0x39f: {  	s30 =	rddreg [dreg:$0x9];
	s6 =	sadd.s32 $0x1, s6  }
0x3a0: {  	p0 =	sne.s32 s6, s30  }
.Ltmp6:
0x3a1: {  	_ = 	snop;
	(pc) =	sbr.rel @p0 .LBB2_1-.Ltmp6, $3  }
0x3a2: {  	_ =	sdelay $0x1  }
0x3a3: {  	[sflag:s2] =	ssyncset.done $0x0  }
0x3a4: {  	[sflag:s2] =	ssyncadd.s32 $0xFFFFFC00  }
0x3a5: {  	_ =	sfence.sel $0x180000  }
0x3a6: {  	[bflag:$0x0] =	sbarrier.arrive $0xFFFF  }
0x3a7: {  	_ =	strace $0x90000047  }
0x3a8: {  	s0 =	stileid.u32;
	[bflag:$0x2] =	sbarrier.arrive $0xFFFF  }
0x3a9: {  	p0 =	sne.s32 s0, $0x0;
	s0 =	rddreg [dreg:$0x2]  }
0x3aa: {  	s0 =	sadd.s32 @!p0 $0x100000, s0  }
0x3ab: {  	[sflag:s0] =	ssyncadd.tile.s32 @!p0 $0x1;
	_ =	shalt  }
.Lfunc_end2:
_tile_overlayer_lowered:
.L_overlay_start_2:
0x3ac: {  	(tag) =	ssettag $0x2  }
0x3ad: {  	s0 =	rddreg [dreg:$0x0];
	s2 =	stileid.u32  }
0x3ae: {  	s1 =	rddreg [dreg:$0x1];
	p0 =	sne.s32 s2, $0x0  }
0x3af: {  	s3 =	rddreg [dreg:$0x2];
	[bflag:$0x3] =	sbarrier.arrive $0xFFFF;
	s2 =	simm.s32 @!p0 $0x1C0B  }
0x3b0: {  	[timem:s3], [sflag:s2] =	dma.local @!p0 [hbm:s0], s1  }
0x3b1: {  	s0 =	simm.s32 @!p0 $0xB  }
0x3b2: {  	_ =	swait.ge @!p0 [sflag:s0], s1  }
0x3b3: {  	s1 =	ssub.s32 @!p0 $0x0, s1;
	[sflag:s0] =	ssyncset.done @!p0 $0x0  }
0x3b4: {  	[sflag:s0] =	ssyncadd.s32 @!p0 s1  }
0x3b5: {  	[bflag:$0x3] =	sbarrier.arrive $0xFFFF  }
0x3b6: {  	_ =	shalt  }

</sc_bundles>
